<compile_context>
chip_gen: v7x
topology: tpu7x:2x2x1
jax: 0.10.2.dev20260603
libtpu: 0.0.44.dev20260713+nightly
codegen_flags: <defaults>
</compile_context>

<pallas_src>
import functools

import jax
import jax.numpy as jnp
from jax import lax
from jax.experimental import pallas as pl
from jax.experimental.pallas import tpu as pltpu
from jax.experimental.pallas import tpu_sc as plsc

_N = 10000
_E = 320000
_D = 128
_C = 64
_NC, _NS = 2, 16
_NW = _NC * _NS
_EPW = _E // _NW
_CHUNK = 64
_NBUF = 4
_NCHUNK = _EPW // _CHUNK
_TAIL = _EPW - _NCHUNK * _CHUNK
_NA = 10112
_RCHUNK = 40
_NRCHUNK = _N // _RCHUNK
_ZCH = _NA // _CHUNK
_LANES = 16


def _agg_body(with_deg, x_hbm, edge_hbm, *refs):
    if with_deg:
        out_hbm, deg_hbm, acc_sh, deg_sh, ones_v, src_all = refs[:6]
        rest = refs[6:]
    else:
        out_hbm, acc_sh, src_all = refs[:3]
        rest = refs[3:]
    dbufs = rest[:_NBUF]
    rowbufs = rest[_NBUF:2 * _NBUF]
    dtail = rest[2 * _NBUF]
    rows_tail = rest[2 * _NBUF + 1]
    gsems = rest[2 * _NBUF + 2:3 * _NBUF + 2]
    dsems = rest[3 * _NBUF + 2:4 * _NBUF + 2]
    zbuf = rowbufs[0]
    cid = lax.axis_index("c")
    sid = lax.axis_index("s")
    wid = cid * _NS + sid

    zeros16 = jnp.zeros((_LANES,), jnp.float32)
    ones16 = jnp.ones((_LANES,), jnp.float32)

    ebase = wid * _EPW
    pltpu.sync_copy(edge_hbm.at[pl.ds(ebase, _EPW)], src_all)

    def _zrow(r, c):
        for k in range(_D // _LANES):
            zbuf[r, pl.ds(k * _LANES, _LANES)] = zeros16
        return c
    lax.fori_loop(0, _CHUNK, _zrow, 0)
    if with_deg:
        for k in range(_CHUNK // _LANES):
            ones_v[pl.ds(k * _LANES, _LANES)] = ones16
    for j in range((_ZCH + _NS - 1) // _NS):
        rc = sid + _NS * j
        @pl.when(rc < _ZCH)
        def _():
            pltpu.sync_copy(zbuf, acc_sh.at[pl.ds(rc * _CHUNK, _CHUNK), :])
    if with_deg:
        for j in range((_NA // _D + _NS - 1) // _NS):
            rc = sid + _NS * j
            @pl.when(rc < _NA // _D)
            def _():
                pltpu.sync_copy(zbuf.at[0], deg_sh.at[pl.ds(rc * _D, _D)])
    plsc.subcore_barrier()

    def _gather(i, buf, sem):
        pltpu.async_copy(x_hbm.at[src_all.at[pl.ds(i * _CHUNK, _CHUNK)]],
                         buf, sem)

    def _gather_wait(i, buf, sem):
        pltpu.make_async_copy(
            x_hbm.at[src_all.at[pl.ds(i * _CHUNK, _CHUNK)]], buf, sem).wait()

    def _dload(i, buf, sem):
        pltpu.async_copy(
            edge_hbm.at[pl.ds(_E + ebase + i * _CHUNK, _CHUNK)], buf, sem)

    def _dload_wait(i, buf, sem):
        pltpu.make_async_copy(
            edge_hbm.at[pl.ds(_E + ebase + i * _CHUNK, _CHUNK)],
            buf, sem).wait()

    def _consume(i, buf, dbuf):
        pltpu.sync_copy(buf, acc_sh.at[dbuf], add=True)
        if with_deg:
            pltpu.sync_copy(ones_v, deg_sh.at[dbuf], add=True)

    ngrp = _NCHUNK // _NBUF
    for b in range(_NBUF):
        _dload(b, dbufs[b], dsems[b])
        _gather(b, rowbufs[b], gsems[b])

    def _grp(j, c):
        i0 = _NBUF * j
        for b in range(_NBUF):
            _gather_wait(i0 + b, rowbufs[b], gsems[b])
            _dload_wait(i0 + b, dbufs[b], dsems[b])
            _consume(i0 + b, rowbufs[b], dbufs[b])

            @pl.when(j < ngrp - 1)
            def _():
                _dload(i0 + b + _NBUF, dbufs[b], dsems[b])
                _gather(i0 + b + _NBUF, rowbufs[b], gsems[b])
        return c
    lax.fori_loop(0, ngrp, _grp, 0)

    tbase = ebase + _NCHUNK * _CHUNK
    pltpu.sync_copy(edge_hbm.at[pl.ds(_E + tbase, _TAIL)], dtail)
    pltpu.sync_copy(
        x_hbm.at[src_all.at[pl.ds(_NCHUNK * _CHUNK, _TAIL)]], rows_tail)
    pltpu.sync_copy(rows_tail, acc_sh.at[dtail], add=True)
    if with_deg:
        pltpu.sync_copy(ones_v.at[pl.ds(0, _TAIL)], deg_sh.at[dtail],
                        add=True)
    plsc.subcore_barrier()

    for j in range((_NRCHUNK + _NS - 1) // _NS):
        rc = sid + _NS * j
        @pl.when(rc < _NRCHUNK)
        def _():
            pltpu.sync_copy(
                acc_sh.at[pl.ds(rc * _RCHUNK, _RCHUNK), :],
                out_hbm.at[cid, pl.ds(rc * _RCHUNK, _RCHUNK), :])
    if with_deg:
        @pl.when(sid == 0)
        def _():
            pltpu.sync_copy(deg_sh, deg_hbm.at[cid])


def _make_agg(with_deg):
    mesh = plsc.VectorSubcoreMesh(core_axis_name="c", subcore_axis_name="s")
    out_type = [jax.ShapeDtypeStruct((_NC, _N, _D), jnp.float32)]
    if with_deg:
        out_type.append(jax.ShapeDtypeStruct((_NC, _NA), jnp.float32))
    scratch = [pltpu.VMEM_SHARED((_NA, _D), jnp.float32)]
    if with_deg:
        scratch.append(pltpu.VMEM_SHARED((_NA,), jnp.float32))
        scratch.append(pltpu.VMEM((_CHUNK,), jnp.float32))
    scratch.append(pltpu.VMEM((_EPW,), jnp.int32))
    scratch += [pltpu.VMEM((_CHUNK,), jnp.int32) for _ in range(_NBUF)]
    scratch += [pltpu.VMEM((_CHUNK, _D), jnp.float32) for _ in range(_NBUF)]
    scratch.append(pltpu.VMEM((_TAIL,), jnp.int32))
    scratch.append(pltpu.VMEM((_TAIL, _D), jnp.float32))
    scratch += [pltpu.SemaphoreType.DMA for _ in range(2 * _NBUF)]
    return pl.kernel(
        functools.partial(_agg_body, with_deg),
        out_type=out_type, mesh=mesh, scratch_types=scratch,
        compiler_params=pltpu.CompilerParams(needs_layout_passes=False),
        name="sage_agg_deg" if with_deg else "sage_agg")


_agg_deg = _make_agg(True)
_agg = _make_agg(False)


def _root1_body(x_ref, wr_ref, b_ref, r_ref):
    r_ref[...] = (
        jnp.dot(x_ref[...], wr_ref[...], preferred_element_type=jnp.float32)
        + b_ref[...])


def _layer1_body(r_ref, p_ref, degp_ref, wn_ref, h1_ref):
    deg = jnp.sum(degp_ref[...], axis=1, keepdims=True)
    rdeg = 1.0 / jnp.maximum(deg, 1.0)
    mean = (p_ref[0] + p_ref[1]) * rdeg
    h = r_ref[...] + jnp.dot(mean, wn_ref[...],
                             preferred_element_type=jnp.float32)
    h1_ref[...] = jnp.maximum(h, 0.0)


def _root2_body(h1_ref, wr_ref, b_ref, wo_ref, bo_ref, r_ref, o_ref):
    h1 = h1_ref[...]
    r_ref[...] = (
        jnp.dot(h1, wr_ref[...], preferred_element_type=jnp.float32)
        + b_ref[...])
    o_ref[...] = (
        jnp.dot(h1, wo_ref[...][:_D], preferred_element_type=jnp.float32)
        + bo_ref[...])


def _layer2_body(r_ref, o_ref, p_ref, degp_ref, wn_ref, wo_ref, out_ref):
    deg = jnp.sum(degp_ref[...], axis=1, keepdims=True)
    rdeg = 1.0 / jnp.maximum(deg, 1.0)
    mean = (p_ref[0] + p_ref[1]) * rdeg
    h2 = r_ref[...] + jnp.dot(mean, wn_ref[...],
                              preferred_element_type=jnp.float32)
    h2 = jnp.maximum(h2, 0.0)
    out_ref[...] = o_ref[...] + jnp.dot(
        h2, wo_ref[...][_D:], preferred_element_type=jnp.float32)


_R = 2000

_row_spec = pl.BlockSpec((_R, _D), lambda i: (i, 0))
_p_spec = pl.BlockSpec((_NC, _R, _D), lambda i: (0, i, 0))
_degp_spec = pl.BlockSpec((_R, _NC), lambda i: (i, 0))
_w_spec = pl.BlockSpec((_D, _D), lambda i: (0, 0))
_b_spec = pl.BlockSpec((1, _D), lambda i: (0, 0))
_wo_spec = pl.BlockSpec((2 * _D, _C), lambda i: (0, 0))
_bo_spec = pl.BlockSpec((1, _C), lambda i: (0, 0))
_out_spec = pl.BlockSpec((_R, _C), lambda i: (i, 0))


def _tc_root1(x, W_root1, b1):
    return pl.pallas_call(
        _root1_body, grid=(_N // _R,),
        in_specs=[_row_spec, _w_spec, _b_spec],
        out_specs=_row_spec,
        out_shape=jax.ShapeDtypeStruct((_N, _D), jnp.float32),
        name="sage_tc_root1",
    )(x, W_root1, b1.reshape(1, _D))


def _tc_layer1(r1, p, degp_t, W_neigh1):
    return pl.pallas_call(
        _layer1_body, grid=(_N // _R,),
        in_specs=[_row_spec, _p_spec, _degp_spec, _w_spec],
        out_specs=_row_spec,
        out_shape=jax.ShapeDtypeStruct((_N, _D), jnp.float32),
        name="sage_tc1",
    )(r1, p, degp_t, W_neigh1)


def _tc_root2(h1, W_root2, b2, W_out, b_out):
    return pl.pallas_call(
        _root2_body, grid=(_N // _R,),
        in_specs=[_row_spec, _w_spec, _b_spec, _wo_spec, _bo_spec],
        out_specs=[_row_spec, _out_spec],
        out_shape=[jax.ShapeDtypeStruct((_N, _D), jnp.float32),
                   jax.ShapeDtypeStruct((_N, _C), jnp.float32)],
        name="sage_tc_root2",
    )(h1, W_root2, b2.reshape(1, _D), W_out, b_out.reshape(1, _C))


def _tc_layer2(r2, o1, p, degp_t, W_neigh2, W_out):
    return pl.pallas_call(
        _layer2_body, grid=(_N // _R,),
        in_specs=[_row_spec, _out_spec, _p_spec, _degp_spec, _w_spec,
                  _wo_spec],
        out_specs=_out_spec,
        out_shape=jax.ShapeDtypeStruct((_N, _C), jnp.float32),
        name="sage_tc2",
    )(r2, o1, p, degp_t, W_neigh2, W_out)


@jax.jit
def kernel(x, edge_index, W_root1, W_neigh1, b1, W_root2, W_neigh2, b2,
           W_out, b_out):
    edge_flat = edge_index.reshape(2 * _E)
    p1, degp = _agg_deg(x, edge_flat)
    r1 = _tc_root1(x, W_root1, b1)
    degp_t = degp[:, :_N].T
    h1 = _tc_layer1(r1, p1, degp_t, W_neigh1)
    (p2,) = _agg(h1, edge_flat)
    r2, o1 = _tc_root2(h1, W_root2, b2, W_out, b_out)
    return _tc_layer2(r2, o1, p2, degp_t, W_neigh2, W_out)

# --- scband reference (transcript-rebuilt; emitter-appended) ---
"""Pipeline reference for scband-jksage-90366111908397 (READ-ONLY COPY).

The authoritative reference and input builder live on the scoring server;
editing this copy changes nothing except your own understanding.
"""

import jax, jax.numpy as jnp
import numpy as np

N = 10000
E = 320000
D = 128
H = 128
C = 64


def setup_inputs(seed: int = 0) -> dict:
    key = jax.random.key(seed)
    ks = jax.random.split(key, 12)
    x = jax.random.normal(ks[0], (N, D), dtype=jnp.float32)
    edge_index = jax.random.randint(ks[1], (2, E), 0, N, dtype=jnp.int32)
    # SAGEConv layer 1: in=D, out=H
    s1 = 1.0 / np.sqrt(D)
    W_root1 = jax.random.uniform(ks[2], (D, H), jnp.float32, -s1, s1)
    W_neigh1 = jax.random.uniform(ks[3], (D, H), jnp.float32, -s1, s1)
    b1 = jax.random.uniform(ks[4], (H,), jnp.float32, -s1, s1)
    # SAGEConv layer 2: in=H, out=H
    s2 = 1.0 / np.sqrt(H)
    W_root2 = jax.random.uniform(ks[5], (H, H), jnp.float32, -s2, s2)
    W_neigh2 = jax.random.uniform(ks[6], (H, H), jnp.float32, -s2, s2)
    b2 = jax.random.uniform(ks[7], (H,), jnp.float32, -s2, s2)
    # JK 'cat' -> out_lin: in=H*2, out=C
    s3 = 1.0 / np.sqrt(H * 2)
    W_out = jax.random.uniform(ks[8], (H * 2, C), jnp.float32, -s3, s3)
    b_out = jax.random.uniform(ks[9], (C,), jnp.float32, -s3, s3)
    return {
        "x": x,
        "edge_index": edge_index,
        "W_root1": W_root1,
        "W_neigh1": W_neigh1,
        "b1": b1,
        "W_root2": W_root2,
        "W_neigh2": W_neigh2,
        "b2": b2,
        "W_out": W_out,
        "b_out": b_out,
    }


def _sage_conv(x, edge_index, W_root, W_neigh, b):
    # mean-aggregation SAGEConv: out = x @ W_root + mean_neigh(x) @ W_neigh + b
    src = edge_index[0]
    dst = edge_index[1]
    msgs = jnp.take(x, src, axis=0)
    agg = jax.ops.segment_sum(msgs, dst, num_segments=N)
    deg = jax.ops.segment_sum(jnp.ones((E,), x.dtype), dst, num_segments=N)
    mean = agg / jnp.maximum(deg, 1.0)[:, None]
    return x @ W_root + mean @ W_neigh + b


def reference(x, edge_index, W_root1, W_neigh1, b1, W_root2, W_neigh2, b2, W_out, b_out):
    # layer 1 + relu (dropout p=0.0 / eval mode -> identity)
    h1 = jax.nn.relu(_sage_conv(x, edge_index, W_root1, W_neigh1, b1))
    # layer 2 + relu
    h2 = jax.nn.relu(_sage_conv(h1, edge_index, W_root2, W_neigh2, b2))
    # JumpingKnowledge mode='cat'
    h = jnp.concatenate([h1, h2], axis=-1)
    # output linear
    return h @ W_out + b_out

if __name__ == "__main__":
    import jax
    _d = setup_inputs()
    print(jax.jit(kernel)(*tuple(_d.values())))

</pallas_src>

<mosaic_0001>
#map = affine_map<(d0, d1) -> (0, 0)>
#map1 = affine_map<(d0, d1) -> (0)>
#map2 = affine_map<(d0, d1) -> (0, 0, 0)>
module attributes {stable_mosaic.version = 14 : i64} {
  func.func @sage_agg(%arg0: i32, %arg1: i32, %arg2: memref<10000x128xf32, #tpu.memory_space<hbm>>, %arg3: memref<640000xi32, #tpu.memory_space<hbm>>, %arg4: memref<2x10000x128xf32, #tpu.memory_space<hbm>>, %arg5: memref<10112x128xf32, #tpu.memory_space<vmem_shared>>, %arg6: memref<10000xi32, #tpu.memory_space<vmem>>, %arg7: memref<64xi32, #tpu.memory_space<vmem>>, %arg8: memref<64xi32, #tpu.memory_space<vmem>>, %arg9: memref<64xi32, #tpu.memory_space<vmem>>, %arg10: memref<64xi32, #tpu.memory_space<vmem>>, %arg11: memref<64x128xf32, #tpu.memory_space<vmem>>, %arg12: memref<64x128xf32, #tpu.memory_space<vmem>>, %arg13: memref<64x128xf32, #tpu.memory_space<vmem>>, %arg14: memref<64x128xf32, #tpu.memory_space<vmem>>, %arg15: memref<16xi32, #tpu.memory_space<vmem>>, %arg16: memref<16x128xf32, #tpu.memory_space<vmem>>, %arg17: memref<!tpu.dma_semaphore, #tpu.memory_space<semaphore_mem>>, %arg18: memref<!tpu.dma_semaphore, #tpu.memory_space<semaphore_mem>>, %arg19: memref<!tpu.dma_semaphore, #tpu.memory_space<semaphore_mem>>, %arg20: memref<!tpu.dma_semaphore, #tpu.memory_space<semaphore_mem>>, %arg21: memref<!tpu.dma_semaphore, #tpu.memory_space<semaphore_mem>>, %arg22: memref<!tpu.dma_semaphore, #tpu.memory_space<semaphore_mem>>, %arg23: memref<!tpu.dma_semaphore, #tpu.memory_space<semaphore_mem>>, %arg24: memref<!tpu.dma_semaphore, #tpu.memory_space<semaphore_mem>>) attributes {dimension_semantics = [#tpu.dimension_semantics<core_parallel>, #tpu.dimension_semantics<subcore_parallel>], iteration_bounds = array<i64: 2, 16>, scalar_prefetch = 0 : i64, scratch_operands = 20 : i64, tpu.core_type = #tpu.core_type<sc_vector_subcore>, window_params = [{transform_indices = #map}, {transform_indices = #map1}, {transform_indices = #map2}]} {
    %mul3A = arith.constant 16 : i32
    %mul3A_0 = arith.muli %arg0, %mul3A : i32
    %add3A = arith.addi %mul3A_0, %arg1 : i32
    %broadcast_in_dim3A = arith.constant 0.000000e+00 : f32
    %broadcast_in_dim3A_1 = vector.broadcast %broadcast_in_dim3A : f32 to vector<16xf32>
    %broadcast_in_dim3A_2 = arith.constant 1.000000e+00 : f32
    %broadcast_in_dim3A_3 = vector.broadcast %broadcast_in_dim3A_2 : f32 to vector<16xf32>
    %mul3A_4 = arith.constant 10000 : i32
    %mul3A_5 = arith.muli %add3A, %mul3A_4 : i32
    "tpu.region"() ({
      %run_scoped3A = tpu.sem_alloc : memref<!tpu.dma_semaphore, #tpu.memory_space<semaphore_mem>>
      %dma_start3A_244 = tpu.memref_slice %arg3[%mul3A_5] : memref<640000xi32, #tpu.memory_space<hbm>> -> memref<10000xi32, #tpu.memory_space<hbm>>
      %dma_start3A_245 = tpu.memref_slice %arg3[%mul3A_5] : memref<640000xi32, #tpu.memory_space<hbm>> -> memref<10000xi32, #tpu.memory_space<hbm>>
      tpu.enqueue_dma source(%dma_start3A_245 : memref<10000xi32, #tpu.memory_space<hbm>>) target(%arg6 : memref<10000xi32, #tpu.memory_space<vmem>>) target_semaphore(%run_scoped3A : memref<!tpu.dma_semaphore, #tpu.memory_space<semaphore_mem>>)
      %dma_wait3A = tpu.memref_slice %arg3[%mul3A_5] : memref<640000xi32, #tpu.memory_space<hbm>> -> memref<10000xi32, #tpu.memory_space<hbm>>
      %dma_wait3A_246 = tpu.memref_slice %arg3[%mul3A_5] : memref<640000xi32, #tpu.memory_space<hbm>> -> memref<10000xi32, #tpu.memory_space<hbm>>
      tpu.wait_dma2 semaphore(%run_scoped3A : memref<!tpu.dma_semaphore, #tpu.memory_space<semaphore_mem>>) src(%dma_wait3A_246 : memref<10000xi32, #tpu.memory_space<hbm>>) dst(%arg6 : memref<10000xi32, #tpu.memory_space<vmem>>)
      tpu.yield
    }) : () -> ()
    %scan3A = arith.constant 0 : i32
    %scan3A_6 = arith.constant 0 : i32
    %scan3A_7 = arith.constant 64 : i32
    %scan3A_8 = arith.addi %scan3A_6, %scan3A_7 : i32
    %scan3A_9 = arith.constant 1 : i32
    scf.for %scan3A_244 = %scan3A_6 to %scan3A_8 step %scan3A_9  : i32 {
      %swap3A = arith.index_cast %scan3A_244 : i32 to index
      %swap3A_245 = arith.constant 0 : index
      %swap3A_246 = tpu.vector_load %arg11[%swap3A, %swap3A_245] {strides = array<i32>} : memref<64x128xf32, #tpu.memory_space<vmem>>, vector<16xf32>,
      tpu.vector_store %arg11[%swap3A, %swap3A_245], %broadcast_in_dim3A_1 {strides = array<i32>} : memref<64x128xf32, #tpu.memory_space<vmem>>, vector<16xf32>,
      %swap3A_247 = arith.index_cast %scan3A_244 : i32 to index
      %swap3A_248 = arith.constant 16 : index
      %swap3A_249 = tpu.vector_load %arg11[%swap3A_247, %swap3A_248] {strides = array<i32>} : memref<64x128xf32, #tpu.memory_space<vmem>>, vector<16xf32>,
      tpu.vector_store %arg11[%swap3A_247, %swap3A_248], %broadcast_in_dim3A_1 {strides = array<i32>} : memref<64x128xf32, #tpu.memory_space<vmem>>, vector<16xf32>,
      %swap3A_250 = arith.index_cast %scan3A_244 : i32 to index
      %swap3A_251 = arith.constant 32 : index
      %swap3A_252 = tpu.vector_load %arg11[%swap3A_250, %swap3A_251] {strides = array<i32>} : memref<64x128xf32, #tpu.memory_space<vmem>>, vector<16xf32>,
      tpu.vector_store %arg11[%swap3A_250, %swap3A_251], %broadcast_in_dim3A_1 {strides = array<i32>} : memref<64x128xf32, #tpu.memory_space<vmem>>, vector<16xf32>,
      %swap3A_253 = arith.index_cast %scan3A_244 : i32 to index
      %swap3A_254 = arith.constant 48 : index
      %swap3A_255 = tpu.vector_load %arg11[%swap3A_253, %swap3A_254] {strides = array<i32>} : memref<64x128xf32, #tpu.memory_space<vmem>>, vector<16xf32>,
      tpu.vector_store %arg11[%swap3A_253, %swap3A_254], %broadcast_in_dim3A_1 {strides = array<i32>} : memref<64x128xf32, #tpu.memory_space<vmem>>, vector<16xf32>,
      %swap3A_256 = arith.index_cast %scan3A_244 : i32 to index
      %swap3A_257 = arith.constant 64 : index
      %swap3A_258 = tpu.vector_load %arg11[%swap3A_256, %swap3A_257] {strides = array<i32>} : memref<64x128xf32, #tpu.memory_space<vmem>>, vector<16xf32>,
      tpu.vector_store %arg11[%swap3A_256, %swap3A_257], %broadcast_in_dim3A_1 {strides = array<i32>} : memref<64x128xf32, #tpu.memory_space<vmem>>, vector<16xf32>,
      %swap3A_259 = arith.index_cast %scan3A_244 : i32 to index
      %swap3A_260 = arith.constant 80 : index
      %swap3A_261 = tpu.vector_load %arg11[%swap3A_259, %swap3A_260] {strides = array<i32>} : memref<64x128xf32, #tpu.memory_space<vmem>>, vector<16xf32>,
      tpu.vector_store %arg11[%swap3A_259, %swap3A_260], %broadcast_in_dim3A_1 {strides = array<i32>} : memref<64x128xf32, #tpu.memory_space<vmem>>, vector<16xf32>,
      %swap3A_262 = arith.index_cast %scan3A_244 : i32 to index
      %swap3A_263 = arith.constant 96 : index
      %swap3A_264 = tpu.vector_load %arg11[%swap3A_262, %swap3A_263] {strides = array<i32>} : memref<64x128xf32, #tpu.memory_space<vmem>>, vector<16xf32>,
      tpu.vector_store %arg11[%swap3A_262, %swap3A_263], %broadcast_in_dim3A_1 {strides = array<i32>} : memref<64x128xf32, #tpu.memory_space<vmem>>, vector<16xf32>,
      %swap3A_265 = arith.index_cast %scan3A_244 : i32 to index
      %swap3A_266 = arith.constant 112 : index
      %swap3A_267 = tpu.vector_load %arg11[%swap3A_265, %swap3A_266] {strides = array<i32>} : memref<64x128xf32, #tpu.memory_space<vmem>>, vector<16xf32>,
      tpu.vector_store %arg11[%swap3A_265, %swap3A_266], %broadcast_in_dim3A_1 {strides = array<i32>} : memref<64x128xf32, #tpu.memory_space<vmem>>, vector<16xf32>,
    }
    %scan3A_10 = arith.constant 64 : i32
    %add3A_11 = arith.constant 0 : i32
    %add3A_12 = arith.addi %arg1, %add3A_11 : i32
    %lt3A = arith.constant 158 : i32
    %lt3A_13 = arith.cmpi slt, %add3A_12, %lt3A : i32
    %convert_element_type3A = arith.extui %lt3A_13 : i1 to i32
    %cond3A = arith.constant 0 : i32
    %cond3A_14 = arith.cmpi ne, %convert_element_type3A, %cond3A : i32
    scf.if %cond3A_14 {
      %mul3A_244 = arith.constant 64 : i32
      %mul3A_245 = arith.muli %add3A_12, %mul3A_244 : i32
      "tpu.region"() ({
        %run_scoped3A = tpu.sem_alloc : memref<!tpu.dma_semaphore, #tpu.memory_space<semaphore_mem>>
        %dma_start3A_246 = arith.constant 0 : i32
        %dma_start3A_247 = tpu.memref_slice %arg5[%mul3A_245, %dma_start3A_246] : memref<10112x128xf32, #tpu.memory_space<vmem_shared>> -> memref<64x128xf32, #tpu.memory_space<vmem_shared>>
        %dma_start3A_248 = arith.constant 0 : i32
        %dma_start3A_249 = tpu.memref_slice %arg5[%mul3A_245, %dma_start3A_248] : memref<10112x128xf32, #tpu.memory_space<vmem_shared>> -> memref<64x128xf32, #tpu.memory_space<vmem_shared>>
        tpu.enqueue_dma source(%arg11 : memref<64x128xf32, #tpu.memory_space<vmem>>) target(%dma_start3A_249 : memref<64x128xf32, #tpu.memory_space<vmem_shared>>) target_semaphore(%run_scoped3A : memref<!tpu.dma_semaphore, #tpu.memory_space<semaphore_mem>>)
        %dma_wait3A = arith.constant 0 : i32
        %dma_wait3A_250 = tpu.memref_slice %arg5[%mul3A_245, %dma_wait3A] : memref<10112x128xf32, #tpu.memory_space<vmem_shared>> -> memref<64x128xf32, #tpu.memory_space<vmem_shared>>
        %dma_wait3A_251 = arith.constant 0 : i32
        %dma_wait3A_252 = tpu.memref_slice %arg5[%mul3A_245, %dma_wait3A_251] : memref<10112x128xf32, #tpu.memory_space<vmem_shared>> -> memref<64x128xf32, #tpu.memory_space<vmem_shared>>
        tpu.wait_dma2 semaphore(%run_scoped3A : memref<!tpu.dma_semaphore, #tpu.memory_space<semaphore_mem>>) src(%arg11 : memref<64x128xf32, #tpu.memory_space<vmem>>) dst(%dma_wait3A_252 : memref<64x128xf32, #tpu.memory_space<vmem_shared>>)
        tpu.yield
      }) : () -> ()
    } else {
    }
    %add3A_15 = arith.constant 16 : i32
    %add3A_16 = arith.addi %arg1, %add3A_15 : i32
    %lt3A_17 = arith.constant 158 : i32
    %lt3A_18 = arith.cmpi slt, %add3A_16, %lt3A_17 : i32
    %convert_element_type3A_19 = arith.extui %lt3A_18 : i1 to i32
    %cond3A_20 = arith.constant 0 : i32
    %cond3A_21 = arith.cmpi ne, %convert_element_type3A_19, %cond3A_20 : i32
    scf.if %cond3A_21 {
      %mul3A_244 = arith.constant 64 : i32
      %mul3A_245 = arith.muli %add3A_16, %mul3A_244 : i32
      "tpu.region"() ({
        %run_scoped3A = tpu.sem_alloc : memref<!tpu.dma_semaphore, #tpu.memory_space<semaphore_mem>>
        %dma_start3A_246 = arith.constant 0 : i32
        %dma_start3A_247 = tpu.memref_slice %arg5[%mul3A_245, %dma_start3A_246] : memref<10112x128xf32, #tpu.memory_space<vmem_shared>> -> memref<64x128xf32, #tpu.memory_space<vmem_shared>>
        %dma_start3A_248 = arith.constant 0 : i32
        %dma_start3A_249 = tpu.memref_slice %arg5[%mul3A_245, %dma_start3A_248] : memref<10112x128xf32, #tpu.memory_space<vmem_shared>> -> memref<64x128xf32, #tpu.memory_space<vmem_shared>>
        tpu.enqueue_dma source(%arg11 : memref<64x128xf32, #tpu.memory_space<vmem>>) target(%dma_start3A_249 : memref<64x128xf32, #tpu.memory_space<vmem_shared>>) target_semaphore(%run_scoped3A : memref<!tpu.dma_semaphore, #tpu.memory_space<semaphore_mem>>)
        %dma_wait3A = arith.constant 0 : i32
        %dma_wait3A_250 = tpu.memref_slice %arg5[%mul3A_245, %dma_wait3A] : memref<10112x128xf32, #tpu.memory_space<vmem_shared>> -> memref<64x128xf32, #tpu.memory_space<vmem_shared>>
        %dma_wait3A_251 = arith.constant 0 : i32
        %dma_wait3A_252 = tpu.memref_slice %arg5[%mul3A_245, %dma_wait3A_251] : memref<10112x128xf32, #tpu.memory_space<vmem_shared>> -> memref<64x128xf32, #tpu.memory_space<vmem_shared>>
        tpu.wait_dma2 semaphore(%run_scoped3A : memref<!tpu.dma_semaphore, #tpu.memory_space<semaphore_mem>>) src(%arg11 : memref<64x128xf32, #tpu.memory_space<vmem>>) dst(%dma_wait3A_252 : memref<64x128xf32, #tpu.memory_space<vmem_shared>>)
        tpu.yield
      }) : () -> ()
    } else {
    }
    %add3A_22 = arith.constant 32 : i32
    %add3A_23 = arith.addi %arg1, %add3A_22 : i32
    %lt3A_24 = arith.constant 158 : i32
    %lt3A_25 = arith.cmpi slt, %add3A_23, %lt3A_24 : i32
    %convert_element_type3A_26 = arith.extui %lt3A_25 : i1 to i32
    %cond3A_27 = arith.constant 0 : i32
    %cond3A_28 = arith.cmpi ne, %convert_element_type3A_26, %cond3A_27 : i32
    scf.if %cond3A_28 {
      %mul3A_244 = arith.constant 64 : i32
      %mul3A_245 = arith.muli %add3A_23, %mul3A_244 : i32
      "tpu.region"() ({
        %run_scoped3A = tpu.sem_alloc : memref<!tpu.dma_semaphore, #tpu.memory_space<semaphore_mem>>
        %dma_start3A_246 = arith.constant 0 : i32
        %dma_start3A_247 = tpu.memref_slice %arg5[%mul3A_245, %dma_start3A_246] : memref<10112x128xf32, #tpu.memory_space<vmem_shared>> -> memref<64x128xf32, #tpu.memory_space<vmem_shared>>
        %dma_start3A_248 = arith.constant 0 : i32
        %dma_start3A_249 = tpu.memref_slice %arg5[%mul3A_245, %dma_start3A_248] : memref<10112x128xf32, #tpu.memory_space<vmem_shared>> -> memref<64x128xf32, #tpu.memory_space<vmem_shared>>
        tpu.enqueue_dma source(%arg11 : memref<64x128xf32, #tpu.memory_space<vmem>>) target(%dma_start3A_249 : memref<64x128xf32, #tpu.memory_space<vmem_shared>>) target_semaphore(%run_scoped3A : memref<!tpu.dma_semaphore, #tpu.memory_space<semaphore_mem>>)
        %dma_wait3A = arith.constant 0 : i32
        %dma_wait3A_250 = tpu.memref_slice %arg5[%mul3A_245, %dma_wait3A] : memref<10112x128xf32, #tpu.memory_space<vmem_shared>> -> memref<64x128xf32, #tpu.memory_space<vmem_shared>>
        %dma_wait3A_251 = arith.constant 0 : i32
        %dma_wait3A_252 = tpu.memref_slice %arg5[%mul3A_245, %dma_wait3A_251] : memref<10112x128xf32, #tpu.memory_space<vmem_shared>> -> memref<64x128xf32, #tpu.memory_space<vmem_shared>>
        tpu.wait_dma2 semaphore(%run_scoped3A : memref<!tpu.dma_semaphore, #tpu.memory_space<semaphore_mem>>) src(%arg11 : memref<64x128xf32, #tpu.memory_space<vmem>>) dst(%dma_wait3A_252 : memref<64x128xf32, #tpu.memory_space<vmem_shared>>)
        tpu.yield
      }) : () -> ()
    } else {
    }
    %add3A_29 = arith.constant 48 : i32
    %add3A_30 = arith.addi %arg1, %add3A_29 : i32
    %lt3A_31 = arith.constant 158 : i32
    %lt3A_32 = arith.cmpi slt, %add3A_30, %lt3A_31 : i32
    %convert_element_type3A_33 = arith.extui %lt3A_32 : i1 to i32
    %cond3A_34 = arith.constant 0 : i32
    %cond3A_35 = arith.cmpi ne, %convert_element_type3A_33, %cond3A_34 : i32
    scf.if %cond3A_35 {
      %mul3A_244 = arith.constant 64 : i32
      %mul3A_245 = arith.muli %add3A_30, %mul3A_244 : i32
      "tpu.region"() ({
        %run_scoped3A = tpu.sem_alloc : memref<!tpu.dma_semaphore, #tpu.memory_space<semaphore_mem>>
        %dma_start3A_246 = arith.constant 0 : i32
        %dma_start3A_247 = tpu.memref_slice %arg5[%mul3A_245, %dma_start3A_246] : memref<10112x128xf32, #tpu.memory_space<vmem_shared>> -> memref<64x128xf32, #tpu.memory_space<vmem_shared>>
        %dma_start3A_248 = arith.constant 0 : i32
        %dma_start3A_249 = tpu.memref_slice %arg5[%mul3A_245, %dma_start3A_248] : memref<10112x128xf32, #tpu.memory_space<vmem_shared>> -> memref<64x128xf32, #tpu.memory_space<vmem_shared>>
        tpu.enqueue_dma source(%arg11 : memref<64x128xf32, #tpu.memory_space<vmem>>) target(%dma_start3A_249 : memref<64x128xf32, #tpu.memory_space<vmem_shared>>) target_semaphore(%run_scoped3A : memref<!tpu.dma_semaphore, #tpu.memory_space<semaphore_mem>>)
        %dma_wait3A = arith.constant 0 : i32
        %dma_wait3A_250 = tpu.memref_slice %arg5[%mul3A_245, %dma_wait3A] : memref<10112x128xf32, #tpu.memory_space<vmem_shared>> -> memref<64x128xf32, #tpu.memory_space<vmem_shared>>
        %dma_wait3A_251 = arith.constant 0 : i32
        %dma_wait3A_252 = tpu.memref_slice %arg5[%mul3A_245, %dma_wait3A_251] : memref<10112x128xf32, #tpu.memory_space<vmem_shared>> -> memref<64x128xf32, #tpu.memory_space<vmem_shared>>
        tpu.wait_dma2 semaphore(%run_scoped3A : memref<!tpu.dma_semaphore, #tpu.memory_space<semaphore_mem>>) src(%arg11 : memref<64x128xf32, #tpu.memory_space<vmem>>) dst(%dma_wait3A_252 : memref<64x128xf32, #tpu.memory_space<vmem_shared>>)
        tpu.yield
      }) : () -> ()
    } else {
    }
    %add3A_36 = arith.constant 64 : i32
    %add3A_37 = arith.addi %arg1, %add3A_36 : i32
    %lt3A_38 = arith.constant 158 : i32
    %lt3A_39 = arith.cmpi slt, %add3A_37, %lt3A_38 : i32
    %convert_element_type3A_40 = arith.extui %lt3A_39 : i1 to i32
    %cond3A_41 = arith.constant 0 : i32
    %cond3A_42 = arith.cmpi ne, %convert_element_type3A_40, %cond3A_41 : i32
    scf.if %cond3A_42 {
      %mul3A_244 = arith.constant 64 : i32
      %mul3A_245 = arith.muli %add3A_37, %mul3A_244 : i32
      "tpu.region"() ({
        %run_scoped3A = tpu.sem_alloc : memref<!tpu.dma_semaphore, #tpu.memory_space<semaphore_mem>>
        %dma_start3A_246 = arith.constant 0 : i32
        %dma_start3A_247 = tpu.memref_slice %arg5[%mul3A_245, %dma_start3A_246] : memref<10112x128xf32, #tpu.memory_space<vmem_shared>> -> memref<64x128xf32, #tpu.memory_space<vmem_shared>>
        %dma_start3A_248 = arith.constant 0 : i32
        %dma_start3A_249 = tpu.memref_slice %arg5[%mul3A_245, %dma_start3A_248] : memref<10112x128xf32, #tpu.memory_space<vmem_shared>> -> memref<64x128xf32, #tpu.memory_space<vmem_shared>>
        tpu.enqueue_dma source(%arg11 : memref<64x128xf32, #tpu.memory_space<vmem>>) target(%dma_start3A_249 : memref<64x128xf32, #tpu.memory_space<vmem_shared>>) target_semaphore(%run_scoped3A : memref<!tpu.dma_semaphore, #tpu.memory_space<semaphore_mem>>)
        %dma_wait3A = arith.constant 0 : i32
        %dma_wait3A_250 = tpu.memref_slice %arg5[%mul3A_245, %dma_wait3A] : memref<10112x128xf32, #tpu.memory_space<vmem_shared>> -> memref<64x128xf32, #tpu.memory_space<vmem_shared>>
        %dma_wait3A_251 = arith.constant 0 : i32
        %dma_wait3A_252 = tpu.memref_slice %arg5[%mul3A_245, %dma_wait3A_251] : memref<10112x128xf32, #tpu.memory_space<vmem_shared>> -> memref<64x128xf32, #tpu.memory_space<vmem_shared>>
        tpu.wait_dma2 semaphore(%run_scoped3A : memref<!tpu.dma_semaphore, #tpu.memory_space<semaphore_mem>>) src(%arg11 : memref<64x128xf32, #tpu.memory_space<vmem>>) dst(%dma_wait3A_252 : memref<64x128xf32, #tpu.memory_space<vmem_shared>>)
        tpu.yield
      }) : () -> ()
    } else {
    }
    %add3A_43 = arith.constant 80 : i32
    %add3A_44 = arith.addi %arg1, %add3A_43 : i32
    %lt3A_45 = arith.constant 158 : i32
    %lt3A_46 = arith.cmpi slt, %add3A_44, %lt3A_45 : i32
    %convert_element_type3A_47 = arith.extui %lt3A_46 : i1 to i32
    %cond3A_48 = arith.constant 0 : i32
    %cond3A_49 = arith.cmpi ne, %convert_element_type3A_47, %cond3A_48 : i32
    scf.if %cond3A_49 {
      %mul3A_244 = arith.constant 64 : i32
      %mul3A_245 = arith.muli %add3A_44, %mul3A_244 : i32
      "tpu.region"() ({
        %run_scoped3A = tpu.sem_alloc : memref<!tpu.dma_semaphore, #tpu.memory_space<semaphore_mem>>
        %dma_start3A_246 = arith.constant 0 : i32
        %dma_start3A_247 = tpu.memref_slice %arg5[%mul3A_245, %dma_start3A_246] : memref<10112x128xf32, #tpu.memory_space<vmem_shared>> -> memref<64x128xf32, #tpu.memory_space<vmem_shared>>
        %dma_start3A_248 = arith.constant 0 : i32
        %dma_start3A_249 = tpu.memref_slice %arg5[%mul3A_245, %dma_start3A_248] : memref<10112x128xf32, #tpu.memory_space<vmem_shared>> -> memref<64x128xf32, #tpu.memory_space<vmem_shared>>
        tpu.enqueue_dma source(%arg11 : memref<64x128xf32, #tpu.memory_space<vmem>>) target(%dma_start3A_249 : memref<64x128xf32, #tpu.memory_space<vmem_shared>>) target_semaphore(%run_scoped3A : memref<!tpu.dma_semaphore, #tpu.memory_space<semaphore_mem>>)
        %dma_wait3A = arith.constant 0 : i32
        %dma_wait3A_250 = tpu.memref_slice %arg5[%mul3A_245, %dma_wait3A] : memref<10112x128xf32, #tpu.memory_space<vmem_shared>> -> memref<64x128xf32, #tpu.memory_space<vmem_shared>>
        %dma_wait3A_251 = arith.constant 0 : i32
        %dma_wait3A_252 = tpu.memref_slice %arg5[%mul3A_245, %dma_wait3A_251] : memref<10112x128xf32, #tpu.memory_space<vmem_shared>> -> memref<64x128xf32, #tpu.memory_space<vmem_shared>>
        tpu.wait_dma2 semaphore(%run_scoped3A : memref<!tpu.dma_semaphore, #tpu.memory_space<semaphore_mem>>) src(%arg11 : memref<64x128xf32, #tpu.memory_space<vmem>>) dst(%dma_wait3A_252 : memref<64x128xf32, #tpu.memory_space<vmem_shared>>)
        tpu.yield
      }) : () -> ()
    } else {
    }
    %add3A_50 = arith.constant 96 : i32
    %add3A_51 = arith.addi %arg1, %add3A_50 : i32
    %lt3A_52 = arith.constant 158 : i32
    %lt3A_53 = arith.cmpi slt, %add3A_51, %lt3A_52 : i32
    %convert_element_type3A_54 = arith.extui %lt3A_53 : i1 to i32
    %cond3A_55 = arith.constant 0 : i32
    %cond3A_56 = arith.cmpi ne, %convert_element_type3A_54, %cond3A_55 : i32
    scf.if %cond3A_56 {
      %mul3A_244 = arith.constant 64 : i32
      %mul3A_245 = arith.muli %add3A_51, %mul3A_244 : i32
      "tpu.region"() ({
        %run_scoped3A = tpu.sem_alloc : memref<!tpu.dma_semaphore, #tpu.memory_space<semaphore_mem>>
        %dma_start3A_246 = arith.constant 0 : i32
        %dma_start3A_247 = tpu.memref_slice %arg5[%mul3A_245, %dma_start3A_246] : memref<10112x128xf32, #tpu.memory_space<vmem_shared>> -> memref<64x128xf32, #tpu.memory_space<vmem_shared>>
        %dma_start3A_248 = arith.constant 0 : i32
        %dma_start3A_249 = tpu.memref_slice %arg5[%mul3A_245, %dma_start3A_248] : memref<10112x128xf32, #tpu.memory_space<vmem_shared>> -> memref<64x128xf32, #tpu.memory_space<vmem_shared>>
        tpu.enqueue_dma source(%arg11 : memref<64x128xf32, #tpu.memory_space<vmem>>) target(%dma_start3A_249 : memref<64x128xf32, #tpu.memory_space<vmem_shared>>) target_semaphore(%run_scoped3A : memref<!tpu.dma_semaphore, #tpu.memory_space<semaphore_mem>>)
        %dma_wait3A = arith.constant 0 : i32
        %dma_wait3A_250 = tpu.memref_slice %arg5[%mul3A_245, %dma_wait3A] : memref<10112x128xf32, #tpu.memory_space<vmem_shared>> -> memref<64x128xf32, #tpu.memory_space<vmem_shared>>
        %dma_wait3A_251 = arith.constant 0 : i32
        %dma_wait3A_252 = tpu.memref_slice %arg5[%mul3A_245, %dma_wait3A_251] : memref<10112x128xf32, #tpu.memory_space<vmem_shared>> -> memref<64x128xf32, #tpu.memory_space<vmem_shared>>
        tpu.wait_dma2 semaphore(%run_scoped3A : memref<!tpu.dma_semaphore, #tpu.memory_space<semaphore_mem>>) src(%arg11 : memref<64x128xf32, #tpu.memory_space<vmem>>) dst(%dma_wait3A_252 : memref<64x128xf32, #tpu.memory_space<vmem_shared>>)
        tpu.yield
      }) : () -> ()
    } else {
    }
    %add3A_57 = arith.constant 112 : i32
    %add3A_58 = arith.addi %arg1, %add3A_57 : i32
    %lt3A_59 = arith.constant 158 : i32
    %lt3A_60 = arith.cmpi slt, %add3A_58, %lt3A_59 : i32
    %convert_element_type3A_61 = arith.extui %lt3A_60 : i1 to i32
    %cond3A_62 = arith.constant 0 : i32
    %cond3A_63 = arith.cmpi ne, %convert_element_type3A_61, %cond3A_62 : i32
    scf.if %cond3A_63 {
      %mul3A_244 = arith.constant 64 : i32
      %mul3A_245 = arith.muli %add3A_58, %mul3A_244 : i32
      "tpu.region"() ({
        %run_scoped3A = tpu.sem_alloc : memref<!tpu.dma_semaphore, #tpu.memory_space<semaphore_mem>>
        %dma_start3A_246 = arith.constant 0 : i32
        %dma_start3A_247 = tpu.memref_slice %arg5[%mul3A_245, %dma_start3A_246] : memref<10112x128xf32, #tpu.memory_space<vmem_shared>> -> memref<64x128xf32, #tpu.memory_space<vmem_shared>>
        %dma_start3A_248 = arith.constant 0 : i32
        %dma_start3A_249 = tpu.memref_slice %arg5[%mul3A_245, %dma_start3A_248] : memref<10112x128xf32, #tpu.memory_space<vmem_shared>> -> memref<64x128xf32, #tpu.memory_space<vmem_shared>>
        tpu.enqueue_dma source(%arg11 : memref<64x128xf32, #tpu.memory_space<vmem>>) target(%dma_start3A_249 : memref<64x128xf32, #tpu.memory_space<vmem_shared>>) target_semaphore(%run_scoped3A : memref<!tpu.dma_semaphore, #tpu.memory_space<semaphore_mem>>)
        %dma_wait3A = arith.constant 0 : i32
        %dma_wait3A_250 = tpu.memref_slice %arg5[%mul3A_245, %dma_wait3A] : memref<10112x128xf32, #tpu.memory_space<vmem_shared>> -> memref<64x128xf32, #tpu.memory_space<vmem_shared>>
        %dma_wait3A_251 = arith.constant 0 : i32
        %dma_wait3A_252 = tpu.memref_slice %arg5[%mul3A_245, %dma_wait3A_251] : memref<10112x128xf32, #tpu.memory_space<vmem_shared>> -> memref<64x128xf32, #tpu.memory_space<vmem_shared>>
        tpu.wait_dma2 semaphore(%run_scoped3A : memref<!tpu.dma_semaphore, #tpu.memory_space<semaphore_mem>>) src(%arg11 : memref<64x128xf32, #tpu.memory_space<vmem>>) dst(%dma_wait3A_252 : memref<64x128xf32, #tpu.memory_space<vmem_shared>>)
        tpu.yield
      }) : () -> ()
    } else {
    }
    %add3A_64 = arith.constant 128 : i32
    %add3A_65 = arith.addi %arg1, %add3A_64 : i32
    %lt3A_66 = arith.constant 158 : i32
    %lt3A_67 = arith.cmpi slt, %add3A_65, %lt3A_66 : i32
    %convert_element_type3A_68 = arith.extui %lt3A_67 : i1 to i32
    %cond3A_69 = arith.constant 0 : i32
    %cond3A_70 = arith.cmpi ne, %convert_element_type3A_68, %cond3A_69 : i32
    scf.if %cond3A_70 {
      %mul3A_244 = arith.constant 64 : i32
      %mul3A_245 = arith.muli %add3A_65, %mul3A_244 : i32
      "tpu.region"() ({
        %run_scoped3A = tpu.sem_alloc : memref<!tpu.dma_semaphore, #tpu.memory_space<semaphore_mem>>
        %dma_start3A_246 = arith.constant 0 : i32
        %dma_start3A_247 = tpu.memref_slice %arg5[%mul3A_245, %dma_start3A_246] : memref<10112x128xf32, #tpu.memory_space<vmem_shared>> -> memref<64x128xf32, #tpu.memory_space<vmem_shared>>
        %dma_start3A_248 = arith.constant 0 : i32
        %dma_start3A_249 = tpu.memref_slice %arg5[%mul3A_245, %dma_start3A_248] : memref<10112x128xf32, #tpu.memory_space<vmem_shared>> -> memref<64x128xf32, #tpu.memory_space<vmem_shared>>
        tpu.enqueue_dma source(%arg11 : memref<64x128xf32, #tpu.memory_space<vmem>>) target(%dma_start3A_249 : memref<64x128xf32, #tpu.memory_space<vmem_shared>>) target_semaphore(%run_scoped3A : memref<!tpu.dma_semaphore, #tpu.memory_space<semaphore_mem>>)
        %dma_wait3A = arith.constant 0 : i32
        %dma_wait3A_250 = tpu.memref_slice %arg5[%mul3A_245, %dma_wait3A] : memref<10112x128xf32, #tpu.memory_space<vmem_shared>> -> memref<64x128xf32, #tpu.memory_space<vmem_shared>>
        %dma_wait3A_251 = arith.constant 0 : i32
        %dma_wait3A_252 = tpu.memref_slice %arg5[%mul3A_245, %dma_wait3A_251] : memref<10112x128xf32, #tpu.memory_space<vmem_shared>> -> memref<64x128xf32, #tpu.memory_space<vmem_shared>>
        tpu.wait_dma2 semaphore(%run_scoped3A : memref<!tpu.dma_semaphore, #tpu.memory_space<semaphore_mem>>) src(%arg11 : memref<64x128xf32, #tpu.memory_space<vmem>>) dst(%dma_wait3A_252 : memref<64x128xf32, #tpu.memory_space<vmem_shared>>)
        tpu.yield
      }) : () -> ()
    } else {
    }
    %add3A_71 = arith.constant 144 : i32
    %add3A_72 = arith.addi %arg1, %add3A_71 : i32
    %lt3A_73 = arith.constant 158 : i32
    %lt3A_74 = arith.cmpi slt, %add3A_72, %lt3A_73 : i32
    %convert_element_type3A_75 = arith.extui %lt3A_74 : i1 to i32
    %cond3A_76 = arith.constant 0 : i32
    %cond3A_77 = arith.cmpi ne, %convert_element_type3A_75, %cond3A_76 : i32
    scf.if %cond3A_77 {
      %mul3A_244 = arith.constant 64 : i32
      %mul3A_245 = arith.muli %add3A_72, %mul3A_244 : i32
      "tpu.region"() ({
        %run_scoped3A = tpu.sem_alloc : memref<!tpu.dma_semaphore, #tpu.memory_space<semaphore_mem>>
        %dma_start3A_246 = arith.constant 0 : i32
        %dma_start3A_247 = tpu.memref_slice %arg5[%mul3A_245, %dma_start3A_246] : memref<10112x128xf32, #tpu.memory_space<vmem_shared>> -> memref<64x128xf32, #tpu.memory_space<vmem_shared>>
        %dma_start3A_248 = arith.constant 0 : i32
        %dma_start3A_249 = tpu.memref_slice %arg5[%mul3A_245, %dma_start3A_248] : memref<10112x128xf32, #tpu.memory_space<vmem_shared>> -> memref<64x128xf32, #tpu.memory_space<vmem_shared>>
        tpu.enqueue_dma source(%arg11 : memref<64x128xf32, #tpu.memory_space<vmem>>) target(%dma_start3A_249 : memref<64x128xf32, #tpu.memory_space<vmem_shared>>) target_semaphore(%run_scoped3A : memref<!tpu.dma_semaphore, #tpu.memory_space<semaphore_mem>>)
        %dma_wait3A = arith.constant 0 : i32
        %dma_wait3A_250 = tpu.memref_slice %arg5[%mul3A_245, %dma_wait3A] : memref<10112x128xf32, #tpu.memory_space<vmem_shared>> -> memref<64x128xf32, #tpu.memory_space<vmem_shared>>
        %dma_wait3A_251 = arith.constant 0 : i32
        %dma_wait3A_252 = tpu.memref_slice %arg5[%mul3A_245, %dma_wait3A_251] : memref<10112x128xf32, #tpu.memory_space<vmem_shared>> -> memref<64x128xf32, #tpu.memory_space<vmem_shared>>
        tpu.wait_dma2 semaphore(%run_scoped3A : memref<!tpu.dma_semaphore, #tpu.memory_space<semaphore_mem>>) src(%arg11 : memref<64x128xf32, #tpu.memory_space<vmem>>) dst(%dma_wait3A_252 : memref<64x128xf32, #tpu.memory_space<vmem_shared>>)
        tpu.yield
      }) : () -> ()
    } else {
    }
    %barrier3A = arith.constant 0 : index
    tpu.barrier barrier_id(%barrier3A)
    %add3A_78 = arith.constant 320000 : i32
    %add3A_79 = arith.addi %add3A_78, %mul3A_5 : i32
    %add3A_80 = arith.constant 0 : i32
    %add3A_81 = arith.addi %add3A_79, %add3A_80 : i32
    %dma_start3A = tpu.memref_slice %arg3[%add3A_81] : memref<640000xi32, #tpu.memory_space<hbm>> -> memref<64xi32, #tpu.memory_space<hbm>>
    %dma_start3A_82 = tpu.memref_slice %arg3[%add3A_81] : memref<640000xi32, #tpu.memory_space<hbm>> -> memref<64xi32, #tpu.memory_space<hbm>>
    tpu.enqueue_dma source(%dma_start3A_82 : memref<64xi32, #tpu.memory_space<hbm>>) target(%arg7 : memref<64xi32, #tpu.memory_space<vmem>>) target_semaphore(%arg21 : memref<!tpu.dma_semaphore, #tpu.memory_space<semaphore_mem>>)
    %dma_start3A_83 = arith.constant 0 : i32
    %dma_start3A_84 = tpu.memref_slice %arg6[%dma_start3A_83] : memref<10000xi32, #tpu.memory_space<vmem>> -> memref<64xi32, #tpu.memory_space<vmem>>
    %dma_start3A_85 = arith.constant 0 : i32
    %dma_start3A_86 = arith.constant 0 : i32
    %dma_start3A_87 = tpu.memref_slice %arg2[%dma_start3A_85, %dma_start3A_86] : memref<10000x128xf32, #tpu.memory_space<hbm>> -> memref<10000x128xf32, #tpu.memory_space<hbm>>
    tpu.enqueue_indirect_dma source(%dma_start3A_87 : memref<10000x128xf32, #tpu.memory_space<hbm>>) target(%arg11 : memref<64x128xf32, #tpu.memory_space<vmem>>) offsets(%dma_start3A_84 : memref<64xi32, #tpu.memory_space<vmem>>) semaphore(%arg17 : memref<!tpu.dma_semaphore, #tpu.memory_space<semaphore_mem>>)
    %add3A_88 = arith.constant 320000 : i32
    %add3A_89 = arith.addi %add3A_88, %mul3A_5 : i32
    %add3A_90 = arith.constant 64 : i32
    %add3A_91 = arith.addi %add3A_89, %add3A_90 : i32
    %dma_start3A_92 = tpu.memref_slice %arg3[%add3A_91] : memref<640000xi32, #tpu.memory_space<hbm>> -> memref<64xi32, #tpu.memory_space<hbm>>
    %dma_start3A_93 = tpu.memref_slice %arg3[%add3A_91] : memref<640000xi32, #tpu.memory_space<hbm>> -> memref<64xi32, #tpu.memory_space<hbm>>
    tpu.enqueue_dma source(%dma_start3A_93 : memref<64xi32, #tpu.memory_space<hbm>>) target(%arg8 : memref<64xi32, #tpu.memory_space<vmem>>) target_semaphore(%arg22 : memref<!tpu.dma_semaphore, #tpu.memory_space<semaphore_mem>>)
    %dma_start3A_94 = arith.constant 64 : i32
    %dma_start3A_95 = tpu.memref_slice %arg6[%dma_start3A_94] : memref<10000xi32, #tpu.memory_space<vmem>> -> memref<64xi32, #tpu.memory_space<vmem>>
    %dma_start3A_96 = arith.constant 0 : i32
    %dma_start3A_97 = arith.constant 0 : i32
    %dma_start3A_98 = tpu.memref_slice %arg2[%dma_start3A_96, %dma_start3A_97] : memref<10000x128xf32, #tpu.memory_space<hbm>> -> memref<10000x128xf32, #tpu.memory_space<hbm>>
    tpu.enqueue_indirect_dma source(%dma_start3A_98 : memref<10000x128xf32, #tpu.memory_space<hbm>>) target(%arg12 : memref<64x128xf32, #tpu.memory_space<vmem>>) offsets(%dma_start3A_95 : memref<64xi32, #tpu.memory_space<vmem>>) semaphore(%arg18 : memref<!tpu.dma_semaphore, #tpu.memory_space<semaphore_mem>>)
    %add3A_99 = arith.constant 320000 : i32
    %add3A_100 = arith.addi %add3A_99, %mul3A_5 : i32
    %add3A_101 = arith.constant 128 : i32
    %add3A_102 = arith.addi %add3A_100, %add3A_101 : i32
    %dma_start3A_103 = tpu.memref_slice %arg3[%add3A_102] : memref<640000xi32, #tpu.memory_space<hbm>> -> memref<64xi32, #tpu.memory_space<hbm>>
    %dma_start3A_104 = tpu.memref_slice %arg3[%add3A_102] : memref<640000xi32, #tpu.memory_space<hbm>> -> memref<64xi32, #tpu.memory_space<hbm>>
    tpu.enqueue_dma source(%dma_start3A_104 : memref<64xi32, #tpu.memory_space<hbm>>) target(%arg9 : memref<64xi32, #tpu.memory_space<vmem>>) target_semaphore(%arg23 : memref<!tpu.dma_semaphore, #tpu.memory_space<semaphore_mem>>)
    %dma_start3A_105 = arith.constant 128 : i32
    %dma_start3A_106 = tpu.memref_slice %arg6[%dma_start3A_105] : memref<10000xi32, #tpu.memory_space<vmem>> -> memref<64xi32, #tpu.memory_space<vmem>>
    %dma_start3A_107 = arith.constant 0 : i32
    %dma_start3A_108 = arith.constant 0 : i32
    %dma_start3A_109 = tpu.memref_slice %arg2[%dma_start3A_107, %dma_start3A_108] : memref<10000x128xf32, #tpu.memory_space<hbm>> -> memref<10000x128xf32, #tpu.memory_space<hbm>>
    tpu.enqueue_indirect_dma source(%dma_start3A_109 : memref<10000x128xf32, #tpu.memory_space<hbm>>) target(%arg13 : memref<64x128xf32, #tpu.memory_space<vmem>>) offsets(%dma_start3A_106 : memref<64xi32, #tpu.memory_space<vmem>>) semaphore(%arg19 : memref<!tpu.dma_semaphore, #tpu.memory_space<semaphore_mem>>)
    %add3A_110 = arith.constant 320000 : i32
    %add3A_111 = arith.addi %add3A_110, %mul3A_5 : i32
    %add3A_112 = arith.constant 192 : i32
    %add3A_113 = arith.addi %add3A_111, %add3A_112 : i32
    %dma_start3A_114 = tpu.memref_slice %arg3[%add3A_113] : memref<640000xi32, #tpu.memory_space<hbm>> -> memref<64xi32, #tpu.memory_space<hbm>>
    %dma_start3A_115 = tpu.memref_slice %arg3[%add3A_113] : memref<640000xi32, #tpu.memory_space<hbm>> -> memref<64xi32, #tpu.memory_space<hbm>>
    tpu.enqueue_dma source(%dma_start3A_115 : memref<64xi32, #tpu.memory_space<hbm>>) target(%arg10 : memref<64xi32, #tpu.memory_space<vmem>>) target_semaphore(%arg24 : memref<!tpu.dma_semaphore, #tpu.memory_space<semaphore_mem>>)
    %dma_start3A_116 = arith.constant 192 : i32
    %dma_start3A_117 = tpu.memref_slice %arg6[%dma_start3A_116] : memref<10000xi32, #tpu.memory_space<vmem>> -> memref<64xi32, #tpu.memory_space<vmem>>
    %dma_start3A_118 = arith.constant 0 : i32
    %dma_start3A_119 = arith.constant 0 : i32
    %dma_start3A_120 = tpu.memref_slice %arg2[%dma_start3A_118, %dma_start3A_119] : memref<10000x128xf32, #tpu.memory_space<hbm>> -> memref<10000x128xf32, #tpu.memory_space<hbm>>
    tpu.enqueue_indirect_dma source(%dma_start3A_120 : memref<10000x128xf32, #tpu.memory_space<hbm>>) target(%arg14 : memref<64x128xf32, #tpu.memory_space<vmem>>) offsets(%dma_start3A_117 : memref<64xi32, #tpu.memory_space<vmem>>) semaphore(%arg20 : memref<!tpu.dma_semaphore, #tpu.memory_space<semaphore_mem>>)
    %scan3A_121 = arith.constant 0 : i32
    %scan3A_122 = arith.constant 0 : i32
    %scan3A_123 = arith.constant 39 : i32
    %scan3A_124 = arith.addi %scan3A_122, %scan3A_123 : i32
    %scan3A_125 = arith.constant 1 : i32
    scf.for %scan3A_244 = %scan3A_122 to %scan3A_124 step %scan3A_125  : i32 {
      %mul3A_245 = arith.constant 4 : i32
      %mul3A_246 = arith.muli %mul3A_245, %scan3A_244 : i32
      %add3A_247 = arith.constant 0 : i32
      %add3A_248 = arith.addi %mul3A_246, %add3A_247 : i32
      %mul3A_249 = arith.constant 64 : i32
      %mul3A_250 = arith.muli %add3A_248, %mul3A_249 : i32
      %dma_wait3A = tpu.memref_slice %arg6[%mul3A_250] : memref<10000xi32, #tpu.memory_space<vmem>> -> memref<64xi32, #tpu.memory_space<vmem>>
      %dma_wait3A_251 = arith.constant 0 : i32
      %dma_wait3A_252 = arith.constant 0 : i32
      %dma_wait3A_253 = tpu.memref_slice %arg2[%dma_wait3A_251, %dma_wait3A_252] : memref<10000x128xf32, #tpu.memory_space<hbm>> -> memref<10000x128xf32, #tpu.memory_space<hbm>>
      tpu.wait_indirect_dma semaphore(%arg17 : memref<!tpu.dma_semaphore, #tpu.memory_space<semaphore_mem>>) src(%dma_wait3A_253 : memref<10000x128xf32, #tpu.memory_space<hbm>>) dst(%arg11 : memref<64x128xf32, #tpu.memory_space<vmem>>)
      %add3A_254 = arith.constant 0 : i32
      %add3A_255 = arith.addi %mul3A_246, %add3A_254 : i32
      %add3A_256 = arith.constant 320000 : i32
      %add3A_257 = arith.addi %add3A_256, %mul3A_5 : i32
      %mul3A_258 = arith.constant 64 : i32
      %mul3A_259 = arith.muli %add3A_255, %mul3A_258 : i32
      %add3A_260 = arith.addi %add3A_257, %mul3A_259 : i32
      %dma_wait3A_261 = tpu.memref_slice %arg3[%add3A_260] : memref<640000xi32, #tpu.memory_space<hbm>> -> memref<64xi32, #tpu.memory_space<hbm>>
      %dma_wait3A_262 = tpu.memref_slice %arg3[%add3A_260] : memref<640000xi32, #tpu.memory_space<hbm>> -> memref<64xi32, #tpu.memory_space<hbm>>
      tpu.wait_dma2 semaphore(%arg21 : memref<!tpu.dma_semaphore, #tpu.memory_space<semaphore_mem>>) src(%dma_wait3A_262 : memref<64xi32, #tpu.memory_space<hbm>>) dst(%arg7 : memref<64xi32, #tpu.memory_space<vmem>>)
      %add3A_263 = arith.constant 0 : i32
      %add3A_264 = arith.addi %mul3A_246, %add3A_263 : i32
      "tpu.region"() ({
        %run_scoped3A = tpu.sem_alloc : memref<!tpu.dma_semaphore, #tpu.memory_space<semaphore_mem>>
        %dma_start3A_342 = arith.constant 0 : i32
        %dma_start3A_343 = arith.constant 0 : i32
        %dma_start3A_344 = tpu.memref_slice %arg5[%dma_start3A_342, %dma_start3A_343] : memref<10112x128xf32, #tpu.memory_space<vmem_shared>> -> memref<10112x128xf32, #tpu.memory_space<vmem_shared>>
        tpu.enqueue_indirect_dma source(%arg11 : memref<64x128xf32, #tpu.memory_space<vmem>>) target(%dma_start3A_344 : memref<10112x128xf32, #tpu.memory_space<vmem_shared>>) offsets(%arg7 : memref<64xi32, #tpu.memory_space<vmem>>) semaphore(%run_scoped3A : memref<!tpu.dma_semaphore, #tpu.memory_space<semaphore_mem>>) {add = true}
        %dma_wait3A_345 = arith.constant 0 : i32
        %dma_wait3A_346 = arith.constant 0 : i32
        %dma_wait3A_347 = tpu.memref_slice %arg5[%dma_wait3A_345, %dma_wait3A_346] : memref<10112x128xf32, #tpu.memory_space<vmem_shared>> -> memref<10112x128xf32, #tpu.memory_space<vmem_shared>>
        tpu.wait_indirect_dma semaphore(%run_scoped3A : memref<!tpu.dma_semaphore, #tpu.memory_space<semaphore_mem>>) src(%arg11 : memref<64x128xf32, #tpu.memory_space<vmem>>) dst(%dma_wait3A_347 : memref<10112x128xf32, #tpu.memory_space<vmem_shared>>)
        tpu.yield
      }) : () -> ()
      %lt3A_265 = arith.constant 38 : i32
      %lt3A_266 = arith.cmpi slt, %scan3A_244, %lt3A_265 : i32
      %convert_element_type3A_267 = arith.extui %lt3A_266 : i1 to i32
      %cond3A_268 = arith.constant 0 : i32
      %cond3A_269 = arith.cmpi ne, %convert_element_type3A_267, %cond3A_268 : i32
      scf.if %cond3A_269 {
        %add3A_342 = arith.constant 0 : i32
        %add3A_343 = arith.addi %mul3A_246, %add3A_342 : i32
        %add3A_344 = arith.constant 4 : i32
        %add3A_345 = arith.addi %add3A_343, %add3A_344 : i32
        %add3A_346 = arith.constant 320000 : i32
        %add3A_347 = arith.addi %add3A_346, %mul3A_5 : i32
        %mul3A_348 = arith.constant 64 : i32
        %mul3A_349 = arith.muli %add3A_345, %mul3A_348 : i32
        %add3A_350 = arith.addi %add3A_347, %mul3A_349 : i32
        %dma_start3A_351 = tpu.memref_slice %arg3[%add3A_350] : memref<640000xi32, #tpu.memory_space<hbm>> -> memref<64xi32, #tpu.memory_space<hbm>>
        %dma_start3A_352 = tpu.memref_slice %arg3[%add3A_350] : memref<640000xi32, #tpu.memory_space<hbm>> -> memref<64xi32, #tpu.memory_space<hbm>>
        tpu.enqueue_dma source(%dma_start3A_352 : memref<64xi32, #tpu.memory_space<hbm>>) target(%arg7 : memref<64xi32, #tpu.memory_space<vmem>>) target_semaphore(%arg21 : memref<!tpu.dma_semaphore, #tpu.memory_space<semaphore_mem>>)
        %add3A_353 = arith.constant 0 : i32
        %add3A_354 = arith.addi %mul3A_246, %add3A_353 : i32
        %add3A_355 = arith.constant 4 : i32
        %add3A_356 = arith.addi %add3A_354, %add3A_355 : i32
        %mul3A_357 = arith.constant 64 : i32
        %mul3A_358 = arith.muli %add3A_356, %mul3A_357 : i32
        %dma_start3A_359 = tpu.memref_slice %arg6[%mul3A_358] : memref<10000xi32, #tpu.memory_space<vmem>> -> memref<64xi32, #tpu.memory_space<vmem>>
        %dma_start3A_360 = arith.constant 0 : i32
        %dma_start3A_361 = arith.constant 0 : i32
        %dma_start3A_362 = tpu.memref_slice %arg2[%dma_start3A_360, %dma_start3A_361] : memref<10000x128xf32, #tpu.memory_space<hbm>> -> memref<10000x128xf32, #tpu.memory_space<hbm>>
        tpu.enqueue_indirect_dma source(%dma_start3A_362 : memref<10000x128xf32, #tpu.memory_space<hbm>>) target(%arg11 : memref<64x128xf32, #tpu.memory_space<vmem>>) offsets(%dma_start3A_359 : memref<64xi32, #tpu.memory_space<vmem>>) semaphore(%arg17 : memref<!tpu.dma_semaphore, #tpu.memory_space<semaphore_mem>>)
      } else {
      }
      %add3A_270 = arith.constant 1 : i32
      %add3A_271 = arith.addi %mul3A_246, %add3A_270 : i32
      %mul3A_272 = arith.constant 64 : i32
      %mul3A_273 = arith.muli %add3A_271, %mul3A_272 : i32
      %dma_wait3A_274 = tpu.memref_slice %arg6[%mul3A_273] : memref<10000xi32, #tpu.memory_space<vmem>> -> memref<64xi32, #tpu.memory_space<vmem>>
      %dma_wait3A_275 = arith.constant 0 : i32
      %dma_wait3A_276 = arith.constant 0 : i32
      %dma_wait3A_277 = tpu.memref_slice %arg2[%dma_wait3A_275, %dma_wait3A_276] : memref<10000x128xf32, #tpu.memory_space<hbm>> -> memref<10000x128xf32, #tpu.memory_space<hbm>>
      tpu.wait_indirect_dma semaphore(%arg18 : memref<!tpu.dma_semaphore, #tpu.memory_space<semaphore_mem>>) src(%dma_wait3A_277 : memref<10000x128xf32, #tpu.memory_space<hbm>>) dst(%arg12 : memref<64x128xf32, #tpu.memory_space<vmem>>)
      %add3A_278 = arith.constant 1 : i32
      %add3A_279 = arith.addi %mul3A_246, %add3A_278 : i32
      %add3A_280 = arith.constant 320000 : i32
      %add3A_281 = arith.addi %add3A_280, %mul3A_5 : i32
      %mul3A_282 = arith.constant 64 : i32
      %mul3A_283 = arith.muli %add3A_279, %mul3A_282 : i32
      %add3A_284 = arith.addi %add3A_281, %mul3A_283 : i32
      %dma_wait3A_285 = tpu.memref_slice %arg3[%add3A_284] : memref<640000xi32, #tpu.memory_space<hbm>> -> memref<64xi32, #tpu.memory_space<hbm>>
      %dma_wait3A_286 = tpu.memref_slice %arg3[%add3A_284] : memref<640000xi32, #tpu.memory_space<hbm>> -> memref<64xi32, #tpu.memory_space<hbm>>
      tpu.wait_dma2 semaphore(%arg22 : memref<!tpu.dma_semaphore, #tpu.memory_space<semaphore_mem>>) src(%dma_wait3A_286 : memref<64xi32, #tpu.memory_space<hbm>>) dst(%arg8 : memref<64xi32, #tpu.memory_space<vmem>>)
      %add3A_287 = arith.constant 1 : i32
      %add3A_288 = arith.addi %mul3A_246, %add3A_287 : i32
      "tpu.region"() ({
        %run_scoped3A = tpu.sem_alloc : memref<!tpu.dma_semaphore, #tpu.memory_space<semaphore_mem>>
        %dma_start3A_342 = arith.constant 0 : i32
        %dma_start3A_343 = arith.constant 0 : i32
        %dma_start3A_344 = tpu.memref_slice %arg5[%dma_start3A_342, %dma_start3A_343] : memref<10112x128xf32, #tpu.memory_space<vmem_shared>> -> memref<10112x128xf32, #tpu.memory_space<vmem_shared>>
        tpu.enqueue_indirect_dma source(%arg12 : memref<64x128xf32, #tpu.memory_space<vmem>>) target(%dma_start3A_344 : memref<10112x128xf32, #tpu.memory_space<vmem_shared>>) offsets(%arg8 : memref<64xi32, #tpu.memory_space<vmem>>) semaphore(%run_scoped3A : memref<!tpu.dma_semaphore, #tpu.memory_space<semaphore_mem>>) {add = true}
        %dma_wait3A_345 = arith.constant 0 : i32
        %dma_wait3A_346 = arith.constant 0 : i32
        %dma_wait3A_347 = tpu.memref_slice %arg5[%dma_wait3A_345, %dma_wait3A_346] : memref<10112x128xf32, #tpu.memory_space<vmem_shared>> -> memref<10112x128xf32, #tpu.memory_space<vmem_shared>>
        tpu.wait_indirect_dma semaphore(%run_scoped3A : memref<!tpu.dma_semaphore, #tpu.memory_space<semaphore_mem>>) src(%arg12 : memref<64x128xf32, #tpu.memory_space<vmem>>) dst(%dma_wait3A_347 : memref<10112x128xf32, #tpu.memory_space<vmem_shared>>)
        tpu.yield
      }) : () -> ()
      %lt3A_289 = arith.constant 38 : i32
      %lt3A_290 = arith.cmpi slt, %scan3A_244, %lt3A_289 : i32
      %convert_element_type3A_291 = arith.extui %lt3A_290 : i1 to i32
      %cond3A_292 = arith.constant 0 : i32
      %cond3A_293 = arith.cmpi ne, %convert_element_type3A_291, %cond3A_292 : i32
      scf.if %cond3A_293 {
        %add3A_342 = arith.constant 1 : i32
        %add3A_343 = arith.addi %mul3A_246, %add3A_342 : i32
        %add3A_344 = arith.constant 4 : i32
        %add3A_345 = arith.addi %add3A_343, %add3A_344 : i32
        %add3A_346 = arith.constant 320000 : i32
        %add3A_347 = arith.addi %add3A_346, %mul3A_5 : i32
        %mul3A_348 = arith.constant 64 : i32
        %mul3A_349 = arith.muli %add3A_345, %mul3A_348 : i32
        %add3A_350 = arith.addi %add3A_347, %mul3A_349 : i32
        %dma_start3A_351 = tpu.memref_slice %arg3[%add3A_350] : memref<640000xi32, #tpu.memory_space<hbm>> -> memref<64xi32, #tpu.memory_space<hbm>>
        %dma_start3A_352 = tpu.memref_slice %arg3[%add3A_350] : memref<640000xi32, #tpu.memory_space<hbm>> -> memref<64xi32, #tpu.memory_space<hbm>>
        tpu.enqueue_dma source(%dma_start3A_352 : memref<64xi32, #tpu.memory_space<hbm>>) target(%arg8 : memref<64xi32, #tpu.memory_space<vmem>>) target_semaphore(%arg22 : memref<!tpu.dma_semaphore, #tpu.memory_space<semaphore_mem>>)
        %add3A_353 = arith.constant 1 : i32
        %add3A_354 = arith.addi %mul3A_246, %add3A_353 : i32
        %add3A_355 = arith.constant 4 : i32
        %add3A_356 = arith.addi %add3A_354, %add3A_355 : i32
        %mul3A_357 = arith.constant 64 : i32
        %mul3A_358 = arith.muli %add3A_356, %mul3A_357 : i32
        %dma_start3A_359 = tpu.memref_slice %arg6[%mul3A_358] : memref<10000xi32, #tpu.memory_space<vmem>> -> memref<64xi32, #tpu.memory_space<vmem>>
        %dma_start3A_360 = arith.constant 0 : i32
        %dma_start3A_361 = arith.constant 0 : i32
        %dma_start3A_362 = tpu.memref_slice %arg2[%dma_start3A_360, %dma_start3A_361] : memref<10000x128xf32, #tpu.memory_space<hbm>> -> memref<10000x128xf32, #tpu.memory_space<hbm>>
        tpu.enqueue_indirect_dma source(%dma_start3A_362 : memref<10000x128xf32, #tpu.memory_space<hbm>>) target(%arg12 : memref<64x128xf32, #tpu.memory_space<vmem>>) offsets(%dma_start3A_359 : memref<64xi32, #tpu.memory_space<vmem>>) semaphore(%arg18 : memref<!tpu.dma_semaphore, #tpu.memory_space<semaphore_mem>>)
      } else {
      }
      %add3A_294 = arith.constant 2 : i32
      %add3A_295 = arith.addi %mul3A_246, %add3A_294 : i32
      %mul3A_296 = arith.constant 64 : i32
      %mul3A_297 = arith.muli %add3A_295, %mul3A_296 : i32
      %dma_wait3A_298 = tpu.memref_slice %arg6[%mul3A_297] : memref<10000xi32, #tpu.memory_space<vmem>> -> memref<64xi32, #tpu.memory_space<vmem>>
      %dma_wait3A_299 = arith.constant 0 : i32
      %dma_wait3A_300 = arith.constant 0 : i32
      %dma_wait3A_301 = tpu.memref_slice %arg2[%dma_wait3A_299, %dma_wait3A_300] : memref<10000x128xf32, #tpu.memory_space<hbm>> -> memref<10000x128xf32, #tpu.memory_space<hbm>>
      tpu.wait_indirect_dma semaphore(%arg19 : memref<!tpu.dma_semaphore, #tpu.memory_space<semaphore_mem>>) src(%dma_wait3A_301 : memref<10000x128xf32, #tpu.memory_space<hbm>>) dst(%arg13 : memref<64x128xf32, #tpu.memory_space<vmem>>)
      %add3A_302 = arith.constant 2 : i32
      %add3A_303 = arith.addi %mul3A_246, %add3A_302 : i32
      %add3A_304 = arith.constant 320000 : i32
      %add3A_305 = arith.addi %add3A_304, %mul3A_5 : i32
      %mul3A_306 = arith.constant 64 : i32
      %mul3A_307 = arith.muli %add3A_303, %mul3A_306 : i32
      %add3A_308 = arith.addi %add3A_305, %mul3A_307 : i32
      %dma_wait3A_309 = tpu.memref_slice %arg3[%add3A_308] : memref<640000xi32, #tpu.memory_space<hbm>> -> memref<64xi32, #tpu.memory_space<hbm>>
      %dma_wait3A_310 = tpu.memref_slice %arg3[%add3A_308] : memref<640000xi32, #tpu.memory_space<hbm>> -> memref<64xi32, #tpu.memory_space<hbm>>
      tpu.wait_dma2 semaphore(%arg23 : memref<!tpu.dma_semaphore, #tpu.memory_space<semaphore_mem>>) src(%dma_wait3A_310 : memref<64xi32, #tpu.memory_space<hbm>>) dst(%arg9 : memref<64xi32, #tpu.memory_space<vmem>>)
      %add3A_311 = arith.constant 2 : i32
      %add3A_312 = arith.addi %mul3A_246, %add3A_311 : i32
      "tpu.region"() ({
        %run_scoped3A = tpu.sem_alloc : memref<!tpu.dma_semaphore, #tpu.memory_space<semaphore_mem>>
        %dma_start3A_342 = arith.constant 0 : i32
        %dma_start3A_343 = arith.constant 0 : i32
        %dma_start3A_344 = tpu.memref_slice %arg5[%dma_start3A_342, %dma_start3A_343] : memref<10112x128xf32, #tpu.memory_space<vmem_shared>> -> memref<10112x128xf32, #tpu.memory_space<vmem_shared>>
        tpu.enqueue_indirect_dma source(%arg13 : memref<64x128xf32, #tpu.memory_space<vmem>>) target(%dma_start3A_344 : memref<10112x128xf32, #tpu.memory_space<vmem_shared>>) offsets(%arg9 : memref<64xi32, #tpu.memory_space<vmem>>) semaphore(%run_scoped3A : memref<!tpu.dma_semaphore, #tpu.memory_space<semaphore_mem>>) {add = true}
        %dma_wait3A_345 = arith.constant 0 : i32
        %dma_wait3A_346 = arith.constant 0 : i32
        %dma_wait3A_347 = tpu.memref_slice %arg5[%dma_wait3A_345, %dma_wait3A_346] : memref<10112x128xf32, #tpu.memory_space<vmem_shared>> -> memref<10112x128xf32, #tpu.memory_space<vmem_shared>>
        tpu.wait_indirect_dma semaphore(%run_scoped3A : memref<!tpu.dma_semaphore, #tpu.memory_space<semaphore_mem>>) src(%arg13 : memref<64x128xf32, #tpu.memory_space<vmem>>) dst(%dma_wait3A_347 : memref<10112x128xf32, #tpu.memory_space<vmem_shared>>)
        tpu.yield
      }) : () -> ()
      %lt3A_313 = arith.constant 38 : i32
      %lt3A_314 = arith.cmpi slt, %scan3A_244, %lt3A_313 : i32
      %convert_element_type3A_315 = arith.extui %lt3A_314 : i1 to i32
      %cond3A_316 = arith.constant 0 : i32
      %cond3A_317 = arith.cmpi ne, %convert_element_type3A_315, %cond3A_316 : i32
      scf.if %cond3A_317 {
        %add3A_342 = arith.constant 2 : i32
        %add3A_343 = arith.addi %mul3A_246, %add3A_342 : i32
        %add3A_344 = arith.constant 4 : i32
        %add3A_345 = arith.addi %add3A_343, %add3A_344 : i32
        %add3A_346 = arith.constant 320000 : i32
        %add3A_347 = arith.addi %add3A_346, %mul3A_5 : i32
        %mul3A_348 = arith.constant 64 : i32
        %mul3A_349 = arith.muli %add3A_345, %mul3A_348 : i32
        %add3A_350 = arith.addi %add3A_347, %mul3A_349 : i32
        %dma_start3A_351 = tpu.memref_slice %arg3[%add3A_350] : memref<640000xi32, #tpu.memory_space<hbm>> -> memref<64xi32, #tpu.memory_space<hbm>>
        %dma_start3A_352 = tpu.memref_slice %arg3[%add3A_350] : memref<640000xi32, #tpu.memory_space<hbm>> -> memref<64xi32, #tpu.memory_space<hbm>>
        tpu.enqueue_dma source(%dma_start3A_352 : memref<64xi32, #tpu.memory_space<hbm>>) target(%arg9 : memref<64xi32, #tpu.memory_space<vmem>>) target_semaphore(%arg23 : memref<!tpu.dma_semaphore, #tpu.memory_space<semaphore_mem>>)
        %add3A_353 = arith.constant 2 : i32
        %add3A_354 = arith.addi %mul3A_246, %add3A_353 : i32
        %add3A_355 = arith.constant 4 : i32
        %add3A_356 = arith.addi %add3A_354, %add3A_355 : i32
        %mul3A_357 = arith.constant 64 : i32
        %mul3A_358 = arith.muli %add3A_356, %mul3A_357 : i32
        %dma_start3A_359 = tpu.memref_slice %arg6[%mul3A_358] : memref<10000xi32, #tpu.memory_space<vmem>> -> memref<64xi32, #tpu.memory_space<vmem>>
        %dma_start3A_360 = arith.constant 0 : i32
        %dma_start3A_361 = arith.constant 0 : i32
        %dma_start3A_362 = tpu.memref_slice %arg2[%dma_start3A_360, %dma_start3A_361] : memref<10000x128xf32, #tpu.memory_space<hbm>> -> memref<10000x128xf32, #tpu.memory_space<hbm>>
        tpu.enqueue_indirect_dma source(%dma_start3A_362 : memref<10000x128xf32, #tpu.memory_space<hbm>>) target(%arg13 : memref<64x128xf32, #tpu.memory_space<vmem>>) offsets(%dma_start3A_359 : memref<64xi32, #tpu.memory_space<vmem>>) semaphore(%arg19 : memref<!tpu.dma_semaphore, #tpu.memory_space<semaphore_mem>>)
      } else {
      }
      %add3A_318 = arith.constant 3 : i32
      %add3A_319 = arith.addi %mul3A_246, %add3A_318 : i32
      %mul3A_320 = arith.constant 64 : i32
      %mul3A_321 = arith.muli %add3A_319, %mul3A_320 : i32
      %dma_wait3A_322 = tpu.memref_slice %arg6[%mul3A_321] : memref<10000xi32, #tpu.memory_space<vmem>> -> memref<64xi32, #tpu.memory_space<vmem>>
      %dma_wait3A_323 = arith.constant 0 : i32
      %dma_wait3A_324 = arith.constant 0 : i32
      %dma_wait3A_325 = tpu.memref_slice %arg2[%dma_wait3A_323, %dma_wait3A_324] : memref<10000x128xf32, #tpu.memory_space<hbm>> -> memref<10000x128xf32, #tpu.memory_space<hbm>>
      tpu.wait_indirect_dma semaphore(%arg20 : memref<!tpu.dma_semaphore, #tpu.memory_space<semaphore_mem>>) src(%dma_wait3A_325 : memref<10000x128xf32, #tpu.memory_space<hbm>>) dst(%arg14 : memref<64x128xf32, #tpu.memory_space<vmem>>)
      %add3A_326 = arith.constant 3 : i32
      %add3A_327 = arith.addi %mul3A_246, %add3A_326 : i32
      %add3A_328 = arith.constant 320000 : i32
      %add3A_329 = arith.addi %add3A_328, %mul3A_5 : i32
      %mul3A_330 = arith.constant 64 : i32
      %mul3A_331 = arith.muli %add3A_327, %mul3A_330 : i32
      %add3A_332 = arith.addi %add3A_329, %mul3A_331 : i32
      %dma_wait3A_333 = tpu.memref_slice %arg3[%add3A_332] : memref<640000xi32, #tpu.memory_space<hbm>> -> memref<64xi32, #tpu.memory_space<hbm>>
      %dma_wait3A_334 = tpu.memref_slice %arg3[%add3A_332] : memref<640000xi32, #tpu.memory_space<hbm>> -> memref<64xi32, #tpu.memory_space<hbm>>
      tpu.wait_dma2 semaphore(%arg24 : memref<!tpu.dma_semaphore, #tpu.memory_space<semaphore_mem>>) src(%dma_wait3A_334 : memref<64xi32, #tpu.memory_space<hbm>>) dst(%arg10 : memref<64xi32, #tpu.memory_space<vmem>>)
      %add3A_335 = arith.constant 3 : i32
      %add3A_336 = arith.addi %mul3A_246, %add3A_335 : i32
      "tpu.region"() ({
        %run_scoped3A = tpu.sem_alloc : memref<!tpu.dma_semaphore, #tpu.memory_space<semaphore_mem>>
        %dma_start3A_342 = arith.constant 0 : i32
        %dma_start3A_343 = arith.constant 0 : i32
        %dma_start3A_344 = tpu.memref_slice %arg5[%dma_start3A_342, %dma_start3A_343] : memref<10112x128xf32, #tpu.memory_space<vmem_shared>> -> memref<10112x128xf32, #tpu.memory_space<vmem_shared>>
        tpu.enqueue_indirect_dma source(%arg14 : memref<64x128xf32, #tpu.memory_space<vmem>>) target(%dma_start3A_344 : memref<10112x128xf32, #tpu.memory_space<vmem_shared>>) offsets(%arg10 : memref<64xi32, #tpu.memory_space<vmem>>) semaphore(%run_scoped3A : memref<!tpu.dma_semaphore, #tpu.memory_space<semaphore_mem>>) {add = true}
        %dma_wait3A_345 = arith.constant 0 : i32
        %dma_wait3A_346 = arith.constant 0 : i32
        %dma_wait3A_347 = tpu.memref_slice %arg5[%dma_wait3A_345, %dma_wait3A_346] : memref<10112x128xf32, #tpu.memory_space<vmem_shared>> -> memref<10112x128xf32, #tpu.memory_space<vmem_shared>>
        tpu.wait_indirect_dma semaphore(%run_scoped3A : memref<!tpu.dma_semaphore, #tpu.memory_space<semaphore_mem>>) src(%arg14 : memref<64x128xf32, #tpu.memory_space<vmem>>) dst(%dma_wait3A_347 : memref<10112x128xf32, #tpu.memory_space<vmem_shared>>)
        tpu.yield
      }) : () -> ()
      %lt3A_337 = arith.constant 38 : i32
      %lt3A_338 = arith.cmpi slt, %scan3A_244, %lt3A_337 : i32
      %convert_element_type3A_339 = arith.extui %lt3A_338 : i1 to i32
      %cond3A_340 = arith.constant 0 : i32
      %cond3A_341 = arith.cmpi ne, %convert_element_type3A_339, %cond3A_340 : i32
      scf.if %cond3A_341 {
        %add3A_342 = arith.constant 3 : i32
        %add3A_343 = arith.addi %mul3A_246, %add3A_342 : i32
        %add3A_344 = arith.constant 4 : i32
        %add3A_345 = arith.addi %add3A_343, %add3A_344 : i32
        %add3A_346 = arith.constant 320000 : i32
        %add3A_347 = arith.addi %add3A_346, %mul3A_5 : i32
        %mul3A_348 = arith.constant 64 : i32
        %mul3A_349 = arith.muli %add3A_345, %mul3A_348 : i32
        %add3A_350 = arith.addi %add3A_347, %mul3A_349 : i32
        %dma_start3A_351 = tpu.memref_slice %arg3[%add3A_350] : memref<640000xi32, #tpu.memory_space<hbm>> -> memref<64xi32, #tpu.memory_space<hbm>>
        %dma_start3A_352 = tpu.memref_slice %arg3[%add3A_350] : memref<640000xi32, #tpu.memory_space<hbm>> -> memref<64xi32, #tpu.memory_space<hbm>>
        tpu.enqueue_dma source(%dma_start3A_352 : memref<64xi32, #tpu.memory_space<hbm>>) target(%arg10 : memref<64xi32, #tpu.memory_space<vmem>>) target_semaphore(%arg24 : memref<!tpu.dma_semaphore, #tpu.memory_space<semaphore_mem>>)
        %add3A_353 = arith.constant 3 : i32
        %add3A_354 = arith.addi %mul3A_246, %add3A_353 : i32
        %add3A_355 = arith.constant 4 : i32
        %add3A_356 = arith.addi %add3A_354, %add3A_355 : i32
        %mul3A_357 = arith.constant 64 : i32
        %mul3A_358 = arith.muli %add3A_356, %mul3A_357 : i32
        %dma_start3A_359 = tpu.memref_slice %arg6[%mul3A_358] : memref<10000xi32, #tpu.memory_space<vmem>> -> memref<64xi32, #tpu.memory_space<vmem>>
        %dma_start3A_360 = arith.constant 0 : i32
        %dma_start3A_361 = arith.constant 0 : i32
        %dma_start3A_362 = tpu.memref_slice %arg2[%dma_start3A_360, %dma_start3A_361] : memref<10000x128xf32, #tpu.memory_space<hbm>> -> memref<10000x128xf32, #tpu.memory_space<hbm>>
        tpu.enqueue_indirect_dma source(%dma_start3A_362 : memref<10000x128xf32, #tpu.memory_space<hbm>>) target(%arg14 : memref<64x128xf32, #tpu.memory_space<vmem>>) offsets(%dma_start3A_359 : memref<64xi32, #tpu.memory_space<vmem>>) semaphore(%arg20 : memref<!tpu.dma_semaphore, #tpu.memory_space<semaphore_mem>>)
      } else {
      }
    }
    %scan3A_126 = arith.constant 39 : i32
    %add3A_127 = arith.constant 9984 : i32
    %add3A_128 = arith.addi %mul3A_5, %add3A_127 : i32
    %add3A_129 = arith.constant 320000 : i32
    %add3A_130 = arith.addi %add3A_129, %add3A_128 : i32
    "tpu.region"() ({
      %run_scoped3A = tpu.sem_alloc : memref<!tpu.dma_semaphore, #tpu.memory_space<semaphore_mem>>
      %dma_start3A_244 = tpu.memref_slice %arg3[%add3A_130] : memref<640000xi32, #tpu.memory_space<hbm>> -> memref<16xi32, #tpu.memory_space<hbm>>
      %dma_start3A_245 = tpu.memref_slice %arg3[%add3A_130] : memref<640000xi32, #tpu.memory_space<hbm>> -> memref<16xi32, #tpu.memory_space<hbm>>
      tpu.enqueue_dma source(%dma_start3A_245 : memref<16xi32, #tpu.memory_space<hbm>>) target(%arg15 : memref<16xi32, #tpu.memory_space<vmem>>) target_semaphore(%run_scoped3A : memref<!tpu.dma_semaphore, #tpu.memory_space<semaphore_mem>>)
      %dma_wait3A = tpu.memref_slice %arg3[%add3A_130] : memref<640000xi32, #tpu.memory_space<hbm>> -> memref<16xi32, #tpu.memory_space<hbm>>
      %dma_wait3A_246 = tpu.memref_slice %arg3[%add3A_130] : memref<640000xi32, #tpu.memory_space<hbm>> -> memref<16xi32, #tpu.memory_space<hbm>>
      tpu.wait_dma2 semaphore(%run_scoped3A : memref<!tpu.dma_semaphore, #tpu.memory_space<semaphore_mem>>) src(%dma_wait3A_246 : memref<16xi32, #tpu.memory_space<hbm>>) dst(%arg15 : memref<16xi32, #tpu.memory_space<vmem>>)
      tpu.yield
    }) : () -> ()
    "tpu.region"() ({
      %run_scoped3A = tpu.sem_alloc : memref<!tpu.dma_semaphore, #tpu.memory_space<semaphore_mem>>
      %dma_start3A_244 = arith.constant 9984 : i32
      %dma_start3A_245 = tpu.memref_slice %arg6[%dma_start3A_244] : memref<10000xi32, #tpu.memory_space<vmem>> -> memref<16xi32, #tpu.memory_space<vmem>>
      %dma_start3A_246 = arith.constant 0 : i32
      %dma_start3A_247 = arith.constant 0 : i32
      %dma_start3A_248 = tpu.memref_slice %arg2[%dma_start3A_246, %dma_start3A_247] : memref<10000x128xf32, #tpu.memory_space<hbm>> -> memref<10000x128xf32, #tpu.memory_space<hbm>>
      tpu.enqueue_indirect_dma source(%dma_start3A_248 : memref<10000x128xf32, #tpu.memory_space<hbm>>) target(%arg16 : memref<16x128xf32, #tpu.memory_space<vmem>>) offsets(%dma_start3A_245 : memref<16xi32, #tpu.memory_space<vmem>>) semaphore(%run_scoped3A : memref<!tpu.dma_semaphore, #tpu.memory_space<semaphore_mem>>)
      %dma_wait3A = arith.constant 9984 : i32
      %dma_wait3A_249 = tpu.memref_slice %arg6[%dma_wait3A] : memref<10000xi32, #tpu.memory_space<vmem>> -> memref<16xi32, #tpu.memory_space<vmem>>
      %dma_wait3A_250 = arith.constant 0 : i32
      %dma_wait3A_251 = arith.constant 0 : i32
      %dma_wait3A_252 = tpu.memref_slice %arg2[%dma_wait3A_250, %dma_wait3A_251] : memref<10000x128xf32, #tpu.memory_space<hbm>> -> memref<10000x128xf32, #tpu.memory_space<hbm>>
      tpu.wait_indirect_dma semaphore(%run_scoped3A : memref<!tpu.dma_semaphore, #tpu.memory_space<semaphore_mem>>) src(%dma_wait3A_252 : memref<10000x128xf32, #tpu.memory_space<hbm>>) dst(%arg16 : memref<16x128xf32, #tpu.memory_space<vmem>>)
      tpu.yield
    }) : () -> ()
    "tpu.region"() ({
      %run_scoped3A = tpu.sem_alloc : memref<!tpu.dma_semaphore, #tpu.memory_space<semaphore_mem>>
      %dma_start3A_244 = arith.constant 0 : i32
      %dma_start3A_245 = arith.constant 0 : i32
      %dma_start3A_246 = tpu.memref_slice %arg5[%dma_start3A_244, %dma_start3A_245] : memref<10112x128xf32, #tpu.memory_space<vmem_shared>> -> memref<10112x128xf32, #tpu.memory_space<vmem_shared>>
      tpu.enqueue_indirect_dma source(%arg16 : memref<16x128xf32, #tpu.memory_space<vmem>>) target(%dma_start3A_246 : memref<10112x128xf32, #tpu.memory_space<vmem_shared>>) offsets(%arg15 : memref<16xi32, #tpu.memory_space<vmem>>) semaphore(%run_scoped3A : memref<!tpu.dma_semaphore, #tpu.memory_space<semaphore_mem>>) {add = true}
      %dma_wait3A = arith.constant 0 : i32
      %dma_wait3A_247 = arith.constant 0 : i32
      %dma_wait3A_248 = tpu.memref_slice %arg5[%dma_wait3A, %dma_wait3A_247] : memref<10112x128xf32, #tpu.memory_space<vmem_shared>> -> memref<10112x128xf32, #tpu.memory_space<vmem_shared>>
      tpu.wait_indirect_dma semaphore(%run_scoped3A : memref<!tpu.dma_semaphore, #tpu.memory_space<semaphore_mem>>) src(%arg16 : memref<16x128xf32, #tpu.memory_space<vmem>>) dst(%dma_wait3A_248 : memref<10112x128xf32, #tpu.memory_space<vmem_shared>>)
      tpu.yield
    }) : () -> ()
    %barrier3A_131 = arith.constant 0 : index
    tpu.barrier barrier_id(%barrier3A_131)
    %add3A_132 = arith.constant 0 : i32
    %add3A_133 = arith.addi %arg1, %add3A_132 : i32
    %lt3A_134 = arith.constant 250 : i32
    %lt3A_135 = arith.cmpi slt, %add3A_133, %lt3A_134 : i32
    %convert_element_type3A_136 = arith.extui %lt3A_135 : i1 to i32
    %cond3A_137 = arith.constant 0 : i32
    %cond3A_138 = arith.cmpi ne, %convert_element_type3A_136, %cond3A_137 : i32
    scf.if %cond3A_138 {
      %mul3A_244 = arith.constant 40 : i32
      %mul3A_245 = arith.muli %add3A_133, %mul3A_244 : i32
      %mul3A_246 = arith.constant 40 : i32
      %mul3A_247 = arith.muli %add3A_133, %mul3A_246 : i32
      "tpu.region"() ({
        %run_scoped3A = tpu.sem_alloc : memref<!tpu.dma_semaphore, #tpu.memory_space<semaphore_mem>>
        %dma_start3A_248 = arith.constant 0 : i32
        %dma_start3A_249 = tpu.memref_slice %arg4[%arg0, %mul3A_247, %dma_start3A_248] : memref<2x10000x128xf32, #tpu.memory_space<hbm>> -> memref<1x40x128xf32, #tpu.memory_space<hbm>>
        %dma_start3A_250 = tpu.memref_squeeze %dma_start3A_249 : memref<1x40x128xf32, #tpu.memory_space<hbm>> -> memref<40x128xf32, #tpu.memory_space<hbm>>
        %dma_start3A_251 = arith.constant 0 : i32
        %dma_start3A_252 = tpu.memref_slice %arg5[%mul3A_245, %dma_start3A_251] : memref<10112x128xf32, #tpu.memory_space<vmem_shared>> -> memref<40x128xf32, #tpu.memory_space<vmem_shared>>
        tpu.enqueue_dma source(%dma_start3A_252 : memref<40x128xf32, #tpu.memory_space<vmem_shared>>) target(%dma_start3A_250 : memref<40x128xf32, #tpu.memory_space<hbm>>) target_semaphore(%run_scoped3A : memref<!tpu.dma_semaphore, #tpu.memory_space<semaphore_mem>>)
        %dma_wait3A = arith.constant 0 : i32
        %dma_wait3A_253 = tpu.memref_slice %arg4[%arg0, %mul3A_247, %dma_wait3A] : memref<2x10000x128xf32, #tpu.memory_space<hbm>> -> memref<1x40x128xf32, #tpu.memory_space<hbm>>
        %dma_wait3A_254 = tpu.memref_squeeze %dma_wait3A_253 : memref<1x40x128xf32, #tpu.memory_space<hbm>> -> memref<40x128xf32, #tpu.memory_space<hbm>>
        %dma_wait3A_255 = arith.constant 0 : i32
        %dma_wait3A_256 = tpu.memref_slice %arg5[%mul3A_245, %dma_wait3A_255] : memref<10112x128xf32, #tpu.memory_space<vmem_shared>> -> memref<40x128xf32, #tpu.memory_space<vmem_shared>>
        tpu.wait_dma2 semaphore(%run_scoped3A : memref<!tpu.dma_semaphore, #tpu.memory_space<semaphore_mem>>) src(%dma_wait3A_256 : memref<40x128xf32, #tpu.memory_space<vmem_shared>>) dst(%dma_wait3A_254 : memref<40x128xf32, #tpu.memory_space<hbm>>)
        tpu.yield
      }) : () -> ()
    } else {
    }
    %add3A_139 = arith.constant 16 : i32
    %add3A_140 = arith.addi %arg1, %add3A_139 : i32
    %lt3A_141 = arith.constant 250 : i32
    %lt3A_142 = arith.cmpi slt, %add3A_140, %lt3A_141 : i32
    %convert_element_type3A_143 = arith.extui %lt3A_142 : i1 to i32
    %cond3A_144 = arith.constant 0 : i32
    %cond3A_145 = arith.cmpi ne, %convert_element_type3A_143, %cond3A_144 : i32
    scf.if %cond3A_145 {
      %mul3A_244 = arith.constant 40 : i32
      %mul3A_245 = arith.muli %add3A_140, %mul3A_244 : i32
      %mul3A_246 = arith.constant 40 : i32
      %mul3A_247 = arith.muli %add3A_140, %mul3A_246 : i32
      "tpu.region"() ({
        %run_scoped3A = tpu.sem_alloc : memref<!tpu.dma_semaphore, #tpu.memory_space<semaphore_mem>>
        %dma_start3A_248 = arith.constant 0 : i32
        %dma_start3A_249 = tpu.memref_slice %arg4[%arg0, %mul3A_247, %dma_start3A_248] : memref<2x10000x128xf32, #tpu.memory_space<hbm>> -> memref<1x40x128xf32, #tpu.memory_space<hbm>>
        %dma_start3A_250 = tpu.memref_squeeze %dma_start3A_249 : memref<1x40x128xf32, #tpu.memory_space<hbm>> -> memref<40x128xf32, #tpu.memory_space<hbm>>
        %dma_start3A_251 = arith.constant 0 : i32
        %dma_start3A_252 = tpu.memref_slice %arg5[%mul3A_245, %dma_start3A_251] : memref<10112x128xf32, #tpu.memory_space<vmem_shared>> -> memref<40x128xf32, #tpu.memory_space<vmem_shared>>
        tpu.enqueue_dma source(%dma_start3A_252 : memref<40x128xf32, #tpu.memory_space<vmem_shared>>) target(%dma_start3A_250 : memref<40x128xf32, #tpu.memory_space<hbm>>) target_semaphore(%run_scoped3A : memref<!tpu.dma_semaphore, #tpu.memory_space<semaphore_mem>>)
        %dma_wait3A = arith.constant 0 : i32
        %dma_wait3A_253 = tpu.memref_slice %arg4[%arg0, %mul3A_247, %dma_wait3A] : memref<2x10000x128xf32, #tpu.memory_space<hbm>> -> memref<1x40x128xf32, #tpu.memory_space<hbm>>
        %dma_wait3A_254 = tpu.memref_squeeze %dma_wait3A_253 : memref<1x40x128xf32, #tpu.memory_space<hbm>> -> memref<40x128xf32, #tpu.memory_space<hbm>>
        %dma_wait3A_255 = arith.constant 0 : i32
        %dma_wait3A_256 = tpu.memref_slice %arg5[%mul3A_245, %dma_wait3A_255] : memref<10112x128xf32, #tpu.memory_space<vmem_shared>> -> memref<40x128xf32, #tpu.memory_space<vmem_shared>>
        tpu.wait_dma2 semaphore(%run_scoped3A : memref<!tpu.dma_semaphore, #tpu.memory_space<semaphore_mem>>) src(%dma_wait3A_256 : memref<40x128xf32, #tpu.memory_space<vmem_shared>>) dst(%dma_wait3A_254 : memref<40x128xf32, #tpu.memory_space<hbm>>)
        tpu.yield
      }) : () -> ()
    } else {
    }
    %add3A_146 = arith.constant 32 : i32
    %add3A_147 = arith.addi %arg1, %add3A_146 : i32
    %lt3A_148 = arith.constant 250 : i32
    %lt3A_149 = arith.cmpi slt, %add3A_147, %lt3A_148 : i32
    %convert_element_type3A_150 = arith.extui %lt3A_149 : i1 to i32
    %cond3A_151 = arith.constant 0 : i32
    %cond3A_152 = arith.cmpi ne, %convert_element_type3A_150, %cond3A_151 : i32
    scf.if %cond3A_152 {
      %mul3A_244 = arith.constant 40 : i32
      %mul3A_245 = arith.muli %add3A_147, %mul3A_244 : i32
      %mul3A_246 = arith.constant 40 : i32
      %mul3A_247 = arith.muli %add3A_147, %mul3A_246 : i32
      "tpu.region"() ({
        %run_scoped3A = tpu.sem_alloc : memref<!tpu.dma_semaphore, #tpu.memory_space<semaphore_mem>>
        %dma_start3A_248 = arith.constant 0 : i32
        %dma_start3A_249 = tpu.memref_slice %arg4[%arg0, %mul3A_247, %dma_start3A_248] : memref<2x10000x128xf32, #tpu.memory_space<hbm>> -> memref<1x40x128xf32, #tpu.memory_space<hbm>>
        %dma_start3A_250 = tpu.memref_squeeze %dma_start3A_249 : memref<1x40x128xf32, #tpu.memory_space<hbm>> -> memref<40x128xf32, #tpu.memory_space<hbm>>
        %dma_start3A_251 = arith.constant 0 : i32
        %dma_start3A_252 = tpu.memref_slice %arg5[%mul3A_245, %dma_start3A_251] : memref<10112x128xf32, #tpu.memory_space<vmem_shared>> -> memref<40x128xf32, #tpu.memory_space<vmem_shared>>
        tpu.enqueue_dma source(%dma_start3A_252 : memref<40x128xf32, #tpu.memory_space<vmem_shared>>) target(%dma_start3A_250 : memref<40x128xf32, #tpu.memory_space<hbm>>) target_semaphore(%run_scoped3A : memref<!tpu.dma_semaphore, #tpu.memory_space<semaphore_mem>>)
        %dma_wait3A = arith.constant 0 : i32
        %dma_wait3A_253 = tpu.memref_slice %arg4[%arg0, %mul3A_247, %dma_wait3A] : memref<2x10000x128xf32, #tpu.memory_space<hbm>> -> memref<1x40x128xf32, #tpu.memory_space<hbm>>
        %dma_wait3A_254 = tpu.memref_squeeze %dma_wait3A_253 : memref<1x40x128xf32, #tpu.memory_space<hbm>> -> memref<40x128xf32, #tpu.memory_space<hbm>>
        %dma_wait3A_255 = arith.constant 0 : i32
        %dma_wait3A_256 = tpu.memref_slice %arg5[%mul3A_245, %dma_wait3A_255] : memref<10112x128xf32, #tpu.memory_space<vmem_shared>> -> memref<40x128xf32, #tpu.memory_space<vmem_shared>>
        tpu.wait_dma2 semaphore(%run_scoped3A : memref<!tpu.dma_semaphore, #tpu.memory_space<semaphore_mem>>) src(%dma_wait3A_256 : memref<40x128xf32, #tpu.memory_space<vmem_shared>>) dst(%dma_wait3A_254 : memref<40x128xf32, #tpu.memory_space<hbm>>)
        tpu.yield
      }) : () -> ()
    } else {
    }
    %add3A_153 = arith.constant 48 : i32
    %add3A_154 = arith.addi %arg1, %add3A_153 : i32
    %lt3A_155 = arith.constant 250 : i32
    %lt3A_156 = arith.cmpi slt, %add3A_154, %lt3A_155 : i32
    %convert_element_type3A_157 = arith.extui %lt3A_156 : i1 to i32
    %cond3A_158 = arith.constant 0 : i32
    %cond3A_159 = arith.cmpi ne, %convert_element_type3A_157, %cond3A_158 : i32
    scf.if %cond3A_159 {
      %mul3A_244 = arith.constant 40 : i32
      %mul3A_245 = arith.muli %add3A_154, %mul3A_244 : i32
      %mul3A_246 = arith.constant 40 : i32
      %mul3A_247 = arith.muli %add3A_154, %mul3A_246 : i32
      "tpu.region"() ({
        %run_scoped3A = tpu.sem_alloc : memref<!tpu.dma_semaphore, #tpu.memory_space<semaphore_mem>>
        %dma_start3A_248 = arith.constant 0 : i32
        %dma_start3A_249 = tpu.memref_slice %arg4[%arg0, %mul3A_247, %dma_start3A_248] : memref<2x10000x128xf32, #tpu.memory_space<hbm>> -> memref<1x40x128xf32, #tpu.memory_space<hbm>>
        %dma_start3A_250 = tpu.memref_squeeze %dma_start3A_249 : memref<1x40x128xf32, #tpu.memory_space<hbm>> -> memref<40x128xf32, #tpu.memory_space<hbm>>
        %dma_start3A_251 = arith.constant 0 : i32
        %dma_start3A_252 = tpu.memref_slice %arg5[%mul3A_245, %dma_start3A_251] : memref<10112x128xf32, #tpu.memory_space<vmem_shared>> -> memref<40x128xf32, #tpu.memory_space<vmem_shared>>
        tpu.enqueue_dma source(%dma_start3A_252 : memref<40x128xf32, #tpu.memory_space<vmem_shared>>) target(%dma_start3A_250 : memref<40x128xf32, #tpu.memory_space<hbm>>) target_semaphore(%run_scoped3A : memref<!tpu.dma_semaphore, #tpu.memory_space<semaphore_mem>>)
        %dma_wait3A = arith.constant 0 : i32
        %dma_wait3A_253 = tpu.memref_slice %arg4[%arg0, %mul3A_247, %dma_wait3A] : memref<2x10000x128xf32, #tpu.memory_space<hbm>> -> memref<1x40x128xf32, #tpu.memory_space<hbm>>
        %dma_wait3A_254 = tpu.memref_squeeze %dma_wait3A_253 : memref<1x40x128xf32, #tpu.memory_space<hbm>> -> memref<40x128xf32, #tpu.memory_space<hbm>>
        %dma_wait3A_255 = arith.constant 0 : i32
        %dma_wait3A_256 = tpu.memref_slice %arg5[%mul3A_245, %dma_wait3A_255] : memref<10112x128xf32, #tpu.memory_space<vmem_shared>> -> memref<40x128xf32, #tpu.memory_space<vmem_shared>>
        tpu.wait_dma2 semaphore(%run_scoped3A : memref<!tpu.dma_semaphore, #tpu.memory_space<semaphore_mem>>) src(%dma_wait3A_256 : memref<40x128xf32, #tpu.memory_space<vmem_shared>>) dst(%dma_wait3A_254 : memref<40x128xf32, #tpu.memory_space<hbm>>)
        tpu.yield
      }) : () -> ()
    } else {
    }
    %add3A_160 = arith.constant 64 : i32
    %add3A_161 = arith.addi %arg1, %add3A_160 : i32
    %lt3A_162 = arith.constant 250 : i32
    %lt3A_163 = arith.cmpi slt, %add3A_161, %lt3A_162 : i32
    %convert_element_type3A_164 = arith.extui %lt3A_163 : i1 to i32
    %cond3A_165 = arith.constant 0 : i32
    %cond3A_166 = arith.cmpi ne, %convert_element_type3A_164, %cond3A_165 : i32
    scf.if %cond3A_166 {
      %mul3A_244 = arith.constant 40 : i32
      %mul3A_245 = arith.muli %add3A_161, %mul3A_244 : i32
      %mul3A_246 = arith.constant 40 : i32
      %mul3A_247 = arith.muli %add3A_161, %mul3A_246 : i32
      "tpu.region"() ({
        %run_scoped3A = tpu.sem_alloc : memref<!tpu.dma_semaphore, #tpu.memory_space<semaphore_mem>>
        %dma_start3A_248 = arith.constant 0 : i32
        %dma_start3A_249 = tpu.memref_slice %arg4[%arg0, %mul3A_247, %dma_start3A_248] : memref<2x10000x128xf32, #tpu.memory_space<hbm>> -> memref<1x40x128xf32, #tpu.memory_space<hbm>>
        %dma_start3A_250 = tpu.memref_squeeze %dma_start3A_249 : memref<1x40x128xf32, #tpu.memory_space<hbm>> -> memref<40x128xf32, #tpu.memory_space<hbm>>
        %dma_start3A_251 = arith.constant 0 : i32
        %dma_start3A_252 = tpu.memref_slice %arg5[%mul3A_245, %dma_start3A_251] : memref<10112x128xf32, #tpu.memory_space<vmem_shared>> -> memref<40x128xf32, #tpu.memory_space<vmem_shared>>
        tpu.enqueue_dma source(%dma_start3A_252 : memref<40x128xf32, #tpu.memory_space<vmem_shared>>) target(%dma_start3A_250 : memref<40x128xf32, #tpu.memory_space<hbm>>) target_semaphore(%run_scoped3A : memref<!tpu.dma_semaphore, #tpu.memory_space<semaphore_mem>>)
        %dma_wait3A = arith.constant 0 : i32
        %dma_wait3A_253 = tpu.memref_slice %arg4[%arg0, %mul3A_247, %dma_wait3A] : memref<2x10000x128xf32, #tpu.memory_space<hbm>> -> memref<1x40x128xf32, #tpu.memory_space<hbm>>
        %dma_wait3A_254 = tpu.memref_squeeze %dma_wait3A_253 : memref<1x40x128xf32, #tpu.memory_space<hbm>> -> memref<40x128xf32, #tpu.memory_space<hbm>>
        %dma_wait3A_255 = arith.constant 0 : i32
        %dma_wait3A_256 = tpu.memref_slice %arg5[%mul3A_245, %dma_wait3A_255] : memref<10112x128xf32, #tpu.memory_space<vmem_shared>> -> memref<40x128xf32, #tpu.memory_space<vmem_shared>>
        tpu.wait_dma2 semaphore(%run_scoped3A : memref<!tpu.dma_semaphore, #tpu.memory_space<semaphore_mem>>) src(%dma_wait3A_256 : memref<40x128xf32, #tpu.memory_space<vmem_shared>>) dst(%dma_wait3A_254 : memref<40x128xf32, #tpu.memory_space<hbm>>)
        tpu.yield
      }) : () -> ()
    } else {
    }
    %add3A_167 = arith.constant 80 : i32
    %add3A_168 = arith.addi %arg1, %add3A_167 : i32
    %lt3A_169 = arith.constant 250 : i32
    %lt3A_170 = arith.cmpi slt, %add3A_168, %lt3A_169 : i32
    %convert_element_type3A_171 = arith.extui %lt3A_170 : i1 to i32
    %cond3A_172 = arith.constant 0 : i32
    %cond3A_173 = arith.cmpi ne, %convert_element_type3A_171, %cond3A_172 : i32
    scf.if %cond3A_173 {
      %mul3A_244 = arith.constant 40 : i32
      %mul3A_245 = arith.muli %add3A_168, %mul3A_244 : i32
      %mul3A_246 = arith.constant 40 : i32
      %mul3A_247 = arith.muli %add3A_168, %mul3A_246 : i32
      "tpu.region"() ({
        %run_scoped3A = tpu.sem_alloc : memref<!tpu.dma_semaphore, #tpu.memory_space<semaphore_mem>>
        %dma_start3A_248 = arith.constant 0 : i32
        %dma_start3A_249 = tpu.memref_slice %arg4[%arg0, %mul3A_247, %dma_start3A_248] : memref<2x10000x128xf32, #tpu.memory_space<hbm>> -> memref<1x40x128xf32, #tpu.memory_space<hbm>>
        %dma_start3A_250 = tpu.memref_squeeze %dma_start3A_249 : memref<1x40x128xf32, #tpu.memory_space<hbm>> -> memref<40x128xf32, #tpu.memory_space<hbm>>
        %dma_start3A_251 = arith.constant 0 : i32
        %dma_start3A_252 = tpu.memref_slice %arg5[%mul3A_245, %dma_start3A_251] : memref<10112x128xf32, #tpu.memory_space<vmem_shared>> -> memref<40x128xf32, #tpu.memory_space<vmem_shared>>
        tpu.enqueue_dma source(%dma_start3A_252 : memref<40x128xf32, #tpu.memory_space<vmem_shared>>) target(%dma_start3A_250 : memref<40x128xf32, #tpu.memory_space<hbm>>) target_semaphore(%run_scoped3A : memref<!tpu.dma_semaphore, #tpu.memory_space<semaphore_mem>>)
        %dma_wait3A = arith.constant 0 : i32
        %dma_wait3A_253 = tpu.memref_slice %arg4[%arg0, %mul3A_247, %dma_wait3A] : memref<2x10000x128xf32, #tpu.memory_space<hbm>> -> memref<1x40x128xf32, #tpu.memory_space<hbm>>
        %dma_wait3A_254 = tpu.memref_squeeze %dma_wait3A_253 : memref<1x40x128xf32, #tpu.memory_space<hbm>> -> memref<40x128xf32, #tpu.memory_space<hbm>>
        %dma_wait3A_255 = arith.constant 0 : i32
        %dma_wait3A_256 = tpu.memref_slice %arg5[%mul3A_245, %dma_wait3A_255] : memref<10112x128xf32, #tpu.memory_space<vmem_shared>> -> memref<40x128xf32, #tpu.memory_space<vmem_shared>>
        tpu.wait_dma2 semaphore(%run_scoped3A : memref<!tpu.dma_semaphore, #tpu.memory_space<semaphore_mem>>) src(%dma_wait3A_256 : memref<40x128xf32, #tpu.memory_space<vmem_shared>>) dst(%dma_wait3A_254 : memref<40x128xf32, #tpu.memory_space<hbm>>)
        tpu.yield
      }) : () -> ()
    } else {
    }
    %add3A_174 = arith.constant 96 : i32
    %add3A_175 = arith.addi %arg1, %add3A_174 : i32
    %lt3A_176 = arith.constant 250 : i32
    %lt3A_177 = arith.cmpi slt, %add3A_175, %lt3A_176 : i32
    %convert_element_type3A_178 = arith.extui %lt3A_177 : i1 to i32
    %cond3A_179 = arith.constant 0 : i32
    %cond3A_180 = arith.cmpi ne, %convert_element_type3A_178, %cond3A_179 : i32
    scf.if %cond3A_180 {
      %mul3A_244 = arith.constant 40 : i32
      %mul3A_245 = arith.muli %add3A_175, %mul3A_244 : i32
      %mul3A_246 = arith.constant 40 : i32
      %mul3A_247 = arith.muli %add3A_175, %mul3A_246 : i32
      "tpu.region"() ({
        %run_scoped3A = tpu.sem_alloc : memref<!tpu.dma_semaphore, #tpu.memory_space<semaphore_mem>>
        %dma_start3A_248 = arith.constant 0 : i32
        %dma_start3A_249 = tpu.memref_slice %arg4[%arg0, %mul3A_247, %dma_start3A_248] : memref<2x10000x128xf32, #tpu.memory_space<hbm>> -> memref<1x40x128xf32, #tpu.memory_space<hbm>>
        %dma_start3A_250 = tpu.memref_squeeze %dma_start3A_249 : memref<1x40x128xf32, #tpu.memory_space<hbm>> -> memref<40x128xf32, #tpu.memory_space<hbm>>
        %dma_start3A_251 = arith.constant 0 : i32
        %dma_start3A_252 = tpu.memref_slice %arg5[%mul3A_245, %dma_start3A_251] : memref<10112x128xf32, #tpu.memory_space<vmem_shared>> -> memref<40x128xf32, #tpu.memory_space<vmem_shared>>
        tpu.enqueue_dma source(%dma_start3A_252 : memref<40x128xf32, #tpu.memory_space<vmem_shared>>) target(%dma_start3A_250 : memref<40x128xf32, #tpu.memory_space<hbm>>) target_semaphore(%run_scoped3A : memref<!tpu.dma_semaphore, #tpu.memory_space<semaphore_mem>>)
        %dma_wait3A = arith.constant 0 : i32
        %dma_wait3A_253 = tpu.memref_slice %arg4[%arg0, %mul3A_247, %dma_wait3A] : memref<2x10000x128xf32, #tpu.memory_space<hbm>> -> memref<1x40x128xf32, #tpu.memory_space<hbm>>
        %dma_wait3A_254 = tpu.memref_squeeze %dma_wait3A_253 : memref<1x40x128xf32, #tpu.memory_space<hbm>> -> memref<40x128xf32, #tpu.memory_space<hbm>>
        %dma_wait3A_255 = arith.constant 0 : i32
        %dma_wait3A_256 = tpu.memref_slice %arg5[%mul3A_245, %dma_wait3A_255] : memref<10112x128xf32, #tpu.memory_space<vmem_shared>> -> memref<40x128xf32, #tpu.memory_space<vmem_shared>>
        tpu.wait_dma2 semaphore(%run_scoped3A : memref<!tpu.dma_semaphore, #tpu.memory_space<semaphore_mem>>) src(%dma_wait3A_256 : memref<40x128xf32, #tpu.memory_space<vmem_shared>>) dst(%dma_wait3A_254 : memref<40x128xf32, #tpu.memory_space<hbm>>)
        tpu.yield
      }) : () -> ()
    } else {
    }
    %add3A_181 = arith.constant 112 : i32
    %add3A_182 = arith.addi %arg1, %add3A_181 : i32
    %lt3A_183 = arith.constant 250 : i32
    %lt3A_184 = arith.cmpi slt, %add3A_182, %lt3A_183 : i32
    %convert_element_type3A_185 = arith.extui %lt3A_184 : i1 to i32
    %cond3A_186 = arith.constant 0 : i32
    %cond3A_187 = arith.cmpi ne, %convert_element_type3A_185, %cond3A_186 : i32
    scf.if %cond3A_187 {
      %mul3A_244 = arith.constant 40 : i32
      %mul3A_245 = arith.muli %add3A_182, %mul3A_244 : i32
      %mul3A_246 = arith.constant 40 : i32
      %mul3A_247 = arith.muli %add3A_182, %mul3A_246 : i32
      "tpu.region"() ({
        %run_scoped3A = tpu.sem_alloc : memref<!tpu.dma_semaphore, #tpu.memory_space<semaphore_mem>>
        %dma_start3A_248 = arith.constant 0 : i32
        %dma_start3A_249 = tpu.memref_slice %arg4[%arg0, %mul3A_247, %dma_start3A_248] : memref<2x10000x128xf32, #tpu.memory_space<hbm>> -> memref<1x40x128xf32, #tpu.memory_space<hbm>>
        %dma_start3A_250 = tpu.memref_squeeze %dma_start3A_249 : memref<1x40x128xf32, #tpu.memory_space<hbm>> -> memref<40x128xf32, #tpu.memory_space<hbm>>
        %dma_start3A_251 = arith.constant 0 : i32
        %dma_start3A_252 = tpu.memref_slice %arg5[%mul3A_245, %dma_start3A_251] : memref<10112x128xf32, #tpu.memory_space<vmem_shared>> -> memref<40x128xf32, #tpu.memory_space<vmem_shared>>
        tpu.enqueue_dma source(%dma_start3A_252 : memref<40x128xf32, #tpu.memory_space<vmem_shared>>) target(%dma_start3A_250 : memref<40x128xf32, #tpu.memory_space<hbm>>) target_semaphore(%run_scoped3A : memref<!tpu.dma_semaphore, #tpu.memory_space<semaphore_mem>>)
        %dma_wait3A = arith.constant 0 : i32
        %dma_wait3A_253 = tpu.memref_slice %arg4[%arg0, %mul3A_247, %dma_wait3A] : memref<2x10000x128xf32, #tpu.memory_space<hbm>> -> memref<1x40x128xf32, #tpu.memory_space<hbm>>
        %dma_wait3A_254 = tpu.memref_squeeze %dma_wait3A_253 : memref<1x40x128xf32, #tpu.memory_space<hbm>> -> memref<40x128xf32, #tpu.memory_space<hbm>>
        %dma_wait3A_255 = arith.constant 0 : i32
        %dma_wait3A_256 = tpu.memref_slice %arg5[%mul3A_245, %dma_wait3A_255] : memref<10112x128xf32, #tpu.memory_space<vmem_shared>> -> memref<40x128xf32, #tpu.memory_space<vmem_shared>>
        tpu.wait_dma2 semaphore(%run_scoped3A : memref<!tpu.dma_semaphore, #tpu.memory_space<semaphore_mem>>) src(%dma_wait3A_256 : memref<40x128xf32, #tpu.memory_space<vmem_shared>>) dst(%dma_wait3A_254 : memref<40x128xf32, #tpu.memory_space<hbm>>)
        tpu.yield
      }) : () -> ()
    } else {
    }
    %add3A_188 = arith.constant 128 : i32
    %add3A_189 = arith.addi %arg1, %add3A_188 : i32
    %lt3A_190 = arith.constant 250 : i32
    %lt3A_191 = arith.cmpi slt, %add3A_189, %lt3A_190 : i32
    %convert_element_type3A_192 = arith.extui %lt3A_191 : i1 to i32
    %cond3A_193 = arith.constant 0 : i32
    %cond3A_194 = arith.cmpi ne, %convert_element_type3A_192, %cond3A_193 : i32
    scf.if %cond3A_194 {
      %mul3A_244 = arith.constant 40 : i32
      %mul3A_245 = arith.muli %add3A_189, %mul3A_244 : i32
      %mul3A_246 = arith.constant 40 : i32
      %mul3A_247 = arith.muli %add3A_189, %mul3A_246 : i32
      "tpu.region"() ({
        %run_scoped3A = tpu.sem_alloc : memref<!tpu.dma_semaphore, #tpu.memory_space<semaphore_mem>>
        %dma_start3A_248 = arith.constant 0 : i32
        %dma_start3A_249 = tpu.memref_slice %arg4[%arg0, %mul3A_247, %dma_start3A_248] : memref<2x10000x128xf32, #tpu.memory_space<hbm>> -> memref<1x40x128xf32, #tpu.memory_space<hbm>>
        %dma_start3A_250 = tpu.memref_squeeze %dma_start3A_249 : memref<1x40x128xf32, #tpu.memory_space<hbm>> -> memref<40x128xf32, #tpu.memory_space<hbm>>
        %dma_start3A_251 = arith.constant 0 : i32
        %dma_start3A_252 = tpu.memref_slice %arg5[%mul3A_245, %dma_start3A_251] : memref<10112x128xf32, #tpu.memory_space<vmem_shared>> -> memref<40x128xf32, #tpu.memory_space<vmem_shared>>
        tpu.enqueue_dma source(%dma_start3A_252 : memref<40x128xf32, #tpu.memory_space<vmem_shared>>) target(%dma_start3A_250 : memref<40x128xf32, #tpu.memory_space<hbm>>) target_semaphore(%run_scoped3A : memref<!tpu.dma_semaphore, #tpu.memory_space<semaphore_mem>>)
        %dma_wait3A = arith.constant 0 : i32
        %dma_wait3A_253 = tpu.memref_slice %arg4[%arg0, %mul3A_247, %dma_wait3A] : memref<2x10000x128xf32, #tpu.memory_space<hbm>> -> memref<1x40x128xf32, #tpu.memory_space<hbm>>
        %dma_wait3A_254 = tpu.memref_squeeze %dma_wait3A_253 : memref<1x40x128xf32, #tpu.memory_space<hbm>> -> memref<40x128xf32, #tpu.memory_space<hbm>>
        %dma_wait3A_255 = arith.constant 0 : i32
        %dma_wait3A_256 = tpu.memref_slice %arg5[%mul3A_245, %dma_wait3A_255] : memref<10112x128xf32, #tpu.memory_space<vmem_shared>> -> memref<40x128xf32, #tpu.memory_space<vmem_shared>>
        tpu.wait_dma2 semaphore(%run_scoped3A : memref<!tpu.dma_semaphore, #tpu.memory_space<semaphore_mem>>) src(%dma_wait3A_256 : memref<40x128xf32, #tpu.memory_space<vmem_shared>>) dst(%dma_wait3A_254 : memref<40x128xf32, #tpu.memory_space<hbm>>)
        tpu.yield
      }) : () -> ()
    } else {
    }
    %add3A_195 = arith.constant 144 : i32
    %add3A_196 = arith.addi %arg1, %add3A_195 : i32
    %lt3A_197 = arith.constant 250 : i32
    %lt3A_198 = arith.cmpi slt, %add3A_196, %lt3A_197 : i32
    %convert_element_type3A_199 = arith.extui %lt3A_198 : i1 to i32
    %cond3A_200 = arith.constant 0 : i32
    %cond3A_201 = arith.cmpi ne, %convert_element_type3A_199, %cond3A_200 : i32
    scf.if %cond3A_201 {
      %mul3A_244 = arith.constant 40 : i32
      %mul3A_245 = arith.muli %add3A_196, %mul3A_244 : i32
      %mul3A_246 = arith.constant 40 : i32
      %mul3A_247 = arith.muli %add3A_196, %mul3A_246 : i32
      "tpu.region"() ({
        %run_scoped3A = tpu.sem_alloc : memref<!tpu.dma_semaphore, #tpu.memory_space<semaphore_mem>>
        %dma_start3A_248 = arith.constant 0 : i32
        %dma_start3A_249 = tpu.memref_slice %arg4[%arg0, %mul3A_247, %dma_start3A_248] : memref<2x10000x128xf32, #tpu.memory_space<hbm>> -> memref<1x40x128xf32, #tpu.memory_space<hbm>>
        %dma_start3A_250 = tpu.memref_squeeze %dma_start3A_249 : memref<1x40x128xf32, #tpu.memory_space<hbm>> -> memref<40x128xf32, #tpu.memory_space<hbm>>
        %dma_start3A_251 = arith.constant 0 : i32
        %dma_start3A_252 = tpu.memref_slice %arg5[%mul3A_245, %dma_start3A_251] : memref<10112x128xf32, #tpu.memory_space<vmem_shared>> -> memref<40x128xf32, #tpu.memory_space<vmem_shared>>
        tpu.enqueue_dma source(%dma_start3A_252 : memref<40x128xf32, #tpu.memory_space<vmem_shared>>) target(%dma_start3A_250 : memref<40x128xf32, #tpu.memory_space<hbm>>) target_semaphore(%run_scoped3A : memref<!tpu.dma_semaphore, #tpu.memory_space<semaphore_mem>>)
        %dma_wait3A = arith.constant 0 : i32
        %dma_wait3A_253 = tpu.memref_slice %arg4[%arg0, %mul3A_247, %dma_wait3A] : memref<2x10000x128xf32, #tpu.memory_space<hbm>> -> memref<1x40x128xf32, #tpu.memory_space<hbm>>
        %dma_wait3A_254 = tpu.memref_squeeze %dma_wait3A_253 : memref<1x40x128xf32, #tpu.memory_space<hbm>> -> memref<40x128xf32, #tpu.memory_space<hbm>>
        %dma_wait3A_255 = arith.constant 0 : i32
        %dma_wait3A_256 = tpu.memref_slice %arg5[%mul3A_245, %dma_wait3A_255] : memref<10112x128xf32, #tpu.memory_space<vmem_shared>> -> memref<40x128xf32, #tpu.memory_space<vmem_shared>>
        tpu.wait_dma2 semaphore(%run_scoped3A : memref<!tpu.dma_semaphore, #tpu.memory_space<semaphore_mem>>) src(%dma_wait3A_256 : memref<40x128xf32, #tpu.memory_space<vmem_shared>>) dst(%dma_wait3A_254 : memref<40x128xf32, #tpu.memory_space<hbm>>)
        tpu.yield
      }) : () -> ()
    } else {
    }
    %add3A_202 = arith.constant 160 : i32
    %add3A_203 = arith.addi %arg1, %add3A_202 : i32
    %lt3A_204 = arith.constant 250 : i32
    %lt3A_205 = arith.cmpi slt, %add3A_203, %lt3A_204 : i32
    %convert_element_type3A_206 = arith.extui %lt3A_205 : i1 to i32
    %cond3A_207 = arith.constant 0 : i32
    %cond3A_208 = arith.cmpi ne, %convert_element_type3A_206, %cond3A_207 : i32
    scf.if %cond3A_208 {
      %mul3A_244 = arith.constant 40 : i32
      %mul3A_245 = arith.muli %add3A_203, %mul3A_244 : i32
      %mul3A_246 = arith.constant 40 : i32
      %mul3A_247 = arith.muli %add3A_203, %mul3A_246 : i32
      "tpu.region"() ({
        %run_scoped3A = tpu.sem_alloc : memref<!tpu.dma_semaphore, #tpu.memory_space<semaphore_mem>>
        %dma_start3A_248 = arith.constant 0 : i32
        %dma_start3A_249 = tpu.memref_slice %arg4[%arg0, %mul3A_247, %dma_start3A_248] : memref<2x10000x128xf32, #tpu.memory_space<hbm>> -> memref<1x40x128xf32, #tpu.memory_space<hbm>>
        %dma_start3A_250 = tpu.memref_squeeze %dma_start3A_249 : memref<1x40x128xf32, #tpu.memory_space<hbm>> -> memref<40x128xf32, #tpu.memory_space<hbm>>
        %dma_start3A_251 = arith.constant 0 : i32
        %dma_start3A_252 = tpu.memref_slice %arg5[%mul3A_245, %dma_start3A_251] : memref<10112x128xf32, #tpu.memory_space<vmem_shared>> -> memref<40x128xf32, #tpu.memory_space<vmem_shared>>
        tpu.enqueue_dma source(%dma_start3A_252 : memref<40x128xf32, #tpu.memory_space<vmem_shared>>) target(%dma_start3A_250 : memref<40x128xf32, #tpu.memory_space<hbm>>) target_semaphore(%run_scoped3A : memref<!tpu.dma_semaphore, #tpu.memory_space<semaphore_mem>>)
        %dma_wait3A = arith.constant 0 : i32
        %dma_wait3A_253 = tpu.memref_slice %arg4[%arg0, %mul3A_247, %dma_wait3A] : memref<2x10000x128xf32, #tpu.memory_space<hbm>> -> memref<1x40x128xf32, #tpu.memory_space<hbm>>
        %dma_wait3A_254 = tpu.memref_squeeze %dma_wait3A_253 : memref<1x40x128xf32, #tpu.memory_space<hbm>> -> memref<40x128xf32, #tpu.memory_space<hbm>>
        %dma_wait3A_255 = arith.constant 0 : i32
        %dma_wait3A_256 = tpu.memref_slice %arg5[%mul3A_245, %dma_wait3A_255] : memref<10112x128xf32, #tpu.memory_space<vmem_shared>> -> memref<40x128xf32, #tpu.memory_space<vmem_shared>>
        tpu.wait_dma2 semaphore(%run_scoped3A : memref<!tpu.dma_semaphore, #tpu.memory_space<semaphore_mem>>) src(%dma_wait3A_256 : memref<40x128xf32, #tpu.memory_space<vmem_shared>>) dst(%dma_wait3A_254 : memref<40x128xf32, #tpu.memory_space<hbm>>)
        tpu.yield
      }) : () -> ()
    } else {
    }
    %add3A_209 = arith.constant 176 : i32
    %add3A_210 = arith.addi %arg1, %add3A_209 : i32
    %lt3A_211 = arith.constant 250 : i32
    %lt3A_212 = arith.cmpi slt, %add3A_210, %lt3A_211 : i32
    %convert_element_type3A_213 = arith.extui %lt3A_212 : i1 to i32
    %cond3A_214 = arith.constant 0 : i32
    %cond3A_215 = arith.cmpi ne, %convert_element_type3A_213, %cond3A_214 : i32
    scf.if %cond3A_215 {
      %mul3A_244 = arith.constant 40 : i32
      %mul3A_245 = arith.muli %add3A_210, %mul3A_244 : i32
      %mul3A_246 = arith.constant 40 : i32
      %mul3A_247 = arith.muli %add3A_210, %mul3A_246 : i32
      "tpu.region"() ({
        %run_scoped3A = tpu.sem_alloc : memref<!tpu.dma_semaphore, #tpu.memory_space<semaphore_mem>>
        %dma_start3A_248 = arith.constant 0 : i32
        %dma_start3A_249 = tpu.memref_slice %arg4[%arg0, %mul3A_247, %dma_start3A_248] : memref<2x10000x128xf32, #tpu.memory_space<hbm>> -> memref<1x40x128xf32, #tpu.memory_space<hbm>>
        %dma_start3A_250 = tpu.memref_squeeze %dma_start3A_249 : memref<1x40x128xf32, #tpu.memory_space<hbm>> -> memref<40x128xf32, #tpu.memory_space<hbm>>
        %dma_start3A_251 = arith.constant 0 : i32
        %dma_start3A_252 = tpu.memref_slice %arg5[%mul3A_245, %dma_start3A_251] : memref<10112x128xf32, #tpu.memory_space<vmem_shared>> -> memref<40x128xf32, #tpu.memory_space<vmem_shared>>
        tpu.enqueue_dma source(%dma_start3A_252 : memref<40x128xf32, #tpu.memory_space<vmem_shared>>) target(%dma_start3A_250 : memref<40x128xf32, #tpu.memory_space<hbm>>) target_semaphore(%run_scoped3A : memref<!tpu.dma_semaphore, #tpu.memory_space<semaphore_mem>>)
        %dma_wait3A = arith.constant 0 : i32
        %dma_wait3A_253 = tpu.memref_slice %arg4[%arg0, %mul3A_247, %dma_wait3A] : memref<2x10000x128xf32, #tpu.memory_space<hbm>> -> memref<1x40x128xf32, #tpu.memory_space<hbm>>
        %dma_wait3A_254 = tpu.memref_squeeze %dma_wait3A_253 : memref<1x40x128xf32, #tpu.memory_space<hbm>> -> memref<40x128xf32, #tpu.memory_space<hbm>>
        %dma_wait3A_255 = arith.constant 0 : i32
        %dma_wait3A_256 = tpu.memref_slice %arg5[%mul3A_245, %dma_wait3A_255] : memref<10112x128xf32, #tpu.memory_space<vmem_shared>> -> memref<40x128xf32, #tpu.memory_space<vmem_shared>>
        tpu.wait_dma2 semaphore(%run_scoped3A : memref<!tpu.dma_semaphore, #tpu.memory_space<semaphore_mem>>) src(%dma_wait3A_256 : memref<40x128xf32, #tpu.memory_space<vmem_shared>>) dst(%dma_wait3A_254 : memref<40x128xf32, #tpu.memory_space<hbm>>)
        tpu.yield
      }) : () -> ()
    } else {
    }
    %add3A_216 = arith.constant 192 : i32
    %add3A_217 = arith.addi %arg1, %add3A_216 : i32
    %lt3A_218 = arith.constant 250 : i32
    %lt3A_219 = arith.cmpi slt, %add3A_217, %lt3A_218 : i32
    %convert_element_type3A_220 = arith.extui %lt3A_219 : i1 to i32
    %cond3A_221 = arith.constant 0 : i32
    %cond3A_222 = arith.cmpi ne, %convert_element_type3A_220, %cond3A_221 : i32
    scf.if %cond3A_222 {
      %mul3A_244 = arith.constant 40 : i32
      %mul3A_245 = arith.muli %add3A_217, %mul3A_244 : i32
      %mul3A_246 = arith.constant 40 : i32
      %mul3A_247 = arith.muli %add3A_217, %mul3A_246 : i32
      "tpu.region"() ({
        %run_scoped3A = tpu.sem_alloc : memref<!tpu.dma_semaphore, #tpu.memory_space<semaphore_mem>>
        %dma_start3A_248 = arith.constant 0 : i32
        %dma_start3A_249 = tpu.memref_slice %arg4[%arg0, %mul3A_247, %dma_start3A_248] : memref<2x10000x128xf32, #tpu.memory_space<hbm>> -> memref<1x40x128xf32, #tpu.memory_space<hbm>>
        %dma_start3A_250 = tpu.memref_squeeze %dma_start3A_249 : memref<1x40x128xf32, #tpu.memory_space<hbm>> -> memref<40x128xf32, #tpu.memory_space<hbm>>
        %dma_start3A_251 = arith.constant 0 : i32
        %dma_start3A_252 = tpu.memref_slice %arg5[%mul3A_245, %dma_start3A_251] : memref<10112x128xf32, #tpu.memory_space<vmem_shared>> -> memref<40x128xf32, #tpu.memory_space<vmem_shared>>
        tpu.enqueue_dma source(%dma_start3A_252 : memref<40x128xf32, #tpu.memory_space<vmem_shared>>) target(%dma_start3A_250 : memref<40x128xf32, #tpu.memory_space<hbm>>) target_semaphore(%run_scoped3A : memref<!tpu.dma_semaphore, #tpu.memory_space<semaphore_mem>>)
        %dma_wait3A = arith.constant 0 : i32
        %dma_wait3A_253 = tpu.memref_slice %arg4[%arg0, %mul3A_247, %dma_wait3A] : memref<2x10000x128xf32, #tpu.memory_space<hbm>> -> memref<1x40x128xf32, #tpu.memory_space<hbm>>
        %dma_wait3A_254 = tpu.memref_squeeze %dma_wait3A_253 : memref<1x40x128xf32, #tpu.memory_space<hbm>> -> memref<40x128xf32, #tpu.memory_space<hbm>>
        %dma_wait3A_255 = arith.constant 0 : i32
        %dma_wait3A_256 = tpu.memref_slice %arg5[%mul3A_245, %dma_wait3A_255] : memref<10112x128xf32, #tpu.memory_space<vmem_shared>> -> memref<40x128xf32, #tpu.memory_space<vmem_shared>>
        tpu.wait_dma2 semaphore(%run_scoped3A : memref<!tpu.dma_semaphore, #tpu.memory_space<semaphore_mem>>) src(%dma_wait3A_256 : memref<40x128xf32, #tpu.memory_space<vmem_shared>>) dst(%dma_wait3A_254 : memref<40x128xf32, #tpu.memory_space<hbm>>)
        tpu.yield
      }) : () -> ()
    } else {
    }
    %add3A_223 = arith.constant 208 : i32
    %add3A_224 = arith.addi %arg1, %add3A_223 : i32
    %lt3A_225 = arith.constant 250 : i32
    %lt3A_226 = arith.cmpi slt, %add3A_224, %lt3A_225 : i32
    %convert_element_type3A_227 = arith.extui %lt3A_226 : i1 to i32
    %cond3A_228 = arith.constant 0 : i32
    %cond3A_229 = arith.cmpi ne, %convert_element_type3A_227, %cond3A_228 : i32
    scf.if %cond3A_229 {
      %mul3A_244 = arith.constant 40 : i32
      %mul3A_245 = arith.muli %add3A_224, %mul3A_244 : i32
      %mul3A_246 = arith.constant 40 : i32
      %mul3A_247 = arith.muli %add3A_224, %mul3A_246 : i32
      "tpu.region"() ({
        %run_scoped3A = tpu.sem_alloc : memref<!tpu.dma_semaphore, #tpu.memory_space<semaphore_mem>>
        %dma_start3A_248 = arith.constant 0 : i32
        %dma_start3A_249 = tpu.memref_slice %arg4[%arg0, %mul3A_247, %dma_start3A_248] : memref<2x10000x128xf32, #tpu.memory_space<hbm>> -> memref<1x40x128xf32, #tpu.memory_space<hbm>>
        %dma_start3A_250 = tpu.memref_squeeze %dma_start3A_249 : memref<1x40x128xf32, #tpu.memory_space<hbm>> -> memref<40x128xf32, #tpu.memory_space<hbm>>
        %dma_start3A_251 = arith.constant 0 : i32
        %dma_start3A_252 = tpu.memref_slice %arg5[%mul3A_245, %dma_start3A_251] : memref<10112x128xf32, #tpu.memory_space<vmem_shared>> -> memref<40x128xf32, #tpu.memory_space<vmem_shared>>
        tpu.enqueue_dma source(%dma_start3A_252 : memref<40x128xf32, #tpu.memory_space<vmem_shared>>) target(%dma_start3A_250 : memref<40x128xf32, #tpu.memory_space<hbm>>) target_semaphore(%run_scoped3A : memref<!tpu.dma_semaphore, #tpu.memory_space<semaphore_mem>>)
        %dma_wait3A = arith.constant 0 : i32
        %dma_wait3A_253 = tpu.memref_slice %arg4[%arg0, %mul3A_247, %dma_wait3A] : memref<2x10000x128xf32, #tpu.memory_space<hbm>> -> memref<1x40x128xf32, #tpu.memory_space<hbm>>
        %dma_wait3A_254 = tpu.memref_squeeze %dma_wait3A_253 : memref<1x40x128xf32, #tpu.memory_space<hbm>> -> memref<40x128xf32, #tpu.memory_space<hbm>>
        %dma_wait3A_255 = arith.constant 0 : i32
        %dma_wait3A_256 = tpu.memref_slice %arg5[%mul3A_245, %dma_wait3A_255] : memref<10112x128xf32, #tpu.memory_space<vmem_shared>> -> memref<40x128xf32, #tpu.memory_space<vmem_shared>>
        tpu.wait_dma2 semaphore(%run_scoped3A : memref<!tpu.dma_semaphore, #tpu.memory_space<semaphore_mem>>) src(%dma_wait3A_256 : memref<40x128xf32, #tpu.memory_space<vmem_shared>>) dst(%dma_wait3A_254 : memref<40x128xf32, #tpu.memory_space<hbm>>)
        tpu.yield
      }) : () -> ()
    } else {
    }
    %add3A_230 = arith.constant 224 : i32
    %add3A_231 = arith.addi %arg1, %add3A_230 : i32
    %lt3A_232 = arith.constant 250 : i32
    %lt3A_233 = arith.cmpi slt, %add3A_231, %lt3A_232 : i32
    %convert_element_type3A_234 = arith.extui %lt3A_233 : i1 to i32
    %cond3A_235 = arith.constant 0 : i32
    %cond3A_236 = arith.cmpi ne, %convert_element_type3A_234, %cond3A_235 : i32
    scf.if %cond3A_236 {
      %mul3A_244 = arith.constant 40 : i32
      %mul3A_245 = arith.muli %add3A_231, %mul3A_244 : i32
      %mul3A_246 = arith.constant 40 : i32
      %mul3A_247 = arith.muli %add3A_231, %mul3A_246 : i32
      "tpu.region"() ({
        %run_scoped3A = tpu.sem_alloc : memref<!tpu.dma_semaphore, #tpu.memory_space<semaphore_mem>>
        %dma_start3A_248 = arith.constant 0 : i32
        %dma_start3A_249 = tpu.memref_slice %arg4[%arg0, %mul3A_247, %dma_start3A_248] : memref<2x10000x128xf32, #tpu.memory_space<hbm>> -> memref<1x40x128xf32, #tpu.memory_space<hbm>>
        %dma_start3A_250 = tpu.memref_squeeze %dma_start3A_249 : memref<1x40x128xf32, #tpu.memory_space<hbm>> -> memref<40x128xf32, #tpu.memory_space<hbm>>
        %dma_start3A_251 = arith.constant 0 : i32
        %dma_start3A_252 = tpu.memref_slice %arg5[%mul3A_245, %dma_start3A_251] : memref<10112x128xf32, #tpu.memory_space<vmem_shared>> -> memref<40x128xf32, #tpu.memory_space<vmem_shared>>
        tpu.enqueue_dma source(%dma_start3A_252 : memref<40x128xf32, #tpu.memory_space<vmem_shared>>) target(%dma_start3A_250 : memref<40x128xf32, #tpu.memory_space<hbm>>) target_semaphore(%run_scoped3A : memref<!tpu.dma_semaphore, #tpu.memory_space<semaphore_mem>>)
        %dma_wait3A = arith.constant 0 : i32
        %dma_wait3A_253 = tpu.memref_slice %arg4[%arg0, %mul3A_247, %dma_wait3A] : memref<2x10000x128xf32, #tpu.memory_space<hbm>> -> memref<1x40x128xf32, #tpu.memory_space<hbm>>
        %dma_wait3A_254 = tpu.memref_squeeze %dma_wait3A_253 : memref<1x40x128xf32, #tpu.memory_space<hbm>> -> memref<40x128xf32, #tpu.memory_space<hbm>>
        %dma_wait3A_255 = arith.constant 0 : i32
        %dma_wait3A_256 = tpu.memref_slice %arg5[%mul3A_245, %dma_wait3A_255] : memref<10112x128xf32, #tpu.memory_space<vmem_shared>> -> memref<40x128xf32, #tpu.memory_space<vmem_shared>>
        tpu.wait_dma2 semaphore(%run_scoped3A : memref<!tpu.dma_semaphore, #tpu.memory_space<semaphore_mem>>) src(%dma_wait3A_256 : memref<40x128xf32, #tpu.memory_space<vmem_shared>>) dst(%dma_wait3A_254 : memref<40x128xf32, #tpu.memory_space<hbm>>)
        tpu.yield
      }) : () -> ()
    } else {
    }
    %add3A_237 = arith.constant 240 : i32
    %add3A_238 = arith.addi %arg1, %add3A_237 : i32
    %lt3A_239 = arith.constant 250 : i32
    %lt3A_240 = arith.cmpi slt, %add3A_238, %lt3A_239 : i32
    %convert_element_type3A_241 = arith.extui %lt3A_240 : i1 to i32
    %cond3A_242 = arith.constant 0 : i32
    %cond3A_243 = arith.cmpi ne, %convert_element_type3A_241, %cond3A_242 : i32
    scf.if %cond3A_243 {
      %mul3A_244 = arith.constant 40 : i32
      %mul3A_245 = arith.muli %add3A_238, %mul3A_244 : i32
      %mul3A_246 = arith.constant 40 : i32
      %mul3A_247 = arith.muli %add3A_238, %mul3A_246 : i32
      "tpu.region"() ({
        %run_scoped3A = tpu.sem_alloc : memref<!tpu.dma_semaphore, #tpu.memory_space<semaphore_mem>>
        %dma_start3A_248 = arith.constant 0 : i32
        %dma_start3A_249 = tpu.memref_slice %arg4[%arg0, %mul3A_247, %dma_start3A_248] : memref<2x10000x128xf32, #tpu.memory_space<hbm>> -> memref<1x40x128xf32, #tpu.memory_space<hbm>>
        %dma_start3A_250 = tpu.memref_squeeze %dma_start3A_249 : memref<1x40x128xf32, #tpu.memory_space<hbm>> -> memref<40x128xf32, #tpu.memory_space<hbm>>
        %dma_start3A_251 = arith.constant 0 : i32
        %dma_start3A_252 = tpu.memref_slice %arg5[%mul3A_245, %dma_start3A_251] : memref<10112x128xf32, #tpu.memory_space<vmem_shared>> -> memref<40x128xf32, #tpu.memory_space<vmem_shared>>
        tpu.enqueue_dma source(%dma_start3A_252 : memref<40x128xf32, #tpu.memory_space<vmem_shared>>) target(%dma_start3A_250 : memref<40x128xf32, #tpu.memory_space<hbm>>) target_semaphore(%run_scoped3A : memref<!tpu.dma_semaphore, #tpu.memory_space<semaphore_mem>>)
        %dma_wait3A = arith.constant 0 : i32
        %dma_wait3A_253 = tpu.memref_slice %arg4[%arg0, %mul3A_247, %dma_wait3A] : memref<2x10000x128xf32, #tpu.memory_space<hbm>> -> memref<1x40x128xf32, #tpu.memory_space<hbm>>
        %dma_wait3A_254 = tpu.memref_squeeze %dma_wait3A_253 : memref<1x40x128xf32, #tpu.memory_space<hbm>> -> memref<40x128xf32, #tpu.memory_space<hbm>>
        %dma_wait3A_255 = arith.constant 0 : i32
        %dma_wait3A_256 = tpu.memref_slice %arg5[%mul3A_245, %dma_wait3A_255] : memref<10112x128xf32, #tpu.memory_space<vmem_shared>> -> memref<40x128xf32, #tpu.memory_space<vmem_shared>>
        tpu.wait_dma2 semaphore(%run_scoped3A : memref<!tpu.dma_semaphore, #tpu.memory_space<semaphore_mem>>) src(%dma_wait3A_256 : memref<40x128xf32, #tpu.memory_space<vmem_shared>>) dst(%dma_wait3A_254 : memref<40x128xf32, #tpu.memory_space<hbm>>)
        tpu.yield
      }) : () -> ()
    } else {
    }
    return
  }
}

#map = affine_map<(d0, d1) -> (0, 0)>
#map1 = affine_map<(d0, d1) -> (0)>
#map2 = affine_map<(d0, d1) -> (0, 0, 0)>
module attributes {stable_mosaic.version = 14 : i64} {
  func.func @sage_agg_deg(%arg0: i32, %arg1: i32, %arg2: memref<10000x128xf32, #tpu.memory_space<hbm>>, %arg3: memref<640000xi32, #tpu.memory_space<hbm>>, %arg4: memref<2x10000x128xf32, #tpu.memory_space<hbm>>, %arg5: memref<2x10112xf32, #tpu.memory_space<hbm>>, %arg6: memref<10112x128xf32, #tpu.memory_space<vmem_shared>>, %arg7: memref<10112xf32, #tpu.memory_space<vmem_shared>>, %arg8: memref<64xf32, #tpu.memory_space<vmem>>, %arg9: memref<10000xi32, #tpu.memory_space<vmem>>, %arg10: memref<64xi32, #tpu.memory_space<vmem>>, %arg11: memref<64xi32, #tpu.memory_space<vmem>>, %arg12: memref<64xi32, #tpu.memory_space<vmem>>, %arg13: memref<64xi32, #tpu.memory_space<vmem>>, %arg14: memref<64x128xf32, #tpu.memory_space<vmem>>, %arg15: memref<64x128xf32, #tpu.memory_space<vmem>>, %arg16: memref<64x128xf32, #tpu.memory_space<vmem>>, %arg17: memref<64x128xf32, #tpu.memory_space<vmem>>, %arg18: memref<16xi32, #tpu.memory_space<vmem>>, %arg19: memref<16x128xf32, #tpu.memory_space<vmem>>, %arg20: memref<!tpu.dma_semaphore, #tpu.memory_space<semaphore_mem>>, %arg21: memref<!tpu.dma_semaphore, #tpu.memory_space<semaphore_mem>>, %arg22: memref<!tpu.dma_semaphore, #tpu.memory_space<semaphore_mem>>, %arg23: memref<!tpu.dma_semaphore, #tpu.memory_space<semaphore_mem>>, %arg24: memref<!tpu.dma_semaphore, #tpu.memory_space<semaphore_mem>>, %arg25: memref<!tpu.dma_semaphore, #tpu.memory_space<semaphore_mem>>, %arg26: memref<!tpu.dma_semaphore, #tpu.memory_space<semaphore_mem>>, %arg27: memref<!tpu.dma_semaphore, #tpu.memory_space<semaphore_mem>>) attributes {dimension_semantics = [#tpu.dimension_semantics<core_parallel>, #tpu.dimension_semantics<subcore_parallel>], iteration_bounds = array<i64: 2, 16>, scalar_prefetch = 0 : i64, scratch_operands = 22 : i64, tpu.core_type = #tpu.core_type<sc_vector_subcore>, window_params = [{transform_indices = #map}, {transform_indices = #map1}, {transform_indices = #map2}, {transform_indices = #map}]} {
    %mul3A = arith.constant 16 : i32
    %mul3A_0 = arith.muli %arg0, %mul3A : i32
    %add3A = arith.addi %mul3A_0, %arg1 : i32
    %broadcast_in_dim3A = arith.constant 0.000000e+00 : f32
    %broadcast_in_dim3A_1 = vector.broadcast %broadcast_in_dim3A : f32 to vector<16xf32>
    %broadcast_in_dim3A_2 = arith.constant 1.000000e+00 : f32
    %broadcast_in_dim3A_3 = vector.broadcast %broadcast_in_dim3A_2 : f32 to vector<16xf32>
    %mul3A_4 = arith.constant 10000 : i32
    %mul3A_5 = arith.muli %add3A, %mul3A_4 : i32
    "tpu.region"() ({
      %run_scoped3A = tpu.sem_alloc : memref<!tpu.dma_semaphore, #tpu.memory_space<semaphore_mem>>
      %dma_start3A_290 = tpu.memref_slice %arg3[%mul3A_5] : memref<640000xi32, #tpu.memory_space<hbm>> -> memref<10000xi32, #tpu.memory_space<hbm>>
      %dma_start3A_291 = tpu.memref_slice %arg3[%mul3A_5] : memref<640000xi32, #tpu.memory_space<hbm>> -> memref<10000xi32, #tpu.memory_space<hbm>>
      tpu.enqueue_dma source(%dma_start3A_291 : memref<10000xi32, #tpu.memory_space<hbm>>) target(%arg9 : memref<10000xi32, #tpu.memory_space<vmem>>) target_semaphore(%run_scoped3A : memref<!tpu.dma_semaphore, #tpu.memory_space<semaphore_mem>>)
      %dma_wait3A = tpu.memref_slice %arg3[%mul3A_5] : memref<640000xi32, #tpu.memory_space<hbm>> -> memref<10000xi32, #tpu.memory_space<hbm>>
      %dma_wait3A_292 = tpu.memref_slice %arg3[%mul3A_5] : memref<640000xi32, #tpu.memory_space<hbm>> -> memref<10000xi32, #tpu.memory_space<hbm>>
      tpu.wait_dma2 semaphore(%run_scoped3A : memref<!tpu.dma_semaphore, #tpu.memory_space<semaphore_mem>>) src(%dma_wait3A_292 : memref<10000xi32, #tpu.memory_space<hbm>>) dst(%arg9 : memref<10000xi32, #tpu.memory_space<vmem>>)
      tpu.yield
    }) : () -> ()
    %scan3A = arith.constant 0 : i32
    %scan3A_6 = arith.constant 0 : i32
    %scan3A_7 = arith.constant 64 : i32
    %scan3A_8 = arith.addi %scan3A_6, %scan3A_7 : i32
    %scan3A_9 = arith.constant 1 : i32
    scf.for %scan3A_290 = %scan3A_6 to %scan3A_8 step %scan3A_9  : i32 {
      %swap3A_291 = arith.index_cast %scan3A_290 : i32 to index
      %swap3A_292 = arith.constant 0 : index
      %swap3A_293 = tpu.vector_load %arg14[%swap3A_291, %swap3A_292] {strides = array<i32>} : memref<64x128xf32, #tpu.memory_space<vmem>>, vector<16xf32>,
      tpu.vector_store %arg14[%swap3A_291, %swap3A_292], %broadcast_in_dim3A_1 {strides = array<i32>} : memref<64x128xf32, #tpu.memory_space<vmem>>, vector<16xf32>,
      %swap3A_294 = arith.index_cast %scan3A_290 : i32 to index
      %swap3A_295 = arith.constant 16 : index
      %swap3A_296 = tpu.vector_load %arg14[%swap3A_294, %swap3A_295] {strides = array<i32>} : memref<64x128xf32, #tpu.memory_space<vmem>>, vector<16xf32>,
      tpu.vector_store %arg14[%swap3A_294, %swap3A_295], %broadcast_in_dim3A_1 {strides = array<i32>} : memref<64x128xf32, #tpu.memory_space<vmem>>, vector<16xf32>,
      %swap3A_297 = arith.index_cast %scan3A_290 : i32 to index
      %swap3A_298 = arith.constant 32 : index
      %swap3A_299 = tpu.vector_load %arg14[%swap3A_297, %swap3A_298] {strides = array<i32>} : memref<64x128xf32, #tpu.memory_space<vmem>>, vector<16xf32>,
      tpu.vector_store %arg14[%swap3A_297, %swap3A_298], %broadcast_in_dim3A_1 {strides = array<i32>} : memref<64x128xf32, #tpu.memory_space<vmem>>, vector<16xf32>,
      %swap3A_300 = arith.index_cast %scan3A_290 : i32 to index
      %swap3A_301 = arith.constant 48 : index
      %swap3A_302 = tpu.vector_load %arg14[%swap3A_300, %swap3A_301] {strides = array<i32>} : memref<64x128xf32, #tpu.memory_space<vmem>>, vector<16xf32>,
      tpu.vector_store %arg14[%swap3A_300, %swap3A_301], %broadcast_in_dim3A_1 {strides = array<i32>} : memref<64x128xf32, #tpu.memory_space<vmem>>, vector<16xf32>,
      %swap3A_303 = arith.index_cast %scan3A_290 : i32 to index
      %swap3A_304 = arith.constant 64 : index
      %swap3A_305 = tpu.vector_load %arg14[%swap3A_303, %swap3A_304] {strides = array<i32>} : memref<64x128xf32, #tpu.memory_space<vmem>>, vector<16xf32>,
      tpu.vector_store %arg14[%swap3A_303, %swap3A_304], %broadcast_in_dim3A_1 {strides = array<i32>} : memref<64x128xf32, #tpu.memory_space<vmem>>, vector<16xf32>,
      %swap3A_306 = arith.index_cast %scan3A_290 : i32 to index
      %swap3A_307 = arith.constant 80 : index
      %swap3A_308 = tpu.vector_load %arg14[%swap3A_306, %swap3A_307] {strides = array<i32>} : memref<64x128xf32, #tpu.memory_space<vmem>>, vector<16xf32>,
      tpu.vector_store %arg14[%swap3A_306, %swap3A_307], %broadcast_in_dim3A_1 {strides = array<i32>} : memref<64x128xf32, #tpu.memory_space<vmem>>, vector<16xf32>,
      %swap3A_309 = arith.index_cast %scan3A_290 : i32 to index
      %swap3A_310 = arith.constant 96 : index
      %swap3A_311 = tpu.vector_load %arg14[%swap3A_309, %swap3A_310] {strides = array<i32>} : memref<64x128xf32, #tpu.memory_space<vmem>>, vector<16xf32>,
      tpu.vector_store %arg14[%swap3A_309, %swap3A_310], %broadcast_in_dim3A_1 {strides = array<i32>} : memref<64x128xf32, #tpu.memory_space<vmem>>, vector<16xf32>,
      %swap3A_312 = arith.index_cast %scan3A_290 : i32 to index
      %swap3A_313 = arith.constant 112 : index
      %swap3A_314 = tpu.vector_load %arg14[%swap3A_312, %swap3A_313] {strides = array<i32>} : memref<64x128xf32, #tpu.memory_space<vmem>>, vector<16xf32>,
      tpu.vector_store %arg14[%swap3A_312, %swap3A_313], %broadcast_in_dim3A_1 {strides = array<i32>} : memref<64x128xf32, #tpu.memory_space<vmem>>, vector<16xf32>,
    }
    %scan3A_10 = arith.constant 64 : i32
    %swap3A = arith.constant 0 : index
    %swap3A_11 = tpu.vector_load %arg8[%swap3A] {strides = array<i32>} : memref<64xf32, #tpu.memory_space<vmem>>, vector<16xf32>,
    tpu.vector_store %arg8[%swap3A], %broadcast_in_dim3A_3 {strides = array<i32>} : memref<64xf32, #tpu.memory_space<vmem>>, vector<16xf32>,
    %swap3A_12 = arith.constant 16 : index
    %swap3A_13 = tpu.vector_load %arg8[%swap3A_12] {strides = array<i32>} : memref<64xf32, #tpu.memory_space<vmem>>, vector<16xf32>,
    tpu.vector_store %arg8[%swap3A_12], %broadcast_in_dim3A_3 {strides = array<i32>} : memref<64xf32, #tpu.memory_space<vmem>>, vector<16xf32>,
    %swap3A_14 = arith.constant 32 : index
    %swap3A_15 = tpu.vector_load %arg8[%swap3A_14] {strides = array<i32>} : memref<64xf32, #tpu.memory_space<vmem>>, vector<16xf32>,
    tpu.vector_store %arg8[%swap3A_14], %broadcast_in_dim3A_3 {strides = array<i32>} : memref<64xf32, #tpu.memory_space<vmem>>, vector<16xf32>,
    %swap3A_16 = arith.constant 48 : index
    %swap3A_17 = tpu.vector_load %arg8[%swap3A_16] {strides = array<i32>} : memref<64xf32, #tpu.memory_space<vmem>>, vector<16xf32>,
    tpu.vector_store %arg8[%swap3A_16], %broadcast_in_dim3A_3 {strides = array<i32>} : memref<64xf32, #tpu.memory_space<vmem>>, vector<16xf32>,
    %add3A_18 = arith.constant 0 : i32
    %add3A_19 = arith.addi %arg1, %add3A_18 : i32
    %lt3A = arith.constant 158 : i32
    %lt3A_20 = arith.cmpi slt, %add3A_19, %lt3A : i32
    %convert_element_type3A = arith.extui %lt3A_20 : i1 to i32
    %cond3A = arith.constant 0 : i32
    %cond3A_21 = arith.cmpi ne, %convert_element_type3A, %cond3A : i32
    scf.if %cond3A_21 {
      %mul3A_290 = arith.constant 64 : i32
      %mul3A_291 = arith.muli %add3A_19, %mul3A_290 : i32
      "tpu.region"() ({
        %run_scoped3A = tpu.sem_alloc : memref<!tpu.dma_semaphore, #tpu.memory_space<semaphore_mem>>
        %dma_start3A_292 = arith.constant 0 : i32
        %dma_start3A_293 = tpu.memref_slice %arg6[%mul3A_291, %dma_start3A_292] : memref<10112x128xf32, #tpu.memory_space<vmem_shared>> -> memref<64x128xf32, #tpu.memory_space<vmem_shared>>
        %dma_start3A_294 = arith.constant 0 : i32
        %dma_start3A_295 = tpu.memref_slice %arg6[%mul3A_291, %dma_start3A_294] : memref<10112x128xf32, #tpu.memory_space<vmem_shared>> -> memref<64x128xf32, #tpu.memory_space<vmem_shared>>
        tpu.enqueue_dma source(%arg14 : memref<64x128xf32, #tpu.memory_space<vmem>>) target(%dma_start3A_295 : memref<64x128xf32, #tpu.memory_space<vmem_shared>>) target_semaphore(%run_scoped3A : memref<!tpu.dma_semaphore, #tpu.memory_space<semaphore_mem>>)
        %dma_wait3A = arith.constant 0 : i32
        %dma_wait3A_296 = tpu.memref_slice %arg6[%mul3A_291, %dma_wait3A] : memref<10112x128xf32, #tpu.memory_space<vmem_shared>> -> memref<64x128xf32, #tpu.memory_space<vmem_shared>>
        %dma_wait3A_297 = arith.constant 0 : i32
        %dma_wait3A_298 = tpu.memref_slice %arg6[%mul3A_291, %dma_wait3A_297] : memref<10112x128xf32, #tpu.memory_space<vmem_shared>> -> memref<64x128xf32, #tpu.memory_space<vmem_shared>>
        tpu.wait_dma2 semaphore(%run_scoped3A : memref<!tpu.dma_semaphore, #tpu.memory_space<semaphore_mem>>) src(%arg14 : memref<64x128xf32, #tpu.memory_space<vmem>>) dst(%dma_wait3A_298 : memref<64x128xf32, #tpu.memory_space<vmem_shared>>)
        tpu.yield
      }) : () -> ()
    } else {
    }
    %add3A_22 = arith.constant 16 : i32
    %add3A_23 = arith.addi %arg1, %add3A_22 : i32
    %lt3A_24 = arith.constant 158 : i32
    %lt3A_25 = arith.cmpi slt, %add3A_23, %lt3A_24 : i32
    %convert_element_type3A_26 = arith.extui %lt3A_25 : i1 to i32
    %cond3A_27 = arith.constant 0 : i32
    %cond3A_28 = arith.cmpi ne, %convert_element_type3A_26, %cond3A_27 : i32
    scf.if %cond3A_28 {
      %mul3A_290 = arith.constant 64 : i32
      %mul3A_291 = arith.muli %add3A_23, %mul3A_290 : i32
      "tpu.region"() ({
        %run_scoped3A = tpu.sem_alloc : memref<!tpu.dma_semaphore, #tpu.memory_space<semaphore_mem>>
        %dma_start3A_292 = arith.constant 0 : i32
        %dma_start3A_293 = tpu.memref_slice %arg6[%mul3A_291, %dma_start3A_292] : memref<10112x128xf32, #tpu.memory_space<vmem_shared>> -> memref<64x128xf32, #tpu.memory_space<vmem_shared>>
        %dma_start3A_294 = arith.constant 0 : i32
        %dma_start3A_295 = tpu.memref_slice %arg6[%mul3A_291, %dma_start3A_294] : memref<10112x128xf32, #tpu.memory_space<vmem_shared>> -> memref<64x128xf32, #tpu.memory_space<vmem_shared>>
        tpu.enqueue_dma source(%arg14 : memref<64x128xf32, #tpu.memory_space<vmem>>) target(%dma_start3A_295 : memref<64x128xf32, #tpu.memory_space<vmem_shared>>) target_semaphore(%run_scoped3A : memref<!tpu.dma_semaphore, #tpu.memory_space<semaphore_mem>>)
        %dma_wait3A = arith.constant 0 : i32
        %dma_wait3A_296 = tpu.memref_slice %arg6[%mul3A_291, %dma_wait3A] : memref<10112x128xf32, #tpu.memory_space<vmem_shared>> -> memref<64x128xf32, #tpu.memory_space<vmem_shared>>
        %dma_wait3A_297 = arith.constant 0 : i32
        %dma_wait3A_298 = tpu.memref_slice %arg6[%mul3A_291, %dma_wait3A_297] : memref<10112x128xf32, #tpu.memory_space<vmem_shared>> -> memref<64x128xf32, #tpu.memory_space<vmem_shared>>
        tpu.wait_dma2 semaphore(%run_scoped3A : memref<!tpu.dma_semaphore, #tpu.memory_space<semaphore_mem>>) src(%arg14 : memref<64x128xf32, #tpu.memory_space<vmem>>) dst(%dma_wait3A_298 : memref<64x128xf32, #tpu.memory_space<vmem_shared>>)
        tpu.yield
      }) : () -> ()
    } else {
    }
    %add3A_29 = arith.constant 32 : i32
    %add3A_30 = arith.addi %arg1, %add3A_29 : i32
    %lt3A_31 = arith.constant 158 : i32
    %lt3A_32 = arith.cmpi slt, %add3A_30, %lt3A_31 : i32
    %convert_element_type3A_33 = arith.extui %lt3A_32 : i1 to i32
    %cond3A_34 = arith.constant 0 : i32
    %cond3A_35 = arith.cmpi ne, %convert_element_type3A_33, %cond3A_34 : i32
    scf.if %cond3A_35 {
      %mul3A_290 = arith.constant 64 : i32
      %mul3A_291 = arith.muli %add3A_30, %mul3A_290 : i32
      "tpu.region"() ({
        %run_scoped3A = tpu.sem_alloc : memref<!tpu.dma_semaphore, #tpu.memory_space<semaphore_mem>>
        %dma_start3A_292 = arith.constant 0 : i32
        %dma_start3A_293 = tpu.memref_slice %arg6[%mul3A_291, %dma_start3A_292] : memref<10112x128xf32, #tpu.memory_space<vmem_shared>> -> memref<64x128xf32, #tpu.memory_space<vmem_shared>>
        %dma_start3A_294 = arith.constant 0 : i32
        %dma_start3A_295 = tpu.memref_slice %arg6[%mul3A_291, %dma_start3A_294] : memref<10112x128xf32, #tpu.memory_space<vmem_shared>> -> memref<64x128xf32, #tpu.memory_space<vmem_shared>>
        tpu.enqueue_dma source(%arg14 : memref<64x128xf32, #tpu.memory_space<vmem>>) target(%dma_start3A_295 : memref<64x128xf32, #tpu.memory_space<vmem_shared>>) target_semaphore(%run_scoped3A : memref<!tpu.dma_semaphore, #tpu.memory_space<semaphore_mem>>)
        %dma_wait3A = arith.constant 0 : i32
        %dma_wait3A_296 = tpu.memref_slice %arg6[%mul3A_291, %dma_wait3A] : memref<10112x128xf32, #tpu.memory_space<vmem_shared>> -> memref<64x128xf32, #tpu.memory_space<vmem_shared>>
        %dma_wait3A_297 = arith.constant 0 : i32
        %dma_wait3A_298 = tpu.memref_slice %arg6[%mul3A_291, %dma_wait3A_297] : memref<10112x128xf32, #tpu.memory_space<vmem_shared>> -> memref<64x128xf32, #tpu.memory_space<vmem_shared>>
        tpu.wait_dma2 semaphore(%run_scoped3A : memref<!tpu.dma_semaphore, #tpu.memory_space<semaphore_mem>>) src(%arg14 : memref<64x128xf32, #tpu.memory_space<vmem>>) dst(%dma_wait3A_298 : memref<64x128xf32, #tpu.memory_space<vmem_shared>>)
        tpu.yield
      }) : () -> ()
    } else {
    }
    %add3A_36 = arith.constant 48 : i32
    %add3A_37 = arith.addi %arg1, %add3A_36 : i32
    %lt3A_38 = arith.constant 158 : i32
    %lt3A_39 = arith.cmpi slt, %add3A_37, %lt3A_38 : i32
    %convert_element_type3A_40 = arith.extui %lt3A_39 : i1 to i32
    %cond3A_41 = arith.constant 0 : i32
    %cond3A_42 = arith.cmpi ne, %convert_element_type3A_40, %cond3A_41 : i32
    scf.if %cond3A_42 {
      %mul3A_290 = arith.constant 64 : i32
      %mul3A_291 = arith.muli %add3A_37, %mul3A_290 : i32
      "tpu.region"() ({
        %run_scoped3A = tpu.sem_alloc : memref<!tpu.dma_semaphore, #tpu.memory_space<semaphore_mem>>
        %dma_start3A_292 = arith.constant 0 : i32
        %dma_start3A_293 = tpu.memref_slice %arg6[%mul3A_291, %dma_start3A_292] : memref<10112x128xf32, #tpu.memory_space<vmem_shared>> -> memref<64x128xf32, #tpu.memory_space<vmem_shared>>
        %dma_start3A_294 = arith.constant 0 : i32
        %dma_start3A_295 = tpu.memref_slice %arg6[%mul3A_291, %dma_start3A_294] : memref<10112x128xf32, #tpu.memory_space<vmem_shared>> -> memref<64x128xf32, #tpu.memory_space<vmem_shared>>
        tpu.enqueue_dma source(%arg14 : memref<64x128xf32, #tpu.memory_space<vmem>>) target(%dma_start3A_295 : memref<64x128xf32, #tpu.memory_space<vmem_shared>>) target_semaphore(%run_scoped3A : memref<!tpu.dma_semaphore, #tpu.memory_space<semaphore_mem>>)
        %dma_wait3A = arith.constant 0 : i32
        %dma_wait3A_296 = tpu.memref_slice %arg6[%mul3A_291, %dma_wait3A] : memref<10112x128xf32, #tpu.memory_space<vmem_shared>> -> memref<64x128xf32, #tpu.memory_space<vmem_shared>>
        %dma_wait3A_297 = arith.constant 0 : i32
        %dma_wait3A_298 = tpu.memref_slice %arg6[%mul3A_291, %dma_wait3A_297] : memref<10112x128xf32, #tpu.memory_space<vmem_shared>> -> memref<64x128xf32, #tpu.memory_space<vmem_shared>>
        tpu.wait_dma2 semaphore(%run_scoped3A : memref<!tpu.dma_semaphore, #tpu.memory_space<semaphore_mem>>) src(%arg14 : memref<64x128xf32, #tpu.memory_space<vmem>>) dst(%dma_wait3A_298 : memref<64x128xf32, #tpu.memory_space<vmem_shared>>)
        tpu.yield
      }) : () -> ()
    } else {
    }
    %add3A_43 = arith.constant 64 : i32
    %add3A_44 = arith.addi %arg1, %add3A_43 : i32
    %lt3A_45 = arith.constant 158 : i32
    %lt3A_46 = arith.cmpi slt, %add3A_44, %lt3A_45 : i32
    %convert_element_type3A_47 = arith.extui %lt3A_46 : i1 to i32
    %cond3A_48 = arith.constant 0 : i32
    %cond3A_49 = arith.cmpi ne, %convert_element_type3A_47, %cond3A_48 : i32
    scf.if %cond3A_49 {
      %mul3A_290 = arith.constant 64 : i32
      %mul3A_291 = arith.muli %add3A_44, %mul3A_290 : i32
      "tpu.region"() ({
        %run_scoped3A = tpu.sem_alloc : memref<!tpu.dma_semaphore, #tpu.memory_space<semaphore_mem>>
        %dma_start3A_292 = arith.constant 0 : i32
        %dma_start3A_293 = tpu.memref_slice %arg6[%mul3A_291, %dma_start3A_292] : memref<10112x128xf32, #tpu.memory_space<vmem_shared>> -> memref<64x128xf32, #tpu.memory_space<vmem_shared>>
        %dma_start3A_294 = arith.constant 0 : i32
        %dma_start3A_295 = tpu.memref_slice %arg6[%mul3A_291, %dma_start3A_294] : memref<10112x128xf32, #tpu.memory_space<vmem_shared>> -> memref<64x128xf32, #tpu.memory_space<vmem_shared>>
        tpu.enqueue_dma source(%arg14 : memref<64x128xf32, #tpu.memory_space<vmem>>) target(%dma_start3A_295 : memref<64x128xf32, #tpu.memory_space<vmem_shared>>) target_semaphore(%run_scoped3A : memref<!tpu.dma_semaphore, #tpu.memory_space<semaphore_mem>>)
        %dma_wait3A = arith.constant 0 : i32
        %dma_wait3A_296 = tpu.memref_slice %arg6[%mul3A_291, %dma_wait3A] : memref<10112x128xf32, #tpu.memory_space<vmem_shared>> -> memref<64x128xf32, #tpu.memory_space<vmem_shared>>
        %dma_wait3A_297 = arith.constant 0 : i32
        %dma_wait3A_298 = tpu.memref_slice %arg6[%mul3A_291, %dma_wait3A_297] : memref<10112x128xf32, #tpu.memory_space<vmem_shared>> -> memref<64x128xf32, #tpu.memory_space<vmem_shared>>
        tpu.wait_dma2 semaphore(%run_scoped3A : memref<!tpu.dma_semaphore, #tpu.memory_space<semaphore_mem>>) src(%arg14 : memref<64x128xf32, #tpu.memory_space<vmem>>) dst(%dma_wait3A_298 : memref<64x128xf32, #tpu.memory_space<vmem_shared>>)
        tpu.yield
      }) : () -> ()
    } else {
    }
    %add3A_50 = arith.constant 80 : i32
    %add3A_51 = arith.addi %arg1, %add3A_50 : i32
    %lt3A_52 = arith.constant 158 : i32
    %lt3A_53 = arith.cmpi slt, %add3A_51, %lt3A_52 : i32
    %convert_element_type3A_54 = arith.extui %lt3A_53 : i1 to i32
    %cond3A_55 = arith.constant 0 : i32
    %cond3A_56 = arith.cmpi ne, %convert_element_type3A_54, %cond3A_55 : i32
    scf.if %cond3A_56 {
      %mul3A_290 = arith.constant 64 : i32
      %mul3A_291 = arith.muli %add3A_51, %mul3A_290 : i32
      "tpu.region"() ({
        %run_scoped3A = tpu.sem_alloc : memref<!tpu.dma_semaphore, #tpu.memory_space<semaphore_mem>>
        %dma_start3A_292 = arith.constant 0 : i32
        %dma_start3A_293 = tpu.memref_slice %arg6[%mul3A_291, %dma_start3A_292] : memref<10112x128xf32, #tpu.memory_space<vmem_shared>> -> memref<64x128xf32, #tpu.memory_space<vmem_shared>>
        %dma_start3A_294 = arith.constant 0 : i32
        %dma_start3A_295 = tpu.memref_slice %arg6[%mul3A_291, %dma_start3A_294] : memref<10112x128xf32, #tpu.memory_space<vmem_shared>> -> memref<64x128xf32, #tpu.memory_space<vmem_shared>>
        tpu.enqueue_dma source(%arg14 : memref<64x128xf32, #tpu.memory_space<vmem>>) target(%dma_start3A_295 : memref<64x128xf32, #tpu.memory_space<vmem_shared>>) target_semaphore(%run_scoped3A : memref<!tpu.dma_semaphore, #tpu.memory_space<semaphore_mem>>)
        %dma_wait3A = arith.constant 0 : i32
        %dma_wait3A_296 = tpu.memref_slice %arg6[%mul3A_291, %dma_wait3A] : memref<10112x128xf32, #tpu.memory_space<vmem_shared>> -> memref<64x128xf32, #tpu.memory_space<vmem_shared>>
        %dma_wait3A_297 = arith.constant 0 : i32
        %dma_wait3A_298 = tpu.memref_slice %arg6[%mul3A_291, %dma_wait3A_297] : memref<10112x128xf32, #tpu.memory_space<vmem_shared>> -> memref<64x128xf32, #tpu.memory_space<vmem_shared>>
        tpu.wait_dma2 semaphore(%run_scoped3A : memref<!tpu.dma_semaphore, #tpu.memory_space<semaphore_mem>>) src(%arg14 : memref<64x128xf32, #tpu.memory_space<vmem>>) dst(%dma_wait3A_298 : memref<64x128xf32, #tpu.memory_space<vmem_shared>>)
        tpu.yield
      }) : () -> ()
    } else {
    }
    %add3A_57 = arith.constant 96 : i32
    %add3A_58 = arith.addi %arg1, %add3A_57 : i32
    %lt3A_59 = arith.constant 158 : i32
    %lt3A_60 = arith.cmpi slt, %add3A_58, %lt3A_59 : i32
    %convert_element_type3A_61 = arith.extui %lt3A_60 : i1 to i32
    %cond3A_62 = arith.constant 0 : i32
    %cond3A_63 = arith.cmpi ne, %convert_element_type3A_61, %cond3A_62 : i32
    scf.if %cond3A_63 {
      %mul3A_290 = arith.constant 64 : i32
      %mul3A_291 = arith.muli %add3A_58, %mul3A_290 : i32
      "tpu.region"() ({
        %run_scoped3A = tpu.sem_alloc : memref<!tpu.dma_semaphore, #tpu.memory_space<semaphore_mem>>
        %dma_start3A_292 = arith.constant 0 : i32
        %dma_start3A_293 = tpu.memref_slice %arg6[%mul3A_291, %dma_start3A_292] : memref<10112x128xf32, #tpu.memory_space<vmem_shared>> -> memref<64x128xf32, #tpu.memory_space<vmem_shared>>
        %dma_start3A_294 = arith.constant 0 : i32
        %dma_start3A_295 = tpu.memref_slice %arg6[%mul3A_291, %dma_start3A_294] : memref<10112x128xf32, #tpu.memory_space<vmem_shared>> -> memref<64x128xf32, #tpu.memory_space<vmem_shared>>
        tpu.enqueue_dma source(%arg14 : memref<64x128xf32, #tpu.memory_space<vmem>>) target(%dma_start3A_295 : memref<64x128xf32, #tpu.memory_space<vmem_shared>>) target_semaphore(%run_scoped3A : memref<!tpu.dma_semaphore, #tpu.memory_space<semaphore_mem>>)
        %dma_wait3A = arith.constant 0 : i32
        %dma_wait3A_296 = tpu.memref_slice %arg6[%mul3A_291, %dma_wait3A] : memref<10112x128xf32, #tpu.memory_space<vmem_shared>> -> memref<64x128xf32, #tpu.memory_space<vmem_shared>>
        %dma_wait3A_297 = arith.constant 0 : i32
        %dma_wait3A_298 = tpu.memref_slice %arg6[%mul3A_291, %dma_wait3A_297] : memref<10112x128xf32, #tpu.memory_space<vmem_shared>> -> memref<64x128xf32, #tpu.memory_space<vmem_shared>>
        tpu.wait_dma2 semaphore(%run_scoped3A : memref<!tpu.dma_semaphore, #tpu.memory_space<semaphore_mem>>) src(%arg14 : memref<64x128xf32, #tpu.memory_space<vmem>>) dst(%dma_wait3A_298 : memref<64x128xf32, #tpu.memory_space<vmem_shared>>)
        tpu.yield
      }) : () -> ()
    } else {
    }
    %add3A_64 = arith.constant 112 : i32
    %add3A_65 = arith.addi %arg1, %add3A_64 : i32
    %lt3A_66 = arith.constant 158 : i32
    %lt3A_67 = arith.cmpi slt, %add3A_65, %lt3A_66 : i32
    %convert_element_type3A_68 = arith.extui %lt3A_67 : i1 to i32
    %cond3A_69 = arith.constant 0 : i32
    %cond3A_70 = arith.cmpi ne, %convert_element_type3A_68, %cond3A_69 : i32
    scf.if %cond3A_70 {
      %mul3A_290 = arith.constant 64 : i32
      %mul3A_291 = arith.muli %add3A_65, %mul3A_290 : i32
      "tpu.region"() ({
        %run_scoped3A = tpu.sem_alloc : memref<!tpu.dma_semaphore, #tpu.memory_space<semaphore_mem>>
        %dma_start3A_292 = arith.constant 0 : i32
        %dma_start3A_293 = tpu.memref_slice %arg6[%mul3A_291, %dma_start3A_292] : memref<10112x128xf32, #tpu.memory_space<vmem_shared>> -> memref<64x128xf32, #tpu.memory_space<vmem_shared>>
        %dma_start3A_294 = arith.constant 0 : i32
        %dma_start3A_295 = tpu.memref_slice %arg6[%mul3A_291, %dma_start3A_294] : memref<10112x128xf32, #tpu.memory_space<vmem_shared>> -> memref<64x128xf32, #tpu.memory_space<vmem_shared>>
        tpu.enqueue_dma source(%arg14 : memref<64x128xf32, #tpu.memory_space<vmem>>) target(%dma_start3A_295 : memref<64x128xf32, #tpu.memory_space<vmem_shared>>) target_semaphore(%run_scoped3A : memref<!tpu.dma_semaphore, #tpu.memory_space<semaphore_mem>>)
        %dma_wait3A = arith.constant 0 : i32
        %dma_wait3A_296 = tpu.memref_slice %arg6[%mul3A_291, %dma_wait3A] : memref<10112x128xf32, #tpu.memory_space<vmem_shared>> -> memref<64x128xf32, #tpu.memory_space<vmem_shared>>
        %dma_wait3A_297 = arith.constant 0 : i32
        %dma_wait3A_298 = tpu.memref_slice %arg6[%mul3A_291, %dma_wait3A_297] : memref<10112x128xf32, #tpu.memory_space<vmem_shared>> -> memref<64x128xf32, #tpu.memory_space<vmem_shared>>
        tpu.wait_dma2 semaphore(%run_scoped3A : memref<!tpu.dma_semaphore, #tpu.memory_space<semaphore_mem>>) src(%arg14 : memref<64x128xf32, #tpu.memory_space<vmem>>) dst(%dma_wait3A_298 : memref<64x128xf32, #tpu.memory_space<vmem_shared>>)
        tpu.yield
      }) : () -> ()
    } else {
    }
    %add3A_71 = arith.constant 128 : i32
    %add3A_72 = arith.addi %arg1, %add3A_71 : i32
    %lt3A_73 = arith.constant 158 : i32
    %lt3A_74 = arith.cmpi slt, %add3A_72, %lt3A_73 : i32
    %convert_element_type3A_75 = arith.extui %lt3A_74 : i1 to i32
    %cond3A_76 = arith.constant 0 : i32
    %cond3A_77 = arith.cmpi ne, %convert_element_type3A_75, %cond3A_76 : i32
    scf.if %cond3A_77 {
      %mul3A_290 = arith.constant 64 : i32
      %mul3A_291 = arith.muli %add3A_72, %mul3A_290 : i32
      "tpu.region"() ({
        %run_scoped3A = tpu.sem_alloc : memref<!tpu.dma_semaphore, #tpu.memory_space<semaphore_mem>>
        %dma_start3A_292 = arith.constant 0 : i32
        %dma_start3A_293 = tpu.memref_slice %arg6[%mul3A_291, %dma_start3A_292] : memref<10112x128xf32, #tpu.memory_space<vmem_shared>> -> memref<64x128xf32, #tpu.memory_space<vmem_shared>>
        %dma_start3A_294 = arith.constant 0 : i32
        %dma_start3A_295 = tpu.memref_slice %arg6[%mul3A_291, %dma_start3A_294] : memref<10112x128xf32, #tpu.memory_space<vmem_shared>> -> memref<64x128xf32, #tpu.memory_space<vmem_shared>>
        tpu.enqueue_dma source(%arg14 : memref<64x128xf32, #tpu.memory_space<vmem>>) target(%dma_start3A_295 : memref<64x128xf32, #tpu.memory_space<vmem_shared>>) target_semaphore(%run_scoped3A : memref<!tpu.dma_semaphore, #tpu.memory_space<semaphore_mem>>)
        %dma_wait3A = arith.constant 0 : i32
        %dma_wait3A_296 = tpu.memref_slice %arg6[%mul3A_291, %dma_wait3A] : memref<10112x128xf32, #tpu.memory_space<vmem_shared>> -> memref<64x128xf32, #tpu.memory_space<vmem_shared>>
        %dma_wait3A_297 = arith.constant 0 : i32
        %dma_wait3A_298 = tpu.memref_slice %arg6[%mul3A_291, %dma_wait3A_297] : memref<10112x128xf32, #tpu.memory_space<vmem_shared>> -> memref<64x128xf32, #tpu.memory_space<vmem_shared>>
        tpu.wait_dma2 semaphore(%run_scoped3A : memref<!tpu.dma_semaphore, #tpu.memory_space<semaphore_mem>>) src(%arg14 : memref<64x128xf32, #tpu.memory_space<vmem>>) dst(%dma_wait3A_298 : memref<64x128xf32, #tpu.memory_space<vmem_shared>>)
        tpu.yield
      }) : () -> ()
    } else {
    }
    %add3A_78 = arith.constant 144 : i32
    %add3A_79 = arith.addi %arg1, %add3A_78 : i32
    %lt3A_80 = arith.constant 158 : i32
    %lt3A_81 = arith.cmpi slt, %add3A_79, %lt3A_80 : i32
    %convert_element_type3A_82 = arith.extui %lt3A_81 : i1 to i32
    %cond3A_83 = arith.constant 0 : i32
    %cond3A_84 = arith.cmpi ne, %convert_element_type3A_82, %cond3A_83 : i32
    scf.if %cond3A_84 {
      %mul3A_290 = arith.constant 64 : i32
      %mul3A_291 = arith.muli %add3A_79, %mul3A_290 : i32
      "tpu.region"() ({
        %run_scoped3A = tpu.sem_alloc : memref<!tpu.dma_semaphore, #tpu.memory_space<semaphore_mem>>
        %dma_start3A_292 = arith.constant 0 : i32
        %dma_start3A_293 = tpu.memref_slice %arg6[%mul3A_291, %dma_start3A_292] : memref<10112x128xf32, #tpu.memory_space<vmem_shared>> -> memref<64x128xf32, #tpu.memory_space<vmem_shared>>
        %dma_start3A_294 = arith.constant 0 : i32
        %dma_start3A_295 = tpu.memref_slice %arg6[%mul3A_291, %dma_start3A_294] : memref<10112x128xf32, #tpu.memory_space<vmem_shared>> -> memref<64x128xf32, #tpu.memory_space<vmem_shared>>
        tpu.enqueue_dma source(%arg14 : memref<64x128xf32, #tpu.memory_space<vmem>>) target(%dma_start3A_295 : memref<64x128xf32, #tpu.memory_space<vmem_shared>>) target_semaphore(%run_scoped3A : memref<!tpu.dma_semaphore, #tpu.memory_space<semaphore_mem>>)
        %dma_wait3A = arith.constant 0 : i32
        %dma_wait3A_296 = tpu.memref_slice %arg6[%mul3A_291, %dma_wait3A] : memref<10112x128xf32, #tpu.memory_space<vmem_shared>> -> memref<64x128xf32, #tpu.memory_space<vmem_shared>>
        %dma_wait3A_297 = arith.constant 0 : i32
        %dma_wait3A_298 = tpu.memref_slice %arg6[%mul3A_291, %dma_wait3A_297] : memref<10112x128xf32, #tpu.memory_space<vmem_shared>> -> memref<64x128xf32, #tpu.memory_space<vmem_shared>>
        tpu.wait_dma2 semaphore(%run_scoped3A : memref<!tpu.dma_semaphore, #tpu.memory_space<semaphore_mem>>) src(%arg14 : memref<64x128xf32, #tpu.memory_space<vmem>>) dst(%dma_wait3A_298 : memref<64x128xf32, #tpu.memory_space<vmem_shared>>)
        tpu.yield
      }) : () -> ()
    } else {
    }
    %add3A_85 = arith.constant 0 : i32
    %add3A_86 = arith.addi %arg1, %add3A_85 : i32
    %lt3A_87 = arith.constant 79 : i32
    %lt3A_88 = arith.cmpi slt, %add3A_86, %lt3A_87 : i32
    %convert_element_type3A_89 = arith.extui %lt3A_88 : i1 to i32
    %cond3A_90 = arith.constant 0 : i32
    %cond3A_91 = arith.cmpi ne, %convert_element_type3A_89, %cond3A_90 : i32
    scf.if %cond3A_91 {
      %mul3A_290 = arith.constant 128 : i32
      %mul3A_291 = arith.muli %add3A_86, %mul3A_290 : i32
      %run_scoped3A = arith.constant 0 : i32
      "tpu.region"() ({
        %run_scoped3A_292 = tpu.sem_alloc : memref<!tpu.dma_semaphore, #tpu.memory_space<semaphore_mem>>
        %dma_start3A_293 = arith.constant 0 : i32
        %dma_start3A_294 = tpu.memref_slice %arg14[%run_scoped3A, %dma_start3A_293] : memref<64x128xf32, #tpu.memory_space<vmem>> -> memref<1x128xf32, #tpu.memory_space<vmem>>
        %dma_start3A_295 = tpu.memref_squeeze %dma_start3A_294 : memref<1x128xf32, #tpu.memory_space<vmem>> -> memref<128xf32, #tpu.memory_space<vmem>>
        %dma_start3A_296 = tpu.memref_slice %arg7[%mul3A_291] : memref<10112xf32, #tpu.memory_space<vmem_shared>> -> memref<128xf32, #tpu.memory_space<vmem_shared>>
        %dma_start3A_297 = tpu.memref_slice %arg7[%mul3A_291] : memref<10112xf32, #tpu.memory_space<vmem_shared>> -> memref<128xf32, #tpu.memory_space<vmem_shared>>
        %dma_start3A_298 = arith.constant 0 : i32
        %dma_start3A_299 = tpu.memref_slice %arg14[%run_scoped3A, %dma_start3A_298] : memref<64x128xf32, #tpu.memory_space<vmem>> -> memref<1x128xf32, #tpu.memory_space<vmem>>
        %dma_start3A_300 = tpu.memref_squeeze %dma_start3A_299 : memref<1x128xf32, #tpu.memory_space<vmem>> -> memref<128xf32, #tpu.memory_space<vmem>>
        tpu.enqueue_dma source(%dma_start3A_300 : memref<128xf32, #tpu.memory_space<vmem>>) target(%dma_start3A_297 : memref<128xf32, #tpu.memory_space<vmem_shared>>) target_semaphore(%run_scoped3A_292 : memref<!tpu.dma_semaphore, #tpu.memory_space<semaphore_mem>>)
        %dma_wait3A = arith.constant 0 : i32
        %dma_wait3A_301 = tpu.memref_slice %arg14[%run_scoped3A, %dma_wait3A] : memref<64x128xf32, #tpu.memory_space<vmem>> -> memref<1x128xf32, #tpu.memory_space<vmem>>
        %dma_wait3A_302 = tpu.memref_squeeze %dma_wait3A_301 : memref<1x128xf32, #tpu.memory_space<vmem>> -> memref<128xf32, #tpu.memory_space<vmem>>
        %dma_wait3A_303 = tpu.memref_slice %arg7[%mul3A_291] : memref<10112xf32, #tpu.memory_space<vmem_shared>> -> memref<128xf32, #tpu.memory_space<vmem_shared>>
        %dma_wait3A_304 = tpu.memref_slice %arg7[%mul3A_291] : memref<10112xf32, #tpu.memory_space<vmem_shared>> -> memref<128xf32, #tpu.memory_space<vmem_shared>>
        %dma_wait3A_305 = arith.constant 0 : i32
        %dma_wait3A_306 = tpu.memref_slice %arg14[%run_scoped3A, %dma_wait3A_305] : memref<64x128xf32, #tpu.memory_space<vmem>> -> memref<1x128xf32, #tpu.memory_space<vmem>>
        %dma_wait3A_307 = tpu.memref_squeeze %dma_wait3A_306 : memref<1x128xf32, #tpu.memory_space<vmem>> -> memref<128xf32, #tpu.memory_space<vmem>>
        tpu.wait_dma2 semaphore(%run_scoped3A_292 : memref<!tpu.dma_semaphore, #tpu.memory_space<semaphore_mem>>) src(%dma_wait3A_307 : memref<128xf32, #tpu.memory_space<vmem>>) dst(%dma_wait3A_304 : memref<128xf32, #tpu.memory_space<vmem_shared>>)
        tpu.yield
      }) : () -> ()
    } else {
    }
    %add3A_92 = arith.constant 16 : i32
    %add3A_93 = arith.addi %arg1, %add3A_92 : i32
    %lt3A_94 = arith.constant 79 : i32
    %lt3A_95 = arith.cmpi slt, %add3A_93, %lt3A_94 : i32
    %convert_element_type3A_96 = arith.extui %lt3A_95 : i1 to i32
    %cond3A_97 = arith.constant 0 : i32
    %cond3A_98 = arith.cmpi ne, %convert_element_type3A_96, %cond3A_97 : i32
    scf.if %cond3A_98 {
      %mul3A_290 = arith.constant 128 : i32
      %mul3A_291 = arith.muli %add3A_93, %mul3A_290 : i32
      %run_scoped3A = arith.constant 0 : i32
      "tpu.region"() ({
        %run_scoped3A_292 = tpu.sem_alloc : memref<!tpu.dma_semaphore, #tpu.memory_space<semaphore_mem>>
        %dma_start3A_293 = arith.constant 0 : i32
        %dma_start3A_294 = tpu.memref_slice %arg14[%run_scoped3A, %dma_start3A_293] : memref<64x128xf32, #tpu.memory_space<vmem>> -> memref<1x128xf32, #tpu.memory_space<vmem>>
        %dma_start3A_295 = tpu.memref_squeeze %dma_start3A_294 : memref<1x128xf32, #tpu.memory_space<vmem>> -> memref<128xf32, #tpu.memory_space<vmem>>
        %dma_start3A_296 = tpu.memref_slice %arg7[%mul3A_291] : memref<10112xf32, #tpu.memory_space<vmem_shared>> -> memref<128xf32, #tpu.memory_space<vmem_shared>>
        %dma_start3A_297 = tpu.memref_slice %arg7[%mul3A_291] : memref<10112xf32, #tpu.memory_space<vmem_shared>> -> memref<128xf32, #tpu.memory_space<vmem_shared>>
        %dma_start3A_298 = arith.constant 0 : i32
        %dma_start3A_299 = tpu.memref_slice %arg14[%run_scoped3A, %dma_start3A_298] : memref<64x128xf32, #tpu.memory_space<vmem>> -> memref<1x128xf32, #tpu.memory_space<vmem>>
        %dma_start3A_300 = tpu.memref_squeeze %dma_start3A_299 : memref<1x128xf32, #tpu.memory_space<vmem>> -> memref<128xf32, #tpu.memory_space<vmem>>
        tpu.enqueue_dma source(%dma_start3A_300 : memref<128xf32, #tpu.memory_space<vmem>>) target(%dma_start3A_297 : memref<128xf32, #tpu.memory_space<vmem_shared>>) target_semaphore(%run_scoped3A_292 : memref<!tpu.dma_semaphore, #tpu.memory_space<semaphore_mem>>)
        %dma_wait3A = arith.constant 0 : i32
        %dma_wait3A_301 = tpu.memref_slice %arg14[%run_scoped3A, %dma_wait3A] : memref<64x128xf32, #tpu.memory_space<vmem>> -> memref<1x128xf32, #tpu.memory_space<vmem>>
        %dma_wait3A_302 = tpu.memref_squeeze %dma_wait3A_301 : memref<1x128xf32, #tpu.memory_space<vmem>> -> memref<128xf32, #tpu.memory_space<vmem>>
        %dma_wait3A_303 = tpu.memref_slice %arg7[%mul3A_291] : memref<10112xf32, #tpu.memory_space<vmem_shared>> -> memref<128xf32, #tpu.memory_space<vmem_shared>>
        %dma_wait3A_304 = tpu.memref_slice %arg7[%mul3A_291] : memref<10112xf32, #tpu.memory_space<vmem_shared>> -> memref<128xf32, #tpu.memory_space<vmem_shared>>
        %dma_wait3A_305 = arith.constant 0 : i32
        %dma_wait3A_306 = tpu.memref_slice %arg14[%run_scoped3A, %dma_wait3A_305] : memref<64x128xf32, #tpu.memory_space<vmem>> -> memref<1x128xf32, #tpu.memory_space<vmem>>
        %dma_wait3A_307 = tpu.memref_squeeze %dma_wait3A_306 : memref<1x128xf32, #tpu.memory_space<vmem>> -> memref<128xf32, #tpu.memory_space<vmem>>
        tpu.wait_dma2 semaphore(%run_scoped3A_292 : memref<!tpu.dma_semaphore, #tpu.memory_space<semaphore_mem>>) src(%dma_wait3A_307 : memref<128xf32, #tpu.memory_space<vmem>>) dst(%dma_wait3A_304 : memref<128xf32, #tpu.memory_space<vmem_shared>>)
        tpu.yield
      }) : () -> ()
    } else {
    }
    %add3A_99 = arith.constant 32 : i32
    %add3A_100 = arith.addi %arg1, %add3A_99 : i32
    %lt3A_101 = arith.constant 79 : i32
    %lt3A_102 = arith.cmpi slt, %add3A_100, %lt3A_101 : i32
    %convert_element_type3A_103 = arith.extui %lt3A_102 : i1 to i32
    %cond3A_104 = arith.constant 0 : i32
    %cond3A_105 = arith.cmpi ne, %convert_element_type3A_103, %cond3A_104 : i32
    scf.if %cond3A_105 {
      %mul3A_290 = arith.constant 128 : i32
      %mul3A_291 = arith.muli %add3A_100, %mul3A_290 : i32
      %run_scoped3A = arith.constant 0 : i32
      "tpu.region"() ({
        %run_scoped3A_292 = tpu.sem_alloc : memref<!tpu.dma_semaphore, #tpu.memory_space<semaphore_mem>>
        %dma_start3A_293 = arith.constant 0 : i32
        %dma_start3A_294 = tpu.memref_slice %arg14[%run_scoped3A, %dma_start3A_293] : memref<64x128xf32, #tpu.memory_space<vmem>> -> memref<1x128xf32, #tpu.memory_space<vmem>>
        %dma_start3A_295 = tpu.memref_squeeze %dma_start3A_294 : memref<1x128xf32, #tpu.memory_space<vmem>> -> memref<128xf32, #tpu.memory_space<vmem>>
        %dma_start3A_296 = tpu.memref_slice %arg7[%mul3A_291] : memref<10112xf32, #tpu.memory_space<vmem_shared>> -> memref<128xf32, #tpu.memory_space<vmem_shared>>
        %dma_start3A_297 = tpu.memref_slice %arg7[%mul3A_291] : memref<10112xf32, #tpu.memory_space<vmem_shared>> -> memref<128xf32, #tpu.memory_space<vmem_shared>>
        %dma_start3A_298 = arith.constant 0 : i32
        %dma_start3A_299 = tpu.memref_slice %arg14[%run_scoped3A, %dma_start3A_298] : memref<64x128xf32, #tpu.memory_space<vmem>> -> memref<1x128xf32, #tpu.memory_space<vmem>>
        %dma_start3A_300 = tpu.memref_squeeze %dma_start3A_299 : memref<1x128xf32, #tpu.memory_space<vmem>> -> memref<128xf32, #tpu.memory_space<vmem>>
        tpu.enqueue_dma source(%dma_start3A_300 : memref<128xf32, #tpu.memory_space<vmem>>) target(%dma_start3A_297 : memref<128xf32, #tpu.memory_space<vmem_shared>>) target_semaphore(%run_scoped3A_292 : memref<!tpu.dma_semaphore, #tpu.memory_space<semaphore_mem>>)
        %dma_wait3A = arith.constant 0 : i32
        %dma_wait3A_301 = tpu.memref_slice %arg14[%run_scoped3A, %dma_wait3A] : memref<64x128xf32, #tpu.memory_space<vmem>> -> memref<1x128xf32, #tpu.memory_space<vmem>>
        %dma_wait3A_302 = tpu.memref_squeeze %dma_wait3A_301 : memref<1x128xf32, #tpu.memory_space<vmem>> -> memref<128xf32, #tpu.memory_space<vmem>>
        %dma_wait3A_303 = tpu.memref_slice %arg7[%mul3A_291] : memref<10112xf32, #tpu.memory_space<vmem_shared>> -> memref<128xf32, #tpu.memory_space<vmem_shared>>
        %dma_wait3A_304 = tpu.memref_slice %arg7[%mul3A_291] : memref<10112xf32, #tpu.memory_space<vmem_shared>> -> memref<128xf32, #tpu.memory_space<vmem_shared>>
        %dma_wait3A_305 = arith.constant 0 : i32
        %dma_wait3A_306 = tpu.memref_slice %arg14[%run_scoped3A, %dma_wait3A_305] : memref<64x128xf32, #tpu.memory_space<vmem>> -> memref<1x128xf32, #tpu.memory_space<vmem>>
        %dma_wait3A_307 = tpu.memref_squeeze %dma_wait3A_306 : memref<1x128xf32, #tpu.memory_space<vmem>> -> memref<128xf32, #tpu.memory_space<vmem>>
        tpu.wait_dma2 semaphore(%run_scoped3A_292 : memref<!tpu.dma_semaphore, #tpu.memory_space<semaphore_mem>>) src(%dma_wait3A_307 : memref<128xf32, #tpu.memory_space<vmem>>) dst(%dma_wait3A_304 : memref<128xf32, #tpu.memory_space<vmem_shared>>)
        tpu.yield
      }) : () -> ()
    } else {
    }
    %add3A_106 = arith.constant 48 : i32
    %add3A_107 = arith.addi %arg1, %add3A_106 : i32
    %lt3A_108 = arith.constant 79 : i32
    %lt3A_109 = arith.cmpi slt, %add3A_107, %lt3A_108 : i32
    %convert_element_type3A_110 = arith.extui %lt3A_109 : i1 to i32
    %cond3A_111 = arith.constant 0 : i32
    %cond3A_112 = arith.cmpi ne, %convert_element_type3A_110, %cond3A_111 : i32
    scf.if %cond3A_112 {
      %mul3A_290 = arith.constant 128 : i32
      %mul3A_291 = arith.muli %add3A_107, %mul3A_290 : i32
      %run_scoped3A = arith.constant 0 : i32
      "tpu.region"() ({
        %run_scoped3A_292 = tpu.sem_alloc : memref<!tpu.dma_semaphore, #tpu.memory_space<semaphore_mem>>
        %dma_start3A_293 = arith.constant 0 : i32
        %dma_start3A_294 = tpu.memref_slice %arg14[%run_scoped3A, %dma_start3A_293] : memref<64x128xf32, #tpu.memory_space<vmem>> -> memref<1x128xf32, #tpu.memory_space<vmem>>
        %dma_start3A_295 = tpu.memref_squeeze %dma_start3A_294 : memref<1x128xf32, #tpu.memory_space<vmem>> -> memref<128xf32, #tpu.memory_space<vmem>>
        %dma_start3A_296 = tpu.memref_slice %arg7[%mul3A_291] : memref<10112xf32, #tpu.memory_space<vmem_shared>> -> memref<128xf32, #tpu.memory_space<vmem_shared>>
        %dma_start3A_297 = tpu.memref_slice %arg7[%mul3A_291] : memref<10112xf32, #tpu.memory_space<vmem_shared>> -> memref<128xf32, #tpu.memory_space<vmem_shared>>
        %dma_start3A_298 = arith.constant 0 : i32
        %dma_start3A_299 = tpu.memref_slice %arg14[%run_scoped3A, %dma_start3A_298] : memref<64x128xf32, #tpu.memory_space<vmem>> -> memref<1x128xf32, #tpu.memory_space<vmem>>
        %dma_start3A_300 = tpu.memref_squeeze %dma_start3A_299 : memref<1x128xf32, #tpu.memory_space<vmem>> -> memref<128xf32, #tpu.memory_space<vmem>>
        tpu.enqueue_dma source(%dma_start3A_300 : memref<128xf32, #tpu.memory_space<vmem>>) target(%dma_start3A_297 : memref<128xf32, #tpu.memory_space<vmem_shared>>) target_semaphore(%run_scoped3A_292 : memref<!tpu.dma_semaphore, #tpu.memory_space<semaphore_mem>>)
        %dma_wait3A = arith.constant 0 : i32
        %dma_wait3A_301 = tpu.memref_slice %arg14[%run_scoped3A, %dma_wait3A] : memref<64x128xf32, #tpu.memory_space<vmem>> -> memref<1x128xf32, #tpu.memory_space<vmem>>
        %dma_wait3A_302 = tpu.memref_squeeze %dma_wait3A_301 : memref<1x128xf32, #tpu.memory_space<vmem>> -> memref<128xf32, #tpu.memory_space<vmem>>
        %dma_wait3A_303 = tpu.memref_slice %arg7[%mul3A_291] : memref<10112xf32, #tpu.memory_space<vmem_shared>> -> memref<128xf32, #tpu.memory_space<vmem_shared>>
        %dma_wait3A_304 = tpu.memref_slice %arg7[%mul3A_291] : memref<10112xf32, #tpu.memory_space<vmem_shared>> -> memref<128xf32, #tpu.memory_space<vmem_shared>>
        %dma_wait3A_305 = arith.constant 0 : i32
        %dma_wait3A_306 = tpu.memref_slice %arg14[%run_scoped3A, %dma_wait3A_305] : memref<64x128xf32, #tpu.memory_space<vmem>> -> memref<1x128xf32, #tpu.memory_space<vmem>>
        %dma_wait3A_307 = tpu.memref_squeeze %dma_wait3A_306 : memref<1x128xf32, #tpu.memory_space<vmem>> -> memref<128xf32, #tpu.memory_space<vmem>>
        tpu.wait_dma2 semaphore(%run_scoped3A_292 : memref<!tpu.dma_semaphore, #tpu.memory_space<semaphore_mem>>) src(%dma_wait3A_307 : memref<128xf32, #tpu.memory_space<vmem>>) dst(%dma_wait3A_304 : memref<128xf32, #tpu.memory_space<vmem_shared>>)
        tpu.yield
      }) : () -> ()
    } else {
    }
    %add3A_113 = arith.constant 64 : i32
    %add3A_114 = arith.addi %arg1, %add3A_113 : i32
    %lt3A_115 = arith.constant 79 : i32
    %lt3A_116 = arith.cmpi slt, %add3A_114, %lt3A_115 : i32
    %convert_element_type3A_117 = arith.extui %lt3A_116 : i1 to i32
    %cond3A_118 = arith.constant 0 : i32
    %cond3A_119 = arith.cmpi ne, %convert_element_type3A_117, %cond3A_118 : i32
    scf.if %cond3A_119 {
      %mul3A_290 = arith.constant 128 : i32
      %mul3A_291 = arith.muli %add3A_114, %mul3A_290 : i32
      %run_scoped3A = arith.constant 0 : i32
      "tpu.region"() ({
        %run_scoped3A_292 = tpu.sem_alloc : memref<!tpu.dma_semaphore, #tpu.memory_space<semaphore_mem>>
        %dma_start3A_293 = arith.constant 0 : i32
        %dma_start3A_294 = tpu.memref_slice %arg14[%run_scoped3A, %dma_start3A_293] : memref<64x128xf32, #tpu.memory_space<vmem>> -> memref<1x128xf32, #tpu.memory_space<vmem>>
        %dma_start3A_295 = tpu.memref_squeeze %dma_start3A_294 : memref<1x128xf32, #tpu.memory_space<vmem>> -> memref<128xf32, #tpu.memory_space<vmem>>
        %dma_start3A_296 = tpu.memref_slice %arg7[%mul3A_291] : memref<10112xf32, #tpu.memory_space<vmem_shared>> -> memref<128xf32, #tpu.memory_space<vmem_shared>>
        %dma_start3A_297 = tpu.memref_slice %arg7[%mul3A_291] : memref<10112xf32, #tpu.memory_space<vmem_shared>> -> memref<128xf32, #tpu.memory_space<vmem_shared>>
        %dma_start3A_298 = arith.constant 0 : i32
        %dma_start3A_299 = tpu.memref_slice %arg14[%run_scoped3A, %dma_start3A_298] : memref<64x128xf32, #tpu.memory_space<vmem>> -> memref<1x128xf32, #tpu.memory_space<vmem>>
        %dma_start3A_300 = tpu.memref_squeeze %dma_start3A_299 : memref<1x128xf32, #tpu.memory_space<vmem>> -> memref<128xf32, #tpu.memory_space<vmem>>
        tpu.enqueue_dma source(%dma_start3A_300 : memref<128xf32, #tpu.memory_space<vmem>>) target(%dma_start3A_297 : memref<128xf32, #tpu.memory_space<vmem_shared>>) target_semaphore(%run_scoped3A_292 : memref<!tpu.dma_semaphore, #tpu.memory_space<semaphore_mem>>)
        %dma_wait3A = arith.constant 0 : i32
        %dma_wait3A_301 = tpu.memref_slice %arg14[%run_scoped3A, %dma_wait3A] : memref<64x128xf32, #tpu.memory_space<vmem>> -> memref<1x128xf32, #tpu.memory_space<vmem>>
        %dma_wait3A_302 = tpu.memref_squeeze %dma_wait3A_301 : memref<1x128xf32, #tpu.memory_space<vmem>> -> memref<128xf32, #tpu.memory_space<vmem>>
        %dma_wait3A_303 = tpu.memref_slice %arg7[%mul3A_291] : memref<10112xf32, #tpu.memory_space<vmem_shared>> -> memref<128xf32, #tpu.memory_space<vmem_shared>>
        %dma_wait3A_304 = tpu.memref_slice %arg7[%mul3A_291] : memref<10112xf32, #tpu.memory_space<vmem_shared>> -> memref<128xf32, #tpu.memory_space<vmem_shared>>
        %dma_wait3A_305 = arith.constant 0 : i32
        %dma_wait3A_306 = tpu.memref_slice %arg14[%run_scoped3A, %dma_wait3A_305] : memref<64x128xf32, #tpu.memory_space<vmem>> -> memref<1x128xf32, #tpu.memory_space<vmem>>
        %dma_wait3A_307 = tpu.memref_squeeze %dma_wait3A_306 : memref<1x128xf32, #tpu.memory_space<vmem>> -> memref<128xf32, #tpu.memory_space<vmem>>
        tpu.wait_dma2 semaphore(%run_scoped3A_292 : memref<!tpu.dma_semaphore, #tpu.memory_space<semaphore_mem>>) src(%dma_wait3A_307 : memref<128xf32, #tpu.memory_space<vmem>>) dst(%dma_wait3A_304 : memref<128xf32, #tpu.memory_space<vmem_shared>>)
        tpu.yield
      }) : () -> ()
    } else {
    }
    %barrier3A = arith.constant 0 : index
    tpu.barrier barrier_id(%barrier3A)
    %add3A_120 = arith.constant 320000 : i32
    %add3A_121 = arith.addi %add3A_120, %mul3A_5 : i32
    %add3A_122 = arith.constant 0 : i32
    %add3A_123 = arith.addi %add3A_121, %add3A_122 : i32
    %dma_start3A = tpu.memref_slice %arg3[%add3A_123] : memref<640000xi32, #tpu.memory_space<hbm>> -> memref<64xi32, #tpu.memory_space<hbm>>
    %dma_start3A_124 = tpu.memref_slice %arg3[%add3A_123] : memref<640000xi32, #tpu.memory_space<hbm>> -> memref<64xi32, #tpu.memory_space<hbm>>
    tpu.enqueue_dma source(%dma_start3A_124 : memref<64xi32, #tpu.memory_space<hbm>>) target(%arg10 : memref<64xi32, #tpu.memory_space<vmem>>) target_semaphore(%arg24 : memref<!tpu.dma_semaphore, #tpu.memory_space<semaphore_mem>>)
    %dma_start3A_125 = arith.constant 0 : i32
    %dma_start3A_126 = tpu.memref_slice %arg9[%dma_start3A_125] : memref<10000xi32, #tpu.memory_space<vmem>> -> memref<64xi32, #tpu.memory_space<vmem>>
    %dma_start3A_127 = arith.constant 0 : i32
    %dma_start3A_128 = arith.constant 0 : i32
    %dma_start3A_129 = tpu.memref_slice %arg2[%dma_start3A_127, %dma_start3A_128] : memref<10000x128xf32, #tpu.memory_space<hbm>> -> memref<10000x128xf32, #tpu.memory_space<hbm>>
    tpu.enqueue_indirect_dma source(%dma_start3A_129 : memref<10000x128xf32, #tpu.memory_space<hbm>>) target(%arg14 : memref<64x128xf32, #tpu.memory_space<vmem>>) offsets(%dma_start3A_126 : memref<64xi32, #tpu.memory_space<vmem>>) semaphore(%arg20 : memref<!tpu.dma_semaphore, #tpu.memory_space<semaphore_mem>>)
    %add3A_130 = arith.constant 320000 : i32
    %add3A_131 = arith.addi %add3A_130, %mul3A_5 : i32
    %add3A_132 = arith.constant 64 : i32
    %add3A_133 = arith.addi %add3A_131, %add3A_132 : i32
    %dma_start3A_134 = tpu.memref_slice %arg3[%add3A_133] : memref<640000xi32, #tpu.memory_space<hbm>> -> memref<64xi32, #tpu.memory_space<hbm>>
    %dma_start3A_135 = tpu.memref_slice %arg3[%add3A_133] : memref<640000xi32, #tpu.memory_space<hbm>> -> memref<64xi32, #tpu.memory_space<hbm>>
    tpu.enqueue_dma source(%dma_start3A_135 : memref<64xi32, #tpu.memory_space<hbm>>) target(%arg11 : memref<64xi32, #tpu.memory_space<vmem>>) target_semaphore(%arg25 : memref<!tpu.dma_semaphore, #tpu.memory_space<semaphore_mem>>)
    %dma_start3A_136 = arith.constant 64 : i32
    %dma_start3A_137 = tpu.memref_slice %arg9[%dma_start3A_136] : memref<10000xi32, #tpu.memory_space<vmem>> -> memref<64xi32, #tpu.memory_space<vmem>>
    %dma_start3A_138 = arith.constant 0 : i32
    %dma_start3A_139 = arith.constant 0 : i32
    %dma_start3A_140 = tpu.memref_slice %arg2[%dma_start3A_138, %dma_start3A_139] : memref<10000x128xf32, #tpu.memory_space<hbm>> -> memref<10000x128xf32, #tpu.memory_space<hbm>>
    tpu.enqueue_indirect_dma source(%dma_start3A_140 : memref<10000x128xf32, #tpu.memory_space<hbm>>) target(%arg15 : memref<64x128xf32, #tpu.memory_space<vmem>>) offsets(%dma_start3A_137 : memref<64xi32, #tpu.memory_space<vmem>>) semaphore(%arg21 : memref<!tpu.dma_semaphore, #tpu.memory_space<semaphore_mem>>)
    %add3A_141 = arith.constant 320000 : i32
    %add3A_142 = arith.addi %add3A_141, %mul3A_5 : i32
    %add3A_143 = arith.constant 128 : i32
    %add3A_144 = arith.addi %add3A_142, %add3A_143 : i32
    %dma_start3A_145 = tpu.memref_slice %arg3[%add3A_144] : memref<640000xi32, #tpu.memory_space<hbm>> -> memref<64xi32, #tpu.memory_space<hbm>>
    %dma_start3A_146 = tpu.memref_slice %arg3[%add3A_144] : memref<640000xi32, #tpu.memory_space<hbm>> -> memref<64xi32, #tpu.memory_space<hbm>>
    tpu.enqueue_dma source(%dma_start3A_146 : memref<64xi32, #tpu.memory_space<hbm>>) target(%arg12 : memref<64xi32, #tpu.memory_space<vmem>>) target_semaphore(%arg26 : memref<!tpu.dma_semaphore, #tpu.memory_space<semaphore_mem>>)
    %dma_start3A_147 = arith.constant 128 : i32
    %dma_start3A_148 = tpu.memref_slice %arg9[%dma_start3A_147] : memref<10000xi32, #tpu.memory_space<vmem>> -> memref<64xi32, #tpu.memory_space<vmem>>
    %dma_start3A_149 = arith.constant 0 : i32
    %dma_start3A_150 = arith.constant 0 : i32
    %dma_start3A_151 = tpu.memref_slice %arg2[%dma_start3A_149, %dma_start3A_150] : memref<10000x128xf32, #tpu.memory_space<hbm>> -> memref<10000x128xf32, #tpu.memory_space<hbm>>
    tpu.enqueue_indirect_dma source(%dma_start3A_151 : memref<10000x128xf32, #tpu.memory_space<hbm>>) target(%arg16 : memref<64x128xf32, #tpu.memory_space<vmem>>) offsets(%dma_start3A_148 : memref<64xi32, #tpu.memory_space<vmem>>) semaphore(%arg22 : memref<!tpu.dma_semaphore, #tpu.memory_space<semaphore_mem>>)
    %add3A_152 = arith.constant 320000 : i32
    %add3A_153 = arith.addi %add3A_152, %mul3A_5 : i32
    %add3A_154 = arith.constant 192 : i32
    %add3A_155 = arith.addi %add3A_153, %add3A_154 : i32
    %dma_start3A_156 = tpu.memref_slice %arg3[%add3A_155] : memref<640000xi32, #tpu.memory_space<hbm>> -> memref<64xi32, #tpu.memory_space<hbm>>
    %dma_start3A_157 = tpu.memref_slice %arg3[%add3A_155] : memref<640000xi32, #tpu.memory_space<hbm>> -> memref<64xi32, #tpu.memory_space<hbm>>
    tpu.enqueue_dma source(%dma_start3A_157 : memref<64xi32, #tpu.memory_space<hbm>>) target(%arg13 : memref<64xi32, #tpu.memory_space<vmem>>) target_semaphore(%arg27 : memref<!tpu.dma_semaphore, #tpu.memory_space<semaphore_mem>>)
    %dma_start3A_158 = arith.constant 192 : i32
    %dma_start3A_159 = tpu.memref_slice %arg9[%dma_start3A_158] : memref<10000xi32, #tpu.memory_space<vmem>> -> memref<64xi32, #tpu.memory_space<vmem>>
    %dma_start3A_160 = arith.constant 0 : i32
    %dma_start3A_161 = arith.constant 0 : i32
    %dma_start3A_162 = tpu.memref_slice %arg2[%dma_start3A_160, %dma_start3A_161] : memref<10000x128xf32, #tpu.memory_space<hbm>> -> memref<10000x128xf32, #tpu.memory_space<hbm>>
    tpu.enqueue_indirect_dma source(%dma_start3A_162 : memref<10000x128xf32, #tpu.memory_space<hbm>>) target(%arg17 : memref<64x128xf32, #tpu.memory_space<vmem>>) offsets(%dma_start3A_159 : memref<64xi32, #tpu.memory_space<vmem>>) semaphore(%arg23 : memref<!tpu.dma_semaphore, #tpu.memory_space<semaphore_mem>>)
    %scan3A_163 = arith.constant 0 : i32
    %scan3A_164 = arith.constant 0 : i32
    %scan3A_165 = arith.constant 39 : i32
    %scan3A_166 = arith.addi %scan3A_164, %scan3A_165 : i32
    %scan3A_167 = arith.constant 1 : i32
    scf.for %scan3A_290 = %scan3A_164 to %scan3A_166 step %scan3A_167  : i32 {
      %mul3A_291 = arith.constant 4 : i32
      %mul3A_292 = arith.muli %mul3A_291, %scan3A_290 : i32
      %add3A_293 = arith.constant 0 : i32
      %add3A_294 = arith.addi %mul3A_292, %add3A_293 : i32
      %mul3A_295 = arith.constant 64 : i32
      %mul3A_296 = arith.muli %add3A_294, %mul3A_295 : i32
      %dma_wait3A = tpu.memref_slice %arg9[%mul3A_296] : memref<10000xi32, #tpu.memory_space<vmem>> -> memref<64xi32, #tpu.memory_space<vmem>>
      %dma_wait3A_297 = arith.constant 0 : i32
      %dma_wait3A_298 = arith.constant 0 : i32
      %dma_wait3A_299 = tpu.memref_slice %arg2[%dma_wait3A_297, %dma_wait3A_298] : memref<10000x128xf32, #tpu.memory_space<hbm>> -> memref<10000x128xf32, #tpu.memory_space<hbm>>
      tpu.wait_indirect_dma semaphore(%arg20 : memref<!tpu.dma_semaphore, #tpu.memory_space<semaphore_mem>>) src(%dma_wait3A_299 : memref<10000x128xf32, #tpu.memory_space<hbm>>) dst(%arg14 : memref<64x128xf32, #tpu.memory_space<vmem>>)
      %add3A_300 = arith.constant 0 : i32
      %add3A_301 = arith.addi %mul3A_292, %add3A_300 : i32
      %add3A_302 = arith.constant 320000 : i32
      %add3A_303 = arith.addi %add3A_302, %mul3A_5 : i32
      %mul3A_304 = arith.constant 64 : i32
      %mul3A_305 = arith.muli %add3A_301, %mul3A_304 : i32
      %add3A_306 = arith.addi %add3A_303, %mul3A_305 : i32
      %dma_wait3A_307 = tpu.memref_slice %arg3[%add3A_306] : memref<640000xi32, #tpu.memory_space<hbm>> -> memref<64xi32, #tpu.memory_space<hbm>>
      %dma_wait3A_308 = tpu.memref_slice %arg3[%add3A_306] : memref<640000xi32, #tpu.memory_space<hbm>> -> memref<64xi32, #tpu.memory_space<hbm>>
      tpu.wait_dma2 semaphore(%arg24 : memref<!tpu.dma_semaphore, #tpu.memory_space<semaphore_mem>>) src(%dma_wait3A_308 : memref<64xi32, #tpu.memory_space<hbm>>) dst(%arg10 : memref<64xi32, #tpu.memory_space<vmem>>)
      %add3A_309 = arith.constant 0 : i32
      %add3A_310 = arith.addi %mul3A_292, %add3A_309 : i32
      "tpu.region"() ({
        %run_scoped3A = tpu.sem_alloc : memref<!tpu.dma_semaphore, #tpu.memory_space<semaphore_mem>>
        %dma_start3A_388 = arith.constant 0 : i32
        %dma_start3A_389 = arith.constant 0 : i32
        %dma_start3A_390 = tpu.memref_slice %arg6[%dma_start3A_388, %dma_start3A_389] : memref<10112x128xf32, #tpu.memory_space<vmem_shared>> -> memref<10112x128xf32, #tpu.memory_space<vmem_shared>>
        tpu.enqueue_indirect_dma source(%arg14 : memref<64x128xf32, #tpu.memory_space<vmem>>) target(%dma_start3A_390 : memref<10112x128xf32, #tpu.memory_space<vmem_shared>>) offsets(%arg10 : memref<64xi32, #tpu.memory_space<vmem>>) semaphore(%run_scoped3A : memref<!tpu.dma_semaphore, #tpu.memory_space<semaphore_mem>>) {add = true}
        %dma_wait3A_391 = arith.constant 0 : i32
        %dma_wait3A_392 = arith.constant 0 : i32
        %dma_wait3A_393 = tpu.memref_slice %arg6[%dma_wait3A_391, %dma_wait3A_392] : memref<10112x128xf32, #tpu.memory_space<vmem_shared>> -> memref<10112x128xf32, #tpu.memory_space<vmem_shared>>
        tpu.wait_indirect_dma semaphore(%run_scoped3A : memref<!tpu.dma_semaphore, #tpu.memory_space<semaphore_mem>>) src(%arg14 : memref<64x128xf32, #tpu.memory_space<vmem>>) dst(%dma_wait3A_393 : memref<10112x128xf32, #tpu.memory_space<vmem_shared>>)
        tpu.yield
      }) : () -> ()
      "tpu.region"() ({
        %run_scoped3A = tpu.sem_alloc : memref<!tpu.dma_semaphore, #tpu.memory_space<semaphore_mem>>
        %dma_start3A_388 = arith.constant 0 : i32
        %dma_start3A_389 = tpu.memref_slice %arg7[%dma_start3A_388] : memref<10112xf32, #tpu.memory_space<vmem_shared>> -> memref<10112xf32, #tpu.memory_space<vmem_shared>>
        tpu.enqueue_indirect_dma source(%arg8 : memref<64xf32, #tpu.memory_space<vmem>>) target(%dma_start3A_389 : memref<10112xf32, #tpu.memory_space<vmem_shared>>) offsets(%arg10 : memref<64xi32, #tpu.memory_space<vmem>>) semaphore(%run_scoped3A : memref<!tpu.dma_semaphore, #tpu.memory_space<semaphore_mem>>) {add = true}
        %dma_wait3A_390 = arith.constant 0 : i32
        %dma_wait3A_391 = tpu.memref_slice %arg7[%dma_wait3A_390] : memref<10112xf32, #tpu.memory_space<vmem_shared>> -> memref<10112xf32, #tpu.memory_space<vmem_shared>>
        tpu.wait_indirect_dma semaphore(%run_scoped3A : memref<!tpu.dma_semaphore, #tpu.memory_space<semaphore_mem>>) src(%arg8 : memref<64xf32, #tpu.memory_space<vmem>>) dst(%dma_wait3A_391 : memref<10112xf32, #tpu.memory_space<vmem_shared>>)
        tpu.yield
      }) : () -> ()
      %lt3A_311 = arith.constant 38 : i32
      %lt3A_312 = arith.cmpi slt, %scan3A_290, %lt3A_311 : i32
      %convert_element_type3A_313 = arith.extui %lt3A_312 : i1 to i32
      %cond3A_314 = arith.constant 0 : i32
      %cond3A_315 = arith.cmpi ne, %convert_element_type3A_313, %cond3A_314 : i32
      scf.if %cond3A_315 {
        %add3A_388 = arith.constant 0 : i32
        %add3A_389 = arith.addi %mul3A_292, %add3A_388 : i32
        %add3A_390 = arith.constant 4 : i32
        %add3A_391 = arith.addi %add3A_389, %add3A_390 : i32
        %add3A_392 = arith.constant 320000 : i32
        %add3A_393 = arith.addi %add3A_392, %mul3A_5 : i32
        %mul3A_394 = arith.constant 64 : i32
        %mul3A_395 = arith.muli %add3A_391, %mul3A_394 : i32
        %add3A_396 = arith.addi %add3A_393, %mul3A_395 : i32
        %dma_start3A_397 = tpu.memref_slice %arg3[%add3A_396] : memref<640000xi32, #tpu.memory_space<hbm>> -> memref<64xi32, #tpu.memory_space<hbm>>
        %dma_start3A_398 = tpu.memref_slice %arg3[%add3A_396] : memref<640000xi32, #tpu.memory_space<hbm>> -> memref<64xi32, #tpu.memory_space<hbm>>
        tpu.enqueue_dma source(%dma_start3A_398 : memref<64xi32, #tpu.memory_space<hbm>>) target(%arg10 : memref<64xi32, #tpu.memory_space<vmem>>) target_semaphore(%arg24 : memref<!tpu.dma_semaphore, #tpu.memory_space<semaphore_mem>>)
        %add3A_399 = arith.constant 0 : i32
        %add3A_400 = arith.addi %mul3A_292, %add3A_399 : i32
        %add3A_401 = arith.constant 4 : i32
        %add3A_402 = arith.addi %add3A_400, %add3A_401 : i32
        %mul3A_403 = arith.constant 64 : i32
        %mul3A_404 = arith.muli %add3A_402, %mul3A_403 : i32
        %dma_start3A_405 = tpu.memref_slice %arg9[%mul3A_404] : memref<10000xi32, #tpu.memory_space<vmem>> -> memref<64xi32, #tpu.memory_space<vmem>>
        %dma_start3A_406 = arith.constant 0 : i32
        %dma_start3A_407 = arith.constant 0 : i32
        %dma_start3A_408 = tpu.memref_slice %arg2[%dma_start3A_406, %dma_start3A_407] : memref<10000x128xf32, #tpu.memory_space<hbm>> -> memref<10000x128xf32, #tpu.memory_space<hbm>>
        tpu.enqueue_indirect_dma source(%dma_start3A_408 : memref<10000x128xf32, #tpu.memory_space<hbm>>) target(%arg14 : memref<64x128xf32, #tpu.memory_space<vmem>>) offsets(%dma_start3A_405 : memref<64xi32, #tpu.memory_space<vmem>>) semaphore(%arg20 : memref<!tpu.dma_semaphore, #tpu.memory_space<semaphore_mem>>)
      } else {
      }
      %add3A_316 = arith.constant 1 : i32
      %add3A_317 = arith.addi %mul3A_292, %add3A_316 : i32
      %mul3A_318 = arith.constant 64 : i32
      %mul3A_319 = arith.muli %add3A_317, %mul3A_318 : i32
      %dma_wait3A_320 = tpu.memref_slice %arg9[%mul3A_319] : memref<10000xi32, #tpu.memory_space<vmem>> -> memref<64xi32, #tpu.memory_space<vmem>>
      %dma_wait3A_321 = arith.constant 0 : i32
      %dma_wait3A_322 = arith.constant 0 : i32
      %dma_wait3A_323 = tpu.memref_slice %arg2[%dma_wait3A_321, %dma_wait3A_322] : memref<10000x128xf32, #tpu.memory_space<hbm>> -> memref<10000x128xf32, #tpu.memory_space<hbm>>
      tpu.wait_indirect_dma semaphore(%arg21 : memref<!tpu.dma_semaphore, #tpu.memory_space<semaphore_mem>>) src(%dma_wait3A_323 : memref<10000x128xf32, #tpu.memory_space<hbm>>) dst(%arg15 : memref<64x128xf32, #tpu.memory_space<vmem>>)
      %add3A_324 = arith.constant 1 : i32
      %add3A_325 = arith.addi %mul3A_292, %add3A_324 : i32
      %add3A_326 = arith.constant 320000 : i32
      %add3A_327 = arith.addi %add3A_326, %mul3A_5 : i32
      %mul3A_328 = arith.constant 64 : i32
      %mul3A_329 = arith.muli %add3A_325, %mul3A_328 : i32
      %add3A_330 = arith.addi %add3A_327, %mul3A_329 : i32
      %dma_wait3A_331 = tpu.memref_slice %arg3[%add3A_330] : memref<640000xi32, #tpu.memory_space<hbm>> -> memref<64xi32, #tpu.memory_space<hbm>>
      %dma_wait3A_332 = tpu.memref_slice %arg3[%add3A_330] : memref<640000xi32, #tpu.memory_space<hbm>> -> memref<64xi32, #tpu.memory_space<hbm>>
      tpu.wait_dma2 semaphore(%arg25 : memref<!tpu.dma_semaphore, #tpu.memory_space<semaphore_mem>>) src(%dma_wait3A_332 : memref<64xi32, #tpu.memory_space<hbm>>) dst(%arg11 : memref<64xi32, #tpu.memory_space<vmem>>)
      %add3A_333 = arith.constant 1 : i32
      %add3A_334 = arith.addi %mul3A_292, %add3A_333 : i32
      "tpu.region"() ({
        %run_scoped3A = tpu.sem_alloc : memref<!tpu.dma_semaphore, #tpu.memory_space<semaphore_mem>>
        %dma_start3A_388 = arith.constant 0 : i32
        %dma_start3A_389 = arith.constant 0 : i32
        %dma_start3A_390 = tpu.memref_slice %arg6[%dma_start3A_388, %dma_start3A_389] : memref<10112x128xf32, #tpu.memory_space<vmem_shared>> -> memref<10112x128xf32, #tpu.memory_space<vmem_shared>>
        tpu.enqueue_indirect_dma source(%arg15 : memref<64x128xf32, #tpu.memory_space<vmem>>) target(%dma_start3A_390 : memref<10112x128xf32, #tpu.memory_space<vmem_shared>>) offsets(%arg11 : memref<64xi32, #tpu.memory_space<vmem>>) semaphore(%run_scoped3A : memref<!tpu.dma_semaphore, #tpu.memory_space<semaphore_mem>>) {add = true}
        %dma_wait3A_391 = arith.constant 0 : i32
        %dma_wait3A_392 = arith.constant 0 : i32
        %dma_wait3A_393 = tpu.memref_slice %arg6[%dma_wait3A_391, %dma_wait3A_392] : memref<10112x128xf32, #tpu.memory_space<vmem_shared>> -> memref<10112x128xf32, #tpu.memory_space<vmem_shared>>
        tpu.wait_indirect_dma semaphore(%run_scoped3A : memref<!tpu.dma_semaphore, #tpu.memory_space<semaphore_mem>>) src(%arg15 : memref<64x128xf32, #tpu.memory_space<vmem>>) dst(%dma_wait3A_393 : memref<10112x128xf32, #tpu.memory_space<vmem_shared>>)
        tpu.yield
      }) : () -> ()
      "tpu.region"() ({
        %run_scoped3A = tpu.sem_alloc : memref<!tpu.dma_semaphore, #tpu.memory_space<semaphore_mem>>
        %dma_start3A_388 = arith.constant 0 : i32
        %dma_start3A_389 = tpu.memref_slice %arg7[%dma_start3A_388] : memref<10112xf32, #tpu.memory_space<vmem_shared>> -> memref<10112xf32, #tpu.memory_space<vmem_shared>>
        tpu.enqueue_indirect_dma source(%arg8 : memref<64xf32, #tpu.memory_space<vmem>>) target(%dma_start3A_389 : memref<10112xf32, #tpu.memory_space<vmem_shared>>) offsets(%arg11 : memref<64xi32, #tpu.memory_space<vmem>>) semaphore(%run_scoped3A : memref<!tpu.dma_semaphore, #tpu.memory_space<semaphore_mem>>) {add = true}
        %dma_wait3A_390 = arith.constant 0 : i32
        %dma_wait3A_391 = tpu.memref_slice %arg7[%dma_wait3A_390] : memref<10112xf32, #tpu.memory_space<vmem_shared>> -> memref<10112xf32, #tpu.memory_space<vmem_shared>>
        tpu.wait_indirect_dma semaphore(%run_scoped3A : memref<!tpu.dma_semaphore, #tpu.memory_space<semaphore_mem>>) src(%arg8 : memref<64xf32, #tpu.memory_space<vmem>>) dst(%dma_wait3A_391 : memref<10112xf32, #tpu.memory_space<vmem_shared>>)
        tpu.yield
      }) : () -> ()
      %lt3A_335 = arith.constant 38 : i32
      %lt3A_336 = arith.cmpi slt, %scan3A_290, %lt3A_335 : i32
      %convert_element_type3A_337 = arith.extui %lt3A_336 : i1 to i32
      %cond3A_338 = arith.constant 0 : i32
      %cond3A_339 = arith.cmpi ne, %convert_element_type3A_337, %cond3A_338 : i32
      scf.if %cond3A_339 {
        %add3A_388 = arith.constant 1 : i32
        %add3A_389 = arith.addi %mul3A_292, %add3A_388 : i32
        %add3A_390 = arith.constant 4 : i32
        %add3A_391 = arith.addi %add3A_389, %add3A_390 : i32
        %add3A_392 = arith.constant 320000 : i32
        %add3A_393 = arith.addi %add3A_392, %mul3A_5 : i32
        %mul3A_394 = arith.constant 64 : i32
        %mul3A_395 = arith.muli %add3A_391, %mul3A_394 : i32
        %add3A_396 = arith.addi %add3A_393, %mul3A_395 : i32
        %dma_start3A_397 = tpu.memref_slice %arg3[%add3A_396] : memref<640000xi32, #tpu.memory_space<hbm>> -> memref<64xi32, #tpu.memory_space<hbm>>
        %dma_start3A_398 = tpu.memref_slice %arg3[%add3A_396] : memref<640000xi32, #tpu.memory_space<hbm>> -> memref<64xi32, #tpu.memory_space<hbm>>
        tpu.enqueue_dma source(%dma_start3A_398 : memref<64xi32, #tpu.memory_space<hbm>>) target(%arg11 : memref<64xi32, #tpu.memory_space<vmem>>) target_semaphore(%arg25 : memref<!tpu.dma_semaphore, #tpu.memory_space<semaphore_mem>>)
        %add3A_399 = arith.constant 1 : i32
        %add3A_400 = arith.addi %mul3A_292, %add3A_399 : i32
        %add3A_401 = arith.constant 4 : i32
        %add3A_402 = arith.addi %add3A_400, %add3A_401 : i32
        %mul3A_403 = arith.constant 64 : i32
        %mul3A_404 = arith.muli %add3A_402, %mul3A_403 : i32
        %dma_start3A_405 = tpu.memref_slice %arg9[%mul3A_404] : memref<10000xi32, #tpu.memory_space<vmem>> -> memref<64xi32, #tpu.memory_space<vmem>>
        %dma_start3A_406 = arith.constant 0 : i32
        %dma_start3A_407 = arith.constant 0 : i32
        %dma_start3A_408 = tpu.memref_slice %arg2[%dma_start3A_406, %dma_start3A_407] : memref<10000x128xf32, #tpu.memory_space<hbm>> -> memref<10000x128xf32, #tpu.memory_space<hbm>>
        tpu.enqueue_indirect_dma source(%dma_start3A_408 : memref<10000x128xf32, #tpu.memory_space<hbm>>) target(%arg15 : memref<64x128xf32, #tpu.memory_space<vmem>>) offsets(%dma_start3A_405 : memref<64xi32, #tpu.memory_space<vmem>>) semaphore(%arg21 : memref<!tpu.dma_semaphore, #tpu.memory_space<semaphore_mem>>)
      } else {
      }
      %add3A_340 = arith.constant 2 : i32
      %add3A_341 = arith.addi %mul3A_292, %add3A_340 : i32
      %mul3A_342 = arith.constant 64 : i32
      %mul3A_343 = arith.muli %add3A_341, %mul3A_342 : i32
      %dma_wait3A_344 = tpu.memref_slice %arg9[%mul3A_343] : memref<10000xi32, #tpu.memory_space<vmem>> -> memref<64xi32, #tpu.memory_space<vmem>>
      %dma_wait3A_345 = arith.constant 0 : i32
      %dma_wait3A_346 = arith.constant 0 : i32
      %dma_wait3A_347 = tpu.memref_slice %arg2[%dma_wait3A_345, %dma_wait3A_346] : memref<10000x128xf32, #tpu.memory_space<hbm>> -> memref<10000x128xf32, #tpu.memory_space<hbm>>
      tpu.wait_indirect_dma semaphore(%arg22 : memref<!tpu.dma_semaphore, #tpu.memory_space<semaphore_mem>>) src(%dma_wait3A_347 : memref<10000x128xf32, #tpu.memory_space<hbm>>) dst(%arg16 : memref<64x128xf32, #tpu.memory_space<vmem>>)
      %add3A_348 = arith.constant 2 : i32
      %add3A_349 = arith.addi %mul3A_292, %add3A_348 : i32
      %add3A_350 = arith.constant 320000 : i32
      %add3A_351 = arith.addi %add3A_350, %mul3A_5 : i32
      %mul3A_352 = arith.constant 64 : i32
      %mul3A_353 = arith.muli %add3A_349, %mul3A_352 : i32
      %add3A_354 = arith.addi %add3A_351, %mul3A_353 : i32
      %dma_wait3A_355 = tpu.memref_slice %arg3[%add3A_354] : memref<640000xi32, #tpu.memory_space<hbm>> -> memref<64xi32, #tpu.memory_space<hbm>>
      %dma_wait3A_356 = tpu.memref_slice %arg3[%add3A_354] : memref<640000xi32, #tpu.memory_space<hbm>> -> memref<64xi32, #tpu.memory_space<hbm>>
      tpu.wait_dma2 semaphore(%arg26 : memref<!tpu.dma_semaphore, #tpu.memory_space<semaphore_mem>>) src(%dma_wait3A_356 : memref<64xi32, #tpu.memory_space<hbm>>) dst(%arg12 : memref<64xi32, #tpu.memory_space<vmem>>)
      %add3A_357 = arith.constant 2 : i32
      %add3A_358 = arith.addi %mul3A_292, %add3A_357 : i32
      "tpu.region"() ({
        %run_scoped3A = tpu.sem_alloc : memref<!tpu.dma_semaphore, #tpu.memory_space<semaphore_mem>>
        %dma_start3A_388 = arith.constant 0 : i32
        %dma_start3A_389 = arith.constant 0 : i32
        %dma_start3A_390 = tpu.memref_slice %arg6[%dma_start3A_388, %dma_start3A_389] : memref<10112x128xf32, #tpu.memory_space<vmem_shared>> -> memref<10112x128xf32, #tpu.memory_space<vmem_shared>>
        tpu.enqueue_indirect_dma source(%arg16 : memref<64x128xf32, #tpu.memory_space<vmem>>) target(%dma_start3A_390 : memref<10112x128xf32, #tpu.memory_space<vmem_shared>>) offsets(%arg12 : memref<64xi32, #tpu.memory_space<vmem>>) semaphore(%run_scoped3A : memref<!tpu.dma_semaphore, #tpu.memory_space<semaphore_mem>>) {add = true}
        %dma_wait3A_391 = arith.constant 0 : i32
        %dma_wait3A_392 = arith.constant 0 : i32
        %dma_wait3A_393 = tpu.memref_slice %arg6[%dma_wait3A_391, %dma_wait3A_392] : memref<10112x128xf32, #tpu.memory_space<vmem_shared>> -> memref<10112x128xf32, #tpu.memory_space<vmem_shared>>
        tpu.wait_indirect_dma semaphore(%run_scoped3A : memref<!tpu.dma_semaphore, #tpu.memory_space<semaphore_mem>>) src(%arg16 : memref<64x128xf32, #tpu.memory_space<vmem>>) dst(%dma_wait3A_393 : memref<10112x128xf32, #tpu.memory_space<vmem_shared>>)
        tpu.yield
      }) : () -> ()
      "tpu.region"() ({
        %run_scoped3A = tpu.sem_alloc : memref<!tpu.dma_semaphore, #tpu.memory_space<semaphore_mem>>
        %dma_start3A_388 = arith.constant 0 : i32
        %dma_start3A_389 = tpu.memref_slice %arg7[%dma_start3A_388] : memref<10112xf32, #tpu.memory_space<vmem_shared>> -> memref<10112xf32, #tpu.memory_space<vmem_shared>>
        tpu.enqueue_indirect_dma source(%arg8 : memref<64xf32, #tpu.memory_space<vmem>>) target(%dma_start3A_389 : memref<10112xf32, #tpu.memory_space<vmem_shared>>) offsets(%arg12 : memref<64xi32, #tpu.memory_space<vmem>>) semaphore(%run_scoped3A : memref<!tpu.dma_semaphore, #tpu.memory_space<semaphore_mem>>) {add = true}
        %dma_wait3A_390 = arith.constant 0 : i32
        %dma_wait3A_391 = tpu.memref_slice %arg7[%dma_wait3A_390] : memref<10112xf32, #tpu.memory_space<vmem_shared>> -> memref<10112xf32, #tpu.memory_space<vmem_shared>>
        tpu.wait_indirect_dma semaphore(%run_scoped3A : memref<!tpu.dma_semaphore, #tpu.memory_space<semaphore_mem>>) src(%arg8 : memref<64xf32, #tpu.memory_space<vmem>>) dst(%dma_wait3A_391 : memref<10112xf32, #tpu.memory_space<vmem_shared>>)
        tpu.yield
      }) : () -> ()
      %lt3A_359 = arith.constant 38 : i32
      %lt3A_360 = arith.cmpi slt, %scan3A_290, %lt3A_359 : i32
      %convert_element_type3A_361 = arith.extui %lt3A_360 : i1 to i32
      %cond3A_362 = arith.constant 0 : i32
      %cond3A_363 = arith.cmpi ne, %convert_element_type3A_361, %cond3A_362 : i32
      scf.if %cond3A_363 {
        %add3A_388 = arith.constant 2 : i32
        %add3A_389 = arith.addi %mul3A_292, %add3A_388 : i32
        %add3A_390 = arith.constant 4 : i32
        %add3A_391 = arith.addi %add3A_389, %add3A_390 : i32
        %add3A_392 = arith.constant 320000 : i32
        %add3A_393 = arith.addi %add3A_392, %mul3A_5 : i32
        %mul3A_394 = arith.constant 64 : i32
        %mul3A_395 = arith.muli %add3A_391, %mul3A_394 : i32
        %add3A_396 = arith.addi %add3A_393, %mul3A_395 : i32
        %dma_start3A_397 = tpu.memref_slice %arg3[%add3A_396] : memref<640000xi32, #tpu.memory_space<hbm>> -> memref<64xi32, #tpu.memory_space<hbm>>
        %dma_start3A_398 = tpu.memref_slice %arg3[%add3A_396] : memref<640000xi32, #tpu.memory_space<hbm>> -> memref<64xi32, #tpu.memory_space<hbm>>
        tpu.enqueue_dma source(%dma_start3A_398 : memref<64xi32, #tpu.memory_space<hbm>>) target(%arg12 : memref<64xi32, #tpu.memory_space<vmem>>) target_semaphore(%arg26 : memref<!tpu.dma_semaphore, #tpu.memory_space<semaphore_mem>>)
        %add3A_399 = arith.constant 2 : i32
        %add3A_400 = arith.addi %mul3A_292, %add3A_399 : i32
        %add3A_401 = arith.constant 4 : i32
        %add3A_402 = arith.addi %add3A_400, %add3A_401 : i32
        %mul3A_403 = arith.constant 64 : i32
        %mul3A_404 = arith.muli %add3A_402, %mul3A_403 : i32
        %dma_start3A_405 = tpu.memref_slice %arg9[%mul3A_404] : memref<10000xi32, #tpu.memory_space<vmem>> -> memref<64xi32, #tpu.memory_space<vmem>>
        %dma_start3A_406 = arith.constant 0 : i32
        %dma_start3A_407 = arith.constant 0 : i32
        %dma_start3A_408 = tpu.memref_slice %arg2[%dma_start3A_406, %dma_start3A_407] : memref<10000x128xf32, #tpu.memory_space<hbm>> -> memref<10000x128xf32, #tpu.memory_space<hbm>>
        tpu.enqueue_indirect_dma source(%dma_start3A_408 : memref<10000x128xf32, #tpu.memory_space<hbm>>) target(%arg16 : memref<64x128xf32, #tpu.memory_space<vmem>>) offsets(%dma_start3A_405 : memref<64xi32, #tpu.memory_space<vmem>>) semaphore(%arg22 : memref<!tpu.dma_semaphore, #tpu.memory_space<semaphore_mem>>)
      } else {
      }
      %add3A_364 = arith.constant 3 : i32
      %add3A_365 = arith.addi %mul3A_292, %add3A_364 : i32
      %mul3A_366 = arith.constant 64 : i32
      %mul3A_367 = arith.muli %add3A_365, %mul3A_366 : i32
      %dma_wait3A_368 = tpu.memref_slice %arg9[%mul3A_367] : memref<10000xi32, #tpu.memory_space<vmem>> -> memref<64xi32, #tpu.memory_space<vmem>>
      %dma_wait3A_369 = arith.constant 0 : i32
      %dma_wait3A_370 = arith.constant 0 : i32
      %dma_wait3A_371 = tpu.memref_slice %arg2[%dma_wait3A_369, %dma_wait3A_370] : memref<10000x128xf32, #tpu.memory_space<hbm>> -> memref<10000x128xf32, #tpu.memory_space<hbm>>
      tpu.wait_indirect_dma semaphore(%arg23 : memref<!tpu.dma_semaphore, #tpu.memory_space<semaphore_mem>>) src(%dma_wait3A_371 : memref<10000x128xf32, #tpu.memory_space<hbm>>) dst(%arg17 : memref<64x128xf32, #tpu.memory_space<vmem>>)
      %add3A_372 = arith.constant 3 : i32
      %add3A_373 = arith.addi %mul3A_292, %add3A_372 : i32
      %add3A_374 = arith.constant 320000 : i32
      %add3A_375 = arith.addi %add3A_374, %mul3A_5 : i32
      %mul3A_376 = arith.constant 64 : i32
      %mul3A_377 = arith.muli %add3A_373, %mul3A_376 : i32
      %add3A_378 = arith.addi %add3A_375, %mul3A_377 : i32
      %dma_wait3A_379 = tpu.memref_slice %arg3[%add3A_378] : memref<640000xi32, #tpu.memory_space<hbm>> -> memref<64xi32, #tpu.memory_space<hbm>>
      %dma_wait3A_380 = tpu.memref_slice %arg3[%add3A_378] : memref<640000xi32, #tpu.memory_space<hbm>> -> memref<64xi32, #tpu.memory_space<hbm>>
      tpu.wait_dma2 semaphore(%arg27 : memref<!tpu.dma_semaphore, #tpu.memory_space<semaphore_mem>>) src(%dma_wait3A_380 : memref<64xi32, #tpu.memory_space<hbm>>) dst(%arg13 : memref<64xi32, #tpu.memory_space<vmem>>)
      %add3A_381 = arith.constant 3 : i32
      %add3A_382 = arith.addi %mul3A_292, %add3A_381 : i32
      "tpu.region"() ({
        %run_scoped3A = tpu.sem_alloc : memref<!tpu.dma_semaphore, #tpu.memory_space<semaphore_mem>>
        %dma_start3A_388 = arith.constant 0 : i32
        %dma_start3A_389 = arith.constant 0 : i32
        %dma_start3A_390 = tpu.memref_slice %arg6[%dma_start3A_388, %dma_start3A_389] : memref<10112x128xf32, #tpu.memory_space<vmem_shared>> -> memref<10112x128xf32, #tpu.memory_space<vmem_shared>>
        tpu.enqueue_indirect_dma source(%arg17 : memref<64x128xf32, #tpu.memory_space<vmem>>) target(%dma_start3A_390 : memref<10112x128xf32, #tpu.memory_space<vmem_shared>>) offsets(%arg13 : memref<64xi32, #tpu.memory_space<vmem>>) semaphore(%run_scoped3A : memref<!tpu.dma_semaphore, #tpu.memory_space<semaphore_mem>>) {add = true}
        %dma_wait3A_391 = arith.constant 0 : i32
        %dma_wait3A_392 = arith.constant 0 : i32
        %dma_wait3A_393 = tpu.memref_slice %arg6[%dma_wait3A_391, %dma_wait3A_392] : memref<10112x128xf32, #tpu.memory_space<vmem_shared>> -> memref<10112x128xf32, #tpu.memory_space<vmem_shared>>
        tpu.wait_indirect_dma semaphore(%run_scoped3A : memref<!tpu.dma_semaphore, #tpu.memory_space<semaphore_mem>>) src(%arg17 : memref<64x128xf32, #tpu.memory_space<vmem>>) dst(%dma_wait3A_393 : memref<10112x128xf32, #tpu.memory_space<vmem_shared>>)
        tpu.yield
      }) : () -> ()
      "tpu.region"() ({
        %run_scoped3A = tpu.sem_alloc : memref<!tpu.dma_semaphore, #tpu.memory_space<semaphore_mem>>
        %dma_start3A_388 = arith.constant 0 : i32
        %dma_start3A_389 = tpu.memref_slice %arg7[%dma_start3A_388] : memref<10112xf32, #tpu.memory_space<vmem_shared>> -> memref<10112xf32, #tpu.memory_space<vmem_shared>>
        tpu.enqueue_indirect_dma source(%arg8 : memref<64xf32, #tpu.memory_space<vmem>>) target(%dma_start3A_389 : memref<10112xf32, #tpu.memory_space<vmem_shared>>) offsets(%arg13 : memref<64xi32, #tpu.memory_space<vmem>>) semaphore(%run_scoped3A : memref<!tpu.dma_semaphore, #tpu.memory_space<semaphore_mem>>) {add = true}
        %dma_wait3A_390 = arith.constant 0 : i32
        %dma_wait3A_391 = tpu.memref_slice %arg7[%dma_wait3A_390] : memref<10112xf32, #tpu.memory_space<vmem_shared>> -> memref<10112xf32, #tpu.memory_space<vmem_shared>>
        tpu.wait_indirect_dma semaphore(%run_scoped3A : memref<!tpu.dma_semaphore, #tpu.memory_space<semaphore_mem>>) src(%arg8 : memref<64xf32, #tpu.memory_space<vmem>>) dst(%dma_wait3A_391 : memref<10112xf32, #tpu.memory_space<vmem_shared>>)
        tpu.yield
      }) : () -> ()
      %lt3A_383 = arith.constant 38 : i32
      %lt3A_384 = arith.cmpi slt, %scan3A_290, %lt3A_383 : i32
      %convert_element_type3A_385 = arith.extui %lt3A_384 : i1 to i32
      %cond3A_386 = arith.constant 0 : i32
      %cond3A_387 = arith.cmpi ne, %convert_element_type3A_385, %cond3A_386 : i32
      scf.if %cond3A_387 {
        %add3A_388 = arith.constant 3 : i32
        %add3A_389 = arith.addi %mul3A_292, %add3A_388 : i32
        %add3A_390 = arith.constant 4 : i32
        %add3A_391 = arith.addi %add3A_389, %add3A_390 : i32
        %add3A_392 = arith.constant 320000 : i32
        %add3A_393 = arith.addi %add3A_392, %mul3A_5 : i32
        %mul3A_394 = arith.constant 64 : i32
        %mul3A_395 = arith.muli %add3A_391, %mul3A_394 : i32
        %add3A_396 = arith.addi %add3A_393, %mul3A_395 : i32
        %dma_start3A_397 = tpu.memref_slice %arg3[%add3A_396] : memref<640000xi32, #tpu.memory_space<hbm>> -> memref<64xi32, #tpu.memory_space<hbm>>
        %dma_start3A_398 = tpu.memref_slice %arg3[%add3A_396] : memref<640000xi32, #tpu.memory_space<hbm>> -> memref<64xi32, #tpu.memory_space<hbm>>
        tpu.enqueue_dma source(%dma_start3A_398 : memref<64xi32, #tpu.memory_space<hbm>>) target(%arg13 : memref<64xi32, #tpu.memory_space<vmem>>) target_semaphore(%arg27 : memref<!tpu.dma_semaphore, #tpu.memory_space<semaphore_mem>>)
        %add3A_399 = arith.constant 3 : i32
        %add3A_400 = arith.addi %mul3A_292, %add3A_399 : i32
        %add3A_401 = arith.constant 4 : i32
        %add3A_402 = arith.addi %add3A_400, %add3A_401 : i32
        %mul3A_403 = arith.constant 64 : i32
        %mul3A_404 = arith.muli %add3A_402, %mul3A_403 : i32
        %dma_start3A_405 = tpu.memref_slice %arg9[%mul3A_404] : memref<10000xi32, #tpu.memory_space<vmem>> -> memref<64xi32, #tpu.memory_space<vmem>>
        %dma_start3A_406 = arith.constant 0 : i32
        %dma_start3A_407 = arith.constant 0 : i32
        %dma_start3A_408 = tpu.memref_slice %arg2[%dma_start3A_406, %dma_start3A_407] : memref<10000x128xf32, #tpu.memory_space<hbm>> -> memref<10000x128xf32, #tpu.memory_space<hbm>>
        tpu.enqueue_indirect_dma source(%dma_start3A_408 : memref<10000x128xf32, #tpu.memory_space<hbm>>) target(%arg17 : memref<64x128xf32, #tpu.memory_space<vmem>>) offsets(%dma_start3A_405 : memref<64xi32, #tpu.memory_space<vmem>>) semaphore(%arg23 : memref<!tpu.dma_semaphore, #tpu.memory_space<semaphore_mem>>)
      } else {
      }
    }
    %scan3A_168 = arith.constant 39 : i32
    %add3A_169 = arith.constant 9984 : i32
    %add3A_170 = arith.addi %mul3A_5, %add3A_169 : i32
    %add3A_171 = arith.constant 320000 : i32
    %add3A_172 = arith.addi %add3A_171, %add3A_170 : i32
    "tpu.region"() ({
      %run_scoped3A = tpu.sem_alloc : memref<!tpu.dma_semaphore, #tpu.memory_space<semaphore_mem>>
      %dma_start3A_290 = tpu.memref_slice %arg3[%add3A_172] : memref<640000xi32, #tpu.memory_space<hbm>> -> memref<16xi32, #tpu.memory_space<hbm>>
      %dma_start3A_291 = tpu.memref_slice %arg3[%add3A_172] : memref<640000xi32, #tpu.memory_space<hbm>> -> memref<16xi32, #tpu.memory_space<hbm>>
      tpu.enqueue_dma source(%dma_start3A_291 : memref<16xi32, #tpu.memory_space<hbm>>) target(%arg18 : memref<16xi32, #tpu.memory_space<vmem>>) target_semaphore(%run_scoped3A : memref<!tpu.dma_semaphore, #tpu.memory_space<semaphore_mem>>)
      %dma_wait3A = tpu.memref_slice %arg3[%add3A_172] : memref<640000xi32, #tpu.memory_space<hbm>> -> memref<16xi32, #tpu.memory_space<hbm>>
      %dma_wait3A_292 = tpu.memref_slice %arg3[%add3A_172] : memref<640000xi32, #tpu.memory_space<hbm>> -> memref<16xi32, #tpu.memory_space<hbm>>
      tpu.wait_dma2 semaphore(%run_scoped3A : memref<!tpu.dma_semaphore, #tpu.memory_space<semaphore_mem>>) src(%dma_wait3A_292 : memref<16xi32, #tpu.memory_space<hbm>>) dst(%arg18 : memref<16xi32, #tpu.memory_space<vmem>>)
      tpu.yield
    }) : () -> ()
    "tpu.region"() ({
      %run_scoped3A = tpu.sem_alloc : memref<!tpu.dma_semaphore, #tpu.memory_space<semaphore_mem>>
      %dma_start3A_290 = arith.constant 9984 : i32
      %dma_start3A_291 = tpu.memref_slice %arg9[%dma_start3A_290] : memref<10000xi32, #tpu.memory_space<vmem>> -> memref<16xi32, #tpu.memory_space<vmem>>
      %dma_start3A_292 = arith.constant 0 : i32
      %dma_start3A_293 = arith.constant 0 : i32
      %dma_start3A_294 = tpu.memref_slice %arg2[%dma_start3A_292, %dma_start3A_293] : memref<10000x128xf32, #tpu.memory_space<hbm>> -> memref<10000x128xf32, #tpu.memory_space<hbm>>
      tpu.enqueue_indirect_dma source(%dma_start3A_294 : memref<10000x128xf32, #tpu.memory_space<hbm>>) target(%arg19 : memref<16x128xf32, #tpu.memory_space<vmem>>) offsets(%dma_start3A_291 : memref<16xi32, #tpu.memory_space<vmem>>) semaphore(%run_scoped3A : memref<!tpu.dma_semaphore, #tpu.memory_space<semaphore_mem>>)
      %dma_wait3A = arith.constant 9984 : i32
      %dma_wait3A_295 = tpu.memref_slice %arg9[%dma_wait3A] : memref<10000xi32, #tpu.memory_space<vmem>> -> memref<16xi32, #tpu.memory_space<vmem>>
      %dma_wait3A_296 = arith.constant 0 : i32
      %dma_wait3A_297 = arith.constant 0 : i32
      %dma_wait3A_298 = tpu.memref_slice %arg2[%dma_wait3A_296, %dma_wait3A_297] : memref<10000x128xf32, #tpu.memory_space<hbm>> -> memref<10000x128xf32, #tpu.memory_space<hbm>>
      tpu.wait_indirect_dma semaphore(%run_scoped3A : memref<!tpu.dma_semaphore, #tpu.memory_space<semaphore_mem>>) src(%dma_wait3A_298 : memref<10000x128xf32, #tpu.memory_space<hbm>>) dst(%arg19 : memref<16x128xf32, #tpu.memory_space<vmem>>)
      tpu.yield
    }) : () -> ()
    "tpu.region"() ({
      %run_scoped3A = tpu.sem_alloc : memref<!tpu.dma_semaphore, #tpu.memory_space<semaphore_mem>>
      %dma_start3A_290 = arith.constant 0 : i32
      %dma_start3A_291 = arith.constant 0 : i32
      %dma_start3A_292 = tpu.memref_slice %arg6[%dma_start3A_290, %dma_start3A_291] : memref<10112x128xf32, #tpu.memory_space<vmem_shared>> -> memref<10112x128xf32, #tpu.memory_space<vmem_shared>>
      tpu.enqueue_indirect_dma source(%arg19 : memref<16x128xf32, #tpu.memory_space<vmem>>) target(%dma_start3A_292 : memref<10112x128xf32, #tpu.memory_space<vmem_shared>>) offsets(%arg18 : memref<16xi32, #tpu.memory_space<vmem>>) semaphore(%run_scoped3A : memref<!tpu.dma_semaphore, #tpu.memory_space<semaphore_mem>>) {add = true}
      %dma_wait3A = arith.constant 0 : i32
      %dma_wait3A_293 = arith.constant 0 : i32
      %dma_wait3A_294 = tpu.memref_slice %arg6[%dma_wait3A, %dma_wait3A_293] : memref<10112x128xf32, #tpu.memory_space<vmem_shared>> -> memref<10112x128xf32, #tpu.memory_space<vmem_shared>>
      tpu.wait_indirect_dma semaphore(%run_scoped3A : memref<!tpu.dma_semaphore, #tpu.memory_space<semaphore_mem>>) src(%arg19 : memref<16x128xf32, #tpu.memory_space<vmem>>) dst(%dma_wait3A_294 : memref<10112x128xf32, #tpu.memory_space<vmem_shared>>)
      tpu.yield
    }) : () -> ()
    "tpu.region"() ({
      %run_scoped3A = tpu.sem_alloc : memref<!tpu.dma_semaphore, #tpu.memory_space<semaphore_mem>>
      %dma_start3A_290 = arith.constant 0 : i32
      %dma_start3A_291 = tpu.memref_slice %arg8[%dma_start3A_290] : memref<64xf32, #tpu.memory_space<vmem>> -> memref<16xf32, #tpu.memory_space<vmem>>
      %dma_start3A_292 = arith.constant 0 : i32
      %dma_start3A_293 = tpu.memref_slice %arg7[%dma_start3A_292] : memref<10112xf32, #tpu.memory_space<vmem_shared>> -> memref<10112xf32, #tpu.memory_space<vmem_shared>>
      tpu.enqueue_indirect_dma source(%dma_start3A_291 : memref<16xf32, #tpu.memory_space<vmem>>) target(%dma_start3A_293 : memref<10112xf32, #tpu.memory_space<vmem_shared>>) offsets(%arg18 : memref<16xi32, #tpu.memory_space<vmem>>) semaphore(%run_scoped3A : memref<!tpu.dma_semaphore, #tpu.memory_space<semaphore_mem>>) {add = true}
      %dma_wait3A = arith.constant 0 : i32
      %dma_wait3A_294 = tpu.memref_slice %arg8[%dma_wait3A] : memref<64xf32, #tpu.memory_space<vmem>> -> memref<16xf32, #tpu.memory_space<vmem>>
      %dma_wait3A_295 = arith.constant 0 : i32
      %dma_wait3A_296 = tpu.memref_slice %arg7[%dma_wait3A_295] : memref<10112xf32, #tpu.memory_space<vmem_shared>> -> memref<10112xf32, #tpu.memory_space<vmem_shared>>
      tpu.wait_indirect_dma semaphore(%run_scoped3A : memref<!tpu.dma_semaphore, #tpu.memory_space<semaphore_mem>>) src(%dma_wait3A_294 : memref<16xf32, #tpu.memory_space<vmem>>) dst(%dma_wait3A_296 : memref<10112xf32, #tpu.memory_space<vmem_shared>>)
      tpu.yield
    }) : () -> ()
    %barrier3A_173 = arith.constant 0 : index
    tpu.barrier barrier_id(%barrier3A_173)
    %add3A_174 = arith.constant 0 : i32
    %add3A_175 = arith.addi %arg1, %add3A_174 : i32
    %lt3A_176 = arith.constant 250 : i32
    %lt3A_177 = arith.cmpi slt, %add3A_175, %lt3A_176 : i32
    %convert_element_type3A_178 = arith.extui %lt3A_177 : i1 to i32
    %cond3A_179 = arith.constant 0 : i32
    %cond3A_180 = arith.cmpi ne, %convert_element_type3A_178, %cond3A_179 : i32
    scf.if %cond3A_180 {
      %mul3A_290 = arith.constant 40 : i32
      %mul3A_291 = arith.muli %add3A_175, %mul3A_290 : i32
      %mul3A_292 = arith.constant 40 : i32
      %mul3A_293 = arith.muli %add3A_175, %mul3A_292 : i32
      "tpu.region"() ({
        %run_scoped3A = tpu.sem_alloc : memref<!tpu.dma_semaphore, #tpu.memory_space<semaphore_mem>>
        %dma_start3A_294 = arith.constant 0 : i32
        %dma_start3A_295 = tpu.memref_slice %arg4[%arg0, %mul3A_293, %dma_start3A_294] : memref<2x10000x128xf32, #tpu.memory_space<hbm>> -> memref<1x40x128xf32, #tpu.memory_space<hbm>>
        %dma_start3A_296 = tpu.memref_squeeze %dma_start3A_295 : memref<1x40x128xf32, #tpu.memory_space<hbm>> -> memref<40x128xf32, #tpu.memory_space<hbm>>
        %dma_start3A_297 = arith.constant 0 : i32
        %dma_start3A_298 = tpu.memref_slice %arg6[%mul3A_291, %dma_start3A_297] : memref<10112x128xf32, #tpu.memory_space<vmem_shared>> -> memref<40x128xf32, #tpu.memory_space<vmem_shared>>
        tpu.enqueue_dma source(%dma_start3A_298 : memref<40x128xf32, #tpu.memory_space<vmem_shared>>) target(%dma_start3A_296 : memref<40x128xf32, #tpu.memory_space<hbm>>) target_semaphore(%run_scoped3A : memref<!tpu.dma_semaphore, #tpu.memory_space<semaphore_mem>>)
        %dma_wait3A = arith.constant 0 : i32
        %dma_wait3A_299 = tpu.memref_slice %arg4[%arg0, %mul3A_293, %dma_wait3A] : memref<2x10000x128xf32, #tpu.memory_space<hbm>> -> memref<1x40x128xf32, #tpu.memory_space<hbm>>
        %dma_wait3A_300 = tpu.memref_squeeze %dma_wait3A_299 : memref<1x40x128xf32, #tpu.memory_space<hbm>> -> memref<40x128xf32, #tpu.memory_space<hbm>>
        %dma_wait3A_301 = arith.constant 0 : i32
        %dma_wait3A_302 = tpu.memref_slice %arg6[%mul3A_291, %dma_wait3A_301] : memref<10112x128xf32, #tpu.memory_space<vmem_shared>> -> memref<40x128xf32, #tpu.memory_space<vmem_shared>>
        tpu.wait_dma2 semaphore(%run_scoped3A : memref<!tpu.dma_semaphore, #tpu.memory_space<semaphore_mem>>) src(%dma_wait3A_302 : memref<40x128xf32, #tpu.memory_space<vmem_shared>>) dst(%dma_wait3A_300 : memref<40x128xf32, #tpu.memory_space<hbm>>)
        tpu.yield
      }) : () -> ()
    } else {
    }
    %add3A_181 = arith.constant 16 : i32
    %add3A_182 = arith.addi %arg1, %add3A_181 : i32
    %lt3A_183 = arith.constant 250 : i32
    %lt3A_184 = arith.cmpi slt, %add3A_182, %lt3A_183 : i32
    %convert_element_type3A_185 = arith.extui %lt3A_184 : i1 to i32
    %cond3A_186 = arith.constant 0 : i32
    %cond3A_187 = arith.cmpi ne, %convert_element_type3A_185, %cond3A_186 : i32
    scf.if %cond3A_187 {
      %mul3A_290 = arith.constant 40 : i32
      %mul3A_291 = arith.muli %add3A_182, %mul3A_290 : i32
      %mul3A_292 = arith.constant 40 : i32
      %mul3A_293 = arith.muli %add3A_182, %mul3A_292 : i32
      "tpu.region"() ({
        %run_scoped3A = tpu.sem_alloc : memref<!tpu.dma_semaphore, #tpu.memory_space<semaphore_mem>>
        %dma_start3A_294 = arith.constant 0 : i32
        %dma_start3A_295 = tpu.memref_slice %arg4[%arg0, %mul3A_293, %dma_start3A_294] : memref<2x10000x128xf32, #tpu.memory_space<hbm>> -> memref<1x40x128xf32, #tpu.memory_space<hbm>>
        %dma_start3A_296 = tpu.memref_squeeze %dma_start3A_295 : memref<1x40x128xf32, #tpu.memory_space<hbm>> -> memref<40x128xf32, #tpu.memory_space<hbm>>
        %dma_start3A_297 = arith.constant 0 : i32
        %dma_start3A_298 = tpu.memref_slice %arg6[%mul3A_291, %dma_start3A_297] : memref<10112x128xf32, #tpu.memory_space<vmem_shared>> -> memref<40x128xf32, #tpu.memory_space<vmem_shared>>
        tpu.enqueue_dma source(%dma_start3A_298 : memref<40x128xf32, #tpu.memory_space<vmem_shared>>) target(%dma_start3A_296 : memref<40x128xf32, #tpu.memory_space<hbm>>) target_semaphore(%run_scoped3A : memref<!tpu.dma_semaphore, #tpu.memory_space<semaphore_mem>>)
        %dma_wait3A = arith.constant 0 : i32
        %dma_wait3A_299 = tpu.memref_slice %arg4[%arg0, %mul3A_293, %dma_wait3A] : memref<2x10000x128xf32, #tpu.memory_space<hbm>> -> memref<1x40x128xf32, #tpu.memory_space<hbm>>
        %dma_wait3A_300 = tpu.memref_squeeze %dma_wait3A_299 : memref<1x40x128xf32, #tpu.memory_space<hbm>> -> memref<40x128xf32, #tpu.memory_space<hbm>>
        %dma_wait3A_301 = arith.constant 0 : i32
        %dma_wait3A_302 = tpu.memref_slice %arg6[%mul3A_291, %dma_wait3A_301] : memref<10112x128xf32, #tpu.memory_space<vmem_shared>> -> memref<40x128xf32, #tpu.memory_space<vmem_shared>>
        tpu.wait_dma2 semaphore(%run_scoped3A : memref<!tpu.dma_semaphore, #tpu.memory_space<semaphore_mem>>) src(%dma_wait3A_302 : memref<40x128xf32, #tpu.memory_space<vmem_shared>>) dst(%dma_wait3A_300 : memref<40x128xf32, #tpu.memory_space<hbm>>)
        tpu.yield
      }) : () -> ()
    } else {
    }
    %add3A_188 = arith.constant 32 : i32
    %add3A_189 = arith.addi %arg1, %add3A_188 : i32
    %lt3A_190 = arith.constant 250 : i32
    %lt3A_191 = arith.cmpi slt, %add3A_189, %lt3A_190 : i32
    %convert_element_type3A_192 = arith.extui %lt3A_191 : i1 to i32
    %cond3A_193 = arith.constant 0 : i32
    %cond3A_194 = arith.cmpi ne, %convert_element_type3A_192, %cond3A_193 : i32
    scf.if %cond3A_194 {
      %mul3A_290 = arith.constant 40 : i32
      %mul3A_291 = arith.muli %add3A_189, %mul3A_290 : i32
      %mul3A_292 = arith.constant 40 : i32
      %mul3A_293 = arith.muli %add3A_189, %mul3A_292 : i32
      "tpu.region"() ({
        %run_scoped3A = tpu.sem_alloc : memref<!tpu.dma_semaphore, #tpu.memory_space<semaphore_mem>>
        %dma_start3A_294 = arith.constant 0 : i32
        %dma_start3A_295 = tpu.memref_slice %arg4[%arg0, %mul3A_293, %dma_start3A_294] : memref<2x10000x128xf32, #tpu.memory_space<hbm>> -> memref<1x40x128xf32, #tpu.memory_space<hbm>>
        %dma_start3A_296 = tpu.memref_squeeze %dma_start3A_295 : memref<1x40x128xf32, #tpu.memory_space<hbm>> -> memref<40x128xf32, #tpu.memory_space<hbm>>
        %dma_start3A_297 = arith.constant 0 : i32
        %dma_start3A_298 = tpu.memref_slice %arg6[%mul3A_291, %dma_start3A_297] : memref<10112x128xf32, #tpu.memory_space<vmem_shared>> -> memref<40x128xf32, #tpu.memory_space<vmem_shared>>
        tpu.enqueue_dma source(%dma_start3A_298 : memref<40x128xf32, #tpu.memory_space<vmem_shared>>) target(%dma_start3A_296 : memref<40x128xf32, #tpu.memory_space<hbm>>) target_semaphore(%run_scoped3A : memref<!tpu.dma_semaphore, #tpu.memory_space<semaphore_mem>>)
        %dma_wait3A = arith.constant 0 : i32
        %dma_wait3A_299 = tpu.memref_slice %arg4[%arg0, %mul3A_293, %dma_wait3A] : memref<2x10000x128xf32, #tpu.memory_space<hbm>> -> memref<1x40x128xf32, #tpu.memory_space<hbm>>
        %dma_wait3A_300 = tpu.memref_squeeze %dma_wait3A_299 : memref<1x40x128xf32, #tpu.memory_space<hbm>> -> memref<40x128xf32, #tpu.memory_space<hbm>>
        %dma_wait3A_301 = arith.constant 0 : i32
        %dma_wait3A_302 = tpu.memref_slice %arg6[%mul3A_291, %dma_wait3A_301] : memref<10112x128xf32, #tpu.memory_space<vmem_shared>> -> memref<40x128xf32, #tpu.memory_space<vmem_shared>>
        tpu.wait_dma2 semaphore(%run_scoped3A : memref<!tpu.dma_semaphore, #tpu.memory_space<semaphore_mem>>) src(%dma_wait3A_302 : memref<40x128xf32, #tpu.memory_space<vmem_shared>>) dst(%dma_wait3A_300 : memref<40x128xf32, #tpu.memory_space<hbm>>)
        tpu.yield
      }) : () -> ()
    } else {
    }
    %add3A_195 = arith.constant 48 : i32
    %add3A_196 = arith.addi %arg1, %add3A_195 : i32
    %lt3A_197 = arith.constant 250 : i32
    %lt3A_198 = arith.cmpi slt, %add3A_196, %lt3A_197 : i32
    %convert_element_type3A_199 = arith.extui %lt3A_198 : i1 to i32
    %cond3A_200 = arith.constant 0 : i32
    %cond3A_201 = arith.cmpi ne, %convert_element_type3A_199, %cond3A_200 : i32
    scf.if %cond3A_201 {
      %mul3A_290 = arith.constant 40 : i32
      %mul3A_291 = arith.muli %add3A_196, %mul3A_290 : i32
      %mul3A_292 = arith.constant 40 : i32
      %mul3A_293 = arith.muli %add3A_196, %mul3A_292 : i32
      "tpu.region"() ({
        %run_scoped3A = tpu.sem_alloc : memref<!tpu.dma_semaphore, #tpu.memory_space<semaphore_mem>>
        %dma_start3A_294 = arith.constant 0 : i32
        %dma_start3A_295 = tpu.memref_slice %arg4[%arg0, %mul3A_293, %dma_start3A_294] : memref<2x10000x128xf32, #tpu.memory_space<hbm>> -> memref<1x40x128xf32, #tpu.memory_space<hbm>>
        %dma_start3A_296 = tpu.memref_squeeze %dma_start3A_295 : memref<1x40x128xf32, #tpu.memory_space<hbm>> -> memref<40x128xf32, #tpu.memory_space<hbm>>
        %dma_start3A_297 = arith.constant 0 : i32
        %dma_start3A_298 = tpu.memref_slice %arg6[%mul3A_291, %dma_start3A_297] : memref<10112x128xf32, #tpu.memory_space<vmem_shared>> -> memref<40x128xf32, #tpu.memory_space<vmem_shared>>
        tpu.enqueue_dma source(%dma_start3A_298 : memref<40x128xf32, #tpu.memory_space<vmem_shared>>) target(%dma_start3A_296 : memref<40x128xf32, #tpu.memory_space<hbm>>) target_semaphore(%run_scoped3A : memref<!tpu.dma_semaphore, #tpu.memory_space<semaphore_mem>>)
        %dma_wait3A = arith.constant 0 : i32
        %dma_wait3A_299 = tpu.memref_slice %arg4[%arg0, %mul3A_293, %dma_wait3A] : memref<2x10000x128xf32, #tpu.memory_space<hbm>> -> memref<1x40x128xf32, #tpu.memory_space<hbm>>
        %dma_wait3A_300 = tpu.memref_squeeze %dma_wait3A_299 : memref<1x40x128xf32, #tpu.memory_space<hbm>> -> memref<40x128xf32, #tpu.memory_space<hbm>>
        %dma_wait3A_301 = arith.constant 0 : i32
        %dma_wait3A_302 = tpu.memref_slice %arg6[%mul3A_291, %dma_wait3A_301] : memref<10112x128xf32, #tpu.memory_space<vmem_shared>> -> memref<40x128xf32, #tpu.memory_space<vmem_shared>>
        tpu.wait_dma2 semaphore(%run_scoped3A : memref<!tpu.dma_semaphore, #tpu.memory_space<semaphore_mem>>) src(%dma_wait3A_302 : memref<40x128xf32, #tpu.memory_space<vmem_shared>>) dst(%dma_wait3A_300 : memref<40x128xf32, #tpu.memory_space<hbm>>)
        tpu.yield
      }) : () -> ()
    } else {
    }
    %add3A_202 = arith.constant 64 : i32
    %add3A_203 = arith.addi %arg1, %add3A_202 : i32
    %lt3A_204 = arith.constant 250 : i32
    %lt3A_205 = arith.cmpi slt, %add3A_203, %lt3A_204 : i32
    %convert_element_type3A_206 = arith.extui %lt3A_205 : i1 to i32
    %cond3A_207 = arith.constant 0 : i32
    %cond3A_208 = arith.cmpi ne, %convert_element_type3A_206, %cond3A_207 : i32
    scf.if %cond3A_208 {
      %mul3A_290 = arith.constant 40 : i32
      %mul3A_291 = arith.muli %add3A_203, %mul3A_290 : i32
      %mul3A_292 = arith.constant 40 : i32
      %mul3A_293 = arith.muli %add3A_203, %mul3A_292 : i32
      "tpu.region"() ({
        %run_scoped3A = tpu.sem_alloc : memref<!tpu.dma_semaphore, #tpu.memory_space<semaphore_mem>>
        %dma_start3A_294 = arith.constant 0 : i32
        %dma_start3A_295 = tpu.memref_slice %arg4[%arg0, %mul3A_293, %dma_start3A_294] : memref<2x10000x128xf32, #tpu.memory_space<hbm>> -> memref<1x40x128xf32, #tpu.memory_space<hbm>>
        %dma_start3A_296 = tpu.memref_squeeze %dma_start3A_295 : memref<1x40x128xf32, #tpu.memory_space<hbm>> -> memref<40x128xf32, #tpu.memory_space<hbm>>
        %dma_start3A_297 = arith.constant 0 : i32
        %dma_start3A_298 = tpu.memref_slice %arg6[%mul3A_291, %dma_start3A_297] : memref<10112x128xf32, #tpu.memory_space<vmem_shared>> -> memref<40x128xf32, #tpu.memory_space<vmem_shared>>
        tpu.enqueue_dma source(%dma_start3A_298 : memref<40x128xf32, #tpu.memory_space<vmem_shared>>) target(%dma_start3A_296 : memref<40x128xf32, #tpu.memory_space<hbm>>) target_semaphore(%run_scoped3A : memref<!tpu.dma_semaphore, #tpu.memory_space<semaphore_mem>>)
        %dma_wait3A = arith.constant 0 : i32
        %dma_wait3A_299 = tpu.memref_slice %arg4[%arg0, %mul3A_293, %dma_wait3A] : memref<2x10000x128xf32, #tpu.memory_space<hbm>> -> memref<1x40x128xf32, #tpu.memory_space<hbm>>
        %dma_wait3A_300 = tpu.memref_squeeze %dma_wait3A_299 : memref<1x40x128xf32, #tpu.memory_space<hbm>> -> memref<40x128xf32, #tpu.memory_space<hbm>>
        %dma_wait3A_301 = arith.constant 0 : i32
        %dma_wait3A_302 = tpu.memref_slice %arg6[%mul3A_291, %dma_wait3A_301] : memref<10112x128xf32, #tpu.memory_space<vmem_shared>> -> memref<40x128xf32, #tpu.memory_space<vmem_shared>>
        tpu.wait_dma2 semaphore(%run_scoped3A : memref<!tpu.dma_semaphore, #tpu.memory_space<semaphore_mem>>) src(%dma_wait3A_302 : memref<40x128xf32, #tpu.memory_space<vmem_shared>>) dst(%dma_wait3A_300 : memref<40x128xf32, #tpu.memory_space<hbm>>)
        tpu.yield
      }) : () -> ()
    } else {
    }
    %add3A_209 = arith.constant 80 : i32
    %add3A_210 = arith.addi %arg1, %add3A_209 : i32
    %lt3A_211 = arith.constant 250 : i32
    %lt3A_212 = arith.cmpi slt, %add3A_210, %lt3A_211 : i32
    %convert_element_type3A_213 = arith.extui %lt3A_212 : i1 to i32
    %cond3A_214 = arith.constant 0 : i32
    %cond3A_215 = arith.cmpi ne, %convert_element_type3A_213, %cond3A_214 : i32
    scf.if %cond3A_215 {
      %mul3A_290 = arith.constant 40 : i32
      %mul3A_291 = arith.muli %add3A_210, %mul3A_290 : i32
      %mul3A_292 = arith.constant 40 : i32
      %mul3A_293 = arith.muli %add3A_210, %mul3A_292 : i32
      "tpu.region"() ({
        %run_scoped3A = tpu.sem_alloc : memref<!tpu.dma_semaphore, #tpu.memory_space<semaphore_mem>>
        %dma_start3A_294 = arith.constant 0 : i32
        %dma_start3A_295 = tpu.memref_slice %arg4[%arg0, %mul3A_293, %dma_start3A_294] : memref<2x10000x128xf32, #tpu.memory_space<hbm>> -> memref<1x40x128xf32, #tpu.memory_space<hbm>>
        %dma_start3A_296 = tpu.memref_squeeze %dma_start3A_295 : memref<1x40x128xf32, #tpu.memory_space<hbm>> -> memref<40x128xf32, #tpu.memory_space<hbm>>
        %dma_start3A_297 = arith.constant 0 : i32
        %dma_start3A_298 = tpu.memref_slice %arg6[%mul3A_291, %dma_start3A_297] : memref<10112x128xf32, #tpu.memory_space<vmem_shared>> -> memref<40x128xf32, #tpu.memory_space<vmem_shared>>
        tpu.enqueue_dma source(%dma_start3A_298 : memref<40x128xf32, #tpu.memory_space<vmem_shared>>) target(%dma_start3A_296 : memref<40x128xf32, #tpu.memory_space<hbm>>) target_semaphore(%run_scoped3A : memref<!tpu.dma_semaphore, #tpu.memory_space<semaphore_mem>>)
        %dma_wait3A = arith.constant 0 : i32
        %dma_wait3A_299 = tpu.memref_slice %arg4[%arg0, %mul3A_293, %dma_wait3A] : memref<2x10000x128xf32, #tpu.memory_space<hbm>> -> memref<1x40x128xf32, #tpu.memory_space<hbm>>
        %dma_wait3A_300 = tpu.memref_squeeze %dma_wait3A_299 : memref<1x40x128xf32, #tpu.memory_space<hbm>> -> memref<40x128xf32, #tpu.memory_space<hbm>>
        %dma_wait3A_301 = arith.constant 0 : i32
        %dma_wait3A_302 = tpu.memref_slice %arg6[%mul3A_291, %dma_wait3A_301] : memref<10112x128xf32, #tpu.memory_space<vmem_shared>> -> memref<40x128xf32, #tpu.memory_space<vmem_shared>>
        tpu.wait_dma2 semaphore(%run_scoped3A : memref<!tpu.dma_semaphore, #tpu.memory_space<semaphore_mem>>) src(%dma_wait3A_302 : memref<40x128xf32, #tpu.memory_space<vmem_shared>>) dst(%dma_wait3A_300 : memref<40x128xf32, #tpu.memory_space<hbm>>)
        tpu.yield
      }) : () -> ()
    } else {
    }
    %add3A_216 = arith.constant 96 : i32
    %add3A_217 = arith.addi %arg1, %add3A_216 : i32
    %lt3A_218 = arith.constant 250 : i32
    %lt3A_219 = arith.cmpi slt, %add3A_217, %lt3A_218 : i32
    %convert_element_type3A_220 = arith.extui %lt3A_219 : i1 to i32
    %cond3A_221 = arith.constant 0 : i32
    %cond3A_222 = arith.cmpi ne, %convert_element_type3A_220, %cond3A_221 : i32
    scf.if %cond3A_222 {
      %mul3A_290 = arith.constant 40 : i32
      %mul3A_291 = arith.muli %add3A_217, %mul3A_290 : i32
      %mul3A_292 = arith.constant 40 : i32
      %mul3A_293 = arith.muli %add3A_217, %mul3A_292 : i32
      "tpu.region"() ({
        %run_scoped3A = tpu.sem_alloc : memref<!tpu.dma_semaphore, #tpu.memory_space<semaphore_mem>>
        %dma_start3A_294 = arith.constant 0 : i32
        %dma_start3A_295 = tpu.memref_slice %arg4[%arg0, %mul3A_293, %dma_start3A_294] : memref<2x10000x128xf32, #tpu.memory_space<hbm>> -> memref<1x40x128xf32, #tpu.memory_space<hbm>>
        %dma_start3A_296 = tpu.memref_squeeze %dma_start3A_295 : memref<1x40x128xf32, #tpu.memory_space<hbm>> -> memref<40x128xf32, #tpu.memory_space<hbm>>
        %dma_start3A_297 = arith.constant 0 : i32
        %dma_start3A_298 = tpu.memref_slice %arg6[%mul3A_291, %dma_start3A_297] : memref<10112x128xf32, #tpu.memory_space<vmem_shared>> -> memref<40x128xf32, #tpu.memory_space<vmem_shared>>
        tpu.enqueue_dma source(%dma_start3A_298 : memref<40x128xf32, #tpu.memory_space<vmem_shared>>) target(%dma_start3A_296 : memref<40x128xf32, #tpu.memory_space<hbm>>) target_semaphore(%run_scoped3A : memref<!tpu.dma_semaphore, #tpu.memory_space<semaphore_mem>>)
        %dma_wait3A = arith.constant 0 : i32
        %dma_wait3A_299 = tpu.memref_slice %arg4[%arg0, %mul3A_293, %dma_wait3A] : memref<2x10000x128xf32, #tpu.memory_space<hbm>> -> memref<1x40x128xf32, #tpu.memory_space<hbm>>
        %dma_wait3A_300 = tpu.memref_squeeze %dma_wait3A_299 : memref<1x40x128xf32, #tpu.memory_space<hbm>> -> memref<40x128xf32, #tpu.memory_space<hbm>>
        %dma_wait3A_301 = arith.constant 0 : i32
        %dma_wait3A_302 = tpu.memref_slice %arg6[%mul3A_291, %dma_wait3A_301] : memref<10112x128xf32, #tpu.memory_space<vmem_shared>> -> memref<40x128xf32, #tpu.memory_space<vmem_shared>>
        tpu.wait_dma2 semaphore(%run_scoped3A : memref<!tpu.dma_semaphore, #tpu.memory_space<semaphore_mem>>) src(%dma_wait3A_302 : memref<40x128xf32, #tpu.memory_space<vmem_shared>>) dst(%dma_wait3A_300 : memref<40x128xf32, #tpu.memory_space<hbm>>)
        tpu.yield
      }) : () -> ()
    } else {
    }
    %add3A_223 = arith.constant 112 : i32
    %add3A_224 = arith.addi %arg1, %add3A_223 : i32
    %lt3A_225 = arith.constant 250 : i32
    %lt3A_226 = arith.cmpi slt, %add3A_224, %lt3A_225 : i32
    %convert_element_type3A_227 = arith.extui %lt3A_226 : i1 to i32
    %cond3A_228 = arith.constant 0 : i32
    %cond3A_229 = arith.cmpi ne, %convert_element_type3A_227, %cond3A_228 : i32
    scf.if %cond3A_229 {
      %mul3A_290 = arith.constant 40 : i32
      %mul3A_291 = arith.muli %add3A_224, %mul3A_290 : i32
      %mul3A_292 = arith.constant 40 : i32
      %mul3A_293 = arith.muli %add3A_224, %mul3A_292 : i32
      "tpu.region"() ({
        %run_scoped3A = tpu.sem_alloc : memref<!tpu.dma_semaphore, #tpu.memory_space<semaphore_mem>>
        %dma_start3A_294 = arith.constant 0 : i32
        %dma_start3A_295 = tpu.memref_slice %arg4[%arg0, %mul3A_293, %dma_start3A_294] : memref<2x10000x128xf32, #tpu.memory_space<hbm>> -> memref<1x40x128xf32, #tpu.memory_space<hbm>>
        %dma_start3A_296 = tpu.memref_squeeze %dma_start3A_295 : memref<1x40x128xf32, #tpu.memory_space<hbm>> -> memref<40x128xf32, #tpu.memory_space<hbm>>
        %dma_start3A_297 = arith.constant 0 : i32
        %dma_start3A_298 = tpu.memref_slice %arg6[%mul3A_291, %dma_start3A_297] : memref<10112x128xf32, #tpu.memory_space<vmem_shared>> -> memref<40x128xf32, #tpu.memory_space<vmem_shared>>
        tpu.enqueue_dma source(%dma_start3A_298 : memref<40x128xf32, #tpu.memory_space<vmem_shared>>) target(%dma_start3A_296 : memref<40x128xf32, #tpu.memory_space<hbm>>) target_semaphore(%run_scoped3A : memref<!tpu.dma_semaphore, #tpu.memory_space<semaphore_mem>>)
        %dma_wait3A = arith.constant 0 : i32
        %dma_wait3A_299 = tpu.memref_slice %arg4[%arg0, %mul3A_293, %dma_wait3A] : memref<2x10000x128xf32, #tpu.memory_space<hbm>> -> memref<1x40x128xf32, #tpu.memory_space<hbm>>
        %dma_wait3A_300 = tpu.memref_squeeze %dma_wait3A_299 : memref<1x40x128xf32, #tpu.memory_space<hbm>> -> memref<40x128xf32, #tpu.memory_space<hbm>>
        %dma_wait3A_301 = arith.constant 0 : i32
        %dma_wait3A_302 = tpu.memref_slice %arg6[%mul3A_291, %dma_wait3A_301] : memref<10112x128xf32, #tpu.memory_space<vmem_shared>> -> memref<40x128xf32, #tpu.memory_space<vmem_shared>>
        tpu.wait_dma2 semaphore(%run_scoped3A : memref<!tpu.dma_semaphore, #tpu.memory_space<semaphore_mem>>) src(%dma_wait3A_302 : memref<40x128xf32, #tpu.memory_space<vmem_shared>>) dst(%dma_wait3A_300 : memref<40x128xf32, #tpu.memory_space<hbm>>)
        tpu.yield
      }) : () -> ()
    } else {
    }
    %add3A_230 = arith.constant 128 : i32
    %add3A_231 = arith.addi %arg1, %add3A_230 : i32
    %lt3A_232 = arith.constant 250 : i32
    %lt3A_233 = arith.cmpi slt, %add3A_231, %lt3A_232 : i32
    %convert_element_type3A_234 = arith.extui %lt3A_233 : i1 to i32
    %cond3A_235 = arith.constant 0 : i32
    %cond3A_236 = arith.cmpi ne, %convert_element_type3A_234, %cond3A_235 : i32
    scf.if %cond3A_236 {
      %mul3A_290 = arith.constant 40 : i32
      %mul3A_291 = arith.muli %add3A_231, %mul3A_290 : i32
      %mul3A_292 = arith.constant 40 : i32
      %mul3A_293 = arith.muli %add3A_231, %mul3A_292 : i32
      "tpu.region"() ({
        %run_scoped3A = tpu.sem_alloc : memref<!tpu.dma_semaphore, #tpu.memory_space<semaphore_mem>>
        %dma_start3A_294 = arith.constant 0 : i32
        %dma_start3A_295 = tpu.memref_slice %arg4[%arg0, %mul3A_293, %dma_start3A_294] : memref<2x10000x128xf32, #tpu.memory_space<hbm>> -> memref<1x40x128xf32, #tpu.memory_space<hbm>>
        %dma_start3A_296 = tpu.memref_squeeze %dma_start3A_295 : memref<1x40x128xf32, #tpu.memory_space<hbm>> -> memref<40x128xf32, #tpu.memory_space<hbm>>
        %dma_start3A_297 = arith.constant 0 : i32
        %dma_start3A_298 = tpu.memref_slice %arg6[%mul3A_291, %dma_start3A_297] : memref<10112x128xf32, #tpu.memory_space<vmem_shared>> -> memref<40x128xf32, #tpu.memory_space<vmem_shared>>
        tpu.enqueue_dma source(%dma_start3A_298 : memref<40x128xf32, #tpu.memory_space<vmem_shared>>) target(%dma_start3A_296 : memref<40x128xf32, #tpu.memory_space<hbm>>) target_semaphore(%run_scoped3A : memref<!tpu.dma_semaphore, #tpu.memory_space<semaphore_mem>>)
        %dma_wait3A = arith.constant 0 : i32
        %dma_wait3A_299 = tpu.memref_slice %arg4[%arg0, %mul3A_293, %dma_wait3A] : memref<2x10000x128xf32, #tpu.memory_space<hbm>> -> memref<1x40x128xf32, #tpu.memory_space<hbm>>
        %dma_wait3A_300 = tpu.memref_squeeze %dma_wait3A_299 : memref<1x40x128xf32, #tpu.memory_space<hbm>> -> memref<40x128xf32, #tpu.memory_space<hbm>>
        %dma_wait3A_301 = arith.constant 0 : i32
        %dma_wait3A_302 = tpu.memref_slice %arg6[%mul3A_291, %dma_wait3A_301] : memref<10112x128xf32, #tpu.memory_space<vmem_shared>> -> memref<40x128xf32, #tpu.memory_space<vmem_shared>>
        tpu.wait_dma2 semaphore(%run_scoped3A : memref<!tpu.dma_semaphore, #tpu.memory_space<semaphore_mem>>) src(%dma_wait3A_302 : memref<40x128xf32, #tpu.memory_space<vmem_shared>>) dst(%dma_wait3A_300 : memref<40x128xf32, #tpu.memory_space<hbm>>)
        tpu.yield
      }) : () -> ()
    } else {
    }
    %add3A_237 = arith.constant 144 : i32
    %add3A_238 = arith.addi %arg1, %add3A_237 : i32
    %lt3A_239 = arith.constant 250 : i32
    %lt3A_240 = arith.cmpi slt, %add3A_238, %lt3A_239 : i32
    %convert_element_type3A_241 = arith.extui %lt3A_240 : i1 to i32
    %cond3A_242 = arith.constant 0 : i32
    %cond3A_243 = arith.cmpi ne, %convert_element_type3A_241, %cond3A_242 : i32
    scf.if %cond3A_243 {
      %mul3A_290 = arith.constant 40 : i32
      %mul3A_291 = arith.muli %add3A_238, %mul3A_290 : i32
      %mul3A_292 = arith.constant 40 : i32
      %mul3A_293 = arith.muli %add3A_238, %mul3A_292 : i32
      "tpu.region"() ({
        %run_scoped3A = tpu.sem_alloc : memref<!tpu.dma_semaphore, #tpu.memory_space<semaphore_mem>>
        %dma_start3A_294 = arith.constant 0 : i32
        %dma_start3A_295 = tpu.memref_slice %arg4[%arg0, %mul3A_293, %dma_start3A_294] : memref<2x10000x128xf32, #tpu.memory_space<hbm>> -> memref<1x40x128xf32, #tpu.memory_space<hbm>>
        %dma_start3A_296 = tpu.memref_squeeze %dma_start3A_295 : memref<1x40x128xf32, #tpu.memory_space<hbm>> -> memref<40x128xf32, #tpu.memory_space<hbm>>
        %dma_start3A_297 = arith.constant 0 : i32
        %dma_start3A_298 = tpu.memref_slice %arg6[%mul3A_291, %dma_start3A_297] : memref<10112x128xf32, #tpu.memory_space<vmem_shared>> -> memref<40x128xf32, #tpu.memory_space<vmem_shared>>
        tpu.enqueue_dma source(%dma_start3A_298 : memref<40x128xf32, #tpu.memory_space<vmem_shared>>) target(%dma_start3A_296 : memref<40x128xf32, #tpu.memory_space<hbm>>) target_semaphore(%run_scoped3A : memref<!tpu.dma_semaphore, #tpu.memory_space<semaphore_mem>>)
        %dma_wait3A = arith.constant 0 : i32
        %dma_wait3A_299 = tpu.memref_slice %arg4[%arg0, %mul3A_293, %dma_wait3A] : memref<2x10000x128xf32, #tpu.memory_space<hbm>> -> memref<1x40x128xf32, #tpu.memory_space<hbm>>
        %dma_wait3A_300 = tpu.memref_squeeze %dma_wait3A_299 : memref<1x40x128xf32, #tpu.memory_space<hbm>> -> memref<40x128xf32, #tpu.memory_space<hbm>>
        %dma_wait3A_301 = arith.constant 0 : i32
        %dma_wait3A_302 = tpu.memref_slice %arg6[%mul3A_291, %dma_wait3A_301] : memref<10112x128xf32, #tpu.memory_space<vmem_shared>> -> memref<40x128xf32, #tpu.memory_space<vmem_shared>>
        tpu.wait_dma2 semaphore(%run_scoped3A : memref<!tpu.dma_semaphore, #tpu.memory_space<semaphore_mem>>) src(%dma_wait3A_302 : memref<40x128xf32, #tpu.memory_space<vmem_shared>>) dst(%dma_wait3A_300 : memref<40x128xf32, #tpu.memory_space<hbm>>)
        tpu.yield
      }) : () -> ()
    } else {
    }
    %add3A_244 = arith.constant 160 : i32
    %add3A_245 = arith.addi %arg1, %add3A_244 : i32
    %lt3A_246 = arith.constant 250 : i32
    %lt3A_247 = arith.cmpi slt, %add3A_245, %lt3A_246 : i32
    %convert_element_type3A_248 = arith.extui %lt3A_247 : i1 to i32
    %cond3A_249 = arith.constant 0 : i32
    %cond3A_250 = arith.cmpi ne, %convert_element_type3A_248, %cond3A_249 : i32
    scf.if %cond3A_250 {
      %mul3A_290 = arith.constant 40 : i32
      %mul3A_291 = arith.muli %add3A_245, %mul3A_290 : i32
      %mul3A_292 = arith.constant 40 : i32
      %mul3A_293 = arith.muli %add3A_245, %mul3A_292 : i32
      "tpu.region"() ({
        %run_scoped3A = tpu.sem_alloc : memref<!tpu.dma_semaphore, #tpu.memory_space<semaphore_mem>>
        %dma_start3A_294 = arith.constant 0 : i32
        %dma_start3A_295 = tpu.memref_slice %arg4[%arg0, %mul3A_293, %dma_start3A_294] : memref<2x10000x128xf32, #tpu.memory_space<hbm>> -> memref<1x40x128xf32, #tpu.memory_space<hbm>>
        %dma_start3A_296 = tpu.memref_squeeze %dma_start3A_295 : memref<1x40x128xf32, #tpu.memory_space<hbm>> -> memref<40x128xf32, #tpu.memory_space<hbm>>
        %dma_start3A_297 = arith.constant 0 : i32
        %dma_start3A_298 = tpu.memref_slice %arg6[%mul3A_291, %dma_start3A_297] : memref<10112x128xf32, #tpu.memory_space<vmem_shared>> -> memref<40x128xf32, #tpu.memory_space<vmem_shared>>
        tpu.enqueue_dma source(%dma_start3A_298 : memref<40x128xf32, #tpu.memory_space<vmem_shared>>) target(%dma_start3A_296 : memref<40x128xf32, #tpu.memory_space<hbm>>) target_semaphore(%run_scoped3A : memref<!tpu.dma_semaphore, #tpu.memory_space<semaphore_mem>>)
        %dma_wait3A = arith.constant 0 : i32
        %dma_wait3A_299 = tpu.memref_slice %arg4[%arg0, %mul3A_293, %dma_wait3A] : memref<2x10000x128xf32, #tpu.memory_space<hbm>> -> memref<1x40x128xf32, #tpu.memory_space<hbm>>
        %dma_wait3A_300 = tpu.memref_squeeze %dma_wait3A_299 : memref<1x40x128xf32, #tpu.memory_space<hbm>> -> memref<40x128xf32, #tpu.memory_space<hbm>>
        %dma_wait3A_301 = arith.constant 0 : i32
        %dma_wait3A_302 = tpu.memref_slice %arg6[%mul3A_291, %dma_wait3A_301] : memref<10112x128xf32, #tpu.memory_space<vmem_shared>> -> memref<40x128xf32, #tpu.memory_space<vmem_shared>>
        tpu.wait_dma2 semaphore(%run_scoped3A : memref<!tpu.dma_semaphore, #tpu.memory_space<semaphore_mem>>) src(%dma_wait3A_302 : memref<40x128xf32, #tpu.memory_space<vmem_shared>>) dst(%dma_wait3A_300 : memref<40x128xf32, #tpu.memory_space<hbm>>)
        tpu.yield
      }) : () -> ()
    } else {
    }
    %add3A_251 = arith.constant 176 : i32
    %add3A_252 = arith.addi %arg1, %add3A_251 : i32
    %lt3A_253 = arith.constant 250 : i32
    %lt3A_254 = arith.cmpi slt, %add3A_252, %lt3A_253 : i32
    %convert_element_type3A_255 = arith.extui %lt3A_254 : i1 to i32
    %cond3A_256 = arith.constant 0 : i32
    %cond3A_257 = arith.cmpi ne, %convert_element_type3A_255, %cond3A_256 : i32
    scf.if %cond3A_257 {
      %mul3A_290 = arith.constant 40 : i32
      %mul3A_291 = arith.muli %add3A_252, %mul3A_290 : i32
      %mul3A_292 = arith.constant 40 : i32
      %mul3A_293 = arith.muli %add3A_252, %mul3A_292 : i32
      "tpu.region"() ({
        %run_scoped3A = tpu.sem_alloc : memref<!tpu.dma_semaphore, #tpu.memory_space<semaphore_mem>>
        %dma_start3A_294 = arith.constant 0 : i32
        %dma_start3A_295 = tpu.memref_slice %arg4[%arg0, %mul3A_293, %dma_start3A_294] : memref<2x10000x128xf32, #tpu.memory_space<hbm>> -> memref<1x40x128xf32, #tpu.memory_space<hbm>>
        %dma_start3A_296 = tpu.memref_squeeze %dma_start3A_295 : memref<1x40x128xf32, #tpu.memory_space<hbm>> -> memref<40x128xf32, #tpu.memory_space<hbm>>
        %dma_start3A_297 = arith.constant 0 : i32
        %dma_start3A_298 = tpu.memref_slice %arg6[%mul3A_291, %dma_start3A_297] : memref<10112x128xf32, #tpu.memory_space<vmem_shared>> -> memref<40x128xf32, #tpu.memory_space<vmem_shared>>
        tpu.enqueue_dma source(%dma_start3A_298 : memref<40x128xf32, #tpu.memory_space<vmem_shared>>) target(%dma_start3A_296 : memref<40x128xf32, #tpu.memory_space<hbm>>) target_semaphore(%run_scoped3A : memref<!tpu.dma_semaphore, #tpu.memory_space<semaphore_mem>>)
        %dma_wait3A = arith.constant 0 : i32
        %dma_wait3A_299 = tpu.memref_slice %arg4[%arg0, %mul3A_293, %dma_wait3A] : memref<2x10000x128xf32, #tpu.memory_space<hbm>> -> memref<1x40x128xf32, #tpu.memory_space<hbm>>
        %dma_wait3A_300 = tpu.memref_squeeze %dma_wait3A_299 : memref<1x40x128xf32, #tpu.memory_space<hbm>> -> memref<40x128xf32, #tpu.memory_space<hbm>>
        %dma_wait3A_301 = arith.constant 0 : i32
        %dma_wait3A_302 = tpu.memref_slice %arg6[%mul3A_291, %dma_wait3A_301] : memref<10112x128xf32, #tpu.memory_space<vmem_shared>> -> memref<40x128xf32, #tpu.memory_space<vmem_shared>>
        tpu.wait_dma2 semaphore(%run_scoped3A : memref<!tpu.dma_semaphore, #tpu.memory_space<semaphore_mem>>) src(%dma_wait3A_302 : memref<40x128xf32, #tpu.memory_space<vmem_shared>>) dst(%dma_wait3A_300 : memref<40x128xf32, #tpu.memory_space<hbm>>)
        tpu.yield
      }) : () -> ()
    } else {
    }
    %add3A_258 = arith.constant 192 : i32
    %add3A_259 = arith.addi %arg1, %add3A_258 : i32
    %lt3A_260 = arith.constant 250 : i32
    %lt3A_261 = arith.cmpi slt, %add3A_259, %lt3A_260 : i32
    %convert_element_type3A_262 = arith.extui %lt3A_261 : i1 to i32
    %cond3A_263 = arith.constant 0 : i32
    %cond3A_264 = arith.cmpi ne, %convert_element_type3A_262, %cond3A_263 : i32
    scf.if %cond3A_264 {
      %mul3A_290 = arith.constant 40 : i32
      %mul3A_291 = arith.muli %add3A_259, %mul3A_290 : i32
      %mul3A_292 = arith.constant 40 : i32
      %mul3A_293 = arith.muli %add3A_259, %mul3A_292 : i32
      "tpu.region"() ({
        %run_scoped3A = tpu.sem_alloc : memref<!tpu.dma_semaphore, #tpu.memory_space<semaphore_mem>>
        %dma_start3A_294 = arith.constant 0 : i32
        %dma_start3A_295 = tpu.memref_slice %arg4[%arg0, %mul3A_293, %dma_start3A_294] : memref<2x10000x128xf32, #tpu.memory_space<hbm>> -> memref<1x40x128xf32, #tpu.memory_space<hbm>>
        %dma_start3A_296 = tpu.memref_squeeze %dma_start3A_295 : memref<1x40x128xf32, #tpu.memory_space<hbm>> -> memref<40x128xf32, #tpu.memory_space<hbm>>
        %dma_start3A_297 = arith.constant 0 : i32
        %dma_start3A_298 = tpu.memref_slice %arg6[%mul3A_291, %dma_start3A_297] : memref<10112x128xf32, #tpu.memory_space<vmem_shared>> -> memref<40x128xf32, #tpu.memory_space<vmem_shared>>
        tpu.enqueue_dma source(%dma_start3A_298 : memref<40x128xf32, #tpu.memory_space<vmem_shared>>) target(%dma_start3A_296 : memref<40x128xf32, #tpu.memory_space<hbm>>) target_semaphore(%run_scoped3A : memref<!tpu.dma_semaphore, #tpu.memory_space<semaphore_mem>>)
        %dma_wait3A = arith.constant 0 : i32
        %dma_wait3A_299 = tpu.memref_slice %arg4[%arg0, %mul3A_293, %dma_wait3A] : memref<2x10000x128xf32, #tpu.memory_space<hbm>> -> memref<1x40x128xf32, #tpu.memory_space<hbm>>
        %dma_wait3A_300 = tpu.memref_squeeze %dma_wait3A_299 : memref<1x40x128xf32, #tpu.memory_space<hbm>> -> memref<40x128xf32, #tpu.memory_space<hbm>>
        %dma_wait3A_301 = arith.constant 0 : i32
        %dma_wait3A_302 = tpu.memref_slice %arg6[%mul3A_291, %dma_wait3A_301] : memref<10112x128xf32, #tpu.memory_space<vmem_shared>> -> memref<40x128xf32, #tpu.memory_space<vmem_shared>>
        tpu.wait_dma2 semaphore(%run_scoped3A : memref<!tpu.dma_semaphore, #tpu.memory_space<semaphore_mem>>) src(%dma_wait3A_302 : memref<40x128xf32, #tpu.memory_space<vmem_shared>>) dst(%dma_wait3A_300 : memref<40x128xf32, #tpu.memory_space<hbm>>)
        tpu.yield
      }) : () -> ()
    } else {
    }
    %add3A_265 = arith.constant 208 : i32
    %add3A_266 = arith.addi %arg1, %add3A_265 : i32
    %lt3A_267 = arith.constant 250 : i32
    %lt3A_268 = arith.cmpi slt, %add3A_266, %lt3A_267 : i32
    %convert_element_type3A_269 = arith.extui %lt3A_268 : i1 to i32
    %cond3A_270 = arith.constant 0 : i32
    %cond3A_271 = arith.cmpi ne, %convert_element_type3A_269, %cond3A_270 : i32
    scf.if %cond3A_271 {
      %mul3A_290 = arith.constant 40 : i32
      %mul3A_291 = arith.muli %add3A_266, %mul3A_290 : i32
      %mul3A_292 = arith.constant 40 : i32
      %mul3A_293 = arith.muli %add3A_266, %mul3A_292 : i32
      "tpu.region"() ({
        %run_scoped3A = tpu.sem_alloc : memref<!tpu.dma_semaphore, #tpu.memory_space<semaphore_mem>>
        %dma_start3A_294 = arith.constant 0 : i32
        %dma_start3A_295 = tpu.memref_slice %arg4[%arg0, %mul3A_293, %dma_start3A_294] : memref<2x10000x128xf32, #tpu.memory_space<hbm>> -> memref<1x40x128xf32, #tpu.memory_space<hbm>>
        %dma_start3A_296 = tpu.memref_squeeze %dma_start3A_295 : memref<1x40x128xf32, #tpu.memory_space<hbm>> -> memref<40x128xf32, #tpu.memory_space<hbm>>
        %dma_start3A_297 = arith.constant 0 : i32
        %dma_start3A_298 = tpu.memref_slice %arg6[%mul3A_291, %dma_start3A_297] : memref<10112x128xf32, #tpu.memory_space<vmem_shared>> -> memref<40x128xf32, #tpu.memory_space<vmem_shared>>
        tpu.enqueue_dma source(%dma_start3A_298 : memref<40x128xf32, #tpu.memory_space<vmem_shared>>) target(%dma_start3A_296 : memref<40x128xf32, #tpu.memory_space<hbm>>) target_semaphore(%run_scoped3A : memref<!tpu.dma_semaphore, #tpu.memory_space<semaphore_mem>>)
        %dma_wait3A = arith.constant 0 : i32
        %dma_wait3A_299 = tpu.memref_slice %arg4[%arg0, %mul3A_293, %dma_wait3A] : memref<2x10000x128xf32, #tpu.memory_space<hbm>> -> memref<1x40x128xf32, #tpu.memory_space<hbm>>
        %dma_wait3A_300 = tpu.memref_squeeze %dma_wait3A_299 : memref<1x40x128xf32, #tpu.memory_space<hbm>> -> memref<40x128xf32, #tpu.memory_space<hbm>>
        %dma_wait3A_301 = arith.constant 0 : i32
        %dma_wait3A_302 = tpu.memref_slice %arg6[%mul3A_291, %dma_wait3A_301] : memref<10112x128xf32, #tpu.memory_space<vmem_shared>> -> memref<40x128xf32, #tpu.memory_space<vmem_shared>>
        tpu.wait_dma2 semaphore(%run_scoped3A : memref<!tpu.dma_semaphore, #tpu.memory_space<semaphore_mem>>) src(%dma_wait3A_302 : memref<40x128xf32, #tpu.memory_space<vmem_shared>>) dst(%dma_wait3A_300 : memref<40x128xf32, #tpu.memory_space<hbm>>)
        tpu.yield
      }) : () -> ()
    } else {
    }
    %add3A_272 = arith.constant 224 : i32
    %add3A_273 = arith.addi %arg1, %add3A_272 : i32
    %lt3A_274 = arith.constant 250 : i32
    %lt3A_275 = arith.cmpi slt, %add3A_273, %lt3A_274 : i32
    %convert_element_type3A_276 = arith.extui %lt3A_275 : i1 to i32
    %cond3A_277 = arith.constant 0 : i32
    %cond3A_278 = arith.cmpi ne, %convert_element_type3A_276, %cond3A_277 : i32
    scf.if %cond3A_278 {
      %mul3A_290 = arith.constant 40 : i32
      %mul3A_291 = arith.muli %add3A_273, %mul3A_290 : i32
      %mul3A_292 = arith.constant 40 : i32
      %mul3A_293 = arith.muli %add3A_273, %mul3A_292 : i32
      "tpu.region"() ({
        %run_scoped3A = tpu.sem_alloc : memref<!tpu.dma_semaphore, #tpu.memory_space<semaphore_mem>>
        %dma_start3A_294 = arith.constant 0 : i32
        %dma_start3A_295 = tpu.memref_slice %arg4[%arg0, %mul3A_293, %dma_start3A_294] : memref<2x10000x128xf32, #tpu.memory_space<hbm>> -> memref<1x40x128xf32, #tpu.memory_space<hbm>>
        %dma_start3A_296 = tpu.memref_squeeze %dma_start3A_295 : memref<1x40x128xf32, #tpu.memory_space<hbm>> -> memref<40x128xf32, #tpu.memory_space<hbm>>
        %dma_start3A_297 = arith.constant 0 : i32
        %dma_start3A_298 = tpu.memref_slice %arg6[%mul3A_291, %dma_start3A_297] : memref<10112x128xf32, #tpu.memory_space<vmem_shared>> -> memref<40x128xf32, #tpu.memory_space<vmem_shared>>
        tpu.enqueue_dma source(%dma_start3A_298 : memref<40x128xf32, #tpu.memory_space<vmem_shared>>) target(%dma_start3A_296 : memref<40x128xf32, #tpu.memory_space<hbm>>) target_semaphore(%run_scoped3A : memref<!tpu.dma_semaphore, #tpu.memory_space<semaphore_mem>>)
        %dma_wait3A = arith.constant 0 : i32
        %dma_wait3A_299 = tpu.memref_slice %arg4[%arg0, %mul3A_293, %dma_wait3A] : memref<2x10000x128xf32, #tpu.memory_space<hbm>> -> memref<1x40x128xf32, #tpu.memory_space<hbm>>
        %dma_wait3A_300 = tpu.memref_squeeze %dma_wait3A_299 : memref<1x40x128xf32, #tpu.memory_space<hbm>> -> memref<40x128xf32, #tpu.memory_space<hbm>>
        %dma_wait3A_301 = arith.constant 0 : i32
        %dma_wait3A_302 = tpu.memref_slice %arg6[%mul3A_291, %dma_wait3A_301] : memref<10112x128xf32, #tpu.memory_space<vmem_shared>> -> memref<40x128xf32, #tpu.memory_space<vmem_shared>>
        tpu.wait_dma2 semaphore(%run_scoped3A : memref<!tpu.dma_semaphore, #tpu.memory_space<semaphore_mem>>) src(%dma_wait3A_302 : memref<40x128xf32, #tpu.memory_space<vmem_shared>>) dst(%dma_wait3A_300 : memref<40x128xf32, #tpu.memory_space<hbm>>)
        tpu.yield
      }) : () -> ()
    } else {
    }
    %add3A_279 = arith.constant 240 : i32
    %add3A_280 = arith.addi %arg1, %add3A_279 : i32
    %lt3A_281 = arith.constant 250 : i32
    %lt3A_282 = arith.cmpi slt, %add3A_280, %lt3A_281 : i32
    %convert_element_type3A_283 = arith.extui %lt3A_282 : i1 to i32
    %cond3A_284 = arith.constant 0 : i32
    %cond3A_285 = arith.cmpi ne, %convert_element_type3A_283, %cond3A_284 : i32
    scf.if %cond3A_285 {
      %mul3A_290 = arith.constant 40 : i32
      %mul3A_291 = arith.muli %add3A_280, %mul3A_290 : i32
      %mul3A_292 = arith.constant 40 : i32
      %mul3A_293 = arith.muli %add3A_280, %mul3A_292 : i32
      "tpu.region"() ({
        %run_scoped3A = tpu.sem_alloc : memref<!tpu.dma_semaphore, #tpu.memory_space<semaphore_mem>>
        %dma_start3A_294 = arith.constant 0 : i32
        %dma_start3A_295 = tpu.memref_slice %arg4[%arg0, %mul3A_293, %dma_start3A_294] : memref<2x10000x128xf32, #tpu.memory_space<hbm>> -> memref<1x40x128xf32, #tpu.memory_space<hbm>>
        %dma_start3A_296 = tpu.memref_squeeze %dma_start3A_295 : memref<1x40x128xf32, #tpu.memory_space<hbm>> -> memref<40x128xf32, #tpu.memory_space<hbm>>
        %dma_start3A_297 = arith.constant 0 : i32
        %dma_start3A_298 = tpu.memref_slice %arg6[%mul3A_291, %dma_start3A_297] : memref<10112x128xf32, #tpu.memory_space<vmem_shared>> -> memref<40x128xf32, #tpu.memory_space<vmem_shared>>
        tpu.enqueue_dma source(%dma_start3A_298 : memref<40x128xf32, #tpu.memory_space<vmem_shared>>) target(%dma_start3A_296 : memref<40x128xf32, #tpu.memory_space<hbm>>) target_semaphore(%run_scoped3A : memref<!tpu.dma_semaphore, #tpu.memory_space<semaphore_mem>>)
        %dma_wait3A = arith.constant 0 : i32
        %dma_wait3A_299 = tpu.memref_slice %arg4[%arg0, %mul3A_293, %dma_wait3A] : memref<2x10000x128xf32, #tpu.memory_space<hbm>> -> memref<1x40x128xf32, #tpu.memory_space<hbm>>
        %dma_wait3A_300 = tpu.memref_squeeze %dma_wait3A_299 : memref<1x40x128xf32, #tpu.memory_space<hbm>> -> memref<40x128xf32, #tpu.memory_space<hbm>>
        %dma_wait3A_301 = arith.constant 0 : i32
        %dma_wait3A_302 = tpu.memref_slice %arg6[%mul3A_291, %dma_wait3A_301] : memref<10112x128xf32, #tpu.memory_space<vmem_shared>> -> memref<40x128xf32, #tpu.memory_space<vmem_shared>>
        tpu.wait_dma2 semaphore(%run_scoped3A : memref<!tpu.dma_semaphore, #tpu.memory_space<semaphore_mem>>) src(%dma_wait3A_302 : memref<40x128xf32, #tpu.memory_space<vmem_shared>>) dst(%dma_wait3A_300 : memref<40x128xf32, #tpu.memory_space<hbm>>)
        tpu.yield
      }) : () -> ()
    } else {
    }
    %eq3A = arith.constant 0 : i32
    %eq3A_286 = arith.cmpi eq, %arg1, %eq3A : i32
    %convert_element_type3A_287 = arith.extui %eq3A_286 : i1 to i32
    %cond3A_288 = arith.constant 0 : i32
    %cond3A_289 = arith.cmpi ne, %convert_element_type3A_287, %cond3A_288 : i32
    scf.if %cond3A_289 {
      "tpu.region"() ({
        %run_scoped3A = tpu.sem_alloc : memref<!tpu.dma_semaphore, #tpu.memory_space<semaphore_mem>>
        %dma_start3A_290 = arith.constant 0 : i32
        %dma_start3A_291 = tpu.memref_slice %arg5[%arg0, %dma_start3A_290] : memref<2x10112xf32, #tpu.memory_space<hbm>> -> memref<1x10112xf32, #tpu.memory_space<hbm>>
        %dma_start3A_292 = tpu.memref_squeeze %dma_start3A_291 : memref<1x10112xf32, #tpu.memory_space<hbm>> -> memref<10112xf32, #tpu.memory_space<hbm>>
        tpu.enqueue_dma source(%arg7 : memref<10112xf32, #tpu.memory_space<vmem_shared>>) target(%dma_start3A_292 : memref<10112xf32, #tpu.memory_space<hbm>>) target_semaphore(%run_scoped3A : memref<!tpu.dma_semaphore, #tpu.memory_space<semaphore_mem>>)
        %dma_wait3A = arith.constant 0 : i32
        %dma_wait3A_293 = tpu.memref_slice %arg5[%arg0, %dma_wait3A] : memref<2x10112xf32, #tpu.memory_space<hbm>> -> memref<1x10112xf32, #tpu.memory_space<hbm>>
        %dma_wait3A_294 = tpu.memref_squeeze %dma_wait3A_293 : memref<1x10112xf32, #tpu.memory_space<hbm>> -> memref<10112xf32, #tpu.memory_space<hbm>>
        tpu.wait_dma2 semaphore(%run_scoped3A : memref<!tpu.dma_semaphore, #tpu.memory_space<semaphore_mem>>) src(%arg7 : memref<10112xf32, #tpu.memory_space<vmem_shared>>) dst(%dma_wait3A_294 : memref<10112xf32, #tpu.memory_space<hbm>>)
        tpu.yield
      }) : () -> ()
    } else {
    }
    return
  }
}

module attributes {stable_mosaic.version = 14 : i64} {
  func.func @sage_tc_root1(%arg0: i32, %arg1: memref<2000x128xf32, #tpu.memory_space<vmem>>, %arg2: memref<128x128xf32, #tpu.memory_space<vmem>>, %arg3: memref<1x128xf32, #tpu.memory_space<vmem>>, %arg4: memref<2000x128xf32, #tpu.memory_space<vmem>>) attributes {dimension_semantics = [#tpu.dimension_semantics<arbitrary>], iteration_bounds = array<i64: 5>, scalar_prefetch = 0 : i64, scratch_operands = 0 : i64, tpu.core_type = #tpu.core_type<tc>, window_params = [{transform_indices = @transform_0, window_bounds = array<i64: 2000, 128>}, {pipeline_mode = #tpu.pipeline_mode<synchronous>, transform_indices = @transform_1, window_bounds = array<i64: 128, 128>}, {pipeline_mode = #tpu.pipeline_mode<synchronous>, transform_indices = @transform_2, window_bounds = array<i64: 1, 128>}, {transform_indices = @transform_3, window_bounds = array<i64: 2000, 128>}]} {
    %get3A = arith.constant 0 : index
    %get3A_0 = arith.constant 0 : index
    %get3A_1 = vector.load %arg1[%get3A, %get3A_0] : memref<2000x128xf32, #tpu.memory_space<vmem>>, vector<2000x128xf32>
    %get3A_2 = arith.constant 0 : index
    %get3A_3 = arith.constant 0 : index
    %get3A_4 = vector.load %arg2[%get3A_2, %get3A_3] : memref<128x128xf32, #tpu.memory_space<vmem>>, vector<128x128xf32>
    %dot_general3A = arith.constant dense<0.000000e+00> : vector<2000x128xf32>
    %dot_general3A_5 = tpu.matmul %get3A_1, %get3A_4, %dot_general3A {dimension_numbers = #tpu.dot_dimension_numbers<[1], [0], [0], [1], [0, 0, 1, 1], [], []>, transpose_lhs_hint = false} : vector<2000x128xf32>, vector<128x128xf32>, vector<2000x128xf32> -> vector<2000x128xf32>
    %get3A_6 = arith.constant 0 : index
    %get3A_7 = arith.constant 0 : index
    %get3A_8 = vector.load %arg3[%get3A_6, %get3A_7] : memref<1x128xf32, #tpu.memory_space<vmem>>, vector<1x128xf32>
    %add3A = vector.broadcast %get3A_8 : vector<1x128xf32> to vector<2000x128xf32>
    %add3A_9 = arith.addf %dot_general3A_5, %add3A : vector<2000x128xf32>
    %swap3A = arith.constant 0 : index
    %swap3A_10 = arith.constant 0 : index
    %swap3A_11 = vector.load %arg4[%swap3A, %swap3A_10] : memref<2000x128xf32, #tpu.memory_space<vmem>>, vector<2000x128xf32>
    tpu.vector_store %arg4[%swap3A, %swap3A_10], %add3A_9 {strides = array<i32>} : memref<2000x128xf32, #tpu.memory_space<vmem>>, vector<2000x128xf32>,
    return
  }
  func.func @transform_0(%arg0: i32) -> (i32, i32) {
    %c0_i32 = arith.constant 0 : i32
    %c0_i32_0 = arith.constant 0 : i32
    return %arg0, %c0_i32 : i32, i32
  }
  func.func @transform_1(%arg0: i32) -> (i32, i32) {
    %c0_i32 = arith.constant 0 : i32
    %c0_i32_0 = arith.constant 0 : i32
    %c0_i32_1 = arith.constant 0 : i32
    return %c0_i32, %c0_i32_0 : i32, i32
  }
  func.func @transform_2(%arg0: i32) -> (i32, i32) {
    %c0_i32 = arith.constant 0 : i32
    %c0_i32_0 = arith.constant 0 : i32
    %c0_i32_1 = arith.constant 0 : i32
    return %c0_i32, %c0_i32_0 : i32, i32
  }
  func.func @transform_3(%arg0: i32) -> (i32, i32) {
    %c0_i32 = arith.constant 0 : i32
    %c0_i32_0 = arith.constant 0 : i32
    return %arg0, %c0_i32 : i32, i32
  }
}

module attributes {stable_mosaic.version = 14 : i64} {
  func.func @sage_tc1(%arg0: i32, %arg1: memref<2000x128xf32, #tpu.memory_space<vmem>>, %arg2: memref<2x2000x128xf32, #tpu.memory_space<vmem>>, %arg3: memref<2000x2xf32, #tpu.memory_space<vmem>>, %arg4: memref<128x128xf32, #tpu.memory_space<vmem>>, %arg5: memref<2000x128xf32, #tpu.memory_space<vmem>>) attributes {dimension_semantics = [#tpu.dimension_semantics<arbitrary>], iteration_bounds = array<i64: 5>, scalar_prefetch = 0 : i64, scratch_operands = 0 : i64, tpu.core_type = #tpu.core_type<tc>, window_params = [{transform_indices = @transform_0, window_bounds = array<i64: 2000, 128>}, {transform_indices = @transform_1, window_bounds = array<i64: 2, 2000, 128>}, {transform_indices = @transform_2, window_bounds = array<i64: 2000, 2>}, {pipeline_mode = #tpu.pipeline_mode<synchronous>, transform_indices = @transform_3, window_bounds = array<i64: 128, 128>}, {transform_indices = @transform_4, window_bounds = array<i64: 2000, 128>}]} {
    %get3A = arith.constant 0 : index
    %get3A_0 = arith.constant 0 : index
    %get3A_1 = vector.load %arg3[%get3A, %get3A_0] : memref<2000x2xf32, #tpu.memory_space<vmem>>, vector<2000x2xf32>
    %reduce_sum3A = arith.constant dense<0.000000e+00> : vector<2000xf32>
    %reduce_sum3A_2 = vector.multi_reduction <add>, %get3A_1, %reduce_sum3A [1] : vector<2000x2xf32> to vector<2000xf32>
    %broadcast_in_dim3A = vector.shape_cast %reduce_sum3A_2 : vector<2000xf32> to vector<2000x1xf32>
    %max3A = arith.constant 1.000000e+00 : f32
    %max3A_3 = vector.broadcast %max3A : f32 to vector<2000x1xf32>
    %max3A_4 = arith.maximumf %broadcast_in_dim3A, %max3A_3 : vector<2000x1xf32>
    %div3A = arith.constant 1.000000e+00 : f32
    %div3A_5 = vector.broadcast %div3A : f32 to vector<2000x1xf32>
    %div3A_6 = arith.divf %div3A_5, %max3A_4 : vector<2000x1xf32>
    %get3A_7 = arith.constant 0 : index
    %get3A_8 = arith.constant 0 : index
    %get3A_9 = arith.constant 0 : index
    %get3A_10 = vector.load %arg2[%get3A_7, %get3A_8, %get3A_9] : memref<2x2000x128xf32, #tpu.memory_space<vmem>>, vector<1x2000x128xf32>
    %get3A_11 = vector.shape_cast %get3A_10 : vector<1x2000x128xf32> to vector<2000x128xf32>
    %get3A_12 = arith.constant 1 : index
    %get3A_13 = arith.constant 0 : index
    %get3A_14 = arith.constant 0 : index
    %get3A_15 = vector.load %arg2[%get3A_12, %get3A_13, %get3A_14] : memref<2x2000x128xf32, #tpu.memory_space<vmem>>, vector<1x2000x128xf32>
    %get3A_16 = vector.shape_cast %get3A_15 : vector<1x2000x128xf32> to vector<2000x128xf32>
    %add3A = arith.addf %get3A_11, %get3A_16 : vector<2000x128xf32>
    %mul3A = vector.broadcast %div3A_6 : vector<2000x1xf32> to vector<2000x128xf32>
    %mul3A_17 = arith.mulf %add3A, %mul3A : vector<2000x128xf32>
    %get3A_18 = arith.constant 0 : index
    %get3A_19 = arith.constant 0 : index
    %get3A_20 = vector.load %arg1[%get3A_18, %get3A_19] : memref<2000x128xf32, #tpu.memory_space<vmem>>, vector<2000x128xf32>
    %get3A_21 = arith.constant 0 : index
    %get3A_22 = arith.constant 0 : index
    %get3A_23 = vector.load %arg4[%get3A_21, %get3A_22] : memref<128x128xf32, #tpu.memory_space<vmem>>, vector<128x128xf32>
    %dot_general3A = arith.constant dense<0.000000e+00> : vector<2000x128xf32>
    %dot_general3A_24 = tpu.matmul %mul3A_17, %get3A_23, %dot_general3A {dimension_numbers = #tpu.dot_dimension_numbers<[1], [0], [0], [1], [0, 0, 1, 1], [], []>, transpose_lhs_hint = false} : vector<2000x128xf32>, vector<128x128xf32>, vector<2000x128xf32> -> vector<2000x128xf32>
    %add3A_25 = arith.addf %get3A_20, %dot_general3A_24 : vector<2000x128xf32>
    %max3A_26 = arith.constant 0.000000e+00 : f32
    %max3A_27 = vector.broadcast %max3A_26 : f32 to vector<2000x128xf32>
    %max3A_28 = arith.maximumf %add3A_25, %max3A_27 : vector<2000x128xf32>
    %swap3A = arith.constant 0 : index
    %swap3A_29 = arith.constant 0 : index
    %swap3A_30 = vector.load %arg5[%swap3A, %swap3A_29] : memref<2000x128xf32, #tpu.memory_space<vmem>>, vector<2000x128xf32>
    tpu.vector_store %arg5[%swap3A, %swap3A_29], %max3A_28 {strides = array<i32>} : memref<2000x128xf32, #tpu.memory_space<vmem>>, vector<2000x128xf32>,
    return
  }
  func.func @transform_0(%arg0: i32) -> (i32, i32) {
    %c0_i32 = arith.constant 0 : i32
    %c0_i32_0 = arith.constant 0 : i32
    return %arg0, %c0_i32 : i32, i32
  }
  func.func @transform_1(%arg0: i32) -> (i32, i32, i32) {
    %c0_i32 = arith.constant 0 : i32
    %c0_i32_0 = arith.constant 0 : i32
    %c0_i32_1 = arith.constant 0 : i32
    return %c0_i32, %arg0, %c0_i32_0 : i32, i32, i32
  }
  func.func @transform_2(%arg0: i32) -> (i32, i32) {
    %c0_i32 = arith.constant 0 : i32
    %c0_i32_0 = arith.constant 0 : i32
    return %arg0, %c0_i32 : i32, i32
  }
  func.func @transform_3(%arg0: i32) -> (i32, i32) {
    %c0_i32 = arith.constant 0 : i32
    %c0_i32_0 = arith.constant 0 : i32
    %c0_i32_1 = arith.constant 0 : i32
    return %c0_i32, %c0_i32_0 : i32, i32
  }
  func.func @transform_4(%arg0: i32) -> (i32, i32) {
    %c0_i32 = arith.constant 0 : i32
    %c0_i32_0 = arith.constant 0 : i32
    return %arg0, %c0_i32 : i32, i32
  }
}

module attributes {stable_mosaic.version = 14 : i64} {
  func.func @sage_tc_root2(%arg0: i32, %arg1: memref<2000x128xf32, #tpu.memory_space<vmem>>, %arg2: memref<128x128xf32, #tpu.memory_space<vmem>>, %arg3: memref<1x128xf32, #tpu.memory_space<vmem>>, %arg4: memref<256x64xf32, #tpu.memory_space<vmem>>, %arg5: memref<1x64xf32, #tpu.memory_space<vmem>>, %arg6: memref<2000x128xf32, #tpu.memory_space<vmem>>, %arg7: memref<2000x64xf32, #tpu.memory_space<vmem>>) attributes {dimension_semantics = [#tpu.dimension_semantics<arbitrary>], iteration_bounds = array<i64: 5>, scalar_prefetch = 0 : i64, scratch_operands = 0 : i64, tpu.core_type = #tpu.core_type<tc>, window_params = [{transform_indices = @transform_0, window_bounds = array<i64: 2000, 128>}, {pipeline_mode = #tpu.pipeline_mode<synchronous>, transform_indices = @transform_1, window_bounds = array<i64: 128, 128>}, {pipeline_mode = #tpu.pipeline_mode<synchronous>, transform_indices = @transform_2, window_bounds = array<i64: 1, 128>}, {pipeline_mode = #tpu.pipeline_mode<synchronous>, transform_indices = @transform_3, window_bounds = array<i64: 256, 64>}, {pipeline_mode = #tpu.pipeline_mode<synchronous>, transform_indices = @transform_4, window_bounds = array<i64: 1, 64>}, {transform_indices = @transform_5, window_bounds = array<i64: 2000, 128>}, {transform_indices = @transform_6, window_bounds = array<i64: 2000, 64>}]} {
    %get3A = arith.constant 0 : index
    %get3A_0 = arith.constant 0 : index
    %get3A_1 = vector.load %arg1[%get3A, %get3A_0] : memref<2000x128xf32, #tpu.memory_space<vmem>>, vector<2000x128xf32>
    %get3A_2 = arith.constant 0 : index
    %get3A_3 = arith.constant 0 : index
    %get3A_4 = vector.load %arg2[%get3A_2, %get3A_3] : memref<128x128xf32, #tpu.memory_space<vmem>>, vector<128x128xf32>
    %dot_general3A = arith.constant dense<0.000000e+00> : vector<2000x128xf32>
    %dot_general3A_5 = tpu.matmul %get3A_1, %get3A_4, %dot_general3A {dimension_numbers = #tpu.dot_dimension_numbers<[1], [0], [0], [1], [0, 0, 1, 1], [], []>, transpose_lhs_hint = false} : vector<2000x128xf32>, vector<128x128xf32>, vector<2000x128xf32> -> vector<2000x128xf32>
    %get3A_6 = arith.constant 0 : index
    %get3A_7 = arith.constant 0 : index
    %get3A_8 = vector.load %arg3[%get3A_6, %get3A_7] : memref<1x128xf32, #tpu.memory_space<vmem>>, vector<1x128xf32>
    %add3A = vector.broadcast %get3A_8 : vector<1x128xf32> to vector<2000x128xf32>
    %add3A_9 = arith.addf %dot_general3A_5, %add3A : vector<2000x128xf32>
    %swap3A = arith.constant 0 : index
    %swap3A_10 = arith.constant 0 : index
    %swap3A_11 = vector.load %arg6[%swap3A, %swap3A_10] : memref<2000x128xf32, #tpu.memory_space<vmem>>, vector<2000x128xf32>
    tpu.vector_store %arg6[%swap3A, %swap3A_10], %add3A_9 {strides = array<i32>} : memref<2000x128xf32, #tpu.memory_space<vmem>>, vector<2000x128xf32>,
    %get3A_12 = arith.constant 0 : index
    %get3A_13 = arith.constant 0 : index
    %get3A_14 = vector.load %arg4[%get3A_12, %get3A_13] : memref<256x64xf32, #tpu.memory_space<vmem>>, vector<256x64xf32>
    %slice3A = vector.extract_strided_slice %get3A_14 {offsets = [0, 0], sizes = [128, 64], strides = [1, 1]} : vector<256x64xf32> to vector<128x64xf32>
    %dot_general3A_15 = arith.constant dense<0.000000e+00> : vector<2000x64xf32>
    %dot_general3A_16 = tpu.matmul %get3A_1, %slice3A, %dot_general3A_15 {dimension_numbers = #tpu.dot_dimension_numbers<[1], [0], [0], [1], [0, 0, 1, 1], [], []>, transpose_lhs_hint = false} : vector<2000x128xf32>, vector<128x64xf32>, vector<2000x64xf32> -> vector<2000x64xf32>
    %get3A_17 = arith.constant 0 : index
    %get3A_18 = arith.constant 0 : index
    %get3A_19 = vector.load %arg5[%get3A_17, %get3A_18] : memref<1x64xf32, #tpu.memory_space<vmem>>, vector<1x64xf32>
    %add3A_20 = vector.broadcast %get3A_19 : vector<1x64xf32> to vector<2000x64xf32>
    %add3A_21 = arith.addf %dot_general3A_16, %add3A_20 : vector<2000x64xf32>
    %swap3A_22 = arith.constant 0 : index
    %swap3A_23 = arith.constant 0 : index
    %swap3A_24 = vector.load %arg7[%swap3A_22, %swap3A_23] : memref<2000x64xf32, #tpu.memory_space<vmem>>, vector<2000x64xf32>
    tpu.vector_store %arg7[%swap3A_22, %swap3A_23], %add3A_21 {strides = array<i32>} : memref<2000x64xf32, #tpu.memory_space<vmem>>, vector<2000x64xf32>,
    return
  }
  func.func @transform_0(%arg0: i32) -> (i32, i32) {
    %c0_i32 = arith.constant 0 : i32
    %c0_i32_0 = arith.constant 0 : i32
    return %arg0, %c0_i32 : i32, i32
  }
  func.func @transform_1(%arg0: i32) -> (i32, i32) {
    %c0_i32 = arith.constant 0 : i32
    %c0_i32_0 = arith.constant 0 : i32
    %c0_i32_1 = arith.constant 0 : i32
    return %c0_i32, %c0_i32_0 : i32, i32
  }
  func.func @transform_2(%arg0: i32) -> (i32, i32) {
    %c0_i32 = arith.constant 0 : i32
    %c0_i32_0 = arith.constant 0 : i32
    %c0_i32_1 = arith.constant 0 : i32
    return %c0_i32, %c0_i32_0 : i32, i32
  }
  func.func @transform_3(%arg0: i32) -> (i32, i32) {
    %c0_i32 = arith.constant 0 : i32
    %c0_i32_0 = arith.constant 0 : i32
    %c0_i32_1 = arith.constant 0 : i32
    return %c0_i32, %c0_i32_0 : i32, i32
  }
  func.func @transform_4(%arg0: i32) -> (i32, i32) {
    %c0_i32 = arith.constant 0 : i32
    %c0_i32_0 = arith.constant 0 : i32
    %c0_i32_1 = arith.constant 0 : i32
    return %c0_i32, %c0_i32_0 : i32, i32
  }
  func.func @transform_5(%arg0: i32) -> (i32, i32) {
    %c0_i32 = arith.constant 0 : i32
    %c0_i32_0 = arith.constant 0 : i32
    return %arg0, %c0_i32 : i32, i32
  }
  func.func @transform_6(%arg0: i32) -> (i32, i32) {
    %c0_i32 = arith.constant 0 : i32
    %c0_i32_0 = arith.constant 0 : i32
    return %arg0, %c0_i32 : i32, i32
  }
}

module attributes {stable_mosaic.version = 14 : i64} {
  func.func @sage_tc2(%arg0: i32, %arg1: memref<2000x128xf32, #tpu.memory_space<vmem>>, %arg2: memref<2000x64xf32, #tpu.memory_space<vmem>>, %arg3: memref<2x2000x128xf32, #tpu.memory_space<vmem>>, %arg4: memref<2000x2xf32, #tpu.memory_space<vmem>>, %arg5: memref<128x128xf32, #tpu.memory_space<vmem>>, %arg6: memref<256x64xf32, #tpu.memory_space<vmem>>, %arg7: memref<2000x64xf32, #tpu.memory_space<vmem>>) attributes {dimension_semantics = [#tpu.dimension_semantics<arbitrary>], iteration_bounds = array<i64: 5>, scalar_prefetch = 0 : i64, scratch_operands = 0 : i64, tpu.core_type = #tpu.core_type<tc>, window_params = [{transform_indices = @transform_0, window_bounds = array<i64: 2000, 128>}, {transform_indices = @transform_1, window_bounds = array<i64: 2000, 64>}, {transform_indices = @transform_2, window_bounds = array<i64: 2, 2000, 128>}, {transform_indices = @transform_3, window_bounds = array<i64: 2000, 2>}, {pipeline_mode = #tpu.pipeline_mode<synchronous>, transform_indices = @transform_4, window_bounds = array<i64: 128, 128>}, {pipeline_mode = #tpu.pipeline_mode<synchronous>, transform_indices = @transform_5, window_bounds = array<i64: 256, 64>}, {transform_indices = @transform_6, window_bounds = array<i64: 2000, 64>}]} {
    %get3A = arith.constant 0 : index
    %get3A_0 = arith.constant 0 : index
    %get3A_1 = vector.load %arg4[%get3A, %get3A_0] : memref<2000x2xf32, #tpu.memory_space<vmem>>, vector<2000x2xf32>
    %reduce_sum3A = arith.constant dense<0.000000e+00> : vector<2000xf32>
    %reduce_sum3A_2 = vector.multi_reduction <add>, %get3A_1, %reduce_sum3A [1] : vector<2000x2xf32> to vector<2000xf32>
    %broadcast_in_dim3A = vector.shape_cast %reduce_sum3A_2 : vector<2000xf32> to vector<2000x1xf32>
    %max3A = arith.constant 1.000000e+00 : f32
    %max3A_3 = vector.broadcast %max3A : f32 to vector<2000x1xf32>
    %max3A_4 = arith.maximumf %broadcast_in_dim3A, %max3A_3 : vector<2000x1xf32>
    %div3A = arith.constant 1.000000e+00 : f32
    %div3A_5 = vector.broadcast %div3A : f32 to vector<2000x1xf32>
    %div3A_6 = arith.divf %div3A_5, %max3A_4 : vector<2000x1xf32>
    %get3A_7 = arith.constant 0 : index
    %get3A_8 = arith.constant 0 : index
    %get3A_9 = arith.constant 0 : index
    %get3A_10 = vector.load %arg3[%get3A_7, %get3A_8, %get3A_9] : memref<2x2000x128xf32, #tpu.memory_space<vmem>>, vector<1x2000x128xf32>
    %get3A_11 = vector.shape_cast %get3A_10 : vector<1x2000x128xf32> to vector<2000x128xf32>
    %get3A_12 = arith.constant 1 : index
    %get3A_13 = arith.constant 0 : index
    %get3A_14 = arith.constant 0 : index
    %get3A_15 = vector.load %arg3[%get3A_12, %get3A_13, %get3A_14] : memref<2x2000x128xf32, #tpu.memory_space<vmem>>, vector<1x2000x128xf32>
    %get3A_16 = vector.shape_cast %get3A_15 : vector<1x2000x128xf32> to vector<2000x128xf32>
    %add3A = arith.addf %get3A_11, %get3A_16 : vector<2000x128xf32>
    %mul3A = vector.broadcast %div3A_6 : vector<2000x1xf32> to vector<2000x128xf32>
    %mul3A_17 = arith.mulf %add3A, %mul3A : vector<2000x128xf32>
    %get3A_18 = arith.constant 0 : index
    %get3A_19 = arith.constant 0 : index
    %get3A_20 = vector.load %arg1[%get3A_18, %get3A_19] : memref<2000x128xf32, #tpu.memory_space<vmem>>, vector<2000x128xf32>
    %get3A_21 = arith.constant 0 : index
    %get3A_22 = arith.constant 0 : index
    %get3A_23 = vector.load %arg5[%get3A_21, %get3A_22] : memref<128x128xf32, #tpu.memory_space<vmem>>, vector<128x128xf32>
    %dot_general3A = arith.constant dense<0.000000e+00> : vector<2000x128xf32>
    %dot_general3A_24 = tpu.matmul %mul3A_17, %get3A_23, %dot_general3A {dimension_numbers = #tpu.dot_dimension_numbers<[1], [0], [0], [1], [0, 0, 1, 1], [], []>, transpose_lhs_hint = false} : vector<2000x128xf32>, vector<128x128xf32>, vector<2000x128xf32> -> vector<2000x128xf32>
    %add3A_25 = arith.addf %get3A_20, %dot_general3A_24 : vector<2000x128xf32>
    %max3A_26 = arith.constant 0.000000e+00 : f32
    %max3A_27 = vector.broadcast %max3A_26 : f32 to vector<2000x128xf32>
    %max3A_28 = arith.maximumf %add3A_25, %max3A_27 : vector<2000x128xf32>
    %get3A_29 = arith.constant 0 : index
    %get3A_30 = arith.constant 0 : index
    %get3A_31 = vector.load %arg2[%get3A_29, %get3A_30] : memref<2000x64xf32, #tpu.memory_space<vmem>>, vector<2000x64xf32>
    %get3A_32 = arith.constant 0 : index
    %get3A_33 = arith.constant 0 : index
    %get3A_34 = vector.load %arg6[%get3A_32, %get3A_33] : memref<256x64xf32, #tpu.memory_space<vmem>>, vector<256x64xf32>
    %slice3A = vector.extract_strided_slice %get3A_34 {offsets = [128, 0], sizes = [128, 64], strides = [1, 1]} : vector<256x64xf32> to vector<128x64xf32>
    %dot_general3A_35 = arith.constant dense<0.000000e+00> : vector<2000x64xf32>
    %dot_general3A_36 = tpu.matmul %max3A_28, %slice3A, %dot_general3A_35 {dimension_numbers = #tpu.dot_dimension_numbers<[1], [0], [0], [1], [0, 0, 1, 1], [], []>, transpose_lhs_hint = false} : vector<2000x128xf32>, vector<128x64xf32>, vector<2000x64xf32> -> vector<2000x64xf32>
    %add3A_37 = arith.addf %get3A_31, %dot_general3A_36 : vector<2000x64xf32>
    %swap3A = arith.constant 0 : index
    %swap3A_38 = arith.constant 0 : index
    %swap3A_39 = vector.load %arg7[%swap3A, %swap3A_38] : memref<2000x64xf32, #tpu.memory_space<vmem>>, vector<2000x64xf32>
    tpu.vector_store %arg7[%swap3A, %swap3A_38], %add3A_37 {strides = array<i32>} : memref<2000x64xf32, #tpu.memory_space<vmem>>, vector<2000x64xf32>,
    return
  }
  func.func @transform_0(%arg0: i32) -> (i32, i32) {
    %c0_i32 = arith.constant 0 : i32
    %c0_i32_0 = arith.constant 0 : i32
    return %arg0, %c0_i32 : i32, i32
  }
  func.func @transform_1(%arg0: i32) -> (i32, i32) {
    %c0_i32 = arith.constant 0 : i32
    %c0_i32_0 = arith.constant 0 : i32
    return %arg0, %c0_i32 : i32, i32
  }
  func.func @transform_2(%arg0: i32) -> (i32, i32, i32) {
    %c0_i32 = arith.constant 0 : i32
    %c0_i32_0 = arith.constant 0 : i32
    %c0_i32_1 = arith.constant 0 : i32
    return %c0_i32, %arg0, %c0_i32_0 : i32, i32, i32
  }
  func.func @transform_3(%arg0: i32) -> (i32, i32) {
    %c0_i32 = arith.constant 0 : i32
    %c0_i32_0 = arith.constant 0 : i32
    return %arg0, %c0_i32 : i32, i32
  }
  func.func @transform_4(%arg0: i32) -> (i32, i32) {
    %c0_i32 = arith.constant 0 : i32
    %c0_i32_0 = arith.constant 0 : i32
    %c0_i32_1 = arith.constant 0 : i32
    return %c0_i32, %c0_i32_0 : i32, i32
  }
  func.func @transform_5(%arg0: i32) -> (i32, i32) {
    %c0_i32 = arith.constant 0 : i32
    %c0_i32_0 = arith.constant 0 : i32
    %c0_i32_1 = arith.constant 0 : i32
    return %c0_i32, %c0_i32_0 : i32, i32
  }
  func.func @transform_6(%arg0: i32) -> (i32, i32) {
    %c0_i32 = arith.constant 0 : i32
    %c0_i32_0 = arith.constant 0 : i32
    return %arg0, %c0_i32 : i32, i32
  }
}

</mosaic_0001>

<sc_bundles>
// kernel: sage_agg.3.cloned.1.call-start
scs
__scs_entry_jumppad:
0x0: {  	(pc) =	sbr.rel $0x88, $3  }
0x1: {  	(tag) =	ssettag $0x0;
	lr =	simm.s32 $0x1  }
0x2: {  	[smem:$0x3F97] =	sst lr;
	_ =	strace $0xD0000000  }
0x3: {  	_ = 	snop  }
0x4: {  	_ = 	snop  }
0x5: {  	_ = 	snop  }
0x6: {  	_ = 	snop  }
0x7: {  	_ = 	snop  }
__scs_overlays_trampoline_lowered:
0x8: {  	[smem:$0x3FA6] =	sst s0  }
0x9: {  	[smem:$0x3FA7] =	sst s1  }
0xa: {  	[smem:$0x3FA8] =	sst s2  }
0xb: {  	[smem:$0x3FA9] =	sst s3  }
0xc: {  	[smem:$0x3FAA] =	sst s4  }
0xd: {  	[smem:$0x3FAB] =	sst s5  }
0xe: {  	[smem:$0x3FAC] =	sst s6  }
0xf: {  	[smem:$0x3FAD] =	sst s7  }
0x10: {  	[smem:$0x3FAE] =	sst s8  }
0x11: {  	[smem:$0x3FAF] =	sst s9;
	s0 =	simm.s32 @!p0 $0x0  }
0x12: {  	s1 =	sld [smem:$0x3F95];
	s0 =	simm.s32 @p0 $0x1  }
0x13: {  	[smem:$0x3FB0] =	sst s0;
	s0 =	simm.s32 @!p1 $0x0  }
0x14: {  	s2 =	sld [smem:$0x3F94];
	s0 =	simm.s32 @p1 $0x1  }
0x15: {  	[smem:$0x3FB1] =	sst s0;
	s0 =	simm.s32 @!p2 $0x0  }
0x16: {  	s3 =	sld [smem:$0x3FDB];
	s0 =	simm.s32 @p2 $0x1  }
0x17: {  	s4 =	simm.s32 $0x1BF5;
	[smem:$0x3FB3] =	sst s0  }
0x18: {  	s0 =	sld [smem:$0x3F96];
	_ =	swait.ge [sflag:s4], $0x0  }
0x19: {  	s7 =	sld [smem:$0x3F97]  }
0x1a: {  	s8 =	sadd.s32 $0xFFFFE003, lr  }
0x1b: {  	s9 =	sadd.s32 $0xFFFFFEF7, lr;
	s5 =	simm.s32 $0xFFFFFFFF;
	p2 =	slt.u32 s8, $0xFFFFF086  }
0x1c: {  	p1 =	slt.u32 s9, $0xF7A;
	s5 =	simm.s32 @!p2 $0x0  }
0x1d: {  	s5 =	simm.s32 @p1 $0x1;
	p0 =	seq.s32 s7, s2  }
0x1e: {  	s7 =	smul.u32 @!p0 $0xF7A, s2;
	p2 =	seq.s32 @!p0 s5, $0x0  }
0x1f: {  	s9 =	smul.u32 $0xF7A, s1;
	s8 =	simm.s32 @!p0 $0x1BF5;
	p2 =	por !p2, p0  }
0x20: {  	[sflag:s8] =	ssyncset.s32 @!p0 $0xFFFFF086;
	s6 =	sadd.s32 @!p0 s3, s7;
	s7 =	simm.s32 @!p0 $0x108  }
0x21: {  	s3 =	sadd.s32 s3, s9;
	s6 =	sadd.s32 @!p0 $0x88, s6;
	s7 =	simm.s32 @p2 $0x1082  }
0x22: {  	[simem:s7], [sflag:s8] =	dma.local @!p0 [hbm:s6], $0xF7A  }
0x23: {  	s9 =	sor.u32 $0xD0000000, s2;
	s6 =	simm.s32 $0x108;
	_ =	swait.ge @!p0 [sflag:s8], $0x0  }
0x24: {  	s3 =	sadd.s32 $0x88, s3;
	s6 =	simm.s32 @!p1 $0x1082;
	[sflag:s4] =	ssyncset.s32 $0xFFFFF086  }
0x25: {  	[simem:s6], [sflag:s4] =	dma.local [hbm:s3], $0xF7A  }
0x26: {  	[smem:$0x3F97] =	sst s1;
	(tag) =	ssettag s2;
	_ =	strace s9  }
0x27: {  	s1 =	sld [smem:$0x3FA7]  }
0x28: {  	s2 =	sld [smem:$0x3FA8]  }
0x29: {  	s4 =	sld [smem:$0x3FAA]  }
0x2a: {  	p0 =	seq.s32 s5, $0x0;
	s5 =	sld [smem:$0x3FAB]  }
0x2b: {  	s6 =	sld [smem:$0x3FAC]  }
0x2c: {  	s7 =	sld [smem:$0x3FAD]  }
0x2d: {  	s3 =	simm.s32 $0x108;
	s8 =	sld [smem:$0x3FAE]  }
0x2e: {  	s3 =	simm.s32 @!p0 $0x1082;
	s9 =	sld [smem:$0x3FAF]  }
0x2f: {  	lr =	sadd.s32 s0, s3;
	s0 =	sld [smem:$0x3FA6]  }
0x30: {  	s3 =	sld [smem:$0x3FA9]  }
0x31: {  	[smem:$0x3FB2] =	sst s10  }
0x32: {  	s10 =	sld [smem:$0x3FB0];
	_ =	sdelay $0x3  }
0x33: {  	p0 =	seq.s32 s10, $0x1;
	s10 =	sld [smem:$0x3FB2];
	_ =	sdelay $0x3  }
0x34: {  	[smem:$0x3FB2] =	sst s10  }
0x35: {  	s10 =	sld [smem:$0x3FB1];
	_ =	sdelay $0x3  }
0x36: {  	p1 =	seq.s32 s10, $0x1;
	s10 =	sld [smem:$0x3FB2];
	_ =	sdelay $0x3  }
0x37: {  	[smem:$0x3FB2] =	sst s10  }
0x38: {  	s10 =	sld [smem:$0x3FB3]  }
0x39: {  	_ = 	snop;
	(pc) =	sbr.ind lr, $3  }
0x3a: {  	_ = 	snop  }
0x3b: {  	_ = 	snop  }
0x3c: {  	p2 =	seq.s32 s10, $0x1;
	s10 =	sld [smem:$0x3FB2]  }
0x3d: {  	_ =	shalt  }
0x3e: {  	_ =	shalt  }
0x3f: {  	_ =	shalt  }
0x40: {  	_ =	shalt  }
0x41: {  	_ =	shalt  }
0x42: {  	_ =	shalt  }
0x43: {  	_ =	shalt  }
0x44: {  	_ =	shalt  }
0x45: {  	_ =	shalt  }
0x46: {  	_ =	shalt  }
0x47: {  	_ =	shalt  }
0x48: {  	_ =	shalt  }
0x49: {  	_ =	shalt  }
0x4a: {  	_ =	shalt  }
0x4b: {  	_ =	shalt  }
0x4c: {  	_ =	shalt  }
0x4d: {  	_ =	shalt  }
0x4e: {  	_ =	shalt  }
0x4f: {  	_ =	shalt  }
0x50: {  	_ =	shalt  }
0x51: {  	_ =	shalt  }
0x52: {  	_ =	shalt  }
0x53: {  	_ =	shalt  }
0x54: {  	_ =	shalt  }
0x55: {  	_ =	shalt  }
0x56: {  	_ =	shalt  }
0x57: {  	_ =	shalt  }
0x58: {  	_ =	shalt  }
0x59: {  	_ =	shalt  }
0x5a: {  	_ =	shalt  }
0x5b: {  	_ =	shalt  }
0x5c: {  	_ =	shalt  }
0x5d: {  	_ =	shalt  }
0x5e: {  	_ =	shalt  }
0x5f: {  	_ =	shalt  }
0x60: {  	_ =	shalt  }
0x61: {  	_ =	shalt  }
0x62: {  	_ =	shalt  }
0x63: {  	_ =	shalt  }
0x64: {  	_ =	shalt  }
0x65: {  	_ =	shalt  }
0x66: {  	_ =	shalt  }
0x67: {  	_ =	shalt  }
0x68: {  	_ =	shalt  }
0x69: {  	_ =	shalt  }
0x6a: {  	_ =	shalt  }
0x6b: {  	_ =	shalt  }
0x6c: {  	_ =	shalt  }
0x6d: {  	_ =	shalt  }
0x6e: {  	_ =	shalt  }
0x6f: {  	_ =	shalt  }
0x70: {  	_ =	shalt  }
0x71: {  	_ =	shalt  }
0x72: {  	_ =	shalt  }
0x73: {  	_ =	shalt  }
0x74: {  	_ =	shalt  }
0x75: {  	_ =	shalt  }
0x76: {  	_ =	shalt  }
0x77: {  	_ =	shalt  }
0x78: {  	_ =	shalt  }
0x79: {  	_ =	shalt  }
0x7a: {  	_ =	shalt  }
0x7b: {  	_ =	shalt  }
0x7c: {  	_ =	shalt  }
0x7d: {  	_ =	shalt  }
0x7e: {  	_ =	shalt  }
0x7f: {  	_ =	shalt  }
0x80: {  	_ =	shalt  }
0x81: {  	_ =	shalt  }
0x82: {  	_ =	shalt  }
0x83: {  	_ =	shalt  }
0x84: {  	_ =	shalt  }
0x85: {  	_ =	shalt  }
0x86: {  	_ =	shalt  }
0x87: {  	_ =	shalt  }
.Lfunc_end0:
.L_simem_size_0:
called_computation.1_lowered:
.L_overlay_start_0:
0x88: {  	s2 =	sld [smem:$0x3FD9]  }
0x89: {  	s3 =	sld [smem:$0x3FFE];
	_ =	sdelay $0x1  }
0x8a: {  	s1 =	srdreg.scid  }
0x8b: {  	s0 =	sand.u32 $0x1, s1  }
0x8c: {  	s17 =	sshll.u32 s0, $0xA;
	s2 =	sadd.s32 s3, s2  }
0x8d: {  	s2 =	sadd.s32 s2, s17  }
0x8e: {  	[smem:$0x3FBE] =	sst s2  }
0x8f: {  	_ = 	snop  }
0x90: {  	s2 =	sld [smem:$0x3FD0];
	(tm) =	ssettm $0x1  }
0x91: {  	s18 =	sld [smem:$0x3FFB];
	_ =	sdelay $0x3  }
0x92: {  	_ =	strace s18  }
0x93: {  	s3 =	sld [smem:$0x3FFC];
	_ =	sdelay $0x3  }
0x94: {  	_ =	strace s3  }
0x95: {  	s3 =	sld [smem:$0x3FFD];
	_ =	sdelay $0x3  }
0x96: {  	_ =	strace s3  }
0x97: {  	_ =	strace $0x8FFFFFFF  }
0x98: {  	s19 =	sld [smem:$0x3FDB];
	_ =	sdelay $0x1  }
0x99: {  	s4 =	simm.s32 $_scs_section_size  }
0x9a: {  	s5 =	simm.s32 $_size__tile_overlayer_lowered;
	s6 =	simm.s32 $_tile_overlayer_lowered  }
0x9b: {  	s22 =	simm.s32 $0x1BFF;
	s21 =	sshll.u32 s6, $0x1;
	s3 =	sadd.s32 s4, s19  }
0x9c: {  	s7 =	simm.s32 $0x0;
	s20 =	sshll.u32 s5, $0x1;
	s5 =	sadd.s32 s21, s3  }
0x9d: {  	[timem:s7], [sflag:s22] =	dma.local [hbm:s5], s20  }
0x9e: {  	_ =	swait.ge [sflag:s22], s20  }
0x9f: {  	s4 =	ssub.s32 $0x0, s20;
	[sflag:s22] =	ssyncset.done $0x0  }
0xa0: {  	[sflag:s22] =	ssyncadd.s32 s4;
	_ =	sdelay $0x1  }
0xa1: {  	s23 =	simm.s32 $0x1B8B  }
0xa2: {  	_ =	swait.ge [sflag:s23], $0x1  }
0xa3: {  	[sflag:s23] =	ssyncset.done $0x0  }
0xa4: {  	s25 =	simm.s32 $0x1B8E;
	s24 =	sld [smem:$0x3FFE];
	[sflag:s23] =	ssyncadd.s32 $0xFFFFFFFF  }
0xa5: {  	s26 =	simm.s32 $execute0_lowered;
	[smem:$0x3FD2] =	sst s25  }
0xa6: {  	s5 =	sshll.u32 s26, $0x1;
	_ =	strace $0x80000049;
	[dreg:$0x1] =	wrdreg $0xFFFFFFFF  }
0xa7: {  	s28 =	simm.s32 $_size_execute0_lowered;
	s3 =	sadd.s32 s3, s5;
	[dreg:$0x0] =	wrdreg $0x0  }
0xa8: {  	s5 =	sshll.u32 s28, $0x1;
	[dreg:$0x2] =	wrdreg s3  }
0xa9: {  	[dreg:$0x3] =	wrdreg s5  }
0xaa: {  	[dreg:$0x4] =	wrdreg $0xC0  }
0xab: {  	_ =	task [dreg:s7], $0x5FFFF  }
0xac: {  	[dreg:$0x1] =	wrdreg $0xFFFFFFFF  }
0xad: {  	[dreg:$0x0] =	wrdreg $0x60  }
0xae: {  	[dreg:$0x2] =	wrdreg s24  }
0xaf: {  	[dreg:$0x3] =	wrdreg s2  }
0xb0: {  	[dreg:$0x4] =	wrdreg $0x0  }
0xb1: {  	[dreg:$0x5] =	wrdreg $0x9  }
0xb2: {  	_ =	task.clear_ibuf [dreg:s7], $0x6FFFF;
	_ =	strace $0x90000049  }
0xb3: {  	s29 =	simm.s32 $0x9;
	_ =	strace $0x8000004B  }
0xb4: {  	_ =	swait.ge [sflag:s29], $0x1  }
0xb5: {  	[sflag:s29] =	ssyncadd.s32 $0xFFFFFFFF  }
0xb6: {  	_ =	strace $0x9000004B  }
0xb7: {  	_ =	sfence  }
0xb8: {  	s30 =	sld [smem:$0x0];
	_ =	sdelay $0x2  }
0xb9: {  	s31 =	sshll.u32 s1, $0xD;
	s1 =	sshrl.u32 s1, $0x2  }
0xba: {  	s3 =	sand.u32 $0x4000, s31;
	s1 =	sadd.s32 s1, s30  }
0xbb: {  	s0 =	sor.u32 s3, s0;
	s1 =	sshll.u32 s1, $0x11  }
0xbc: {  	s0 =	sor.u32 s1, s0  }
0xbd: {  	s0 =	sadd.s32 $0x8F2B, s0  }
0xbe: {  	[sflag:s0] =	ssyncadd.remote.s32 $0x1  }
0xbf: {  	_ =	sfence.sel $0xFFFF  }
0xc0: {  	[dreg:$0x0] =	wrdreg $0xFFFFFFFF;
	(pc) =	sbr.abs _section_cstart, $3  }
0xc1: {  	[dreg:$0x1] =	wrdreg $0xFFFFFFFF  }
0xc2: {  	_ =	task.clear_ibuf [dreg:s7], $0x2FFFF;
	_ =	strace $0x9FFFFFFF  }
0xc3: {  	(tm) =	ssettm $0x7FFFFFFF  }
tec
execute0_lowered:
.L_overlay_start_1:
0x0: {  	(tag) =	ssettag $0x1  }
0x1: {  	s0 =	srdreg.scid;
	s16 =	stileid.u32  }
0x2: {  	s4 =	sand.u32 $0x1, s0;
	s9 =	smul.u32 $0x1400, s16  }
0x3: {  	s15 =	sor.u32 $0x10, s16;
	s17 =	smul.u32 $0x138800, s4  }
0x4: {  	s2 =	sor.u32 $0x20, s16;
	s8 =	sor.u32 $0x30, s16;
	s10 =	smul.u32 $0x1400, s15  }
0x5: {  	s6 =	sor.u32 $0x40, s16;
	s7 =	sor.u32 $0x50, s16;
	s11 =	smul.u32 $0x1400, s2  }
0x6: {  	s3 =	sor.u32 $0x60, s16;
	s29 =	sor.u32 $0x70, s16;
	s12 =	smul.u32 $0x1400, s8  }
0x7: {  	s30 =	sor.u32 $0x80, s16;
	s31 =	sor.u32 $0x90, s16;
	s13 =	smul.u32 $0x1400, s6  }
0x8: {  	s5 =	sor.u32 $0xA0, s16;
	p0 =	sgt.u32 s16, $0xD;
	s14 =	smul.u32 $0x1400, s7  }
0x9: {  	p1 =	sgt.u32 s16, $0x9;
	s0 =	ssub.s32 $0x2, s4;
	s19 =	smul.u32 $0x1400, s3  }
0xa: {  	[smem:$0x7DF] =	sst s2;
	s28 =	sshll.u32 s4, $0x4;
	s22 =	smul.u32 $0x1400, s29  }
0xb: {  	[smem:$0x7E0] =	sst s3;
	s25 =	smul.u32 $0x1400, s30;
	s1 =	sshrl.u32 s0, $0x1  }
0xc: {  	s18 =	sor.u32 s16, s28;
	s28 =	smul.u32 $0x1400, s31;
	s0 =	ssub.s32 s0, s1  }
0xd: {  	s20 =	sadd.s32 s9, s17;
	s21 =	sadd.s32 s17, s10;
	s10 =	smov.u32 s29  }
0xe: {  	s23 =	sadd.s32 s17, s11;
	s24 =	sadd.s32 s17, s12;
	s9 =	smov.u32 s30  }
0xf: {  	s26 =	sadd.s32 s17, s13;
	s11 =	smov.u32 s31;
	s30 =	smul.u32 $0x1400, s5  }
0x10: {  	s29 =	sadd.s32 s17, s14;
	s12 =	sor.u32 $0xB0, s16;
	s18 =	smul.u32 $0x2710, s18  }
0x11: {  	s13 =	sor.u32 $0xC0, s16;
	[smem:$0x7E7] =	sst s0;
	s31 =	smul.u32 $0x1400, s12  }
0x12: {  	[smem:$0x7E5] =	sst s12;
	s14 =	smul.u32 $0x1400, s13;
	s12 =	sor.u32 $0xD0, s16  }
0x13: {  	[smem:$0x7E6] =	sst s13;
	s13 =	sor.u32 $0xE0, s16;
	s1 =	smul.u32 $0x1400, s12  }
0x14: {  	s3 =	sadd.s32 s17, s28;
	s28 =	sor.u32 $0xF0, s16;
	s0 =	smul.u32 $0x1400, s13  }
0x15: {  	[smem:$0x7E4] =	sst s5;
	s19 =	sadd.s32 s17, s19;
	s5 =	smul.u32 $0x1400, s28  }
0x16: {  	s22 =	sadd.s32 s17, s22;
	s25 =	sadd.s32 s17, s25;
	s12 =	smul.u32 $0x5000, s12  }
0x17: {  	s30 =	sadd.s32 s17, s30;
	s3 =	sshrl.u32 s3, $0x3;
	s13 =	smul.u32 $0x5000, s13  }
0x18: {  	s31 =	sadd.s32 s17, s31;
	s2 =	sadd.s32 s17, s14;
	s14 =	sadd.s32 s17, s1  }
0x19: {  	s1 =	sadd.s32 s17, s0;
	s5 =	sadd.s32 s17, s5;
	s0 =	rddreg [dreg:$0x0]  }
0x1a: {  	s17 =	sshrl.u32 s20, $0x3;
	s20 =	sshrl.u32 s21, $0x3;
	s21 =	sadd.s32 $0x29C00, s0  }
0x1b: {  	s2 =	sshrl.u32 s2, $0x3;
	s12 =	sshrl.u32 s12, $0x2;
	s17 =	sadd.s32 s21, s17  }
0x1c: {  	s13 =	sshrl.u32 s13, $0x2;
	s20 =	sadd.s32 s21, s20;
	[dreg:$0x4] =	wrdreg s17  }
0x1d: {  	s0 =	sshrl.u32 s23, $0x3;
	s3 =	sadd.s32 s21, s3;
	[dreg:$0x5] =	wrdreg s20  }
0x1e: {  	s1 =	sshrl.u32 s1, $0x3;
	s2 =	sadd.s32 s21, s2;
	[dreg:$0xd] =	wrdreg s3  }
0x1f: {  	s23 =	sshrl.u32 s26, $0x3;
	s1 =	sadd.s32 s21, s1;
	[dreg:$0x10] =	wrdreg s2  }
0x20: {  	s17 =	sadd.s32 s21, s0;
	s0 =	sshrl.u32 s22, $0x3;
	[dreg:$0x12] =	wrdreg s1  }
0x21: {  	s22 =	sshrl.u32 s30, $0x3;
	s30 =	sshrl.u32 s5, $0x3;
	s5 =	rddreg [dreg:$0x1]  }
0x22: {  	s20 =	sshrl.u32 s24, $0x3;
	s24 =	sadd.s32 s21, s23;
	[dreg:$0x6] =	wrdreg s17  }
0x23: {  	s26 =	sshrl.u32 s29, $0x3;
	s17 =	sadd.s32 s21, s20;
	[dreg:$0x8] =	wrdreg s24  }
0x24: {  	s29 =	sshrl.u32 s19, $0x3;
	s19 =	sadd.s32 s21, s0;
	[dreg:$0x7] =	wrdreg s17  }
0x25: {  	s20 =	sshrl.u32 s25, $0x3;
	s23 =	sadd.s32 s21, s22;
	[dreg:$0xb] =	wrdreg s19  }
0x26: {  	s24 =	sshrl.u32 s31, $0x3;
	s0 =	sadd.s32 s21, s30;
	[dreg:$0xe] =	wrdreg s23  }
0x27: {  	s25 =	sshrl.u32 s14, $0x3;
	s17 =	sadd.s32 s21, s26;
	[dreg:$0x13] =	wrdreg s0  }
0x28: {  	s31 =	smul.u32 $0x2710, s16;
	s3 =	sadd.s32 s21, s24;
	[dreg:$0x9] =	wrdreg s17  }
0x29: {  	s26 =	sadd.s32 s21, s25;
	s24 =	sshll.u32 s16, $0xD;
	[dreg:$0xf] =	wrdreg s3  }
0x2a: {  	s17 =	sadd.s32 s21, s29;
	[dreg:$0x11] =	wrdreg s26;
	s29 =	smul.u32 $0x27100, s4  }
0x2b: {  	s4 =	sshrl.u32 s18, $0x3;
	s26 =	sshll.u32 s15, $0xD;
	[dreg:$0xa] =	wrdreg s17  }
0x2c: {  	s17 =	sadd.s32 s21, s20;
	s18 =	sadd.s32 s5, s4;
	s2 =	sadd.s32 s31, s29  }
0x2d: {  	s4 =	sshll.u32 s11, $0xD;
	[dreg:$0xc] =	wrdreg s17;
	s3 =	sadd.s32 $0x4E340, s2  }
0x2e: {  	s17 =	simm.s32 $0x0;
	s19 =	sadd.s32 $0x4E300, s2;
	s20 =	sshrl.u32 s3, $0x3  }
0x2f: {  	[smem:$0x7FF] =	sst s17;
	s21 =	sshrl.u32 s19, $0x3;
	s1 =	sadd.s32 s20, s5  }
0x30: {  	s0 =	sadd.s32 $0x4E3C0, s2;
	s22 =	sadd.s32 s21, s5;
	[dreg:$0x15] =	wrdreg s1  }
0x31: {  	s23 =	sadd.s32 $0x4E380, s2;
	s0 =	sshrl.u32 s0, $0x3;
	[dreg:$0x16] =	wrdreg s22  }
0x32: {  	s0 =	sadd.s32 s0, s5;
	s1 =	sshrl.u32 s23, $0x3;
	s22 =	rddreg [dreg:$0x2]  }
0x33: {  	s31 =	sshll.u32 s8, $0xD;
	[dreg:$0x18] =	wrdreg s0;
	s1 =	sadd.s32 s1, s5  }
0x34: {  	s2 =	sshll.u32 s6, $0xD;
	s0 =	sadd.s32 s24, s22;
	[dreg:$0x17] =	wrdreg s1  }
0x35: {  	s1 =	sadd.s32 s31, s22;
	_ =	strace $0x8000004A;
	[dreg:$0x19] =	wrdreg s0  }
0x36: {  	s3 =	sshll.u32 s7, $0xD;
	s20 =	smul.u32 $0x5000, s15;
	[dreg:$0x1c] =	wrdreg s1  }
0x37: {  	s21 =	sshll.u32 s10, $0xD;
	s15 =	smul.u32 $0x5000, s7;
	[dreg:$0x14] =	wrdreg s18  }
0x38: {  	s23 =	sshll.u32 s9, $0xD;
	s0 =	sadd.s32 s26, s22;
	s25 =	rddreg [dreg:$0x0]  }
0x39: {  	s24 =	smul.u32 $0x5000, s16;
	s12 =	sadd.s32 s12, s22;
	[dreg:$0x1a] =	wrdreg s0  }
0x3a: {  	s13 =	sadd.s32 s13, s22;
	s31 =	smul.u32 $0x5000, s8;
	s29 =	sld [smem:$0x7DF]  }
0x3b: {  	s8 =	smul.u32 $0x5000, s6;
	s1 =	sadd.s32 s21, s22;
	s14 =	sld [smem:$0x7E0]  }
0x3c: {  	s26 =	sadd.s32 s23, s22;
	s21 =	smul.u32 $0x5000, s9;
	[smem:$0x7E1] =	sst s1  }
0x3d: {  	s6 =	sshrl.u32 s15, $0x2;
	s23 =	smul.u32 $0x5000, s11;
	[smem:$0x7E2] =	sst s26  }
0x3e: {  	s26 =	sld [smem:$0x7E5];
	s30 =	sshll.u32 s29, $0xD;
	s5 =	sshll.u32 s14, $0xD  }
0x3f: {  	s0 =	sadd.s32 s30, s22;
	s30 =	sshrl.u32 s24, $0x2;
	s24 =	sld [smem:$0x7E4]  }
0x40: {  	s6 =	sadd.s32 s6, s22;
	s19 =	sadd.s32 s5, s22;
	[dreg:$0x1b] =	wrdreg s0  }
0x41: {  	s29 =	smul.u32 $0x5000, s29;
	s5 =	sadd.s32 s4, s22;
	[dreg:$0x1f] =	wrdreg s19  }
0x42: {  	s25 =	sadd.s32 $0x2A00, s25;
	s0 =	sadd.s32 s2, s22;
	[smem:$0x7E3] =	sst s5  }
0x43: {  	s2 =	sadd.s32 s30, s22;
	s1 =	sshrl.u32 s29, $0x2;
	s19 =	smul.u32 $0x5000, s14  }
0x44: {  	s5 =	sshrl.u32 s8, $0x2;
	s8 =	sshrl.u32 s21, $0x2;
	s29 =	sld [smem:$0x7E6]  }
0x45: {  	s14 =	sshrl.u32 s23, $0x2;
	s30 =	smul.u32 $0x5000, s28;
	s23 =	sshrl.u32 s12, $0x3  }
0x46: {  	s28 =	sadd.s32 $0x9C48, s18;
	s12 =	simm.s32 $0x8;
	[dreg:$0x1d] =	wrdreg s0  }
0x47: {  	s0 =	sadd.s32 s3, s22;
	s1 =	sadd.s32 s1, s22;
	s3 =	sshrl.u32 s31, $0x2  }
0x48: {  	s5 =	sadd.s32 s5, s22;
	s8 =	sadd.s32 s8, s22;
	s31 =	sld [smem:$0x7E7]  }
0x49: {  	s14 =	sadd.s32 s14, s22;
	s2 =	sshrl.u32 s2, $0x3;
	[smem:$0x7F6] =	sst s23  }
0x4a: {  	[dreg:$0x1e] =	wrdreg s0;
	s0 =	sshrl.u32 s20, $0x2;
	s20 =	smul.u32 $0x5000, s10  }
0x4b: {  	[smem:$0x7FA] =	sst s28;
	s3 =	sadd.s32 s3, s22;
	s9 =	smul.u32 $0x5000, s24  }
0x4c: {  	s4 =	sshrl.u32 s19, $0x2;
	s10 =	smul.u32 $0x5000, s26;
	s15 =	sshrl.u32 s30, $0x2  }
0x4d: {  	[smem:$0x7E9] =	sst s2;
	s1 =	sshrl.u32 s1, $0x3;
	s8 =	sshrl.u32 s8, $0x3  }
0x4e: {  	s16 =	sshrl.u32 s14, $0x3;
	s24 =	sshrl.u32 s13, $0x3;
	s26 =	sadd.s32 $0x9C40, s18  }
0x4f: {  	s30 =	sadd.s32 $0x9C58, s18;
	s14 =	simm.s32 $0x10;
	[smem:$0x7EB] =	sst s1  }
0x50: {  	s0 =	sadd.s32 s0, s22;
	s4 =	sadd.s32 s4, s22;
	[smem:$0x7F1] =	sst s8  }
0x51: {  	s11 =	smul.u32 $0x5000, s29;
	s15 =	sadd.s32 s15, s22;
	[smem:$0x7F2] =	sst s16  }
0x52: {  	s2 =	sshrl.u32 s3, $0x3;
	s3 =	sshrl.u32 s5, $0x3;
	[smem:$0x7F7] =	sst s24  }
0x53: {  	s5 =	sshrl.u32 s6, $0x3;
	[smem:$0x7F9] =	sst s26;
	s29 =	sadd.s32 $0x9C50, s18  }
0x54: {  	[smem:$0x7FC] =	sst s30;
	s1 =	simm.s32 $0x16580;
	s8 =	simm.s32 $0x5  }
0x55: {  	s16 =	simm.s32 $0x0;
	s7 =	sshrl.u32 s20, $0x2;
	[smem:$0x7EC] =	sst s2  }
0x56: {  	s9 =	sshrl.u32 s9, $0x2;
	s10 =	sshrl.u32 s10, $0x2;
	[smem:$0x7ED] =	sst s3  }
0x57: {  	s19 =	smax.u32 s31, $0x1;
	s0 =	sshrl.u32 s0, $0x3;
	[smem:$0x7EE] =	sst s5  }
0x58: {  	s6 =	sshrl.u32 s4, $0x3;
	[smem:$0x7FB] =	sst s29;
	s31 =	sadd.s32 $0xA120, s18  }
0x59: {  	s2 =	simm.s32 $0x16380;
	s3 =	simm.s32 $0x40;
	s18 =	simm.s32 $0x16480  }
0x5a: {  	s4 =	simm.s32 $0x1A580;
	s5 =	simm.s32 $0x16500;
	[smem:$0x7E8] =	sst s19  }
0x5b: {  	s7 =	sadd.s32 s7, s22;
	s9 =	sadd.s32 s9, s22;
	[smem:$0x7EA] =	sst s0  }
0x5c: {  	s11 =	sshrl.u32 s11, $0x2;
	s10 =	sadd.s32 s10, s22;
	[smem:$0x7EF] =	sst s6  }
0x5d: {  	s0 =	sshrl.u32 @!p1 s15, $0x3;
	[smem:$0x7FD] =	sst s31;
	s6 =	simm.s32 $0x1C580  }
0x5e: {  	s15 =	simm.s32 $0x1E600;
	s11 =	sadd.s32 s11, s22;
	s7 =	sshrl.u32 s7, $0x3  }
.Ltmp0:
0x5f: {  	s19 =	sshrl.u32 s9, $0x3;
	[smem:$0x7F8] =	sst s0;
	(pc) =	sbr.rel .LBB2_1-.Ltmp0, $4  }
0x60: {  	s20 =	sshrl.u32 s10, $0x3;
	s0 =	simm.s32 $0x9;
	[smem:$0x7F0] =	sst s7  }
0x61: {  	s9 =	simm.s32 $0x3;
	s10 =	simm.s32 $0x7;
	[smem:$0x7F3] =	sst s19  }
0x62: {  	[smem:$0x7F4] =	sst s20;
	s21 =	sshrl.u32 s11, $0x3;
	s7 =	simm.s32 $0x1  }
0x63: {  	v0 =	vimm.f32 $0.0e+00;
	s11 =	simm.s32 $0x4;
	[smem:$0x7F5] =	sst s21;
	s21 =	simm.s32 $0x13C00  }
.LBB2_6:
0x64: {  	_ =	swait.ge [sflag:s11], $0x2000  }
0x65: {  	[sflag:s11] =	ssyncset.done $0x0  }
0x66: {  	[sflag:s11] =	ssyncadd.s32 $0xFFFFE000  }
0x67: {  	_ =	swait.ge [sflag:s12], $0x40  }
0x68: {  	[sflag:s12] =	ssyncset.done $0x0  }
0x69: {  	[sflag:s12] =	ssyncadd.s32 $0xFFFFFFC0  }
0x6a: {  	[spmem:s22] =	stream.indirect.scatter.add.f32 [tilespmem:s6], [sflag:$0x9], $0x80, s5, s3, $0xb8;
	[tilespmem:$0x1EE00] =	vst v63  }
0x6b: {  	_ =	swait.ge [sflag:s0], $0x2000  }
0x6c: {  	s13 =	sld [smem:$0x7FD]  }
0x6d: {  	[sflag:s0] =	ssyncset.done $0x0  }
0x6e: {  	s19 =	simm.s32 $0x1E580;
	[sflag:s0] =	ssyncadd.s32 $0xFFFFE000  }
0x6f: {  	[tilespmem:s19], [sflag:$0x9] =	stream.linear.gather [hbm4b:s13+s17], $0x10, $0x38;
	[tilespmem:$0x1EE00] =	vst v63  }
0x70: {  	_ =	swait.ge [sflag:s0], $0x10  }
0x71: {  	[sflag:s0] =	ssyncset.done $0x0  }
0x72: {  	s23 =	simm.s32 $0x16300;
	[sflag:s0] =	ssyncadd.s32 $0xFFFFFFF0  }
0x73: {  	[tilespmem:s15], [sflag:$0x9] =	stream.indirect.gather [hbm4b:s25+s14], $0x80, s23, s14, $0xb8;
	[tilespmem:$0x1EE00] =	vst v63  }
0x74: {  	_ =	swait.ge [sflag:s0], $0x800  }
0x75: {  	[sflag:s0] =	ssyncset.done $0x0  }
0x76: {  	[sflag:s0] =	ssyncadd.s32 $0xFFFFF800  }
0x77: {  	[spmem:s22] =	stream.indirect.scatter.add.f32 [tilespmem:s15], [sflag:$0x9], $0x80, s19, s14, $0xb8;
	[tilespmem:$0x1EE00] =	vst v63  }
0x78: {  	_ =	swait.ge [sflag:s0], $0x800  }
0x79: {  	[sflag:s0] =	ssyncset.done $0x0  }
0x7a: {  	[sflag:s0] =	ssyncadd.s32 $0xFFFFF800  }
0x7b: {  	[bflag:$0x0] =	sbarrier.arrive $0xFFFF  }
0x7c: {  	s24 =	stileid.u32;
	s20 =	sld [smem:$0x7E9]  }
0x7d: {  	s13 =	sshll.u32 s24, $0x6  }
0x7e: {  	s13 =	sor.u32 $0x1C09, s13;
	s26 =	rddreg [dreg:$0x4]  }
0x7f: {  	[hbm:s26], [sflag:s13] =	dma.local [spmem:s20], $0x280  }
0x80: {  	_ =	swait.ge [sflag:s0], $0x280  }
0x81: {  	s29 =	sld [smem:$0x7EA]  }
0x82: {  	[sflag:s0] =	ssyncset.done $0x0  }
0x83: {  	s28 =	rddreg [dreg:$0x5];
	[sflag:s0] =	ssyncadd.s32 $0xFFFFFD80  }
0x84: {  	[hbm:s28], [sflag:s13] =	dma.local [spmem:s29], $0x280  }
0x85: {  	_ =	swait.ge [sflag:s0], $0x280  }
0x86: {  	s31 =	sld [smem:$0x7EB]  }
0x87: {  	[sflag:s0] =	ssyncset.done $0x0  }
0x88: {  	s30 =	rddreg [dreg:$0x6];
	[sflag:s0] =	ssyncadd.s32 $0xFFFFFD80  }
0x89: {  	[hbm:s30], [sflag:s13] =	dma.local [spmem:s31], $0x280  }
0x8a: {  	_ =	swait.ge [sflag:s0], $0x280  }
0x8b: {  	s23 =	sld [smem:$0x7EC]  }
0x8c: {  	[sflag:s0] =	ssyncset.done $0x0  }
0x8d: {  	s21 =	rddreg [dreg:$0x7];
	[sflag:s0] =	ssyncadd.s32 $0xFFFFFD80  }
0x8e: {  	[hbm:s21], [sflag:s13] =	dma.local [spmem:s23], $0x280  }
0x8f: {  	_ =	swait.ge [sflag:s0], $0x280  }
0x90: {  	s26 =	sld [smem:$0x7ED]  }
0x91: {  	[sflag:s0] =	ssyncset.done $0x0  }
0x92: {  	s24 =	rddreg [dreg:$0x8];
	[sflag:s0] =	ssyncadd.s32 $0xFFFFFD80  }
0x93: {  	[hbm:s24], [sflag:s13] =	dma.local [spmem:s26], $0x280  }
0x94: {  	_ =	swait.ge [sflag:s0], $0x280  }
0x95: {  	s29 =	sld [smem:$0x7EE]  }
0x96: {  	[sflag:s0] =	ssyncset.done $0x0  }
0x97: {  	s28 =	rddreg [dreg:$0x9];
	[sflag:s0] =	ssyncadd.s32 $0xFFFFFD80  }
0x98: {  	[hbm:s28], [sflag:s13] =	dma.local [spmem:s29], $0x280  }
0x99: {  	_ =	swait.ge [sflag:s0], $0x280  }
0x9a: {  	s31 =	sld [smem:$0x7EF]  }
0x9b: {  	[sflag:s0] =	ssyncset.done $0x0  }
0x9c: {  	s30 =	rddreg [dreg:$0xa];
	[sflag:s0] =	ssyncadd.s32 $0xFFFFFD80  }
0x9d: {  	[hbm:s30], [sflag:s13] =	dma.local [spmem:s31], $0x280  }
0x9e: {  	_ =	swait.ge [sflag:s0], $0x280  }
0x9f: {  	s23 =	sld [smem:$0x7F0]  }
0xa0: {  	[sflag:s0] =	ssyncset.done $0x0  }
0xa1: {  	s21 =	rddreg [dreg:$0xb];
	[sflag:s0] =	ssyncadd.s32 $0xFFFFFD80  }
0xa2: {  	[hbm:s21], [sflag:s13] =	dma.local [spmem:s23], $0x280  }
0xa3: {  	_ =	swait.ge [sflag:s0], $0x280  }
0xa4: {  	s26 =	sld [smem:$0x7F1]  }
0xa5: {  	[sflag:s0] =	ssyncset.done $0x0  }
0xa6: {  	s24 =	rddreg [dreg:$0xc];
	[sflag:s0] =	ssyncadd.s32 $0xFFFFFD80  }
0xa7: {  	[hbm:s24], [sflag:s13] =	dma.local [spmem:s26], $0x280  }
0xa8: {  	_ =	swait.ge [sflag:s0], $0x280  }
0xa9: {  	s29 =	sld [smem:$0x7F2]  }
0xaa: {  	[sflag:s0] =	ssyncset.done $0x0  }
0xab: {  	s28 =	rddreg [dreg:$0xd];
	[sflag:s0] =	ssyncadd.s32 $0xFFFFFD80  }
0xac: {  	[hbm:s28], [sflag:s13] =	dma.local [spmem:s29], $0x280  }
0xad: {  	_ =	swait.ge [sflag:s0], $0x280  }
0xae: {  	s31 =	sld [smem:$0x7F3]  }
0xaf: {  	[sflag:s0] =	ssyncset.done $0x0  }
0xb0: {  	s30 =	rddreg [dreg:$0xe];
	[sflag:s0] =	ssyncadd.s32 $0xFFFFFD80  }
0xb1: {  	[hbm:s30], [sflag:s13] =	dma.local [spmem:s31], $0x280  }
0xb2: {  	_ =	swait.ge [sflag:s0], $0x280  }
0xb3: {  	s21 =	sld [smem:$0x7F4]  }
0xb4: {  	[sflag:s0] =	ssyncset.done $0x0  }
0xb5: {  	s20 =	rddreg [dreg:$0xf];
	[sflag:s0] =	ssyncadd.s32 $0xFFFFFD80  }
0xb6: {  	[hbm:s20], [sflag:s13] =	dma.local [spmem:s21], $0x280  }
0xb7: {  	_ =	swait.ge [sflag:s0], $0x280  }
0xb8: {  	s24 =	sld [smem:$0x7F5]  }
0xb9: {  	[sflag:s0] =	ssyncset.done $0x0  }
0xba: {  	s23 =	rddreg [dreg:$0x10];
	[sflag:s0] =	ssyncadd.s32 $0xFFFFFD80  }
0xbb: {  	[hbm:s23], [sflag:s13] =	dma.local [spmem:s24], $0x280  }
0xbc: {  	_ =	swait.ge [sflag:s0], $0x280  }
0xbd: {  	s28 =	sld [smem:$0x7F6]  }
0xbe: {  	[sflag:s0] =	ssyncset.done $0x0  }
0xbf: {  	s26 =	rddreg [dreg:$0x11];
	[sflag:s0] =	ssyncadd.s32 $0xFFFFFD80  }
0xc0: {  	[hbm:s26], [sflag:s13] =	dma.local [spmem:s28], $0x280  }
0xc1: {  	_ =	swait.ge [sflag:s0], $0x280  }
0xc2: {  	s30 =	sld [smem:$0x7F7]  }
0xc3: {  	[sflag:s0] =	ssyncset.done $0x0  }
0xc4: {  	s29 =	rddreg [dreg:$0x12];
	[sflag:s0] =	ssyncadd.s32 $0xFFFFFD80  }
0xc5: {  	[hbm:s29], [sflag:s13] =	dma.local [spmem:s30], $0x280  }
0xc6: {  	_ =	swait.ge [sflag:s0], $0x280  }
0xc7: {  	s20 =	sld [smem:$0x7F8]  }
0xc8: {  	[sflag:s0] =	ssyncset.done $0x0  }
0xc9: {  	s19 =	rddreg [dreg:$0x13];
	[sflag:s0] =	ssyncadd.s32 $0xFFFFFD80  }
0xca: {  	[hbm:s19], [sflag:s13] =	dma.local @!p1 [spmem:s20], $0x280  }
0xcb: {  	s13 =	simm.s32 @!p1 $0x9  }
0xcc: {  	_ =	swait.ge @!p1 [sflag:s13], $0x280  }
0xcd: {  	s31 =	sld [smem:$0x7E8];
	_ =	sdelay $0x1  }
0xce: {  	s16 =	sadd.s32 $0x1, s16  }
0xcf: {  	p2 =	sne.s32 s16, s31  }
.Ltmp1:
0xd0: {  	_ = 	snop;
	(pc) =	sbr.rel @!p2 .LBB2_7-.Ltmp1, $3  }
0xd1: {  	_ =	sdelay $0x1  }
0xd2: {  	[sflag:s13] =	ssyncset.done @!p1 $0x0  }
0xd3: {  	s21 =	simm.s32 $0x13C00;
	[sflag:s13] =	ssyncadd.s32 @!p1 $0xFFFFFD80  }
.LBB2_1:
0xd4: {  	s13 =	rddreg [dreg:$0x14]  }
0xd5: {  	[tilespmem:s21], [sflag:$0x9] =	stream.linear.gather [hbm4b:s13+s17], $0x2710, $0x38;
	[tilespmem:$0x1EE00] =	vst v63  }
0xd6: {  	_ =	swait.ge [sflag:s0], $0x2710  }
0xd7: {  	[sflag:s0] =	ssyncset.done $0x0  }
0xd8: {  	s19 =	simm.s32 $0x0;
	s20 =	simm.s32 $0x200;
	[sflag:s0] =	ssyncadd.s32 $0xFFFFD8F0  }
.LBB2_2:
0xd9: {  	p2 =	sne.s32 s20, $0x7E00;
	[tilespmem:s19+$0x165F0] =	vst v0  }
0xda: {  	[tilespmem:s19+$0x16580] =	vst v0  }
0xdb: {  	[tilespmem:s19+$0x16590] =	vst v0  }
.Ltmp2:
0xdc: {  	[tilespmem:s19+$0x165A0] =	vst v0;
	(pc) =	sbr.rel @p2 .LBB2_2-.Ltmp2, $4  }
0xdd: {  	[tilespmem:s19+$0x165B0] =	vst v0  }
0xde: {  	[tilespmem:s19+$0x165C0] =	vst v0  }
0xdf: {  	[tilespmem:s19+$0x165D0] =	vst v0  }
0xe0: {  	[tilespmem:s19+$0x165E0] =	vst v0;
	s19 =	sshra.s32 s20, $0x2;
	s20 =	sadd.s32 $0x200, s20  }
0xe1: {  	[tilespmem:s19+$0x165F0] =	vst v0  }
0xe2: {  	[tilespmem:s19+$0x16580] =	vst v0  }
0xe3: {  	[tilespmem:s19+$0x16590] =	vst v0  }
0xe4: {  	[tilespmem:s19+$0x165A0] =	vst v0  }
0xe5: {  	[tilespmem:s19+$0x165B0] =	vst v0  }
0xe6: {  	[tilespmem:s19+$0x165C0] =	vst v0  }
0xe7: {  	[tilespmem:s19+$0x165D0] =	vst v0  }
0xe8: {  	[tilespmem:s19+$0x165E0] =	vst v0;
	s13 =	rddreg [dreg:$0x19]  }
0xe9: {  	[spmem:s13] =	stream.linear.scatter [tilespmem:s1], [sflag:$0x9], $0x2000, $0x38;
	[tilespmem:$0x1EE00] =	vst v63  }
0xea: {  	_ =	swait.ge [sflag:s0], $0x2000  }
0xeb: {  	[sflag:s0] =	ssyncset.done $0x0  }
0xec: {  	s23 =	rddreg [dreg:$0x1a];
	[sflag:s0] =	ssyncadd.s32 $0xFFFFE000  }
0xed: {  	[spmem:s23] =	stream.linear.scatter [tilespmem:s1], [sflag:$0x9], $0x2000, $0x38;
	[tilespmem:$0x1EE00] =	vst v63  }
0xee: {  	_ =	swait.ge [sflag:s0], $0x2000  }
0xef: {  	[sflag:s0] =	ssyncset.done $0x0  }
0xf0: {  	s24 =	rddreg [dreg:$0x1b];
	[sflag:s0] =	ssyncadd.s32 $0xFFFFE000  }
0xf1: {  	[spmem:s24] =	stream.linear.scatter [tilespmem:s1], [sflag:$0x9], $0x2000, $0x38;
	[tilespmem:$0x1EE00] =	vst v63  }
0xf2: {  	_ =	swait.ge [sflag:s0], $0x2000  }
0xf3: {  	[sflag:s0] =	ssyncset.done $0x0  }
0xf4: {  	s26 =	rddreg [dreg:$0x1c];
	[sflag:s0] =	ssyncadd.s32 $0xFFFFE000  }
0xf5: {  	[spmem:s26] =	stream.linear.scatter [tilespmem:s1], [sflag:$0x9], $0x2000, $0x38;
	[tilespmem:$0x1EE00] =	vst v63  }
0xf6: {  	_ =	swait.ge [sflag:s0], $0x2000  }
0xf7: {  	[sflag:s0] =	ssyncset.done $0x0  }
0xf8: {  	s28 =	rddreg [dreg:$0x1d];
	[sflag:s0] =	ssyncadd.s32 $0xFFFFE000  }
0xf9: {  	[spmem:s28] =	stream.linear.scatter [tilespmem:s1], [sflag:$0x9], $0x2000, $0x38;
	[tilespmem:$0x1EE00] =	vst v63  }
0xfa: {  	_ =	swait.ge [sflag:s0], $0x2000  }
0xfb: {  	[sflag:s0] =	ssyncset.done $0x0  }
0xfc: {  	s29 =	rddreg [dreg:$0x1e];
	[sflag:s0] =	ssyncadd.s32 $0xFFFFE000  }
0xfd: {  	[spmem:s29] =	stream.linear.scatter [tilespmem:s1], [sflag:$0x9], $0x2000, $0x38;
	[tilespmem:$0x1EE00] =	vst v63  }
0xfe: {  	_ =	swait.ge [sflag:s0], $0x2000  }
0xff: {  	[sflag:s0] =	ssyncset.done $0x0  }
0x100: {  	s30 =	rddreg [dreg:$0x1f];
	[sflag:s0] =	ssyncadd.s32 $0xFFFFE000  }
0x101: {  	[spmem:s30] =	stream.linear.scatter [tilespmem:s1], [sflag:$0x9], $0x2000, $0x38;
	[tilespmem:$0x1EE00] =	vst v63  }
0x102: {  	_ =	swait.ge [sflag:s0], $0x2000  }
0x103: {  	s31 =	sld [smem:$0x7E1]  }
0x104: {  	[sflag:s0] =	ssyncset.done $0x0  }
0x105: {  	[sflag:s0] =	ssyncadd.s32 $0xFFFFE000  }
0x106: {  	[spmem:s31] =	stream.linear.scatter [tilespmem:s1], [sflag:$0x9], $0x2000, $0x38;
	[tilespmem:$0x1EE00] =	vst v63  }
0x107: {  	_ =	swait.ge [sflag:s0], $0x2000  }
0x108: {  	s19 =	sld [smem:$0x7E2]  }
0x109: {  	[sflag:s0] =	ssyncset.done $0x0  }
0x10a: {  	[sflag:s0] =	ssyncadd.s32 $0xFFFFE000  }
0x10b: {  	[spmem:s19] =	stream.linear.scatter [tilespmem:s1], [sflag:$0x9], $0x2000, $0x38;
	[tilespmem:$0x1EE00] =	vst v63  }
0x10c: {  	_ =	swait.ge [sflag:s0], $0x2000  }
0x10d: {  	s13 =	sld [smem:$0x7E3]  }
0x10e: {  	[sflag:s0] =	ssyncset.done $0x0  }
0x10f: {  	s19 =	simm.s32 @!p0 $0x16580;
	[sflag:s0] =	ssyncadd.s32 $0xFFFFE000  }
0x110: {  	[spmem:s13] =	stream.linear.scatter @!p0 [tilespmem:s19], [sflag:$0x9], $0x2000, $0x38;
	[tilespmem:$0x1EE00] =	vst v63  }
0x111: {  	s19 =	simm.s32 @!p0 $0x9  }
0x112: {  	_ =	swait.ge @!p0 [sflag:s19], $0x2000  }
0x113: {  	[sflag:s19] =	ssyncset.done @!p0 $0x0  }
0x114: {  	[sflag:s19] =	ssyncadd.s32 @!p0 $0xFFFFE000  }
0x115: {  	[bflag:$0x0] =	sbarrier.arrive $0xFFFF  }
0x116: {  	s20 =	sld [smem:$0x7F9];
	_ =	sdelay $0x1  }
0x117: {  	s19 =	simm.s32 $0x0  }
0x118: {  	[tilespmem:s2], [sflag:$0x5] =	stream.linear.gather [hbm4b:s20+s19], $0x40, $0x38;
	[tilespmem:$0x1EE00] =	vst v63  }
0x119: {  	s23 =	sld [smem:$0x7FA]  }
0x11a: {  	[tilespmem:s1], [sflag:$0x1] =	stream.indirect.gather [hbm4b:s25+s3], $0x80, s21, s3, $0xb8;
	[tilespmem:$0x1EE00] =	vst v63  }
0x11b: {  	s28 =	sld [smem:$0x7FB];
	s20 =	simm.s32 $0x16400  }
0x11c: {  	[tilespmem:s20], [sflag:$0x6] =	stream.linear.gather [hbm4b:s23+s19], $0x40, $0x38;
	[tilespmem:$0x1EE00] =	vst v63  }
0x11d: {  	s24 =	simm.s32 $0x13C40;
	s26 =	simm.s32 $0x18580;
	s30 =	sld [smem:$0x7FC]  }
0x11e: {  	[tilespmem:s26], [sflag:$0x2] =	stream.indirect.gather [hbm4b:s25+s3], $0x80, s24, s3, $0xb8;
	[tilespmem:$0x1EE00] =	vst v63  }
0x11f: {  	s21 =	rddreg [dreg:$0x15]  }
0x120: {  	[tilespmem:s18], [sflag:$0x7] =	stream.linear.gather [hbm4b:s28+s19], $0x40, $0x38;
	[tilespmem:$0x1EE00] =	vst v63  }
0x121: {  	s29 =	simm.s32 $0x13C80;
	s20 =	rddreg [dreg:$0x18]  }
0x122: {  	[tilespmem:s4], [sflag:$0x3] =	stream.indirect.gather [hbm4b:s25+s3], $0x80, s29, s3, $0xb8;
	[tilespmem:$0x1EE00] =	vst v63  }
0x123: {  	s23 =	rddreg [dreg:$0x17]  }
0x124: {  	[tilespmem:s5], [sflag:$0x8] =	stream.linear.gather [hbm4b:s30+s19], $0x40, $0x38;
	[tilespmem:$0x1EE00] =	vst v63  }
0x125: {  	s31 =	simm.s32 $0x13CC0;
	s26 =	rddreg [dreg:$0x16]  }
0x126: {  	[tilespmem:s6], [sflag:$0x4] =	stream.indirect.gather [hbm4b:s25+s3], $0x80, s31, s3, $0xb8;
	[tilespmem:$0x1EE00] =	vst v63  }
.LBB2_4:
0x127: {  	_ =	swait.ge [sflag:s7], $0x2000  }
0x128: {  	[sflag:s7] =	ssyncset.done $0x0  }
0x129: {  	[sflag:s7] =	ssyncadd.s32 $0xFFFFE000  }
0x12a: {  	_ =	swait.ge [sflag:s8], $0x40  }
0x12b: {  	[sflag:s8] =	ssyncset.done $0x0  }
0x12c: {  	[sflag:s8] =	ssyncadd.s32 $0xFFFFFFC0  }
0x12d: {  	[spmem:s22] =	stream.indirect.scatter.add.f32 [tilespmem:s1], [sflag:$0x9], $0x80, s2, s3, $0xb8;
	[tilespmem:$0x1EE00] =	vst v63  }
0x12e: {  	_ =	swait.ge [sflag:s0], $0x2000  }
0x12f: {  	p2 =	seq.s32 s19, $0x9800;
	[sflag:s0] =	ssyncset.done $0x0  }
0x130: {  	s24 =	simm.s32 @p2 $0x2;
	[sflag:s0] =	ssyncadd.s32 $0xFFFFE000  }
0x131: {  	_ =	swait.ge @p2 [sflag:s24], $0x2000  }
0x132: {  	[sflag:s24] =	ssyncset.done @p2 $0x0  }
0x133: {  	[sflag:s24] =	ssyncadd.s32 @p2 $0xFFFFE000;
	s24 =	simm.s32 @p2 $0x6  }
0x134: {  	_ =	swait.ge @p2 [sflag:s24], $0x40  }
0x135: {  	s28 =	simm.s32 @p2 $0x16400;
	[sflag:s24] =	ssyncset.done @p2 $0x0  }
0x136: {  	s29 =	simm.s32 @p2 $0x18580;
	[sflag:s24] =	ssyncadd.s32 @p2 $0xFFFFFFC0;
	s24 =	simm.s32 @p2 $0x40  }
0x137: {  	[spmem:s22] =	stream.indirect.scatter.add.f32 @p2 [tilespmem:s29], [sflag:$0x9], $0x80, s28, s24, $0xb8;
	[tilespmem:$0x1EE00] =	vst v63  }
0x138: {  	s24 =	simm.s32 @p2 $0x9  }
0x139: {  	_ =	swait.ge @p2 [sflag:s24], $0x2000  }
0x13a: {  	[sflag:s24] =	ssyncset.done @p2 $0x0  }
0x13b: {  	s28 =	simm.s32 @!p2 $0x16380;
	[sflag:s24] =	ssyncadd.s32 @p2 $0xFFFFE000;
	s24 =	simm.s32 @!p2 $0x0  }
0x13c: {  	[tilespmem:s28], [sflag:$0x5] =	stream.linear.gather @!p2 [hbm4b:s26+s24], $0x40, $0x38;
	[tilespmem:$0x1EE00] =	vst v63  }
0x13d: {  	s28 =	sshra.s32 @!p2 s19, $0x2  }
0x13e: {  	s30 =	simm.s32 @!p2 $0x40;
	s31 =	simm.s32 @!p2 $0x16580;
	s29 =	sadd.s32 @!p2 $0x13D00, s28  }
0x13f: {  	[tilespmem:s31], [sflag:$0x1] =	stream.indirect.gather @!p2 [hbm4b:s25+s30], $0x80, s29, s30, $0xb8;
	[tilespmem:$0x1EE00] =	vst v63  }
0x140: {  	s29 =	simm.s32 @!p2 $0x2  }
0x141: {  	_ =	swait.ge @!p2 [sflag:s29], $0x2000  }
0x142: {  	[sflag:s29] =	ssyncset.done @!p2 $0x0  }
0x143: {  	[sflag:s29] =	ssyncadd.s32 @!p2 $0xFFFFE000;
	s29 =	simm.s32 @!p2 $0x6  }
0x144: {  	_ =	swait.ge @!p2 [sflag:s29], $0x40  }
0x145: {  	s13 =	simm.s32 @!p2 $0x9;
	[sflag:s29] =	ssyncset.done @!p2 $0x0  }
0x146: {  	s31 =	simm.s32 @!p2 $0x18580;
	[sflag:s29] =	ssyncadd.s32 @!p2 $0xFFFFFFC0;
	s29 =	simm.s32 @!p2 $0x16400  }
0x147: {  	[spmem:s22] =	stream.indirect.scatter.add.f32 @!p2 [tilespmem:s31], [sflag:$0x9], $0x80, s29, s30, $0xb8;
	[tilespmem:$0x1EE00] =	vst v63  }
0x148: {  	_ =	swait.ge @!p2 [sflag:s13], $0x2000  }
0x149: {  	[sflag:s13] =	ssyncset.done @!p2 $0x0  }
0x14a: {  	[sflag:s13] =	ssyncadd.s32 @!p2 $0xFFFFE000  }
0x14b: {  	[tilespmem:s29], [sflag:$0x6] =	stream.linear.gather @!p2 [hbm4b:s21+s24], $0x40, $0x38;
	[tilespmem:$0x1EE00] =	vst v63  }
0x14c: {  	s13 =	sadd.s32 @!p2 $0x13D40, s28  }
0x14d: {  	[tilespmem:s31], [sflag:$0x2] =	stream.indirect.gather @!p2 [hbm4b:s25+s30], $0x80, s13, s30, $0xb8;
	[tilespmem:$0x1EE00] =	vst v63  }
0x14e: {  	_ =	swait.ge [sflag:s9], $0x2000  }
0x14f: {  	[sflag:s9] =	ssyncset.done $0x0  }
0x150: {  	[sflag:s9] =	ssyncadd.s32 $0xFFFFE000  }
0x151: {  	_ =	swait.ge [sflag:s10], $0x40  }
0x152: {  	[sflag:s10] =	ssyncset.done $0x0  }
.Ltmp3:
0x153: {  	[sflag:s10] =	ssyncadd.s32 $0xFFFFFFC0;
	(pc) =	sbr.rel @p2 .LBB2_6-.Ltmp3, $4  }
0x154: {  	[spmem:s22] =	stream.indirect.scatter.add.f32 [tilespmem:s4], [sflag:$0x9], $0x80, s18, s3, $0xb8;
	[tilespmem:$0x1EE00] =	vst v63  }
0x155: {  	_ =	swait.ge [sflag:s0], $0x2000  }
0x156: {  	[sflag:s0] =	ssyncset.done $0x0  }
0x157: {  	[sflag:s0] =	ssyncadd.s32 $0xFFFFE000  }
0x158: {  	[tilespmem:s18], [sflag:$0x7] =	stream.linear.gather [hbm4b:s23+s17], $0x40, $0x38;
	[tilespmem:$0x1EE00] =	vst v63  }
0x159: {  	s13 =	sshra.s32 s19, $0x2  }
0x15a: {  	s24 =	sadd.s32 $0x13D80, s13  }
0x15b: {  	[tilespmem:s4], [sflag:$0x3] =	stream.indirect.gather [hbm4b:s25+s3], $0x80, s24, s3, $0xb8;
	[tilespmem:$0x1EE00] =	vst v63  }
0x15c: {  	_ =	swait.ge [sflag:s11], $0x2000  }
0x15d: {  	[sflag:s11] =	ssyncset.done $0x0  }
0x15e: {  	[sflag:s11] =	ssyncadd.s32 $0xFFFFE000  }
0x15f: {  	_ =	swait.ge [sflag:s12], $0x40  }
0x160: {  	[sflag:s12] =	ssyncset.done $0x0  }
0x161: {  	[sflag:s12] =	ssyncadd.s32 $0xFFFFFFC0  }
0x162: {  	[spmem:s22] =	stream.indirect.scatter.add.f32 [tilespmem:s6], [sflag:$0x9], $0x80, s5, s3, $0xb8;
	[tilespmem:$0x1EE00] =	vst v63  }
0x163: {  	_ =	swait.ge [sflag:s0], $0x2000  }
.Ltmp4:
0x164: {  	s19 =	sadd.s32 $0x400, s19;
	[sflag:s0] =	ssyncset.done $0x0;
	(pc) =	sbr.rel .LBB2_4-.Ltmp4, $4  }
0x165: {  	s21 =	sadd.s32 $0x20, s21;
	s26 =	sadd.s32 $0x20, s26;
	[sflag:s0] =	ssyncadd.s32 $0xFFFFE000  }
0x166: {  	[tilespmem:s5], [sflag:$0x8] =	stream.linear.gather [hbm4b:s20+s17], $0x40, $0x38;
	[tilespmem:$0x1EE00] =	vst v63  }
0x167: {  	s23 =	sadd.s32 $0x20, s23;
	s13 =	sadd.s32 $0x13DC0, s13;
	s20 =	sadd.s32 $0x20, s20  }
0x168: {  	[tilespmem:s6], [sflag:$0x4] =	stream.indirect.gather [hbm4b:s25+s3], $0x80, s13, s3, $0xb8;
	[tilespmem:$0x1EE00] =	vst v63  }
.LBB2_7:
0x169: {  	_ =	sfence.sel $0x180000  }
0x16a: {  	[bflag:$0x0] =	sbarrier.arrive $0xFFFF  }
0x16b: {  	_ =	strace $0x9000004A  }
0x16c: {  	s0 =	stileid.u32;
	[bflag:$0x2] =	sbarrier.arrive $0xFFFF  }
0x16d: {  	p0 =	sne.s32 s0, $0x0;
	s0 =	rddreg [dreg:$0x3]  }
0x16e: {  	s0 =	sadd.s32 @!p0 $0x100000, s0  }
0x16f: {  	[sflag:s0] =	ssyncadd.tile.s32 @!p0 $0x1;
	_ =	shalt  }
.Lfunc_end2:
_tile_overlayer_lowered:
.L_overlay_start_2:
0x170: {  	(tag) =	ssettag $0x2  }
0x171: {  	s0 =	rddreg [dreg:$0x0];
	s2 =	stileid.u32  }
0x172: {  	s1 =	rddreg [dreg:$0x1];
	p0 =	sne.s32 s2, $0x0  }
0x173: {  	s3 =	rddreg [dreg:$0x2];
	[bflag:$0x3] =	sbarrier.arrive $0xFFFF;
	s2 =	simm.s32 @!p0 $0x1C09  }
0x174: {  	[timem:s3], [sflag:s2] =	dma.local @!p0 [hbm:s0], s1  }
0x175: {  	s0 =	simm.s32 @!p0 $0x9  }
0x176: {  	_ =	swait.ge @!p0 [sflag:s0], s1  }
0x177: {  	s1 =	ssub.s32 @!p0 $0x0, s1;
	[sflag:s0] =	ssyncset.done @!p0 $0x0  }
0x178: {  	[sflag:s0] =	ssyncadd.s32 @!p0 s1  }
0x179: {  	[bflag:$0x3] =	sbarrier.arrive $0xFFFF  }
0x17a: {  	_ =	shalt  }

// kernel: sage_agg_deg.3.cloned.1.call-start
scs
__scs_entry_jumppad:
0x0: {  	(pc) =	sbr.rel $0x88, $3  }
0x1: {  	(tag) =	ssettag $0x0;
	lr =	simm.s32 $0x1  }
0x2: {  	[smem:$0x3F97] =	sst lr;
	_ =	strace $0xD0000000  }
0x3: {  	_ = 	snop  }
0x4: {  	_ = 	snop  }
0x5: {  	_ = 	snop  }
0x6: {  	_ = 	snop  }
0x7: {  	_ = 	snop  }
__scs_overlays_trampoline_lowered:
0x8: {  	[smem:$0x3FA6] =	sst s0  }
0x9: {  	[smem:$0x3FA7] =	sst s1  }
0xa: {  	[smem:$0x3FA8] =	sst s2  }
0xb: {  	[smem:$0x3FA9] =	sst s3  }
0xc: {  	[smem:$0x3FAA] =	sst s4  }
0xd: {  	[smem:$0x3FAB] =	sst s5  }
0xe: {  	[smem:$0x3FAC] =	sst s6  }
0xf: {  	[smem:$0x3FAD] =	sst s7  }
0x10: {  	[smem:$0x3FAE] =	sst s8  }
0x11: {  	[smem:$0x3FAF] =	sst s9;
	s0 =	simm.s32 @!p0 $0x0  }
0x12: {  	s1 =	sld [smem:$0x3F95];
	s0 =	simm.s32 @p0 $0x1  }
0x13: {  	[smem:$0x3FB0] =	sst s0;
	s0 =	simm.s32 @!p1 $0x0  }
0x14: {  	s2 =	sld [smem:$0x3F94];
	s0 =	simm.s32 @p1 $0x1  }
0x15: {  	[smem:$0x3FB1] =	sst s0;
	s0 =	simm.s32 @!p2 $0x0  }
0x16: {  	s3 =	sld [smem:$0x3FDB];
	s0 =	simm.s32 @p2 $0x1  }
0x17: {  	s4 =	simm.s32 $0x1BF5;
	[smem:$0x3FB3] =	sst s0  }
0x18: {  	s0 =	sld [smem:$0x3F96];
	_ =	swait.ge [sflag:s4], $0x0  }
0x19: {  	s7 =	sld [smem:$0x3F97]  }
0x1a: {  	s8 =	sadd.s32 $0xFFFFE003, lr  }
0x1b: {  	s9 =	sadd.s32 $0xFFFFFEF7, lr;
	s5 =	simm.s32 $0xFFFFFFFF;
	p2 =	slt.u32 s8, $0xFFFFF086  }
0x1c: {  	p1 =	slt.u32 s9, $0xF7A;
	s5 =	simm.s32 @!p2 $0x0  }
0x1d: {  	s5 =	simm.s32 @p1 $0x1;
	p0 =	seq.s32 s7, s2  }
0x1e: {  	s7 =	smul.u32 @!p0 $0xF7A, s2;
	p2 =	seq.s32 @!p0 s5, $0x0  }
0x1f: {  	s9 =	smul.u32 $0xF7A, s1;
	s8 =	simm.s32 @!p0 $0x1BF5;
	p2 =	por !p2, p0  }
0x20: {  	[sflag:s8] =	ssyncset.s32 @!p0 $0xFFFFF086;
	s6 =	sadd.s32 @!p0 s3, s7;
	s7 =	simm.s32 @!p0 $0x108  }
0x21: {  	s3 =	sadd.s32 s3, s9;
	s6 =	sadd.s32 @!p0 $0x88, s6;
	s7 =	simm.s32 @p2 $0x1082  }
0x22: {  	[simem:s7], [sflag:s8] =	dma.local @!p0 [hbm:s6], $0xF7A  }
0x23: {  	s9 =	sor.u32 $0xD0000000, s2;
	s6 =	simm.s32 $0x108;
	_ =	swait.ge @!p0 [sflag:s8], $0x0  }
0x24: {  	s3 =	sadd.s32 $0x88, s3;
	s6 =	simm.s32 @!p1 $0x1082;
	[sflag:s4] =	ssyncset.s32 $0xFFFFF086  }
0x25: {  	[simem:s6], [sflag:s4] =	dma.local [hbm:s3], $0xF7A  }
0x26: {  	[smem:$0x3F97] =	sst s1;
	(tag) =	ssettag s2;
	_ =	strace s9  }
0x27: {  	s1 =	sld [smem:$0x3FA7]  }
0x28: {  	s2 =	sld [smem:$0x3FA8]  }
0x29: {  	s4 =	sld [smem:$0x3FAA]  }
0x2a: {  	p0 =	seq.s32 s5, $0x0;
	s5 =	sld [smem:$0x3FAB]  }
0x2b: {  	s6 =	sld [smem:$0x3FAC]  }
0x2c: {  	s7 =	sld [smem:$0x3FAD]  }
0x2d: {  	s3 =	simm.s32 $0x108;
	s8 =	sld [smem:$0x3FAE]  }
0x2e: {  	s3 =	simm.s32 @!p0 $0x1082;
	s9 =	sld [smem:$0x3FAF]  }
0x2f: {  	lr =	sadd.s32 s0, s3;
	s0 =	sld [smem:$0x3FA6]  }
0x30: {  	s3 =	sld [smem:$0x3FA9]  }
0x31: {  	[smem:$0x3FB2] =	sst s10  }
0x32: {  	s10 =	sld [smem:$0x3FB0];
	_ =	sdelay $0x3  }
0x33: {  	p0 =	seq.s32 s10, $0x1;
	s10 =	sld [smem:$0x3FB2];
	_ =	sdelay $0x3  }
0x34: {  	[smem:$0x3FB2] =	sst s10  }
0x35: {  	s10 =	sld [smem:$0x3FB1];
	_ =	sdelay $0x3  }
0x36: {  	p1 =	seq.s32 s10, $0x1;
	s10 =	sld [smem:$0x3FB2];
	_ =	sdelay $0x3  }
0x37: {  	[smem:$0x3FB2] =	sst s10  }
0x38: {  	s10 =	sld [smem:$0x3FB3]  }
0x39: {  	_ = 	snop;
	(pc) =	sbr.ind lr, $3  }
0x3a: {  	_ = 	snop  }
0x3b: {  	_ = 	snop  }
0x3c: {  	p2 =	seq.s32 s10, $0x1;
	s10 =	sld [smem:$0x3FB2]  }
0x3d: {  	_ =	shalt  }
0x3e: {  	_ =	shalt  }
0x3f: {  	_ =	shalt  }
0x40: {  	_ =	shalt  }
0x41: {  	_ =	shalt  }
0x42: {  	_ =	shalt  }
0x43: {  	_ =	shalt  }
0x44: {  	_ =	shalt  }
0x45: {  	_ =	shalt  }
0x46: {  	_ =	shalt  }
0x47: {  	_ =	shalt  }
0x48: {  	_ =	shalt  }
0x49: {  	_ =	shalt  }
0x4a: {  	_ =	shalt  }
0x4b: {  	_ =	shalt  }
0x4c: {  	_ =	shalt  }
0x4d: {  	_ =	shalt  }
0x4e: {  	_ =	shalt  }
0x4f: {  	_ =	shalt  }
0x50: {  	_ =	shalt  }
0x51: {  	_ =	shalt  }
0x52: {  	_ =	shalt  }
0x53: {  	_ =	shalt  }
0x54: {  	_ =	shalt  }
0x55: {  	_ =	shalt  }
0x56: {  	_ =	shalt  }
0x57: {  	_ =	shalt  }
0x58: {  	_ =	shalt  }
0x59: {  	_ =	shalt  }
0x5a: {  	_ =	shalt  }
0x5b: {  	_ =	shalt  }
0x5c: {  	_ =	shalt  }
0x5d: {  	_ =	shalt  }
0x5e: {  	_ =	shalt  }
0x5f: {  	_ =	shalt  }
0x60: {  	_ =	shalt  }
0x61: {  	_ =	shalt  }
0x62: {  	_ =	shalt  }
0x63: {  	_ =	shalt  }
0x64: {  	_ =	shalt  }
0x65: {  	_ =	shalt  }
0x66: {  	_ =	shalt  }
0x67: {  	_ =	shalt  }
0x68: {  	_ =	shalt  }
0x69: {  	_ =	shalt  }
0x6a: {  	_ =	shalt  }
0x6b: {  	_ =	shalt  }
0x6c: {  	_ =	shalt  }
0x6d: {  	_ =	shalt  }
0x6e: {  	_ =	shalt  }
0x6f: {  	_ =	shalt  }
0x70: {  	_ =	shalt  }
0x71: {  	_ =	shalt  }
0x72: {  	_ =	shalt  }
0x73: {  	_ =	shalt  }
0x74: {  	_ =	shalt  }
0x75: {  	_ =	shalt  }
0x76: {  	_ =	shalt  }
0x77: {  	_ =	shalt  }
0x78: {  	_ =	shalt  }
0x79: {  	_ =	shalt  }
0x7a: {  	_ =	shalt  }
0x7b: {  	_ =	shalt  }
0x7c: {  	_ =	shalt  }
0x7d: {  	_ =	shalt  }
0x7e: {  	_ =	shalt  }
0x7f: {  	_ =	shalt  }
0x80: {  	_ =	shalt  }
0x81: {  	_ =	shalt  }
0x82: {  	_ =	shalt  }
0x83: {  	_ =	shalt  }
0x84: {  	_ =	shalt  }
0x85: {  	_ =	shalt  }
0x86: {  	_ =	shalt  }
0x87: {  	_ =	shalt  }
.Lfunc_end0:
.L_simem_size_0:
called_computation_lowered:
.L_overlay_start_0:
0x88: {  	s2 =	sld [smem:$0x3FD9]  }
0x89: {  	s3 =	sld [smem:$0x3FFE];
	_ =	sdelay $0x1  }
0x8a: {  	s1 =	srdreg.scid  }
0x8b: {  	s0 =	sand.u32 $0x1, s1  }
0x8c: {  	s17 =	sshll.u32 s0, $0xA;
	s2 =	sadd.s32 s3, s2  }
0x8d: {  	s2 =	sadd.s32 s2, s17  }
0x8e: {  	[smem:$0x3FBE] =	sst s2  }
0x8f: {  	_ = 	snop  }
0x90: {  	s2 =	sld [smem:$0x3FC9]  }
0x91: {  	s18 =	sld [smem:$0x3FD0];
	(tm) =	ssettm $0x1  }
0x92: {  	s4 =	sld [smem:$0x3FFB];
	_ =	sdelay $0x3  }
0x93: {  	_ =	strace s4  }
0x94: {  	s4 =	sld [smem:$0x3FFC];
	_ =	sdelay $0x3  }
0x95: {  	_ =	strace s4  }
0x96: {  	s4 =	sld [smem:$0x3FFD];
	_ =	sdelay $0x3  }
0x97: {  	_ =	strace s4  }
0x98: {  	_ =	strace $0x8FFFFFFF  }
0x99: {  	s19 =	sld [smem:$0x3FDB];
	_ =	sdelay $0x1  }
0x9a: {  	s5 =	simm.s32 $_scs_section_size  }
0x9b: {  	s6 =	simm.s32 $_size__tile_overlayer_lowered;
	s7 =	simm.s32 $_tile_overlayer_lowered  }
0x9c: {  	s22 =	simm.s32 $0x1BFF;
	s21 =	sshll.u32 s7, $0x1;
	s4 =	sadd.s32 s5, s19  }
0x9d: {  	s8 =	simm.s32 $0x0;
	s20 =	sshll.u32 s6, $0x1;
	s6 =	sadd.s32 s21, s4  }
0x9e: {  	[timem:s8], [sflag:s22] =	dma.local [hbm:s6], s20  }
0x9f: {  	_ =	swait.ge [sflag:s22], s20  }
0xa0: {  	s5 =	ssub.s32 $0x0, s20;
	[sflag:s22] =	ssyncset.done $0x0  }
0xa1: {  	[sflag:s22] =	ssyncadd.s32 s5;
	_ =	sdelay $0x1  }
0xa2: {  	s23 =	simm.s32 $0x1B8B  }
0xa3: {  	_ =	swait.ge [sflag:s23], $0x1  }
0xa4: {  	[sflag:s23] =	ssyncset.done $0x0  }
0xa5: {  	s25 =	simm.s32 $0x1B8E;
	s24 =	sld [smem:$0x3FFE];
	[sflag:s23] =	ssyncadd.s32 $0xFFFFFFFF  }
0xa6: {  	s26 =	simm.s32 $execute0_lowered;
	[smem:$0x3FD2] =	sst s25  }
0xa7: {  	s6 =	sshll.u32 s26, $0x1;
	_ =	strace $0x80000046;
	[dreg:$0x1] =	wrdreg $0xFFFFFFFF  }
0xa8: {  	s28 =	simm.s32 $_size_execute0_lowered;
	s4 =	sadd.s32 s4, s6;
	[dreg:$0x0] =	wrdreg $0x0  }
0xa9: {  	s6 =	sshll.u32 s28, $0x1;
	[dreg:$0x2] =	wrdreg s4  }
0xaa: {  	[dreg:$0x3] =	wrdreg s6  }
0xab: {  	[dreg:$0x4] =	wrdreg $0xC0  }
0xac: {  	_ =	task [dreg:s8], $0x5FFFF  }
0xad: {  	[dreg:$0x1] =	wrdreg $0xFFFFFFFF  }
0xae: {  	[dreg:$0x0] =	wrdreg $0x60  }
0xaf: {  	[dreg:$0x2] =	wrdreg s2  }
0xb0: {  	[dreg:$0x3] =	wrdreg s18  }
0xb1: {  	[dreg:$0x4] =	wrdreg s24  }
0xb2: {  	[dreg:$0x5] =	wrdreg $0x0  }
0xb3: {  	[dreg:$0x6] =	wrdreg $0x13C000  }
0xb4: {  	[dreg:$0x7] =	wrdreg $0x9  }
0xb5: {  	_ =	task.clear_ibuf [dreg:s8], $0x8FFFF;
	_ =	strace $0x90000046  }
0xb6: {  	s29 =	simm.s32 $0x9;
	_ =	strace $0x80000048  }
0xb7: {  	_ =	swait.ge [sflag:s29], $0x1  }
0xb8: {  	[sflag:s29] =	ssyncadd.s32 $0xFFFFFFFF  }
0xb9: {  	_ =	strace $0x90000048  }
0xba: {  	_ =	sfence  }
0xbb: {  	s30 =	sld [smem:$0x0];
	_ =	sdelay $0x2  }
0xbc: {  	s31 =	sshll.u32 s1, $0xD;
	s1 =	sshrl.u32 s1, $0x2  }
0xbd: {  	s3 =	sand.u32 $0x4000, s31;
	s1 =	sadd.s32 s1, s30  }
0xbe: {  	s0 =	sor.u32 s3, s0;
	s1 =	sshll.u32 s1, $0x11  }
0xbf: {  	s0 =	sor.u32 s1, s0  }
0xc0: {  	s0 =	sadd.s32 $0x8F2B, s0  }
0xc1: {  	[sflag:s0] =	ssyncadd.remote.s32 $0x1  }
0xc2: {  	_ =	sfence.sel $0xFFFF  }
0xc3: {  	[dreg:$0x0] =	wrdreg $0xFFFFFFFF;
	(pc) =	sbr.abs _section_cstart, $3  }
0xc4: {  	[dreg:$0x1] =	wrdreg $0xFFFFFFFF  }
0xc5: {  	_ =	task.clear_ibuf [dreg:s8], $0x2FFFF;
	_ =	strace $0x9FFFFFFF  }
0xc6: {  	(tm) =	ssettm $0x7FFFFFFF  }
0xc7: {  	_ =	shalt  }
tec
execute0_lowered:
.L_overlay_start_1:
0x0: {  	(tag) =	ssettag $0x1  }
0x1: {  	s0 =	srdreg.scid;
	s17 =	stileid.u32  }
0x2: {  	s3 =	sand.u32 $0x1, s0;
	s9 =	smul.u32 $0x1400, s17  }
0x3: {  	s16 =	sor.u32 $0x10, s17;
	s15 =	smul.u32 $0x138800, s3  }
0x4: {  	s8 =	sor.u32 $0x20, s17;
	s7 =	sor.u32 $0x30, s17;
	s10 =	smul.u32 $0x1400, s16  }
0x5: {  	s6 =	sor.u32 $0x40, s17;
	s26 =	sor.u32 $0x50, s17;
	s11 =	smul.u32 $0x1400, s8  }
0x6: {  	s4 =	sor.u32 $0x60, s17;
	s2 =	sor.u32 $0x70, s17;
	s12 =	smul.u32 $0x1400, s7  }
0x7: {  	s5 =	sor.u32 $0x90, s17;
	p0 =	sgt.u32 s17, $0xD;
	s13 =	smul.u32 $0x1400, s6  }
0x8: {  	p1 =	seq.s32 s17, $0xF;
	p2 =	sgt.u32 s17, $0x9;
	s14 =	smul.u32 $0x1400, s26  }
0x9: {  	s0 =	ssub.s32 $0x2, s3;
	[smem:$0x7D7] =	sst s26;
	s18 =	smul.u32 $0x1400, s4  }
0xa: {  	[smem:$0x7D9] =	sst s4;
	s21 =	smul.u32 $0x1400, s2;
	p3 =	sne.s32 @!p2 s17, $0x0  }
0xb: {  	s26 =	smul.u32 $0x1400, s5;
	s1 =	sshrl.u32 s0, $0x1;
	p3 =	por p3, p2  }
0xc: {  	s0 =	ssub.s32 s0, s1;
	s19 =	sadd.s32 s9, s15;
	s20 =	sadd.s32 s15, s10  }
0xd: {  	s10 =	smov.u32 s2;
	s22 =	sadd.s32 s15, s11;
	s23 =	sadd.s32 s15, s12  }
0xe: {  	s25 =	sadd.s32 s15, s13;
	s11 =	smov.u32 s5;
	s12 =	sor.u32 $0xA0, s17  }
0xf: {  	s28 =	sadd.s32 s15, s14;
	s13 =	sor.u32 $0xB0, s17;
	s29 =	smul.u32 $0x1400, s12  }
0x10: {  	s18 =	sadd.s32 s15, s18;
	s14 =	sor.u32 $0xC0, s17;
	s30 =	smul.u32 $0x1400, s13  }
0x11: {  	[smem:$0x7E7] =	sst s0;
	s0 =	sor.u32 $0x80, s17;
	s31 =	smul.u32 $0x1400, s14  }
0x12: {  	[smem:$0x7E3] =	sst s12;
	s12 =	sor.u32 $0xD0, s17;
	s24 =	smul.u32 $0x1400, s0  }
0x13: {  	[smem:$0x7E4] =	sst s13;
	s13 =	sor.u32 $0xE0, s17;
	s1 =	smul.u32 $0x1400, s12  }
0x14: {  	[smem:$0x7E5] =	sst s14;
	s14 =	sor.u32 $0xF0, s17;
	s4 =	smul.u32 $0x1400, s13  }
0x15: {  	s21 =	sadd.s32 s15, s21;
	s26 =	sadd.s32 s15, s26;
	s5 =	smul.u32 $0x1400, s14  }
0x16: {  	s19 =	sshrl.u32 s19, $0x3;
	s20 =	sshrl.u32 s20, $0x3;
	s12 =	smul.u32 $0x5000, s12  }
0x17: {  	s18 =	sshrl.u32 s18, $0x3;
	s9 =	smov.u32 s0;
	s13 =	smul.u32 $0x5000, s13  }
0x18: {  	s14 =	smul.u32 $0x5000, s14;
	s29 =	sadd.s32 s15, s29;
	s30 =	sadd.s32 s15, s30  }
0x19: {  	s31 =	sadd.s32 s15, s31;
	s24 =	sadd.s32 s15, s24;
	s2 =	sadd.s32 s15, s1  }
0x1a: {  	s4 =	sadd.s32 s15, s4;
	s5 =	sadd.s32 s15, s5;
	s15 =	rddreg [dreg:$0x2]  }
0x1b: {  	s1 =	sshll.u32 s3, $0x4;
	s12 =	sshrl.u32 s12, $0x2;
	s13 =	sshrl.u32 s13, $0x2  }
0x1c: {  	s14 =	sshrl.u32 s14, $0x2;
	s0 =	sadd.s32 $0x3400, s15;
	s15 =	sadd.s32 s1, s15  }
0x1d: {  	s1 =	sor.u32 s17, s1;
	s2 =	sshrl.u32 s2, $0x3;
	s19 =	sadd.s32 s0, s19  }
0x1e: {  	s4 =	sshrl.u32 s4, $0x3;
	s20 =	sadd.s32 s0, s20;
	[dreg:$0x6] =	wrdreg s19  }
0x1f: {  	s1 =	smul.u32 $0x2710, s1;
	s18 =	sadd.s32 s0, s18;
	[dreg:$0x7] =	wrdreg s20  }
0x20: {  	s2 =	sadd.s32 s0, s2;
	s4 =	sadd.s32 s0, s4;
	[dreg:$0xc] =	wrdreg s18  }
0x21: {  	s15 =	sadd.s32 $0x2A00, s15;
	s20 =	sshrl.u32 s22, $0x3;
	[dreg:$0x13] =	wrdreg s2  }
0x22: {  	s22 =	sshrl.u32 s23, $0x3;
	s23 =	sshrl.u32 s25, $0x3;
	[dreg:$0x14] =	wrdreg s4  }
0x23: {  	s4 =	sshll.u32 s6, $0xD;
	s19 =	sadd.s32 s0, s20;
	s25 =	sadd.s32 s0, s23  }
0x24: {  	s20 =	sshrl.u32 s28, $0x3;
	s1 =	sshrl.u32 s1, $0x3;
	[dreg:$0x8] =	wrdreg s19  }
0x25: {  	s28 =	simm.s32 $0x6;
	s19 =	sadd.s32 s0, s22;
	[dreg:$0xa] =	wrdreg s25  }
0x26: {  	s22 =	sshrl.u32 s21, $0x3;
	s25 =	sshrl.u32 s24, $0x3;
	s24 =	smul.u32 $0x27100, s3  }
0x27: {  	s3 =	sshll.u32 s7, $0xD;
	[dreg:$0x9] =	wrdreg s19;
	s19 =	sadd.s32 s0, s20  }
0x28: {  	s18 =	sadd.s32 s0, s25;
	s25 =	sshrl.u32 s5, $0x3;
	s5 =	rddreg [dreg:$0x1]  }
0x29: {  	s23 =	sadd.s32 s0, s22;
	s20 =	sshrl.u32 s29, $0x3;
	[dreg:$0xb] =	wrdreg s19  }
0x2a: {  	s22 =	sshrl.u32 s30, $0x3;
	s29 =	simm.s32 $0x3;
	[dreg:$0xd] =	wrdreg s23  }
0x2b: {  	[dreg:$0xe] =	wrdreg s18;
	s19 =	sshrl.u32 s26, $0x3;
	s21 =	sadd.s32 s0, s20  }
0x2c: {  	s26 =	smul.u32 $0x2710, s17;
	s18 =	sadd.s32 s0, s19;
	[dreg:$0x10] =	wrdreg s21  }
0x2d: {  	s23 =	sshrl.u32 s31, $0x3;
	[dreg:$0xf] =	wrdreg s18;
	s18 =	sadd.s32 s0, s22  }
0x2e: {  	s2 =	sadd.s32 s26, s24;
	[dreg:$0x11] =	wrdreg s18;
	s18 =	sadd.s32 s0, s23  }
0x2f: {  	s0 =	sadd.s32 s0, s25;
	s19 =	sadd.s32 $0x4E300, s2;
	[dreg:$0x12] =	wrdreg s18  }
0x30: {  	s20 =	sadd.s32 $0x4E340, s2;
	[dreg:$0x15] =	wrdreg s0;
	s0 =	simm.s32 $0x0  }
0x31: {  	s18 =	sadd.s32 s5, s1;
	s21 =	sshrl.u32 s19, $0x3;
	[smem:$0x7FF] =	sst s0  }
0x32: {  	s22 =	sshrl.u32 s20, $0x3;
	s1 =	sadd.s32 s21, s5;
	s21 =	rddreg [dreg:$0x0]  }
0x33: {  	s30 =	simm.s32 $0x7;
	s23 =	sadd.s32 s22, s5;
	[dreg:$0x17] =	wrdreg s1  }
0x34: {  	s31 =	simm.s32 $0x4;
	s24 =	sadd.s32 $0x4E380, s2;
	[dreg:$0x18] =	wrdreg s23  }
0x35: {  	s0 =	sadd.s32 $0x4E3C0, s2;
	s23 =	rddreg [dreg:$0x3];
	s1 =	sshrl.u32 s24, $0x3  }
0x36: {  	s0 =	sshrl.u32 s0, $0x3;
	s24 =	rddreg [dreg:$0x4];
	s1 =	sadd.s32 s1, s5  }
0x37: {  	s25 =	sshll.u32 s17, $0xD;
	s0 =	sadd.s32 s0, s5;
	[dreg:$0x19] =	wrdreg s1  }
0x38: {  	s26 =	sshll.u32 s16, $0xD;
	[dreg:$0x1a] =	wrdreg s0;
	s0 =	sadd.s32 s25, s23  }
0x39: {  	s1 =	sadd.s32 s26, s23;
	_ =	strace $0x80000047;
	[dreg:$0x1b] =	wrdreg s0  }
0x3a: {  	s22 =	sshll.u32 s10, $0xD;
	s5 =	sadd.s32 s4, s23;
	[dreg:$0x1c] =	wrdreg s1  }
0x3b: {  	s2 =	sshll.u32 s8, $0xD;
	s25 =	sadd.s32 s22, s23;
	[dreg:$0x1f] =	wrdreg s5  }
0x3c: {  	s4 =	sshll.u32 s16, $0x7;
	s12 =	sadd.s32 s12, s23;
	[smem:$0x7DB] =	sst s25  }
0x3d: {  	s13 =	sadd.s32 s13, s23;
	s14 =	sadd.s32 s14, s23;
	[smem:$0x7E6] =	sst s15  }
0x3e: {  	s26 =	sshll.u32 s9, $0xD;
	s22 =	smul.u32 $0x5000, s17;
	[dreg:$0x16] =	wrdreg s18  }
0x3f: {  	s0 =	sadd.s32 s2, s23;
	s1 =	sshll.u32 s11, $0xD;
	s5 =	sld [smem:$0x7D7]  }
0x40: {  	s2 =	sshll.u32 s17, $0x7;
	[dreg:$0x1d] =	wrdreg s0;
	s0 =	sadd.s32 s3, s23  }
0x41: {  	s3 =	sadd.s32 s2, s24;
	s2 =	sshrl.u32 s22, $0x2;
	s22 =	sld [smem:$0x7E5]  }
0x42: {  	s25 =	smul.u32 $0x5000, s8;
	[dreg:$0x1e] =	wrdreg s0;
	s19 =	sshll.u32 s5, $0xD  }
0x43: {  	s17 =	sshrl.u32 s13, $0x3;
	s0 =	sadd.s32 s19, s23;
	s19 =	sld [smem:$0x7D9]  }
0x44: {  	s11 =	smul.u32 $0x5000, s11;
	[smem:$0x7F7] =	sst s17;
	s2 =	sadd.s32 s2, s23  }
0x45: {  	[smem:$0x7DE] =	sst s3;
	s2 =	sshrl.u32 s2, $0x3;
	s5 =	smul.u32 $0x5000, s5  }
0x46: {  	s13 =	simm.s32 $0x16778;
	[smem:$0x7E9] =	sst s2;
	s20 =	sshll.u32 s19, $0xD  }
0x47: {  	[smem:$0x7D8] =	sst s0;
	s5 =	sshrl.u32 s5, $0x2;
	s0 =	sadd.s32 s20, s23  }
0x48: {  	[smem:$0x7DA] =	sst s0;
	s0 =	sadd.s32 s26, s23;
	s26 =	sshll.u32 s6, $0x7  }
0x49: {  	s6 =	smul.u32 $0x5000, s6;
	[smem:$0x7DC] =	sst s0;
	s0 =	sadd.s32 s1, s23  }
0x4a: {  	[smem:$0x7DD] =	sst s0;
	s0 =	sadd.s32 s4, s24;
	s4 =	smul.u32 $0x5000, s7  }
0x4b: {  	s5 =	sadd.s32 s5, s23;
	s20 =	sshll.u32 s7, $0x7;
	s7 =	smul.u32 $0x5000, s19  }
0x4c: {  	s3 =	sadd.s32 s26, s24;
	[smem:$0x7DF] =	sst s0;
	s0 =	smul.u32 $0x5000, s16  }
0x4d: {  	[smem:$0x7E2] =	sst s3;
	s16 =	sshll.u32 s8, $0x7;
	s8 =	smul.u32 $0x5000, s10  }
0x4e: {  	s19 =	sld [smem:$0x7E3];
	s10 =	smul.u32 $0x5000, s9;
	s1 =	sadd.s32 s16, s24  }
0x4f: {  	s3 =	sshrl.u32 s4, $0x2;
	s4 =	sshrl.u32 s6, $0x2;
	s6 =	sshrl.u32 s7, $0x2  }
0x50: {  	s16 =	sshrl.u32 s11, $0x2;
	s11 =	smul.u32 $0x5000, s22;
	s22 =	sadd.s32 $0x9C50, s18  }
0x51: {  	[smem:$0x7E0] =	sst s1;
	s1 =	sadd.s32 s20, s24;
	s0 =	sshrl.u32 s0, $0x2  }
0x52: {  	s3 =	sadd.s32 s3, s23;
	s4 =	sadd.s32 s4, s23;
	s6 =	sadd.s32 s6, s23  }
0x53: {  	s7 =	sshrl.u32 s8, $0x2;
	s9 =	smul.u32 $0x5000, s19;
	s20 =	sld [smem:$0x7E4]  }
0x54: {  	s8 =	sshrl.u32 s10, $0x2;
	s16 =	sadd.s32 s16, s23;
	[smem:$0x7FB] =	sst s22  }
0x55: {  	s19 =	sadd.s32 $0x9C40, s18;
	s22 =	simm.s32 $0x8;
	[smem:$0x7E1] =	sst s1  }
0x56: {  	s0 =	sadd.s32 s0, s23;
	s1 =	sshrl.u32 s25, $0x2;
	s7 =	sadd.s32 s7, s23  }
0x57: {  	s8 =	sadd.s32 s8, s23;
	s11 =	sshrl.u32 s11, $0x2;
	s25 =	sld [smem:$0x7E7]  }
0x58: {  	s2 =	sshrl.u32 s4, $0x3;
	s4 =	sshrl.u32 s6, $0x3;
	[smem:$0x7F9] =	sst s19  }
0x59: {  	s19 =	simm.s32 $0x1;
	s1 =	sadd.s32 s1, s23;
	[smem:$0x7ED] =	sst s2  }
0x5a: {  	s9 =	sshrl.u32 s9, $0x2;
	s0 =	sshrl.u32 s0, $0x3;
	[smem:$0x7EF] =	sst s4  }
0x5b: {  	s11 =	sadd.s32 s11, s23;
	s6 =	sshrl.u32 s7, $0x3;
	[smem:$0x7EA] =	sst s0  }
0x5c: {  	s7 =	sshrl.u32 s8, $0x3;
	s8 =	sshrl.u32 s16, $0x3;
	[smem:$0x7F0] =	sst s6  }
0x5d: {  	s16 =	sshrl.u32 s12, $0x3;
	s2 =	simm.s32 $0x0;
	[smem:$0x7F1] =	sst s7  }
0x5e: {  	s10 =	smul.u32 $0x5000, s20;
	s9 =	sadd.s32 s9, s23;
	[smem:$0x7F2] =	sst s8  }
0x5f: {  	s26 =	sshrl.u32 s1, $0x3;
	s1 =	sshrl.u32 s3, $0x3;
	[smem:$0x7F6] =	sst s16  }
0x60: {  	s3 =	sshrl.u32 s5, $0x3;
	s5 =	simm.s32 $0x0;
	[smem:$0x7EB] =	sst s26  }
0x61: {  	s0 =	sshrl.u32 @!p2 s14, $0x3;
	s20 =	sadd.s32 $0x9C48, s18;
	[smem:$0x7EC] =	sst s1  }
0x62: {  	s8 =	simm.s32 $0x9;
	s16 =	simm.s32 $0x1C878;
	[smem:$0x7EE] =	sst s3  }
0x63: {  	s14 =	simm.s32 $0x0;
	s15 =	smax.u32 s25, $0x1;
	[smem:$0x7F8] =	sst s0  }
0x64: {  	s9 =	sshrl.u32 s9, $0x3;
	[smem:$0x7FA] =	sst s20;
	s25 =	sadd.s32 $0x9C58, s18  }
0x65: {  	s26 =	sadd.s32 $0xA120, s18;
	s1 =	simm.s32 $0x13EF8;
	[smem:$0x7E8] =	sst s15  }
0x66: {  	s18 =	simm.s32 $0x16678;
	s20 =	simm.s32 $0x5;
	[smem:$0x7F3] =	sst s9  }
.Ltmp0:
0x67: {  	s10 =	sshrl.u32 s10, $0x2;
	[smem:$0x7FC] =	sst s25;
	(pc) =	sbr.rel .LBB2_1-.Ltmp0, $4  }
0x68: {  	s15 =	sshrl.u32 s11, $0x3;
	[smem:$0x7FD] =	sst s26;
	s9 =	simm.s32 $0x16878  }
0x69: {  	s11 =	simm.s32 $0x166F8;
	s25 =	simm.s32 $0x13E78;
	s10 =	sadd.s32 s10, s23  }
0x6a: {  	s26 =	simm.s32 $0x2;
	[smem:$0x7F5] =	sst s15;
	s10 =	sshrl.u32 s10, $0x3  }
0x6b: {  	v0 =	vimm.f32 $0.0e+00;
	v1 =	vimm.f32 $1.000000000e+00;
	s15 =	simm.s32 $0x167F8;
	[smem:$0x7F4] =	sst s10;
	s10 =	simm.s32 $0x40  }
.LBB2_6:
0x6c: {  	s0 =	sld [smem:$0x7FD];
	_ =	sdelay $0x1  }
0x6d: {  	s5 =	simm.s32 $0x0;
	s1 =	simm.s32 $0x1E878  }
0x6e: {  	[tilespmem:s1], [sflag:$0x9] =	stream.linear.gather [hbm4b:s0+s5], $0x10, $0x38;
	[tilespmem:$0x1F0F8] =	vst v63  }
0x6f: {  	_ =	swait.ge [sflag:s8], $0x10  }
0x70: {  	s6 =	simm.s32 $0x10;
	[sflag:s8] =	ssyncset.done $0x0  }
0x71: {  	s2 =	simm.s32 $0x165F8;
	s3 =	simm.s32 $0x1E8F8;
	[sflag:s8] =	ssyncadd.s32 $0xFFFFFFF0  }
0x72: {  	[tilespmem:s3], [sflag:$0x9] =	stream.indirect.gather [hbm4b:s21+s6], $0x80, s2, s6, $0xb8;
	[tilespmem:$0x1F0F8] =	vst v63  }
0x73: {  	_ =	swait.ge [sflag:s8], $0x800  }
0x74: {  	[sflag:s8] =	ssyncset.done $0x0  }
0x75: {  	[sflag:s8] =	ssyncadd.s32 $0xFFFFF800  }
0x76: {  	[spmem:s23] =	stream.indirect.scatter.add.f32 [tilespmem:s3], [sflag:$0x9], $0x80, s1, s6, $0xb8;
	[tilespmem:$0x1F0F8] =	vst v63  }
0x77: {  	_ =	swait.ge [sflag:s8], $0x800  }
0x78: {  	[sflag:s8] =	ssyncset.done $0x0  }
0x79: {  	[sflag:s8] =	ssyncadd.s32 $0xFFFFF800  }
0x7a: {  	[spmem:s24] =	stream.indirect.scatter.add.f32 [tilespmem:s25], [sflag:$0x9], $0x1, s1, s6, $0xb8;
	[tilespmem:$0x1F0F8] =	vst v63  }
0x7b: {  	_ =	swait.ge [sflag:s8], $0x10  }
0x7c: {  	[sflag:s8] =	ssyncset.done $0x0  }
0x7d: {  	[sflag:s8] =	ssyncadd.s32 $0xFFFFFFF0  }
0x7e: {  	[bflag:$0x0] =	sbarrier.arrive $0xFFFF  }
0x7f: {  	s7 =	stileid.u32;
	s17 =	sld [smem:$0x7E9]  }
0x80: {  	s0 =	sshll.u32 s7, $0x6  }
0x81: {  	s3 =	sor.u32 $0x1C09, s0;
	s12 =	rddreg [dreg:$0x6]  }
0x82: {  	[hbm:s12], [sflag:s3] =	dma.local [spmem:s17], $0x280  }
0x83: {  	_ =	swait.ge [sflag:s8], $0x280  }
0x84: {  	s4 =	sld [smem:$0x7EA]  }
0x85: {  	[sflag:s8] =	ssyncset.done $0x0  }
0x86: {  	s2 =	rddreg [dreg:$0x7];
	[sflag:s8] =	ssyncadd.s32 $0xFFFFFD80  }
0x87: {  	[hbm:s2], [sflag:s3] =	dma.local [spmem:s4], $0x280  }
0x88: {  	_ =	swait.ge [sflag:s8], $0x280  }
0x89: {  	s7 =	sld [smem:$0x7EB]  }
0x8a: {  	[sflag:s8] =	ssyncset.done $0x0  }
0x8b: {  	s6 =	rddreg [dreg:$0x8];
	[sflag:s8] =	ssyncadd.s32 $0xFFFFFD80  }
0x8c: {  	[hbm:s6], [sflag:s3] =	dma.local [spmem:s7], $0x280  }
0x8d: {  	_ =	swait.ge [sflag:s8], $0x280  }
0x8e: {  	s17 =	sld [smem:$0x7EC]  }
0x8f: {  	[sflag:s8] =	ssyncset.done $0x0  }
0x90: {  	s12 =	rddreg [dreg:$0x9];
	[sflag:s8] =	ssyncadd.s32 $0xFFFFFD80  }
0x91: {  	[hbm:s12], [sflag:s3] =	dma.local [spmem:s17], $0x280  }
0x92: {  	_ =	swait.ge [sflag:s8], $0x280  }
0x93: {  	s4 =	sld [smem:$0x7ED]  }
0x94: {  	[sflag:s8] =	ssyncset.done $0x0  }
0x95: {  	s2 =	rddreg [dreg:$0xa];
	[sflag:s8] =	ssyncadd.s32 $0xFFFFFD80  }
0x96: {  	[hbm:s2], [sflag:s3] =	dma.local [spmem:s4], $0x280  }
0x97: {  	_ =	swait.ge [sflag:s8], $0x280  }
0x98: {  	s7 =	sld [smem:$0x7EE]  }
0x99: {  	[sflag:s8] =	ssyncset.done $0x0  }
0x9a: {  	s6 =	rddreg [dreg:$0xb];
	[sflag:s8] =	ssyncadd.s32 $0xFFFFFD80  }
0x9b: {  	[hbm:s6], [sflag:s3] =	dma.local [spmem:s7], $0x280  }
0x9c: {  	_ =	swait.ge [sflag:s8], $0x280  }
0x9d: {  	s17 =	sld [smem:$0x7EF]  }
0x9e: {  	[sflag:s8] =	ssyncset.done $0x0  }
0x9f: {  	s12 =	rddreg [dreg:$0xc];
	[sflag:s8] =	ssyncadd.s32 $0xFFFFFD80  }
0xa0: {  	[hbm:s12], [sflag:s3] =	dma.local [spmem:s17], $0x280  }
0xa1: {  	_ =	swait.ge [sflag:s8], $0x280  }
0xa2: {  	s4 =	sld [smem:$0x7F0]  }
0xa3: {  	[sflag:s8] =	ssyncset.done $0x0  }
0xa4: {  	s2 =	rddreg [dreg:$0xd];
	[sflag:s8] =	ssyncadd.s32 $0xFFFFFD80  }
0xa5: {  	[hbm:s2], [sflag:s3] =	dma.local [spmem:s4], $0x280  }
0xa6: {  	_ =	swait.ge [sflag:s8], $0x280  }
0xa7: {  	s7 =	sld [smem:$0x7F1]  }
0xa8: {  	[sflag:s8] =	ssyncset.done $0x0  }
0xa9: {  	s6 =	rddreg [dreg:$0xe];
	[sflag:s8] =	ssyncadd.s32 $0xFFFFFD80  }
0xaa: {  	[hbm:s6], [sflag:s3] =	dma.local [spmem:s7], $0x280  }
0xab: {  	_ =	swait.ge [sflag:s8], $0x280  }
0xac: {  	s17 =	sld [smem:$0x7F2]  }
0xad: {  	[sflag:s8] =	ssyncset.done $0x0  }
0xae: {  	s12 =	rddreg [dreg:$0xf];
	[sflag:s8] =	ssyncadd.s32 $0xFFFFFD80  }
0xaf: {  	[hbm:s12], [sflag:s3] =	dma.local [spmem:s17], $0x280  }
0xb0: {  	_ =	swait.ge [sflag:s8], $0x280  }
0xb1: {  	s4 =	sld [smem:$0x7F3]  }
0xb2: {  	[sflag:s8] =	ssyncset.done $0x0  }
0xb3: {  	s2 =	rddreg [dreg:$0x10];
	[sflag:s8] =	ssyncadd.s32 $0xFFFFFD80  }
0xb4: {  	[hbm:s2], [sflag:s3] =	dma.local [spmem:s4], $0x280  }
0xb5: {  	_ =	swait.ge [sflag:s8], $0x280  }
0xb6: {  	s7 =	sld [smem:$0x7F4]  }
0xb7: {  	[sflag:s8] =	ssyncset.done $0x0  }
0xb8: {  	s6 =	rddreg [dreg:$0x11];
	[sflag:s8] =	ssyncadd.s32 $0xFFFFFD80  }
0xb9: {  	[hbm:s6], [sflag:s3] =	dma.local [spmem:s7], $0x280  }
0xba: {  	_ =	swait.ge [sflag:s8], $0x280  }
0xbb: {  	s17 =	sld [smem:$0x7F5]  }
0xbc: {  	[sflag:s8] =	ssyncset.done $0x0  }
0xbd: {  	s12 =	rddreg [dreg:$0x12];
	[sflag:s8] =	ssyncadd.s32 $0xFFFFFD80  }
0xbe: {  	[hbm:s12], [sflag:s3] =	dma.local [spmem:s17], $0x280  }
0xbf: {  	_ =	swait.ge [sflag:s8], $0x280  }
0xc0: {  	s4 =	sld [smem:$0x7F6]  }
0xc1: {  	[sflag:s8] =	ssyncset.done $0x0  }
0xc2: {  	s2 =	rddreg [dreg:$0x13];
	[sflag:s8] =	ssyncadd.s32 $0xFFFFFD80  }
0xc3: {  	[hbm:s2], [sflag:s3] =	dma.local [spmem:s4], $0x280  }
0xc4: {  	_ =	swait.ge [sflag:s8], $0x280  }
0xc5: {  	s7 =	sld [smem:$0x7F7]  }
0xc6: {  	[sflag:s8] =	ssyncset.done $0x0  }
0xc7: {  	s6 =	rddreg [dreg:$0x14];
	[sflag:s8] =	ssyncadd.s32 $0xFFFFFD80  }
0xc8: {  	[hbm:s6], [sflag:s3] =	dma.local [spmem:s7], $0x280  }
0xc9: {  	_ =	swait.ge [sflag:s8], $0x280  }
0xca: {  	s1 =	sld [smem:$0x7F8]  }
0xcb: {  	[sflag:s8] =	ssyncset.done $0x0  }
0xcc: {  	s0 =	rddreg [dreg:$0x15];
	[sflag:s8] =	ssyncadd.s32 $0xFFFFFD80  }
0xcd: {  	[hbm:s0], [sflag:s3] =	dma.local @!p2 [spmem:s1], $0x280  }
0xce: {  	s0 =	simm.s32 @!p2 $0x9  }
0xcf: {  	_ =	swait.ge @!p2 [sflag:s0], $0x280  }
0xd0: {  	s6 =	sld [smem:$0x7E6]  }
0xd1: {  	s2 =	simm.s32 @!p3 $0x20;
	s4 =	simm.s32 @!p3 $0x10;
	[sflag:s0] =	ssyncset.done @!p2 $0x0  }
0xd2: {  	s1 =	simm.s32 @!p3 $0x1;
	[sflag:s0] =	ssyncadd.s32 @!p2 $0xFFFFFD80;
	s0 =	sshrl.u32 @!p3 s24, $0x3  }
0xd3: {  	[hbm:s6@s2], [sflag:s3] =	dma.strided @!p3 [spmem:s0@s4], $0x4F0, s1, $0x10   }
0xd4: {  	s0 =	simm.s32 @!p3 $0x9  }
0xd5: {  	_ =	swait.ge @!p3 [sflag:s0], $0x4F0  }
0xd6: {  	s12 =	sld [smem:$0x7D6]  }
0xd7: {  	s17 =	sld [smem:$0x7E8];
	_ =	sdelay $0x1  }
0xd8: {  	s2 =	sadd.s32 $0x1, s12  }
0xd9: {  	p4 =	sne.s32 s2, s17  }
.Ltmp1:
0xda: {  	_ = 	snop;
	(pc) =	sbr.rel @!p4 .LBB2_7-.Ltmp1, $3  }
0xdb: {  	_ =	sdelay $0x1  }
0xdc: {  	[sflag:s0] =	ssyncset.done @!p3 $0x0  }
0xdd: {  	s1 =	simm.s32 $0x13EF8;
	[sflag:s0] =	ssyncadd.s32 @!p3 $0xFFFFFB10  }
.LBB2_1:
0xde: {  	[smem:$0x7D6] =	sst s2  }
0xdf: {  	s0 =	rddreg [dreg:$0x16]  }
0xe0: {  	[tilespmem:s1], [sflag:$0x9] =	stream.linear.gather [hbm4b:s0+s5], $0x2710, $0x38;
	[tilespmem:$0x1F0F8] =	vst v63  }
0xe1: {  	_ =	swait.ge [sflag:s8], $0x2710  }
0xe2: {  	[sflag:s8] =	ssyncset.done $0x0  }
0xe3: {  	s3 =	simm.s32 $0x0;
	s4 =	simm.s32 $0x200;
	[sflag:s8] =	ssyncadd.s32 $0xFFFFD8F0  }
.LBB2_2:
0xe4: {  	p4 =	sne.s32 s4, $0x7E00;
	[tilespmem:s3+$0x168E8] =	vst v0  }
0xe5: {  	[tilespmem:s3+$0x16878] =	vst v0  }
0xe6: {  	[tilespmem:s3+$0x16888] =	vst v0  }
.Ltmp2:
0xe7: {  	[tilespmem:s3+$0x16898] =	vst v0;
	(pc) =	sbr.rel @p4 .LBB2_2-.Ltmp2, $4  }
0xe8: {  	[tilespmem:s3+$0x168A8] =	vst v0  }
0xe9: {  	[tilespmem:s3+$0x168B8] =	vst v0  }
0xea: {  	[tilespmem:s3+$0x168C8] =	vst v0  }
0xeb: {  	[tilespmem:s3+$0x168D8] =	vst v0;
	s3 =	sshra.s32 s4, $0x2;
	s4 =	sadd.s32 $0x200, s4  }
0xec: {  	[tilespmem:s3+$0x168E8] =	vst v0  }
0xed: {  	[tilespmem:s3+$0x16878] =	vst v0  }
0xee: {  	[tilespmem:s3+$0x16888] =	vst v0  }
0xef: {  	[tilespmem:s3+$0x16898] =	vst v0  }
0xf0: {  	[tilespmem:s3+$0x168A8] =	vst v0  }
0xf1: {  	[tilespmem:s3+$0x168B8] =	vst v0  }
0xf2: {  	[tilespmem:s3+$0x168C8] =	vst v0  }
0xf3: {  	[tilespmem:s3+$0x168D8] =	vst v0  }
0xf4: {  	[tilespmem:$0x13E78] =	vst v1  }
0xf5: {  	[tilespmem:$0x13E88] =	vst v1  }
0xf6: {  	[tilespmem:$0x13E98] =	vst v1  }
0xf7: {  	s0 =	rddreg [dreg:$0x1b];
	[tilespmem:$0x13EA8] =	vst v1  }
0xf8: {  	[spmem:s0] =	stream.linear.scatter [tilespmem:s9], [sflag:$0x9], $0x2000, $0x38;
	[tilespmem:$0x1F0F8] =	vst v63  }
0xf9: {  	_ =	swait.ge [sflag:s8], $0x2000  }
0xfa: {  	[sflag:s8] =	ssyncset.done $0x0  }
0xfb: {  	s5 =	rddreg [dreg:$0x1c];
	[sflag:s8] =	ssyncadd.s32 $0xFFFFE000  }
0xfc: {  	[spmem:s5] =	stream.linear.scatter [tilespmem:s9], [sflag:$0x9], $0x2000, $0x38;
	[tilespmem:$0x1F0F8] =	vst v63  }
0xfd: {  	_ =	swait.ge [sflag:s8], $0x2000  }
0xfe: {  	[sflag:s8] =	ssyncset.done $0x0  }
0xff: {  	s6 =	rddreg [dreg:$0x1d];
	[sflag:s8] =	ssyncadd.s32 $0xFFFFE000  }
0x100: {  	[spmem:s6] =	stream.linear.scatter [tilespmem:s9], [sflag:$0x9], $0x2000, $0x38;
	[tilespmem:$0x1F0F8] =	vst v63  }
0x101: {  	_ =	swait.ge [sflag:s8], $0x2000  }
0x102: {  	[sflag:s8] =	ssyncset.done $0x0  }
0x103: {  	s7 =	rddreg [dreg:$0x1e];
	[sflag:s8] =	ssyncadd.s32 $0xFFFFE000  }
0x104: {  	[spmem:s7] =	stream.linear.scatter [tilespmem:s9], [sflag:$0x9], $0x2000, $0x38;
	[tilespmem:$0x1F0F8] =	vst v63  }
0x105: {  	_ =	swait.ge [sflag:s8], $0x2000  }
0x106: {  	[sflag:s8] =	ssyncset.done $0x0  }
0x107: {  	s12 =	rddreg [dreg:$0x1f];
	[sflag:s8] =	ssyncadd.s32 $0xFFFFE000  }
0x108: {  	[spmem:s12] =	stream.linear.scatter [tilespmem:s9], [sflag:$0x9], $0x2000, $0x38;
	[tilespmem:$0x1F0F8] =	vst v63  }
0x109: {  	_ =	swait.ge [sflag:s8], $0x2000  }
0x10a: {  	s17 =	sld [smem:$0x7D8]  }
0x10b: {  	[sflag:s8] =	ssyncset.done $0x0  }
0x10c: {  	[sflag:s8] =	ssyncadd.s32 $0xFFFFE000  }
0x10d: {  	[spmem:s17] =	stream.linear.scatter [tilespmem:s9], [sflag:$0x9], $0x2000, $0x38;
	[tilespmem:$0x1F0F8] =	vst v63  }
0x10e: {  	_ =	swait.ge [sflag:s8], $0x2000  }
0x10f: {  	s2 =	sld [smem:$0x7DA]  }
0x110: {  	[sflag:s8] =	ssyncset.done $0x0  }
0x111: {  	[sflag:s8] =	ssyncadd.s32 $0xFFFFE000  }
0x112: {  	[spmem:s2] =	stream.linear.scatter [tilespmem:s9], [sflag:$0x9], $0x2000, $0x38;
	[tilespmem:$0x1F0F8] =	vst v63  }
0x113: {  	_ =	swait.ge [sflag:s8], $0x2000  }
0x114: {  	s3 =	sld [smem:$0x7DB]  }
0x115: {  	[sflag:s8] =	ssyncset.done $0x0  }
0x116: {  	[sflag:s8] =	ssyncadd.s32 $0xFFFFE000  }
0x117: {  	[spmem:s3] =	stream.linear.scatter [tilespmem:s9], [sflag:$0x9], $0x2000, $0x38;
	[tilespmem:$0x1F0F8] =	vst v63  }
0x118: {  	_ =	swait.ge [sflag:s8], $0x2000  }
0x119: {  	s4 =	sld [smem:$0x7DC]  }
0x11a: {  	[sflag:s8] =	ssyncset.done $0x0  }
0x11b: {  	[sflag:s8] =	ssyncadd.s32 $0xFFFFE000  }
0x11c: {  	[spmem:s4] =	stream.linear.scatter [tilespmem:s9], [sflag:$0x9], $0x2000, $0x38;
	[tilespmem:$0x1F0F8] =	vst v63  }
0x11d: {  	_ =	swait.ge [sflag:s8], $0x2000  }
0x11e: {  	s0 =	sld [smem:$0x7DD]  }
0x11f: {  	[sflag:s8] =	ssyncset.done $0x0  }
0x120: {  	s3 =	simm.s32 @!p0 $0x16878;
	[sflag:s8] =	ssyncadd.s32 $0xFFFFE000  }
0x121: {  	[spmem:s0] =	stream.linear.scatter @!p0 [tilespmem:s3], [sflag:$0x9], $0x2000, $0x38;
	[tilespmem:$0x1F0F8] =	vst v63  }
0x122: {  	s3 =	simm.s32 @!p0 $0x9  }
0x123: {  	_ =	swait.ge @!p0 [sflag:s3], $0x2000  }
0x124: {  	s5 =	sld [smem:$0x7DE]  }
0x125: {  	[sflag:s3] =	ssyncset.done @!p0 $0x0  }
0x126: {  	[sflag:s3] =	ssyncadd.s32 @!p0 $0xFFFFE000  }
0x127: {  	[spmem:s5] =	stream.linear.scatter [tilespmem:s9], [sflag:$0x9], $0x80, $0x38;
	[tilespmem:$0x1F0F8] =	vst v63  }
0x128: {  	_ =	swait.ge [sflag:s8], $0x80  }
0x129: {  	s6 =	sld [smem:$0x7DF]  }
0x12a: {  	[sflag:s8] =	ssyncset.done $0x0  }
0x12b: {  	[sflag:s8] =	ssyncadd.s32 $0xFFFFFF80  }
0x12c: {  	[spmem:s6] =	stream.linear.scatter [tilespmem:s9], [sflag:$0x9], $0x80, $0x38;
	[tilespmem:$0x1F0F8] =	vst v63  }
0x12d: {  	_ =	swait.ge [sflag:s8], $0x80  }
0x12e: {  	s7 =	sld [smem:$0x7E0]  }
0x12f: {  	[sflag:s8] =	ssyncset.done $0x0  }
0x130: {  	[sflag:s8] =	ssyncadd.s32 $0xFFFFFF80  }
0x131: {  	[spmem:s7] =	stream.linear.scatter [tilespmem:s9], [sflag:$0x9], $0x80, $0x38;
	[tilespmem:$0x1F0F8] =	vst v63  }
0x132: {  	_ =	swait.ge [sflag:s8], $0x80  }
0x133: {  	s12 =	sld [smem:$0x7E1]  }
0x134: {  	[sflag:s8] =	ssyncset.done $0x0  }
0x135: {  	[sflag:s8] =	ssyncadd.s32 $0xFFFFFF80  }
0x136: {  	[spmem:s12] =	stream.linear.scatter [tilespmem:s9], [sflag:$0x9], $0x80, $0x38;
	[tilespmem:$0x1F0F8] =	vst v63  }
0x137: {  	_ =	swait.ge [sflag:s8], $0x80  }
0x138: {  	s0 =	sld [smem:$0x7E2]  }
0x139: {  	[sflag:s8] =	ssyncset.done $0x0  }
0x13a: {  	s3 =	simm.s32 @!p1 $0x16878;
	[sflag:s8] =	ssyncadd.s32 $0xFFFFFF80  }
0x13b: {  	[spmem:s0] =	stream.linear.scatter @!p1 [tilespmem:s3], [sflag:$0x9], $0x80, $0x38;
	[tilespmem:$0x1F0F8] =	vst v63  }
0x13c: {  	s3 =	simm.s32 @!p1 $0x9  }
0x13d: {  	_ =	swait.ge @!p1 [sflag:s3], $0x80  }
0x13e: {  	[sflag:s3] =	ssyncset.done @!p1 $0x0  }
0x13f: {  	[sflag:s3] =	ssyncadd.s32 @!p1 $0xFFFFFF80  }
0x140: {  	[bflag:$0x0] =	sbarrier.arrive $0xFFFF  }
0x141: {  	s17 =	sld [smem:$0x7F9];
	_ =	sdelay $0x1  }
0x142: {  	s3 =	simm.s32 $0x0  }
0x143: {  	[tilespmem:s18], [sflag:$0x5] =	stream.linear.gather [hbm4b:s17+s3], $0x40, $0x38;
	[tilespmem:$0x1F0F8] =	vst v63  }
0x144: {  	_ = 	snop  }
0x145: {  	[tilespmem:s9], [sflag:$0x1] =	stream.indirect.gather [hbm4b:s21+s10], $0x80, s1, s10, $0xb8;
	[tilespmem:$0x1F0F8] =	vst v63  }
0x146: {  	s1 =	sld [smem:$0x7FA];
	_ =	sdelay $0x1  }
0x147: {  	s5 =	sld [smem:$0x7FB]  }
0x148: {  	[tilespmem:s11], [sflag:$0x6] =	stream.linear.gather [hbm4b:s1+s3], $0x40, $0x38;
	[tilespmem:$0x1F0F8] =	vst v63  }
0x149: {  	s2 =	simm.s32 $0x13F38;
	s4 =	simm.s32 $0x18878;
	s12 =	sld [smem:$0x7FC]  }
0x14a: {  	[tilespmem:s4], [sflag:$0x2] =	stream.indirect.gather [hbm4b:s21+s10], $0x80, s2, s10, $0xb8;
	[tilespmem:$0x1F0F8] =	vst v63  }
0x14b: {  	s4 =	rddreg [dreg:$0x1a]  }
0x14c: {  	[tilespmem:s13], [sflag:$0x7] =	stream.linear.gather [hbm4b:s5+s3], $0x40, $0x38;
	[tilespmem:$0x1F0F8] =	vst v63  }
0x14d: {  	s6 =	simm.s32 $0x13F78;
	s7 =	simm.s32 $0x1A878;
	s5 =	rddreg [dreg:$0x19]  }
0x14e: {  	[tilespmem:s7], [sflag:$0x3] =	stream.indirect.gather [hbm4b:s21+s10], $0x80, s6, s10, $0xb8;
	[tilespmem:$0x1F0F8] =	vst v63  }
0x14f: {  	s6 =	rddreg [dreg:$0x18]  }
0x150: {  	[tilespmem:s15], [sflag:$0x8] =	stream.linear.gather [hbm4b:s12+s3], $0x40, $0x38;
	[tilespmem:$0x1F0F8] =	vst v63  }
0x151: {  	s17 =	simm.s32 $0x13FB8;
	s7 =	rddreg [dreg:$0x17]  }
0x152: {  	[tilespmem:s16], [sflag:$0x4] =	stream.indirect.gather [hbm4b:s21+s10], $0x80, s17, s10, $0xb8;
	[tilespmem:$0x1F0F8] =	vst v63  }
.LBB2_4:
0x153: {  	_ =	swait.ge [sflag:s19], $0x2000  }
0x154: {  	[sflag:s19] =	ssyncset.done $0x0  }
0x155: {  	[sflag:s19] =	ssyncadd.s32 $0xFFFFE000  }
0x156: {  	_ =	swait.ge [sflag:s20], $0x40  }
0x157: {  	[sflag:s20] =	ssyncset.done $0x0  }
0x158: {  	[sflag:s20] =	ssyncadd.s32 $0xFFFFFFC0  }
0x159: {  	[spmem:s23] =	stream.indirect.scatter.add.f32 [tilespmem:s9], [sflag:$0x9], $0x80, s18, s10, $0xb8;
	[tilespmem:$0x1F0F8] =	vst v63  }
0x15a: {  	_ =	swait.ge [sflag:s8], $0x2000  }
0x15b: {  	[sflag:s8] =	ssyncset.done $0x0  }
0x15c: {  	[sflag:s8] =	ssyncadd.s32 $0xFFFFE000  }
0x15d: {  	[spmem:s24] =	stream.indirect.scatter.add.f32 [tilespmem:s25], [sflag:$0x9], $0x1, s18, s10, $0xb8;
	[tilespmem:$0x1F0F8] =	vst v63  }
0x15e: {  	_ =	swait.ge [sflag:s8], $0x40  }
0x15f: {  	p4 =	seq.s32 s3, $0x9800;
	[sflag:s8] =	ssyncset.done $0x0  }
0x160: {  	s0 =	simm.s32 @!p4 $0x0;
	s1 =	simm.s32 @!p4 $0x16678;
	[sflag:s8] =	ssyncadd.s32 $0xFFFFFFC0  }
0x161: {  	[tilespmem:s1], [sflag:$0x5] =	stream.linear.gather @!p4 [hbm4b:s7+s0], $0x40, $0x38;
	[tilespmem:$0x1F0F8] =	vst v63  }
0x162: {  	s1 =	sshra.s32 @!p4 s3, $0x2  }
0x163: {  	s17 =	simm.s32 @!p4 $0x40;
	s12 =	simm.s32 @!p4 $0x16878;
	s2 =	sadd.s32 @!p4 $0x13FF8, s1  }
0x164: {  	[tilespmem:s12], [sflag:$0x1] =	stream.indirect.gather @!p4 [hbm4b:s21+s17], $0x80, s2, s17, $0xb8;
	[tilespmem:$0x1F0F8] =	vst v63  }
0x165: {  	_ =	swait.ge [sflag:s26], $0x2000  }
0x166: {  	[sflag:s26] =	ssyncset.done $0x0  }
0x167: {  	[sflag:s26] =	ssyncadd.s32 $0xFFFFE000  }
0x168: {  	_ =	swait.ge [sflag:s28], $0x40  }
0x169: {  	[sflag:s28] =	ssyncset.done $0x0  }
0x16a: {  	s12 =	simm.s32 $0x18878;
	[sflag:s28] =	ssyncadd.s32 $0xFFFFFFC0  }
0x16b: {  	[spmem:s23] =	stream.indirect.scatter.add.f32 [tilespmem:s12], [sflag:$0x9], $0x80, s11, s10, $0xb8;
	[tilespmem:$0x1F0F8] =	vst v63  }
0x16c: {  	_ =	swait.ge [sflag:s8], $0x2000  }
0x16d: {  	[sflag:s8] =	ssyncset.done $0x0  }
0x16e: {  	[sflag:s8] =	ssyncadd.s32 $0xFFFFE000  }
0x16f: {  	[spmem:s24] =	stream.indirect.scatter.add.f32 [tilespmem:s25], [sflag:$0x9], $0x1, s11, s10, $0xb8;
	[tilespmem:$0x1F0F8] =	vst v63  }
0x170: {  	_ =	swait.ge [sflag:s8], $0x40  }
0x171: {  	[sflag:s8] =	ssyncset.done $0x0  }
0x172: {  	s2 =	simm.s32 @!p4 $0x166F8;
	[sflag:s8] =	ssyncadd.s32 $0xFFFFFFC0  }
0x173: {  	[tilespmem:s2], [sflag:$0x6] =	stream.linear.gather @!p4 [hbm4b:s6+s0], $0x40, $0x38;
	[tilespmem:$0x1F0F8] =	vst v63  }
0x174: {  	s12 =	simm.s32 @!p4 $0x18878;
	s2 =	sadd.s32 @!p4 $0x14038, s1  }
0x175: {  	[tilespmem:s12], [sflag:$0x2] =	stream.indirect.gather @!p4 [hbm4b:s21+s17], $0x80, s2, s17, $0xb8;
	[tilespmem:$0x1F0F8] =	vst v63  }
0x176: {  	_ =	swait.ge [sflag:s29], $0x2000  }
0x177: {  	[sflag:s29] =	ssyncset.done $0x0  }
0x178: {  	[sflag:s29] =	ssyncadd.s32 $0xFFFFE000  }
0x179: {  	_ =	swait.ge [sflag:s30], $0x40  }
0x17a: {  	[sflag:s30] =	ssyncset.done $0x0  }
0x17b: {  	s12 =	simm.s32 $0x1A878;
	[sflag:s30] =	ssyncadd.s32 $0xFFFFFFC0  }
0x17c: {  	[spmem:s23] =	stream.indirect.scatter.add.f32 [tilespmem:s12], [sflag:$0x9], $0x80, s13, s10, $0xb8;
	[tilespmem:$0x1F0F8] =	vst v63  }
0x17d: {  	_ =	swait.ge [sflag:s8], $0x2000  }
0x17e: {  	[sflag:s8] =	ssyncset.done $0x0  }
0x17f: {  	[sflag:s8] =	ssyncadd.s32 $0xFFFFE000  }
0x180: {  	[spmem:s24] =	stream.indirect.scatter.add.f32 [tilespmem:s25], [sflag:$0x9], $0x1, s13, s10, $0xb8;
	[tilespmem:$0x1F0F8] =	vst v63  }
0x181: {  	_ =	swait.ge [sflag:s8], $0x40  }
0x182: {  	[sflag:s8] =	ssyncset.done $0x0  }
0x183: {  	s2 =	simm.s32 @!p4 $0x16778;
	[sflag:s8] =	ssyncadd.s32 $0xFFFFFFC0  }
0x184: {  	[tilespmem:s2], [sflag:$0x7] =	stream.linear.gather @!p4 [hbm4b:s5+s0], $0x40, $0x38;
	[tilespmem:$0x1F0F8] =	vst v63  }
0x185: {  	s0 =	sadd.s32 @!p4 $0x14078, s1;
	s1 =	simm.s32 @!p4 $0x1A878  }
0x186: {  	[tilespmem:s1], [sflag:$0x3] =	stream.indirect.gather @!p4 [hbm4b:s21+s17], $0x80, s0, s17, $0xb8;
	[tilespmem:$0x1F0F8] =	vst v63  }
0x187: {  	_ =	swait.ge [sflag:s31], $0x2000  }
0x188: {  	[sflag:s31] =	ssyncset.done $0x0  }
0x189: {  	[sflag:s31] =	ssyncadd.s32 $0xFFFFE000  }
0x18a: {  	_ =	swait.ge [sflag:s22], $0x40  }
0x18b: {  	[sflag:s22] =	ssyncset.done $0x0  }
0x18c: {  	[sflag:s22] =	ssyncadd.s32 $0xFFFFFFC0  }
0x18d: {  	[spmem:s23] =	stream.indirect.scatter.add.f32 [tilespmem:s16], [sflag:$0x9], $0x80, s15, s10, $0xb8;
	[tilespmem:$0x1F0F8] =	vst v63  }
0x18e: {  	_ =	swait.ge [sflag:s8], $0x2000  }
0x18f: {  	[sflag:s8] =	ssyncset.done $0x0  }
.Ltmp3:
0x190: {  	[sflag:s8] =	ssyncadd.s32 $0xFFFFE000;
	(pc) =	sbr.rel @p4 .LBB2_6-.Ltmp3, $4  }
0x191: {  	[spmem:s24] =	stream.indirect.scatter.add.f32 [tilespmem:s25], [sflag:$0x9], $0x1, s15, s10, $0xb8;
	[tilespmem:$0x1F0F8] =	vst v63  }
0x192: {  	_ =	swait.ge [sflag:s8], $0x40  }
0x193: {  	[sflag:s8] =	ssyncset.done $0x0  }
0x194: {  	[sflag:s8] =	ssyncadd.s32 $0xFFFFFFC0  }
0x195: {  	[tilespmem:s15], [sflag:$0x8] =	stream.linear.gather [hbm4b:s4+s14], $0x40, $0x38;
	[tilespmem:$0x1F0F8] =	vst v63  }
.Ltmp4:
0x196: {  	_ = 	snop;
	(pc) =	sbr.rel .LBB2_4-.Ltmp4, $4  }
0x197: {  	s0 =	sshra.s32 s3, $0x2  }
0x198: {  	s3 =	sadd.s32 $0x400, s3;
	s7 =	sadd.s32 $0x20, s7;
	s6 =	sadd.s32 $0x20, s6  }
0x199: {  	s5 =	sadd.s32 $0x20, s5;
	s4 =	sadd.s32 $0x20, s4;
	s0 =	sadd.s32 $0x140B8, s0  }
0x19a: {  	[tilespmem:s16], [sflag:$0x4] =	stream.indirect.gather [hbm4b:s21+s10], $0x80, s0, s10, $0xb8;
	[tilespmem:$0x1F0F8] =	vst v63  }
.LBB2_7:
0x19b: {  	_ =	sfence.sel $0x180000  }
0x19c: {  	[bflag:$0x0] =	sbarrier.arrive $0xFFFF  }
0x19d: {  	_ =	strace $0x90000047  }
0x19e: {  	s0 =	stileid.u32;
	[bflag:$0x2] =	sbarrier.arrive $0xFFFF  }
0x19f: {  	p0 =	sne.s32 s0, $0x0;
	s0 =	rddreg [dreg:$0x5]  }
0x1a0: {  	s0 =	sadd.s32 @!p0 $0x100000, s0  }
0x1a1: {  	[sflag:s0] =	ssyncadd.tile.s32 @!p0 $0x1;
	_ =	shalt  }
.Lfunc_end2:
_tile_overlayer_lowered:
.L_overlay_start_2:
0x1a2: {  	(tag) =	ssettag $0x2  }
0x1a3: {  	s0 =	rddreg [dreg:$0x0];
	s2 =	stileid.u32  }
0x1a4: {  	s1 =	rddreg [dreg:$0x1];
	p0 =	sne.s32 s2, $0x0  }
0x1a5: {  	s3 =	rddreg [dreg:$0x2];
	[bflag:$0x3] =	sbarrier.arrive $0xFFFF;
	s2 =	simm.s32 @!p0 $0x1C09  }
0x1a6: {  	[timem:s3], [sflag:s2] =	dma.local @!p0 [hbm:s0], s1  }
0x1a7: {  	s0 =	simm.s32 @!p0 $0x9  }
0x1a8: {  	_ =	swait.ge @!p0 [sflag:s0], s1  }
0x1a9: {  	s1 =	ssub.s32 @!p0 $0x0, s1;
	[sflag:s0] =	ssyncset.done @!p0 $0x0  }
0x1aa: {  	[sflag:s0] =	ssyncadd.s32 @!p0 s1  }
0x1ab: {  	[bflag:$0x3] =	sbarrier.arrive $0xFFFF  }
0x1ac: {  	_ =	shalt  }

</sc_bundles>
